<compile_context>
chip_gen: v7x
topology: tpu7x:2x2x1
jax: 0.10.2.dev20260603
libtpu: 0.0.44.dev20260713+nightly
codegen_flags: <defaults>
</compile_context>

<pallas_src>
import functools

import jax
import jax.numpy as jnp
from jax import lax
from jax.experimental import pallas as pl
from jax.experimental.pallas import tpu as pltpu
from jax.experimental.pallas import tpu_sc as plsc

N_NODES = 10000
D = 128
C = 40
NP = 10240
E = 320000
NC, NS = 2, 16
NWORK = NC * NS
K = 128
EP = 327680
NWIN = EP // (NWORK * K)
RPT = NP // NS
BLK = 1024


def _deg_body(dst_hbm, deg_out, didx_all, ones_v, zslab_v, acc, ssem):
    c = lax.axis_index("c")
    s = lax.axis_index("s")

    def initz(i, _):
        zslab_v[pl.ds(16 * i, 16)] = jnp.zeros((16,), jnp.float32)
        return 0

    lax.fori_loop(0, RPT // 16, initz, 0)

    def init1(i, _):
        ones_v[pl.ds(16 * i, 16)] = jnp.ones((16,), jnp.float32)
        return 0

    lax.fori_loop(0, K // 16, init1, 0)

    pltpu.sync_copy(dst_hbm.at[c, s], didx_all)
    pltpu.sync_copy(zslab_v, acc.at[pl.ds(s * RPT, RPT)])
    plsc.subcore_barrier()

    def fire(w, _):
        pltpu.async_copy(ones_v, acc.at[didx_all.at[w]], ssem, add=True)
        return 0

    lax.fori_loop(0, NWIN, fire, 0)

    def drain(w, _):
        pltpu.make_async_copy(ones_v, acc.at[didx_all.at[w]], ssem).wait()
        return 0

    lax.fori_loop(0, NWIN, drain, 0)
    plsc.subcore_barrier()
    pltpu.sync_copy(acc.at[pl.ds(s * RPT, RPT)],
                    deg_out.at[c, pl.ds(s * RPT, RPT)])


NH = 2
NUH = NWIN // NH


def _agg_body(v_hbm, src_hbm, dst_hbm, s_out, sidx_h, didx_h,
              rows0, rows1, acc, gsem0, gsem1, ssem0, ssem1):
    c = lax.axis_index("c")
    s = lax.axis_index("s")
    bufs = (rows0, rows1)
    gsems = (gsem0, gsem1)
    ssems = (ssem0, ssem1)

    base = s * RPT

    @pl.when(c == 0)
    def _():
        pltpu.sync_copy(v_hbm.at[pl.ds(base, RPT)], acc.at[pl.ds(base, RPT)])

    @pl.when(c != 0)
    def _():
        def zrows(i, _):
            for j in range(D // 16):
                rows0[i, pl.ds(16 * j, 16)] = jnp.zeros((16,), jnp.float32)
            return 0

        lax.fori_loop(0, K, zrows, 0)
        for k in range(RPT // K):
            pltpu.sync_copy(rows0, acc.at[pl.ds(base + k * K, K)])

    plsc.subcore_barrier()

    def g_issue(p, u):
        pltpu.async_copy(v_hbm.at[pl.ds(u * K, K)], bufs[p], gsems[p])

    def g_wait(p, u):
        pltpu.make_async_copy(v_hbm.at[pl.ds(u * K, K)], bufs[p],
                              gsems[p]).wait()

    def s_issue(p, u):
        pltpu.async_copy(bufs[p], acc.at[didx_h.at[u]], ssems[p], add=True)

    def s_wait(p, u):
        pltpu.make_async_copy(bufs[p], acc.at[didx_h.at[u]], ssems[p]).wait()

    for h in range(NH):
        pltpu.sync_copy(src_hbm.at[c, s, pl.ds(h * NUH, NUH)], sidx_h)
        pltpu.sync_copy(dst_hbm.at[c, s, pl.ds(h * NUH, NUH)], didx_h)

        g_issue(0, 0)
        g_wait(0, 0)
        s_issue(0, 0)
        g_issue(1, 1)

        def step(k, _):
            ua = 2 * k + 1
            g_wait(1, ua)
            s_issue(1, ua)
            s_wait(0, ua - 1)
            g_issue(0, ua + 1)
            ub = 2 * k + 2
            g_wait(0, ub)
            s_issue(0, ub)
            s_wait(1, ub - 1)
            g_issue(1, ub + 1)
            return 0

        lax.fori_loop(0, (NUH - 2) // 2, step, 0)

        u_last = NUH - 1
        g_wait(1, u_last)
        s_issue(1, u_last)
        s_wait(0, u_last - 1)
        s_wait(1, u_last)

    plsc.subcore_barrier()
    pltpu.sync_copy(acc.at[pl.ds(s * RPT, RPT)],
                    s_out.at[c, pl.ds(s * RPT, RPT)])


@functools.cache
def _sc_kernels():
    mesh = plsc.VectorSubcoreMesh(core_axis_name="c", subcore_axis_name="s")
    deg = pl.kernel(
        _deg_body,
        out_type=jax.ShapeDtypeStruct((NC, NP), jnp.float32),
        mesh=mesh,
        scratch_types=[
            pltpu.VMEM((NWIN, K), jnp.int32),
            pltpu.VMEM((K,), jnp.float32),
            pltpu.VMEM((RPT,), jnp.float32),
            pltpu.VMEM_SHARED((NP,), jnp.float32),
            pltpu.SemaphoreType.DMA,
        ],
    )
    agg = pl.kernel(
        _agg_body,
        out_type=jax.ShapeDtypeStruct((NC, NP, D), jnp.float32),
        mesh=mesh,
        scratch_types=(
            [pltpu.VMEM((NUH, K), jnp.int32)] * 2
            + [pltpu.VMEM((K, D), jnp.float32)] * 2
            + [pltpu.VMEM_SHARED((NP, D), jnp.float32)]
            + [pltpu.SemaphoreType.DMA] * 4
        ),
    )
    return deg, agg



def _prep_body(d0, d1, x, dinv_o, v0_o):
    i = pl.program_id(0)
    deg = d0[...] + d1[...] + 1.0
    dinv = lax.rsqrt(deg)
    row = i * BLK + lax.broadcasted_iota(jnp.int32, (BLK, 1), 0)
    dinv = jnp.where(row < N_NODES, dinv, 0.0)
    dinv_o[...] = dinv
    v0_o[...] = x[...] * dinv


_prep_call = pl.pallas_call(
    _prep_body,
    grid=(NP // BLK,),
    in_specs=[
        pl.BlockSpec((BLK, 1), lambda i: (i, 0)),
        pl.BlockSpec((BLK, 1), lambda i: (i, 0)),
        pl.BlockSpec((BLK, D), lambda i: (i, 0)),
    ],
    out_specs=[
        pl.BlockSpec((BLK, 1), lambda i: (i, 0)),
        pl.BlockSpec((BLK, D), lambda i: (i, 0)),
    ],
    out_shape=[
        jax.ShapeDtypeStruct((NP, 1), jnp.float32),
        jax.ShapeDtypeStruct((NP, D), jnp.float32),
    ],
)


def _layer_body(sp, dinv, w, b, vo):
    t = (sp[0] + sp[1]) * dinv[...]
    h = jnp.dot(t, w[...], preferred_element_type=jnp.float32) + b[...]
    vo[...] = jnp.maximum(h, 0.0) * dinv[...]


_layer_call = pl.pallas_call(
    _layer_body,
    grid=(NP // BLK,),
    in_specs=[
        pl.BlockSpec((2, BLK, D), lambda i: (0, i, 0)),
        pl.BlockSpec((BLK, 1), lambda i: (i, 0)),
        pl.BlockSpec((D, D), lambda i: (0, 0)),
        pl.BlockSpec((1, D), lambda i: (0, 0)),
    ],
    out_specs=pl.BlockSpec((BLK, D), lambda i: (i, 0)),
    out_shape=jax.ShapeDtypeStruct((NP, D), jnp.float32),
)


def _final_body(sp, dinv, w, b, out, accs):
    i = pl.program_id(0)

    @pl.when(i == 0)
    def _():
        accs[...] = jnp.zeros_like(accs)

    t = (sp[0] + sp[1]) * dinv[...]
    h = jnp.dot(t, w[...], preferred_element_type=jnp.float32) + b[...]
    row = i * BLK + lax.broadcasted_iota(jnp.int32, (BLK, 1), 0)
    h = jnp.where(row < N_NODES, h, 0.0)
    accs[...] += jnp.sum(h, axis=0, keepdims=True)

    @pl.when(i == pl.num_programs(0) - 1)
    def _():
        pooled = accs[...]
        lane = lax.broadcasted_iota(jnp.int32, (1, 128), 1)
        valid = lane < C
        m = jnp.max(jnp.where(valid, pooled, jnp.float32(-1e30)),
                    axis=1, keepdims=True)
        e = jnp.where(valid, jnp.exp(pooled - m), 0.0)
        ls = pooled - (m + jnp.log(jnp.sum(e, axis=1, keepdims=True)))
        out[0:1, :] = pooled
        out[1:2, :] = ls


_final_call = pl.pallas_call(
    _final_body,
    grid=(NP // BLK,),
    in_specs=[
        pl.BlockSpec((2, BLK, D), lambda i: (0, i, 0)),
        pl.BlockSpec((BLK, 1), lambda i: (i, 0)),
        pl.BlockSpec((D, D), lambda i: (0, 0)),
        pl.BlockSpec((1, D), lambda i: (0, 0)),
    ],
    out_specs=pl.BlockSpec((2, 128), lambda i: (0, 0)),
    out_shape=jax.ShapeDtypeStruct((2, 128), jnp.float32),
    scratch_shapes=[pltpu.VMEM((1, 128), jnp.float32)],
)



def kernel(x, edge_index, W1, b1, W2, b2, W3, b3, W4, b4):
    src = edge_index[0]
    dst = edge_index[1]
    pad_idx = N_NODES + (jnp.arange(EP - E, dtype=jnp.int32) % (NP - N_NODES))
    srcp = jnp.concatenate([src, pad_idx]).reshape(NC, NS, NWIN, K)
    dstp = jnp.concatenate([dst, pad_idx]).reshape(NC, NS, NWIN, K)
    xp = jnp.pad(x, ((0, NP - N_NODES), (0, 0)))

    deg_kernel, agg_kernel = _sc_kernels()
    degp = deg_kernel(dstp)
    dinv, v = _prep_call(degp[0].reshape(NP, 1), degp[1].reshape(NP, 1), xp)

    for (W, b) in ((W1, b1), (W2, b2), (W3, b3)):
        sp = agg_kernel(v, srcp, dstp)
        v = _layer_call(sp, dinv, W, b.reshape(1, D))

    sp = agg_kernel(v, srcp, dstp)
    W4p = jnp.pad(W4, ((0, 0), (0, 128 - C)))
    b4p = jnp.pad(b4, (0, 128 - C)).reshape(1, 128)
    out = _final_call(sp, dinv, W4p, b4p)
    return (out[0:1, :C], out[1:2, :C])

# --- scband reference (transcript-rebuilt; emitter-appended) ---
"""Pipeline reference for scband-gcn-43173011259684 (READ-ONLY COPY).

The authoritative reference and input builder live on the scoring server;
editing this copy changes nothing except your own understanding.
"""

import jax, jax.numpy as jnp
import numpy as np

N_NODES = 10000
N_EDGES = 320000
D_FEAT = 128
HIDDEN = 128
N_CLASSES = 40


def _gcn_conv(x, src, dst, norm, W, b, n):
    # PyG GCNConv: linear transform, then normalized scatter-add aggregation, then bias
    h = x @ W
    msg = h[src] * norm[:, None]
    out = jnp.zeros((n, h.shape[1]), h.dtype).at[dst].add(msg)
    return out + b


def setup_inputs(seed: int = 0) -> dict:
    key = jax.random.key(seed)
    ks = jax.random.split(key, 12)
    x = jax.random.normal(ks[0], (N_NODES, D_FEAT), dtype=jnp.float32)
    edge_index = jax.random.randint(ks[1], (2, N_EDGES), 0, N_NODES, dtype=jnp.int32)

    def glorot(k, fan_in, fan_out):
        return jax.random.normal(k, (fan_in, fan_out), dtype=jnp.float32) * (1.0 / np.sqrt(fan_in))

    W1 = glorot(ks[2], D_FEAT, HIDDEN)
    b1 = jnp.zeros((HIDDEN,), jnp.float32)
    W2 = glorot(ks[3], HIDDEN, HIDDEN)
    b2 = jnp.zeros((HIDDEN,), jnp.float32)
    W3 = glorot(ks[4], HIDDEN, HIDDEN)
    b3 = jnp.zeros((HIDDEN,), jnp.float32)
    W4 = glorot(ks[5], HIDDEN, N_CLASSES)
    b4 = jnp.zeros((N_CLASSES,), jnp.float32)
    return {"x": x, "edge_index": edge_index, "W1": W1, "b1": b1, "W2": W2, "b2": b2, "W3": W3, "b3": b3, "W4": W4, "b4": b4}


def reference(x, edge_index, W1, b1, W2, b2, W3, b3, W4, b4):
    n = x.shape[0]
    loop = jnp.arange(n, dtype=edge_index.dtype)
    src = jnp.concatenate([edge_index[0], loop])
    dst = jnp.concatenate([edge_index[1], loop])
    # symmetric normalization D^{-1/2} (A + I) D^{-1/2}
    deg = jnp.zeros((n,), x.dtype).at[dst].add(1.0)
    dinv = jnp.where(deg > 0, deg ** -0.5, 0.0)
    norm = dinv[src] * dinv[dst]

    h = jax.nn.relu(_gcn_conv(x, src, dst, norm, W1, b1, n))
    # dropout is identity at inference (training=False)
    h = jax.nn.relu(_gcn_conv(h, src, dst, norm, W2, b2, n))
    h = jax.nn.relu(_gcn_conv(h, src, dst, norm, W3, b3, n))
    h = _gcn_conv(h, src, dst, norm, W4, b4, n)

    # global_add_pool with batch vector of all zeros -> sum over all nodes -> [1, C]
    pooled = jnp.sum(h, axis=0, keepdims=True)
    return (pooled, jax.nn.log_softmax(pooled, axis=1))

if __name__ == "__main__":
    import jax
    _d = setup_inputs()
    print(jax.jit(kernel)(*tuple(_d.values())))

</pallas_src>

<mosaic_0001>
#map = affine_map<(d0, d1) -> (0, 0, 0, 0)>
#map1 = affine_map<(d0, d1) -> (0, 0)>
module attributes {stable_mosaic.version = 14 : i64} {
  func.func @_deg_body(%arg0: i32, %arg1: i32, %arg2: memref<2x16x80x128xi32, #tpu.memory_space<hbm>>, %arg3: memref<2x10240xf32, #tpu.memory_space<hbm>>, %arg4: memref<80x128xi32, #tpu.memory_space<vmem>>, %arg5: memref<128xf32, #tpu.memory_space<vmem>>, %arg6: memref<640xf32, #tpu.memory_space<vmem>>, %arg7: memref<10240xf32, #tpu.memory_space<vmem_shared>>, %arg8: memref<!tpu.dma_semaphore, #tpu.memory_space<semaphore_mem>>) attributes {dimension_semantics = [#tpu.dimension_semantics<core_parallel>, #tpu.dimension_semantics<subcore_parallel>], iteration_bounds = array<i64: 2, 16>, scalar_prefetch = 0 : i64, scratch_operands = 5 : i64, tpu.core_type = #tpu.core_type<sc_vector_subcore>, window_params = [{transform_indices = #map}, {transform_indices = #map1}]} {
    %scan3A = arith.constant 0 : i32
    %scan3A_0 = arith.constant 0 : i32
    %scan3A_1 = arith.constant 40 : i32
    %scan3A_2 = arith.addi %scan3A_0, %scan3A_1 : i32
    %scan3A_3 = arith.constant 1 : i32
    %scan3A_4 = scf.for %scan3A_33 = %scan3A_0 to %scan3A_2 step %scan3A_3 iter_args(%scan3A_34 = %scan3A) -> (i32)  : i32 {
      %broadcast_in_dim3A = arith.constant 0.000000e+00 : f32
      %broadcast_in_dim3A_35 = vector.broadcast %broadcast_in_dim3A : f32 to vector<16xf32>
      %mul3A_36 = arith.constant 16 : i32
      %mul3A_37 = arith.muli %mul3A_36, %scan3A_33 : i32
      %swap3A = arith.index_cast %mul3A_37 : i32 to index
      %swap3A_38 = tpu.vector_load %arg6[%swap3A] {strides = array<i32>} : memref<640xf32, #tpu.memory_space<vmem>>, vector<16xf32>,
      %swap3A_39 = vector.shape_cast %swap3A_38 : vector<16xf32> to vector<16xf32>
      %swap3A_40 = vector.shape_cast %broadcast_in_dim3A_35 : vector<16xf32> to vector<16xf32>
      tpu.vector_store %arg6[%swap3A], %swap3A_40 {strides = array<i32>} : memref<640xf32, #tpu.memory_space<vmem>>, vector<16xf32>,
      %scan3A_41 = arith.constant 0 : i32
      scf.yield %scan3A_41 : i32
    }
    %scan3A_5 = arith.constant 40 : i32
    %scan3A_6 = arith.constant 0 : i32
    %scan3A_7 = arith.constant 0 : i32
    %scan3A_8 = arith.constant 8 : i32
    %scan3A_9 = arith.addi %scan3A_7, %scan3A_8 : i32
    %scan3A_10 = arith.constant 1 : i32
    %scan3A_11 = scf.for %scan3A_33 = %scan3A_7 to %scan3A_9 step %scan3A_10 iter_args(%scan3A_34 = %scan3A_6) -> (i32)  : i32 {
      %broadcast_in_dim3A = arith.constant 1.000000e+00 : f32
      %broadcast_in_dim3A_35 = vector.broadcast %broadcast_in_dim3A : f32 to vector<16xf32>
      %mul3A_36 = arith.constant 16 : i32
      %mul3A_37 = arith.muli %mul3A_36, %scan3A_33 : i32
      %swap3A = arith.index_cast %mul3A_37 : i32 to index
      %swap3A_38 = tpu.vector_load %arg5[%swap3A] {strides = array<i32>} : memref<128xf32, #tpu.memory_space<vmem>>, vector<16xf32>,
      %swap3A_39 = vector.shape_cast %swap3A_38 : vector<16xf32> to vector<16xf32>
      %swap3A_40 = vector.shape_cast %broadcast_in_dim3A_35 : vector<16xf32> to vector<16xf32>
      tpu.vector_store %arg5[%swap3A], %swap3A_40 {strides = array<i32>} : memref<128xf32, #tpu.memory_space<vmem>>, vector<16xf32>,
      %scan3A_41 = arith.constant 0 : i32
      scf.yield %scan3A_41 : i32
    }
    %scan3A_12 = arith.constant 8 : i32
    "tpu.region"() ({
      %run_scoped3A = tpu.sem_alloc : memref<!tpu.dma_semaphore, #tpu.memory_space<semaphore_mem>>
      %dma_start3A = arith.constant 0 : i32
      %dma_start3A_33 = arith.constant 0 : i32
      %dma_start3A_34 = tpu.memref_slice %arg2[%arg0, %arg1, %dma_start3A, %dma_start3A_33] : memref<2x16x80x128xi32, #tpu.memory_space<hbm>> -> memref<1x1x80x128xi32, #tpu.memory_space<hbm>>
      %dma_start3A_35 = tpu.memref_squeeze %dma_start3A_34 : memref<1x1x80x128xi32, #tpu.memory_space<hbm>> -> memref<80x128xi32, #tpu.memory_space<hbm>>
      %dma_start3A_36 = arith.constant 0 : i32
      %dma_start3A_37 = arith.constant 0 : i32
      %dma_start3A_38 = tpu.memref_slice %arg2[%arg0, %arg1, %dma_start3A_36, %dma_start3A_37] : memref<2x16x80x128xi32, #tpu.memory_space<hbm>> -> memref<1x1x80x128xi32, #tpu.memory_space<hbm>>
      %dma_start3A_39 = tpu.memref_squeeze %dma_start3A_38 : memref<1x1x80x128xi32, #tpu.memory_space<hbm>> -> memref<80x128xi32, #tpu.memory_space<hbm>>
      tpu.enqueue_dma source(%dma_start3A_39 : memref<80x128xi32, #tpu.memory_space<hbm>>) target(%arg4 : memref<80x128xi32, #tpu.memory_space<vmem>>) target_semaphore(%run_scoped3A : memref<!tpu.dma_semaphore, #tpu.memory_space<semaphore_mem>>)
      %dma_wait3A = arith.constant 0 : i32
      %dma_wait3A_40 = arith.constant 0 : i32
      %dma_wait3A_41 = tpu.memref_slice %arg2[%arg0, %arg1, %dma_wait3A, %dma_wait3A_40] : memref<2x16x80x128xi32, #tpu.memory_space<hbm>> -> memref<1x1x80x128xi32, #tpu.memory_space<hbm>>
      %dma_wait3A_42 = tpu.memref_squeeze %dma_wait3A_41 : memref<1x1x80x128xi32, #tpu.memory_space<hbm>> -> memref<80x128xi32, #tpu.memory_space<hbm>>
      %dma_wait3A_43 = arith.constant 0 : i32
      %dma_wait3A_44 = arith.constant 0 : i32
      %dma_wait3A_45 = tpu.memref_slice %arg2[%arg0, %arg1, %dma_wait3A_43, %dma_wait3A_44] : memref<2x16x80x128xi32, #tpu.memory_space<hbm>> -> memref<1x1x80x128xi32, #tpu.memory_space<hbm>>
      %dma_wait3A_46 = tpu.memref_squeeze %dma_wait3A_45 : memref<1x1x80x128xi32, #tpu.memory_space<hbm>> -> memref<80x128xi32, #tpu.memory_space<hbm>>
      tpu.wait_dma2 semaphore(%run_scoped3A : memref<!tpu.dma_semaphore, #tpu.memory_space<semaphore_mem>>) src(%dma_wait3A_46 : memref<80x128xi32, #tpu.memory_space<hbm>>) dst(%arg4 : memref<80x128xi32, #tpu.memory_space<vmem>>)
      tpu.yield
    }) : () -> ()
    %mul3A = arith.constant 640 : i32
    %mul3A_13 = arith.muli %arg1, %mul3A : i32
    "tpu.region"() ({
      %run_scoped3A = tpu.sem_alloc : memref<!tpu.dma_semaphore, #tpu.memory_space<semaphore_mem>>
      %dma_start3A = tpu.memref_slice %arg7[%mul3A_13] : memref<10240xf32, #tpu.memory_space<vmem_shared>> -> memref<640xf32, #tpu.memory_space<vmem_shared>>
      %dma_start3A_33 = tpu.memref_slice %arg7[%mul3A_13] : memref<10240xf32, #tpu.memory_space<vmem_shared>> -> memref<640xf32, #tpu.memory_space<vmem_shared>>
      tpu.enqueue_dma source(%arg6 : memref<640xf32, #tpu.memory_space<vmem>>) target(%dma_start3A_33 : memref<640xf32, #tpu.memory_space<vmem_shared>>) target_semaphore(%run_scoped3A : memref<!tpu.dma_semaphore, #tpu.memory_space<semaphore_mem>>)
      %dma_wait3A = tpu.memref_slice %arg7[%mul3A_13] : memref<10240xf32, #tpu.memory_space<vmem_shared>> -> memref<640xf32, #tpu.memory_space<vmem_shared>>
      %dma_wait3A_34 = tpu.memref_slice %arg7[%mul3A_13] : memref<10240xf32, #tpu.memory_space<vmem_shared>> -> memref<640xf32, #tpu.memory_space<vmem_shared>>
      tpu.wait_dma2 semaphore(%run_scoped3A : memref<!tpu.dma_semaphore, #tpu.memory_space<semaphore_mem>>) src(%arg6 : memref<640xf32, #tpu.memory_space<vmem>>) dst(%dma_wait3A_34 : memref<640xf32, #tpu.memory_space<vmem_shared>>)
      tpu.yield
    }) : () -> ()
    %barrier3A = arith.constant 0 : index
    tpu.barrier barrier_id(%barrier3A)
    %scan3A_14 = arith.constant 0 : i32
    %scan3A_15 = arith.constant 0 : i32
    %scan3A_16 = arith.constant 80 : i32
    %scan3A_17 = arith.addi %scan3A_15, %scan3A_16 : i32
    %scan3A_18 = arith.constant 1 : i32
    %scan3A_19 = scf.for %scan3A_33 = %scan3A_15 to %scan3A_17 step %scan3A_18 iter_args(%scan3A_34 = %scan3A_14) -> (i32)  : i32 {
      %dma_start3A = arith.constant 0 : i32
      %dma_start3A_35 = tpu.memref_slice %arg4[%scan3A_33, %dma_start3A] : memref<80x128xi32, #tpu.memory_space<vmem>> -> memref<1x128xi32, #tpu.memory_space<vmem>>
      %dma_start3A_36 = tpu.memref_squeeze %dma_start3A_35 : memref<1x128xi32, #tpu.memory_space<vmem>> -> memref<128xi32, #tpu.memory_space<vmem>>
      %dma_start3A_37 = arith.constant 0 : i32
      %dma_start3A_38 = tpu.memref_slice %arg7[%dma_start3A_37] : memref<10240xf32, #tpu.memory_space<vmem_shared>> -> memref<10240xf32, #tpu.memory_space<vmem_shared>>
      tpu.enqueue_indirect_dma source(%arg5 : memref<128xf32, #tpu.memory_space<vmem>>) target(%dma_start3A_38 : memref<10240xf32, #tpu.memory_space<vmem_shared>>) offsets(%dma_start3A_36 : memref<128xi32, #tpu.memory_space<vmem>>) semaphore(%arg8 : memref<!tpu.dma_semaphore, #tpu.memory_space<semaphore_mem>>) {add = true}
      %scan3A_39 = arith.constant 0 : i32
      scf.yield %scan3A_39 : i32
    }
    %scan3A_20 = arith.constant 80 : i32
    %scan3A_21 = arith.constant 0 : i32
    %scan3A_22 = arith.constant 0 : i32
    %scan3A_23 = arith.constant 80 : i32
    %scan3A_24 = arith.addi %scan3A_22, %scan3A_23 : i32
    %scan3A_25 = arith.constant 1 : i32
    %scan3A_26 = scf.for %scan3A_33 = %scan3A_22 to %scan3A_24 step %scan3A_25 iter_args(%scan3A_34 = %scan3A_21) -> (i32)  : i32 {
      %dma_wait3A = arith.constant 0 : i32
      %dma_wait3A_35 = tpu.memref_slice %arg4[%scan3A_33, %dma_wait3A] : memref<80x128xi32, #tpu.memory_space<vmem>> -> memref<1x128xi32, #tpu.memory_space<vmem>>
      %dma_wait3A_36 = tpu.memref_squeeze %dma_wait3A_35 : memref<1x128xi32, #tpu.memory_space<vmem>> -> memref<128xi32, #tpu.memory_space<vmem>>
      %dma_wait3A_37 = arith.constant 0 : i32
      %dma_wait3A_38 = tpu.memref_slice %arg7[%dma_wait3A_37] : memref<10240xf32, #tpu.memory_space<vmem_shared>> -> memref<10240xf32, #tpu.memory_space<vmem_shared>>
      tpu.wait_indirect_dma semaphore(%arg8 : memref<!tpu.dma_semaphore, #tpu.memory_space<semaphore_mem>>) src(%arg5 : memref<128xf32, #tpu.memory_space<vmem>>) dst(%dma_wait3A_38 : memref<10240xf32, #tpu.memory_space<vmem_shared>>)
      %scan3A_39 = arith.constant 0 : i32
      scf.yield %scan3A_39 : i32
    }
    %scan3A_27 = arith.constant 80 : i32
    %barrier3A_28 = arith.constant 0 : index
    tpu.barrier barrier_id(%barrier3A_28)
    %mul3A_29 = arith.constant 640 : i32
    %mul3A_30 = arith.muli %arg1, %mul3A_29 : i32
    %mul3A_31 = arith.constant 640 : i32
    %mul3A_32 = arith.muli %arg1, %mul3A_31 : i32
    "tpu.region"() ({
      %run_scoped3A = tpu.sem_alloc : memref<!tpu.dma_semaphore, #tpu.memory_space<semaphore_mem>>
      %dma_start3A = tpu.memref_slice %arg3[%arg0, %mul3A_32] : memref<2x10240xf32, #tpu.memory_space<hbm>> -> memref<1x640xf32, #tpu.memory_space<hbm>>
      %dma_start3A_33 = tpu.memref_squeeze %dma_start3A : memref<1x640xf32, #tpu.memory_space<hbm>> -> memref<640xf32, #tpu.memory_space<hbm>>
      %dma_start3A_34 = tpu.memref_slice %arg7[%mul3A_30] : memref<10240xf32, #tpu.memory_space<vmem_shared>> -> memref<640xf32, #tpu.memory_space<vmem_shared>>
      tpu.enqueue_dma source(%dma_start3A_34 : memref<640xf32, #tpu.memory_space<vmem_shared>>) target(%dma_start3A_33 : memref<640xf32, #tpu.memory_space<hbm>>) target_semaphore(%run_scoped3A : memref<!tpu.dma_semaphore, #tpu.memory_space<semaphore_mem>>)
      %dma_wait3A = tpu.memref_slice %arg3[%arg0, %mul3A_32] : memref<2x10240xf32, #tpu.memory_space<hbm>> -> memref<1x640xf32, #tpu.memory_space<hbm>>
      %dma_wait3A_35 = tpu.memref_squeeze %dma_wait3A : memref<1x640xf32, #tpu.memory_space<hbm>> -> memref<640xf32, #tpu.memory_space<hbm>>
      %dma_wait3A_36 = tpu.memref_slice %arg7[%mul3A_30] : memref<10240xf32, #tpu.memory_space<vmem_shared>> -> memref<640xf32, #tpu.memory_space<vmem_shared>>
      tpu.wait_dma2 semaphore(%run_scoped3A : memref<!tpu.dma_semaphore, #tpu.memory_space<semaphore_mem>>) src(%dma_wait3A_36 : memref<640xf32, #tpu.memory_space<vmem_shared>>) dst(%dma_wait3A_35 : memref<640xf32, #tpu.memory_space<hbm>>)
      tpu.yield
    }) : () -> ()
    return
  }
}

#map = affine_map<(d0, d1) -> (0, 0)>
#map1 = affine_map<(d0, d1) -> (0, 0, 0, 0)>
#map2 = affine_map<(d0, d1) -> (0, 0, 0)>
module attributes {stable_mosaic.version = 14 : i64} {
  func.func @_agg_body(%arg0: i32, %arg1: i32, %arg2: memref<10240x128xf32, #tpu.memory_space<hbm>>, %arg3: memref<2x16x80x128xi32, #tpu.memory_space<hbm>>, %arg4: memref<2x16x80x128xi32, #tpu.memory_space<hbm>>, %arg5: memref<2x10240x128xf32, #tpu.memory_space<hbm>>, %arg6: memref<40x128xi32, #tpu.memory_space<vmem>>, %arg7: memref<40x128xi32, #tpu.memory_space<vmem>>, %arg8: memref<128x128xf32, #tpu.memory_space<vmem>>, %arg9: memref<128x128xf32, #tpu.memory_space<vmem>>, %arg10: memref<10240x128xf32, #tpu.memory_space<vmem_shared>>, %arg11: memref<!tpu.dma_semaphore, #tpu.memory_space<semaphore_mem>>, %arg12: memref<!tpu.dma_semaphore, #tpu.memory_space<semaphore_mem>>, %arg13: memref<!tpu.dma_semaphore, #tpu.memory_space<semaphore_mem>>, %arg14: memref<!tpu.dma_semaphore, #tpu.memory_space<semaphore_mem>>) attributes {dimension_semantics = [#tpu.dimension_semantics<core_parallel>, #tpu.dimension_semantics<subcore_parallel>], iteration_bounds = array<i64: 2, 16>, scalar_prefetch = 0 : i64, scratch_operands = 9 : i64, tpu.core_type = #tpu.core_type<sc_vector_subcore>, window_params = [{transform_indices = #map}, {transform_indices = #map1}, {transform_indices = #map1}, {transform_indices = #map2}]} {
    %mul3A = arith.constant 640 : i32
    %mul3A_0 = arith.muli %arg1, %mul3A : i32
    %eq3A = arith.constant 0 : i32
    %eq3A_1 = arith.cmpi eq, %arg0, %eq3A : i32
    %convert_element_type3A = arith.extui %eq3A_1 : i1 to i32
    %cond3A = arith.constant 0 : i32
    %cond3A_2 = arith.cmpi ne, %convert_element_type3A, %cond3A : i32
    scf.if %cond3A_2 {
      "tpu.region"() ({
        %run_scoped3A = tpu.sem_alloc : memref<!tpu.dma_semaphore, #tpu.memory_space<semaphore_mem>>
        %dma_start3A_127 = arith.constant 0 : i32
        %dma_start3A_128 = tpu.memref_slice %arg10[%mul3A_0, %dma_start3A_127] : memref<10240x128xf32, #tpu.memory_space<vmem_shared>> -> memref<640x128xf32, #tpu.memory_space<vmem_shared>>
        %dma_start3A_129 = arith.constant 0 : i32
        %dma_start3A_130 = tpu.memref_slice %arg2[%mul3A_0, %dma_start3A_129] : memref<10240x128xf32, #tpu.memory_space<hbm>> -> memref<640x128xf32, #tpu.memory_space<hbm>>
        tpu.enqueue_dma source(%dma_start3A_130 : memref<640x128xf32, #tpu.memory_space<hbm>>) target(%dma_start3A_128 : memref<640x128xf32, #tpu.memory_space<vmem_shared>>) target_semaphore(%run_scoped3A : memref<!tpu.dma_semaphore, #tpu.memory_space<semaphore_mem>>)
        %dma_wait3A_131 = arith.constant 0 : i32
        %dma_wait3A_132 = tpu.memref_slice %arg10[%mul3A_0, %dma_wait3A_131] : memref<10240x128xf32, #tpu.memory_space<vmem_shared>> -> memref<640x128xf32, #tpu.memory_space<vmem_shared>>
        %dma_wait3A_133 = arith.constant 0 : i32
        %dma_wait3A_134 = tpu.memref_slice %arg2[%mul3A_0, %dma_wait3A_133] : memref<10240x128xf32, #tpu.memory_space<hbm>> -> memref<640x128xf32, #tpu.memory_space<hbm>>
        tpu.wait_dma2 semaphore(%run_scoped3A : memref<!tpu.dma_semaphore, #tpu.memory_space<semaphore_mem>>) src(%dma_wait3A_134 : memref<640x128xf32, #tpu.memory_space<hbm>>) dst(%dma_wait3A_132 : memref<640x128xf32, #tpu.memory_space<vmem_shared>>)
        tpu.yield
      }) : () -> ()
    } else {
    }
    %ne3A = arith.constant 0 : i32
    %ne3A_3 = arith.cmpi ne, %arg0, %ne3A : i32
    %convert_element_type3A_4 = arith.extui %ne3A_3 : i1 to i32
    %cond3A_5 = arith.constant 0 : i32
    %cond3A_6 = arith.cmpi ne, %convert_element_type3A_4, %cond3A_5 : i32
    scf.if %cond3A_6 {
      %scan3A_127 = arith.constant 0 : i32
      %scan3A_128 = arith.constant 0 : i32
      %scan3A_129 = arith.constant 128 : i32
      %scan3A_130 = arith.addi %scan3A_128, %scan3A_129 : i32
      %scan3A_131 = arith.constant 1 : i32
      %scan3A_132 = scf.for %scan3A_143 = %scan3A_128 to %scan3A_130 step %scan3A_131 iter_args(%scan3A_144 = %scan3A_127) -> (i32)  : i32 {
        %broadcast_in_dim3A = arith.constant 0.000000e+00 : f32
        %broadcast_in_dim3A_145 = vector.broadcast %broadcast_in_dim3A : f32 to vector<16xf32>
        %swap3A = arith.index_cast %scan3A_143 : i32 to index
        %swap3A_146 = arith.constant 0 : index
        %swap3A_147 = tpu.vector_load %arg8[%swap3A, %swap3A_146] {strides = array<i32>} : memref<128x128xf32, #tpu.memory_space<vmem>>, vector<1x16xf32>,
        %swap3A_148 = vector.shape_cast %swap3A_147 : vector<1x16xf32> to vector<16xf32>
        %swap3A_149 = vector.shape_cast %broadcast_in_dim3A_145 : vector<16xf32> to vector<1x16xf32>
        tpu.vector_store %arg8[%swap3A, %swap3A_146], %swap3A_149 {strides = array<i32>} : memref<128x128xf32, #tpu.memory_space<vmem>>, vector<1x16xf32>,
        %broadcast_in_dim3A_150 = arith.constant 0.000000e+00 : f32
        %broadcast_in_dim3A_151 = vector.broadcast %broadcast_in_dim3A_150 : f32 to vector<16xf32>
        %swap3A_152 = arith.index_cast %scan3A_143 : i32 to index
        %swap3A_153 = arith.constant 16 : index
        %swap3A_154 = tpu.vector_load %arg8[%swap3A_152, %swap3A_153] {strides = array<i32>} : memref<128x128xf32, #tpu.memory_space<vmem>>, vector<1x16xf32>,
        %swap3A_155 = vector.shape_cast %swap3A_154 : vector<1x16xf32> to vector<16xf32>
        %swap3A_156 = vector.shape_cast %broadcast_in_dim3A_151 : vector<16xf32> to vector<1x16xf32>
        tpu.vector_store %arg8[%swap3A_152, %swap3A_153], %swap3A_156 {strides = array<i32>} : memref<128x128xf32, #tpu.memory_space<vmem>>, vector<1x16xf32>,
        %broadcast_in_dim3A_157 = arith.constant 0.000000e+00 : f32
        %broadcast_in_dim3A_158 = vector.broadcast %broadcast_in_dim3A_157 : f32 to vector<16xf32>
        %swap3A_159 = arith.index_cast %scan3A_143 : i32 to index
        %swap3A_160 = arith.constant 32 : index
        %swap3A_161 = tpu.vector_load %arg8[%swap3A_159, %swap3A_160] {strides = array<i32>} : memref<128x128xf32, #tpu.memory_space<vmem>>, vector<1x16xf32>,
        %swap3A_162 = vector.shape_cast %swap3A_161 : vector<1x16xf32> to vector<16xf32>
        %swap3A_163 = vector.shape_cast %broadcast_in_dim3A_158 : vector<16xf32> to vector<1x16xf32>
        tpu.vector_store %arg8[%swap3A_159, %swap3A_160], %swap3A_163 {strides = array<i32>} : memref<128x128xf32, #tpu.memory_space<vmem>>, vector<1x16xf32>,
        %broadcast_in_dim3A_164 = arith.constant 0.000000e+00 : f32
        %broadcast_in_dim3A_165 = vector.broadcast %broadcast_in_dim3A_164 : f32 to vector<16xf32>
        %swap3A_166 = arith.index_cast %scan3A_143 : i32 to index
        %swap3A_167 = arith.constant 48 : index
        %swap3A_168 = tpu.vector_load %arg8[%swap3A_166, %swap3A_167] {strides = array<i32>} : memref<128x128xf32, #tpu.memory_space<vmem>>, vector<1x16xf32>,
        %swap3A_169 = vector.shape_cast %swap3A_168 : vector<1x16xf32> to vector<16xf32>
        %swap3A_170 = vector.shape_cast %broadcast_in_dim3A_165 : vector<16xf32> to vector<1x16xf32>
        tpu.vector_store %arg8[%swap3A_166, %swap3A_167], %swap3A_170 {strides = array<i32>} : memref<128x128xf32, #tpu.memory_space<vmem>>, vector<1x16xf32>,
        %broadcast_in_dim3A_171 = arith.constant 0.000000e+00 : f32
        %broadcast_in_dim3A_172 = vector.broadcast %broadcast_in_dim3A_171 : f32 to vector<16xf32>
        %swap3A_173 = arith.index_cast %scan3A_143 : i32 to index
        %swap3A_174 = arith.constant 64 : index
        %swap3A_175 = tpu.vector_load %arg8[%swap3A_173, %swap3A_174] {strides = array<i32>} : memref<128x128xf32, #tpu.memory_space<vmem>>, vector<1x16xf32>,
        %swap3A_176 = vector.shape_cast %swap3A_175 : vector<1x16xf32> to vector<16xf32>
        %swap3A_177 = vector.shape_cast %broadcast_in_dim3A_172 : vector<16xf32> to vector<1x16xf32>
        tpu.vector_store %arg8[%swap3A_173, %swap3A_174], %swap3A_177 {strides = array<i32>} : memref<128x128xf32, #tpu.memory_space<vmem>>, vector<1x16xf32>,
        %broadcast_in_dim3A_178 = arith.constant 0.000000e+00 : f32
        %broadcast_in_dim3A_179 = vector.broadcast %broadcast_in_dim3A_178 : f32 to vector<16xf32>
        %swap3A_180 = arith.index_cast %scan3A_143 : i32 to index
        %swap3A_181 = arith.constant 80 : index
        %swap3A_182 = tpu.vector_load %arg8[%swap3A_180, %swap3A_181] {strides = array<i32>} : memref<128x128xf32, #tpu.memory_space<vmem>>, vector<1x16xf32>,
        %swap3A_183 = vector.shape_cast %swap3A_182 : vector<1x16xf32> to vector<16xf32>
        %swap3A_184 = vector.shape_cast %broadcast_in_dim3A_179 : vector<16xf32> to vector<1x16xf32>
        tpu.vector_store %arg8[%swap3A_180, %swap3A_181], %swap3A_184 {strides = array<i32>} : memref<128x128xf32, #tpu.memory_space<vmem>>, vector<1x16xf32>,
        %broadcast_in_dim3A_185 = arith.constant 0.000000e+00 : f32
        %broadcast_in_dim3A_186 = vector.broadcast %broadcast_in_dim3A_185 : f32 to vector<16xf32>
        %swap3A_187 = arith.index_cast %scan3A_143 : i32 to index
        %swap3A_188 = arith.constant 96 : index
        %swap3A_189 = tpu.vector_load %arg8[%swap3A_187, %swap3A_188] {strides = array<i32>} : memref<128x128xf32, #tpu.memory_space<vmem>>, vector<1x16xf32>,
        %swap3A_190 = vector.shape_cast %swap3A_189 : vector<1x16xf32> to vector<16xf32>
        %swap3A_191 = vector.shape_cast %broadcast_in_dim3A_186 : vector<16xf32> to vector<1x16xf32>
        tpu.vector_store %arg8[%swap3A_187, %swap3A_188], %swap3A_191 {strides = array<i32>} : memref<128x128xf32, #tpu.memory_space<vmem>>, vector<1x16xf32>,
        %broadcast_in_dim3A_192 = arith.constant 0.000000e+00 : f32
        %broadcast_in_dim3A_193 = vector.broadcast %broadcast_in_dim3A_192 : f32 to vector<16xf32>
        %swap3A_194 = arith.index_cast %scan3A_143 : i32 to index
        %swap3A_195 = arith.constant 112 : index
        %swap3A_196 = tpu.vector_load %arg8[%swap3A_194, %swap3A_195] {strides = array<i32>} : memref<128x128xf32, #tpu.memory_space<vmem>>, vector<1x16xf32>,
        %swap3A_197 = vector.shape_cast %swap3A_196 : vector<1x16xf32> to vector<16xf32>
        %swap3A_198 = vector.shape_cast %broadcast_in_dim3A_193 : vector<16xf32> to vector<1x16xf32>
        tpu.vector_store %arg8[%swap3A_194, %swap3A_195], %swap3A_198 {strides = array<i32>} : memref<128x128xf32, #tpu.memory_space<vmem>>, vector<1x16xf32>,
        %scan3A_199 = arith.constant 0 : i32
        scf.yield %scan3A_199 : i32
      }
      %scan3A_133 = arith.constant 128 : i32
      %add3A = arith.constant 0 : i32
      %add3A_134 = arith.addi %mul3A_0, %add3A : i32
      "tpu.region"() ({
        %run_scoped3A = tpu.sem_alloc : memref<!tpu.dma_semaphore, #tpu.memory_space<semaphore_mem>>
        %dma_start3A_143 = arith.constant 0 : i32
        %dma_start3A_144 = tpu.memref_slice %arg10[%add3A_134, %dma_start3A_143] : memref<10240x128xf32, #tpu.memory_space<vmem_shared>> -> memref<128x128xf32, #tpu.memory_space<vmem_shared>>
        %dma_start3A_145 = arith.constant 0 : i32
        %dma_start3A_146 = tpu.memref_slice %arg10[%add3A_134, %dma_start3A_145] : memref<10240x128xf32, #tpu.memory_space<vmem_shared>> -> memref<128x128xf32, #tpu.memory_space<vmem_shared>>
        tpu.enqueue_dma source(%arg8 : memref<128x128xf32, #tpu.memory_space<vmem>>) target(%dma_start3A_146 : memref<128x128xf32, #tpu.memory_space<vmem_shared>>) target_semaphore(%run_scoped3A : memref<!tpu.dma_semaphore, #tpu.memory_space<semaphore_mem>>)
        %dma_wait3A_147 = arith.constant 0 : i32
        %dma_wait3A_148 = tpu.memref_slice %arg10[%add3A_134, %dma_wait3A_147] : memref<10240x128xf32, #tpu.memory_space<vmem_shared>> -> memref<128x128xf32, #tpu.memory_space<vmem_shared>>
        %dma_wait3A_149 = arith.constant 0 : i32
        %dma_wait3A_150 = tpu.memref_slice %arg10[%add3A_134, %dma_wait3A_149] : memref<10240x128xf32, #tpu.memory_space<vmem_shared>> -> memref<128x128xf32, #tpu.memory_space<vmem_shared>>
        tpu.wait_dma2 semaphore(%run_scoped3A : memref<!tpu.dma_semaphore, #tpu.memory_space<semaphore_mem>>) src(%arg8 : memref<128x128xf32, #tpu.memory_space<vmem>>) dst(%dma_wait3A_150 : memref<128x128xf32, #tpu.memory_space<vmem_shared>>)
        tpu.yield
      }) : () -> ()
      %add3A_135 = arith.constant 128 : i32
      %add3A_136 = arith.addi %mul3A_0, %add3A_135 : i32
      "tpu.region"() ({
        %run_scoped3A = tpu.sem_alloc : memref<!tpu.dma_semaphore, #tpu.memory_space<semaphore_mem>>
        %dma_start3A_143 = arith.constant 0 : i32
        %dma_start3A_144 = tpu.memref_slice %arg10[%add3A_136, %dma_start3A_143] : memref<10240x128xf32, #tpu.memory_space<vmem_shared>> -> memref<128x128xf32, #tpu.memory_space<vmem_shared>>
        %dma_start3A_145 = arith.constant 0 : i32
        %dma_start3A_146 = tpu.memref_slice %arg10[%add3A_136, %dma_start3A_145] : memref<10240x128xf32, #tpu.memory_space<vmem_shared>> -> memref<128x128xf32, #tpu.memory_space<vmem_shared>>
        tpu.enqueue_dma source(%arg8 : memref<128x128xf32, #tpu.memory_space<vmem>>) target(%dma_start3A_146 : memref<128x128xf32, #tpu.memory_space<vmem_shared>>) target_semaphore(%run_scoped3A : memref<!tpu.dma_semaphore, #tpu.memory_space<semaphore_mem>>)
        %dma_wait3A_147 = arith.constant 0 : i32
        %dma_wait3A_148 = tpu.memref_slice %arg10[%add3A_136, %dma_wait3A_147] : memref<10240x128xf32, #tpu.memory_space<vmem_shared>> -> memref<128x128xf32, #tpu.memory_space<vmem_shared>>
        %dma_wait3A_149 = arith.constant 0 : i32
        %dma_wait3A_150 = tpu.memref_slice %arg10[%add3A_136, %dma_wait3A_149] : memref<10240x128xf32, #tpu.memory_space<vmem_shared>> -> memref<128x128xf32, #tpu.memory_space<vmem_shared>>
        tpu.wait_dma2 semaphore(%run_scoped3A : memref<!tpu.dma_semaphore, #tpu.memory_space<semaphore_mem>>) src(%arg8 : memref<128x128xf32, #tpu.memory_space<vmem>>) dst(%dma_wait3A_150 : memref<128x128xf32, #tpu.memory_space<vmem_shared>>)
        tpu.yield
      }) : () -> ()
      %add3A_137 = arith.constant 256 : i32
      %add3A_138 = arith.addi %mul3A_0, %add3A_137 : i32
      "tpu.region"() ({
        %run_scoped3A = tpu.sem_alloc : memref<!tpu.dma_semaphore, #tpu.memory_space<semaphore_mem>>
        %dma_start3A_143 = arith.constant 0 : i32
        %dma_start3A_144 = tpu.memref_slice %arg10[%add3A_138, %dma_start3A_143] : memref<10240x128xf32, #tpu.memory_space<vmem_shared>> -> memref<128x128xf32, #tpu.memory_space<vmem_shared>>
        %dma_start3A_145 = arith.constant 0 : i32
        %dma_start3A_146 = tpu.memref_slice %arg10[%add3A_138, %dma_start3A_145] : memref<10240x128xf32, #tpu.memory_space<vmem_shared>> -> memref<128x128xf32, #tpu.memory_space<vmem_shared>>
        tpu.enqueue_dma source(%arg8 : memref<128x128xf32, #tpu.memory_space<vmem>>) target(%dma_start3A_146 : memref<128x128xf32, #tpu.memory_space<vmem_shared>>) target_semaphore(%run_scoped3A : memref<!tpu.dma_semaphore, #tpu.memory_space<semaphore_mem>>)
        %dma_wait3A_147 = arith.constant 0 : i32
        %dma_wait3A_148 = tpu.memref_slice %arg10[%add3A_138, %dma_wait3A_147] : memref<10240x128xf32, #tpu.memory_space<vmem_shared>> -> memref<128x128xf32, #tpu.memory_space<vmem_shared>>
        %dma_wait3A_149 = arith.constant 0 : i32
        %dma_wait3A_150 = tpu.memref_slice %arg10[%add3A_138, %dma_wait3A_149] : memref<10240x128xf32, #tpu.memory_space<vmem_shared>> -> memref<128x128xf32, #tpu.memory_space<vmem_shared>>
        tpu.wait_dma2 semaphore(%run_scoped3A : memref<!tpu.dma_semaphore, #tpu.memory_space<semaphore_mem>>) src(%arg8 : memref<128x128xf32, #tpu.memory_space<vmem>>) dst(%dma_wait3A_150 : memref<128x128xf32, #tpu.memory_space<vmem_shared>>)
        tpu.yield
      }) : () -> ()
      %add3A_139 = arith.constant 384 : i32
      %add3A_140 = arith.addi %mul3A_0, %add3A_139 : i32
      "tpu.region"() ({
        %run_scoped3A = tpu.sem_alloc : memref<!tpu.dma_semaphore, #tpu.memory_space<semaphore_mem>>
        %dma_start3A_143 = arith.constant 0 : i32
        %dma_start3A_144 = tpu.memref_slice %arg10[%add3A_140, %dma_start3A_143] : memref<10240x128xf32, #tpu.memory_space<vmem_shared>> -> memref<128x128xf32, #tpu.memory_space<vmem_shared>>
        %dma_start3A_145 = arith.constant 0 : i32
        %dma_start3A_146 = tpu.memref_slice %arg10[%add3A_140, %dma_start3A_145] : memref<10240x128xf32, #tpu.memory_space<vmem_shared>> -> memref<128x128xf32, #tpu.memory_space<vmem_shared>>
        tpu.enqueue_dma source(%arg8 : memref<128x128xf32, #tpu.memory_space<vmem>>) target(%dma_start3A_146 : memref<128x128xf32, #tpu.memory_space<vmem_shared>>) target_semaphore(%run_scoped3A : memref<!tpu.dma_semaphore, #tpu.memory_space<semaphore_mem>>)
        %dma_wait3A_147 = arith.constant 0 : i32
        %dma_wait3A_148 = tpu.memref_slice %arg10[%add3A_140, %dma_wait3A_147] : memref<10240x128xf32, #tpu.memory_space<vmem_shared>> -> memref<128x128xf32, #tpu.memory_space<vmem_shared>>
        %dma_wait3A_149 = arith.constant 0 : i32
        %dma_wait3A_150 = tpu.memref_slice %arg10[%add3A_140, %dma_wait3A_149] : memref<10240x128xf32, #tpu.memory_space<vmem_shared>> -> memref<128x128xf32, #tpu.memory_space<vmem_shared>>
        tpu.wait_dma2 semaphore(%run_scoped3A : memref<!tpu.dma_semaphore, #tpu.memory_space<semaphore_mem>>) src(%arg8 : memref<128x128xf32, #tpu.memory_space<vmem>>) dst(%dma_wait3A_150 : memref<128x128xf32, #tpu.memory_space<vmem_shared>>)
        tpu.yield
      }) : () -> ()
      %add3A_141 = arith.constant 512 : i32
      %add3A_142 = arith.addi %mul3A_0, %add3A_141 : i32
      "tpu.region"() ({
        %run_scoped3A = tpu.sem_alloc : memref<!tpu.dma_semaphore, #tpu.memory_space<semaphore_mem>>
        %dma_start3A_143 = arith.constant 0 : i32
        %dma_start3A_144 = tpu.memref_slice %arg10[%add3A_142, %dma_start3A_143] : memref<10240x128xf32, #tpu.memory_space<vmem_shared>> -> memref<128x128xf32, #tpu.memory_space<vmem_shared>>
        %dma_start3A_145 = arith.constant 0 : i32
        %dma_start3A_146 = tpu.memref_slice %arg10[%add3A_142, %dma_start3A_145] : memref<10240x128xf32, #tpu.memory_space<vmem_shared>> -> memref<128x128xf32, #tpu.memory_space<vmem_shared>>
        tpu.enqueue_dma source(%arg8 : memref<128x128xf32, #tpu.memory_space<vmem>>) target(%dma_start3A_146 : memref<128x128xf32, #tpu.memory_space<vmem_shared>>) target_semaphore(%run_scoped3A : memref<!tpu.dma_semaphore, #tpu.memory_space<semaphore_mem>>)
        %dma_wait3A_147 = arith.constant 0 : i32
        %dma_wait3A_148 = tpu.memref_slice %arg10[%add3A_142, %dma_wait3A_147] : memref<10240x128xf32, #tpu.memory_space<vmem_shared>> -> memref<128x128xf32, #tpu.memory_space<vmem_shared>>
        %dma_wait3A_149 = arith.constant 0 : i32
        %dma_wait3A_150 = tpu.memref_slice %arg10[%add3A_142, %dma_wait3A_149] : memref<10240x128xf32, #tpu.memory_space<vmem_shared>> -> memref<128x128xf32, #tpu.memory_space<vmem_shared>>
        tpu.wait_dma2 semaphore(%run_scoped3A : memref<!tpu.dma_semaphore, #tpu.memory_space<semaphore_mem>>) src(%arg8 : memref<128x128xf32, #tpu.memory_space<vmem>>) dst(%dma_wait3A_150 : memref<128x128xf32, #tpu.memory_space<vmem_shared>>)
        tpu.yield
      }) : () -> ()
    } else {
    }
    %barrier3A = arith.constant 0 : index
    tpu.barrier barrier_id(%barrier3A)
    "tpu.region"() ({
      %run_scoped3A = tpu.sem_alloc : memref<!tpu.dma_semaphore, #tpu.memory_space<semaphore_mem>>
      %dma_start3A_127 = arith.constant 0 : i32
      %dma_start3A_128 = arith.constant 0 : i32
      %dma_start3A_129 = tpu.memref_slice %arg3[%arg0, %arg1, %dma_start3A_127, %dma_start3A_128] : memref<2x16x80x128xi32, #tpu.memory_space<hbm>> -> memref<1x1x40x128xi32, #tpu.memory_space<hbm>>
      %dma_start3A_130 = tpu.memref_squeeze %dma_start3A_129 : memref<1x1x40x128xi32, #tpu.memory_space<hbm>> -> memref<40x128xi32, #tpu.memory_space<hbm>>
      %dma_start3A_131 = arith.constant 0 : i32
      %dma_start3A_132 = arith.constant 0 : i32
      %dma_start3A_133 = tpu.memref_slice %arg3[%arg0, %arg1, %dma_start3A_131, %dma_start3A_132] : memref<2x16x80x128xi32, #tpu.memory_space<hbm>> -> memref<1x1x40x128xi32, #tpu.memory_space<hbm>>
      %dma_start3A_134 = tpu.memref_squeeze %dma_start3A_133 : memref<1x1x40x128xi32, #tpu.memory_space<hbm>> -> memref<40x128xi32, #tpu.memory_space<hbm>>
      tpu.enqueue_dma source(%dma_start3A_134 : memref<40x128xi32, #tpu.memory_space<hbm>>) target(%arg6 : memref<40x128xi32, #tpu.memory_space<vmem>>) target_semaphore(%run_scoped3A : memref<!tpu.dma_semaphore, #tpu.memory_space<semaphore_mem>>)
      %dma_wait3A_135 = arith.constant 0 : i32
      %dma_wait3A_136 = arith.constant 0 : i32
      %dma_wait3A_137 = tpu.memref_slice %arg3[%arg0, %arg1, %dma_wait3A_135, %dma_wait3A_136] : memref<2x16x80x128xi32, #tpu.memory_space<hbm>> -> memref<1x1x40x128xi32, #tpu.memory_space<hbm>>
      %dma_wait3A_138 = tpu.memref_squeeze %dma_wait3A_137 : memref<1x1x40x128xi32, #tpu.memory_space<hbm>> -> memref<40x128xi32, #tpu.memory_space<hbm>>
      %dma_wait3A_139 = arith.constant 0 : i32
      %dma_wait3A_140 = arith.constant 0 : i32
      %dma_wait3A_141 = tpu.memref_slice %arg3[%arg0, %arg1, %dma_wait3A_139, %dma_wait3A_140] : memref<2x16x80x128xi32, #tpu.memory_space<hbm>> -> memref<1x1x40x128xi32, #tpu.memory_space<hbm>>
      %dma_wait3A_142 = tpu.memref_squeeze %dma_wait3A_141 : memref<1x1x40x128xi32, #tpu.memory_space<hbm>> -> memref<40x128xi32, #tpu.memory_space<hbm>>
      tpu.wait_dma2 semaphore(%run_scoped3A : memref<!tpu.dma_semaphore, #tpu.memory_space<semaphore_mem>>) src(%dma_wait3A_142 : memref<40x128xi32, #tpu.memory_space<hbm>>) dst(%arg6 : memref<40x128xi32, #tpu.memory_space<vmem>>)
      tpu.yield
    }) : () -> ()
    "tpu.region"() ({
      %run_scoped3A = tpu.sem_alloc : memref<!tpu.dma_semaphore, #tpu.memory_space<semaphore_mem>>
      %dma_start3A_127 = arith.constant 0 : i32
      %dma_start3A_128 = arith.constant 0 : i32
      %dma_start3A_129 = tpu.memref_slice %arg4[%arg0, %arg1, %dma_start3A_127, %dma_start3A_128] : memref<2x16x80x128xi32, #tpu.memory_space<hbm>> -> memref<1x1x40x128xi32, #tpu.memory_space<hbm>>
      %dma_start3A_130 = tpu.memref_squeeze %dma_start3A_129 : memref<1x1x40x128xi32, #tpu.memory_space<hbm>> -> memref<40x128xi32, #tpu.memory_space<hbm>>
      %dma_start3A_131 = arith.constant 0 : i32
      %dma_start3A_132 = arith.constant 0 : i32
      %dma_start3A_133 = tpu.memref_slice %arg4[%arg0, %arg1, %dma_start3A_131, %dma_start3A_132] : memref<2x16x80x128xi32, #tpu.memory_space<hbm>> -> memref<1x1x40x128xi32, #tpu.memory_space<hbm>>
      %dma_start3A_134 = tpu.memref_squeeze %dma_start3A_133 : memref<1x1x40x128xi32, #tpu.memory_space<hbm>> -> memref<40x128xi32, #tpu.memory_space<hbm>>
      tpu.enqueue_dma source(%dma_start3A_134 : memref<40x128xi32, #tpu.memory_space<hbm>>) target(%arg7 : memref<40x128xi32, #tpu.memory_space<vmem>>) target_semaphore(%run_scoped3A : memref<!tpu.dma_semaphore, #tpu.memory_space<semaphore_mem>>)
      %dma_wait3A_135 = arith.constant 0 : i32
      %dma_wait3A_136 = arith.constant 0 : i32
      %dma_wait3A_137 = tpu.memref_slice %arg4[%arg0, %arg1, %dma_wait3A_135, %dma_wait3A_136] : memref<2x16x80x128xi32, #tpu.memory_space<hbm>> -> memref<1x1x40x128xi32, #tpu.memory_space<hbm>>
      %dma_wait3A_138 = tpu.memref_squeeze %dma_wait3A_137 : memref<1x1x40x128xi32, #tpu.memory_space<hbm>> -> memref<40x128xi32, #tpu.memory_space<hbm>>
      %dma_wait3A_139 = arith.constant 0 : i32
      %dma_wait3A_140 = arith.constant 0 : i32
      %dma_wait3A_141 = tpu.memref_slice %arg4[%arg0, %arg1, %dma_wait3A_139, %dma_wait3A_140] : memref<2x16x80x128xi32, #tpu.memory_space<hbm>> -> memref<1x1x40x128xi32, #tpu.memory_space<hbm>>
      %dma_wait3A_142 = tpu.memref_squeeze %dma_wait3A_141 : memref<1x1x40x128xi32, #tpu.memory_space<hbm>> -> memref<40x128xi32, #tpu.memory_space<hbm>>
      tpu.wait_dma2 semaphore(%run_scoped3A : memref<!tpu.dma_semaphore, #tpu.memory_space<semaphore_mem>>) src(%dma_wait3A_142 : memref<40x128xi32, #tpu.memory_space<hbm>>) dst(%arg7 : memref<40x128xi32, #tpu.memory_space<vmem>>)
      tpu.yield
    }) : () -> ()
    %dma_start3A = arith.constant 0 : i32
    %dma_start3A_7 = arith.constant 0 : i32
    %dma_start3A_8 = tpu.memref_slice %arg2[%dma_start3A, %dma_start3A_7] : memref<10240x128xf32, #tpu.memory_space<hbm>> -> memref<128x128xf32, #tpu.memory_space<hbm>>
    %dma_start3A_9 = arith.constant 0 : i32
    %dma_start3A_10 = arith.constant 0 : i32
    %dma_start3A_11 = tpu.memref_slice %arg2[%dma_start3A_9, %dma_start3A_10] : memref<10240x128xf32, #tpu.memory_space<hbm>> -> memref<128x128xf32, #tpu.memory_space<hbm>>
    tpu.enqueue_dma source(%dma_start3A_11 : memref<128x128xf32, #tpu.memory_space<hbm>>) target(%arg8 : memref<128x128xf32, #tpu.memory_space<vmem>>) target_semaphore(%arg11 : memref<!tpu.dma_semaphore, #tpu.memory_space<semaphore_mem>>)
    %dma_wait3A = arith.constant 0 : i32
    %dma_wait3A_12 = arith.constant 0 : i32
    %dma_wait3A_13 = tpu.memref_slice %arg2[%dma_wait3A, %dma_wait3A_12] : memref<10240x128xf32, #tpu.memory_space<hbm>> -> memref<128x128xf32, #tpu.memory_space<hbm>>
    %dma_wait3A_14 = arith.constant 0 : i32
    %dma_wait3A_15 = arith.constant 0 : i32
    %dma_wait3A_16 = tpu.memref_slice %arg2[%dma_wait3A_14, %dma_wait3A_15] : memref<10240x128xf32, #tpu.memory_space<hbm>> -> memref<128x128xf32, #tpu.memory_space<hbm>>
    tpu.wait_dma2 semaphore(%arg11 : memref<!tpu.dma_semaphore, #tpu.memory_space<semaphore_mem>>) src(%dma_wait3A_16 : memref<128x128xf32, #tpu.memory_space<hbm>>) dst(%arg8 : memref<128x128xf32, #tpu.memory_space<vmem>>)
    %dma_start3A_17 = arith.constant 0 : i32
    %dma_start3A_18 = arith.constant 0 : i32
    %dma_start3A_19 = tpu.memref_slice %arg7[%dma_start3A_17, %dma_start3A_18] : memref<40x128xi32, #tpu.memory_space<vmem>> -> memref<1x128xi32, #tpu.memory_space<vmem>>
    %dma_start3A_20 = tpu.memref_squeeze %dma_start3A_19 : memref<1x128xi32, #tpu.memory_space<vmem>> -> memref<128xi32, #tpu.memory_space<vmem>>
    %dma_start3A_21 = arith.constant 0 : i32
    %dma_start3A_22 = arith.constant 0 : i32
    %dma_start3A_23 = tpu.memref_slice %arg10[%dma_start3A_21, %dma_start3A_22] : memref<10240x128xf32, #tpu.memory_space<vmem_shared>> -> memref<10240x128xf32, #tpu.memory_space<vmem_shared>>
    tpu.enqueue_indirect_dma source(%arg8 : memref<128x128xf32, #tpu.memory_space<vmem>>) target(%dma_start3A_23 : memref<10240x128xf32, #tpu.memory_space<vmem_shared>>) offsets(%dma_start3A_20 : memref<128xi32, #tpu.memory_space<vmem>>) semaphore(%arg13 : memref<!tpu.dma_semaphore, #tpu.memory_space<semaphore_mem>>) {add = true}
    %dma_start3A_24 = arith.constant 128 : i32
    %dma_start3A_25 = arith.constant 0 : i32
    %dma_start3A_26 = tpu.memref_slice %arg2[%dma_start3A_24, %dma_start3A_25] : memref<10240x128xf32, #tpu.memory_space<hbm>> -> memref<128x128xf32, #tpu.memory_space<hbm>>
    %dma_start3A_27 = arith.constant 128 : i32
    %dma_start3A_28 = arith.constant 0 : i32
    %dma_start3A_29 = tpu.memref_slice %arg2[%dma_start3A_27, %dma_start3A_28] : memref<10240x128xf32, #tpu.memory_space<hbm>> -> memref<128x128xf32, #tpu.memory_space<hbm>>
    tpu.enqueue_dma source(%dma_start3A_29 : memref<128x128xf32, #tpu.memory_space<hbm>>) target(%arg9 : memref<128x128xf32, #tpu.memory_space<vmem>>) target_semaphore(%arg12 : memref<!tpu.dma_semaphore, #tpu.memory_space<semaphore_mem>>)
    %scan3A = arith.constant 0 : i32
    %scan3A_30 = arith.constant 0 : i32
    %scan3A_31 = arith.constant 19 : i32
    %scan3A_32 = arith.addi %scan3A_30, %scan3A_31 : i32
    %scan3A_33 = arith.constant 1 : i32
    %scan3A_34 = scf.for %scan3A_127 = %scan3A_30 to %scan3A_32 step %scan3A_33 iter_args(%scan3A_128 = %scan3A) -> (i32)  : i32 {
      %mul3A_129 = arith.constant 2 : i32
      %mul3A_130 = arith.muli %mul3A_129, %scan3A_127 : i32
      %add3A = arith.constant 1 : i32
      %add3A_131 = arith.addi %mul3A_130, %add3A : i32
      %mul3A_132 = arith.constant 128 : i32
      %mul3A_133 = arith.muli %add3A_131, %mul3A_132 : i32
      %dma_wait3A_134 = arith.constant 0 : i32
      %dma_wait3A_135 = tpu.memref_slice %arg2[%mul3A_133, %dma_wait3A_134] : memref<10240x128xf32, #tpu.memory_space<hbm>> -> memref<128x128xf32, #tpu.memory_space<hbm>>
      %dma_wait3A_136 = arith.constant 0 : i32
      %dma_wait3A_137 = tpu.memref_slice %arg2[%mul3A_133, %dma_wait3A_136] : memref<10240x128xf32, #tpu.memory_space<hbm>> -> memref<128x128xf32, #tpu.memory_space<hbm>>
      tpu.wait_dma2 semaphore(%arg12 : memref<!tpu.dma_semaphore, #tpu.memory_space<semaphore_mem>>) src(%dma_wait3A_137 : memref<128x128xf32, #tpu.memory_space<hbm>>) dst(%arg9 : memref<128x128xf32, #tpu.memory_space<vmem>>)
      %dma_start3A_138 = arith.constant 0 : i32
      %dma_start3A_139 = tpu.memref_slice %arg7[%add3A_131, %dma_start3A_138] : memref<40x128xi32, #tpu.memory_space<vmem>> -> memref<1x128xi32, #tpu.memory_space<vmem>>
      %dma_start3A_140 = tpu.memref_squeeze %dma_start3A_139 : memref<1x128xi32, #tpu.memory_space<vmem>> -> memref<128xi32, #tpu.memory_space<vmem>>
      %dma_start3A_141 = arith.constant 0 : i32
      %dma_start3A_142 = arith.constant 0 : i32
      %dma_start3A_143 = tpu.memref_slice %arg10[%dma_start3A_141, %dma_start3A_142] : memref<10240x128xf32, #tpu.memory_space<vmem_shared>> -> memref<10240x128xf32, #tpu.memory_space<vmem_shared>>
      tpu.enqueue_indirect_dma source(%arg9 : memref<128x128xf32, #tpu.memory_space<vmem>>) target(%dma_start3A_143 : memref<10240x128xf32, #tpu.memory_space<vmem_shared>>) offsets(%dma_start3A_140 : memref<128xi32, #tpu.memory_space<vmem>>) semaphore(%arg14 : memref<!tpu.dma_semaphore, #tpu.memory_space<semaphore_mem>>) {add = true}
      %sub3A = arith.constant 1 : i32
      %sub3A_144 = arith.subi %add3A_131, %sub3A : i32
      %dma_wait3A_145 = arith.constant 0 : i32
      %dma_wait3A_146 = tpu.memref_slice %arg7[%sub3A_144, %dma_wait3A_145] : memref<40x128xi32, #tpu.memory_space<vmem>> -> memref<1x128xi32, #tpu.memory_space<vmem>>
      %dma_wait3A_147 = tpu.memref_squeeze %dma_wait3A_146 : memref<1x128xi32, #tpu.memory_space<vmem>> -> memref<128xi32, #tpu.memory_space<vmem>>
      %dma_wait3A_148 = arith.constant 0 : i32
      %dma_wait3A_149 = arith.constant 0 : i32
      %dma_wait3A_150 = tpu.memref_slice %arg10[%dma_wait3A_148, %dma_wait3A_149] : memref<10240x128xf32, #tpu.memory_space<vmem_shared>> -> memref<10240x128xf32, #tpu.memory_space<vmem_shared>>
      tpu.wait_indirect_dma semaphore(%arg13 : memref<!tpu.dma_semaphore, #tpu.memory_space<semaphore_mem>>) src(%arg8 : memref<128x128xf32, #tpu.memory_space<vmem>>) dst(%dma_wait3A_150 : memref<10240x128xf32, #tpu.memory_space<vmem_shared>>)
      %add3A_151 = arith.constant 1 : i32
      %add3A_152 = arith.addi %add3A_131, %add3A_151 : i32
      %mul3A_153 = arith.constant 128 : i32
      %mul3A_154 = arith.muli %add3A_152, %mul3A_153 : i32
      %dma_start3A_155 = arith.constant 0 : i32
      %dma_start3A_156 = tpu.memref_slice %arg2[%mul3A_154, %dma_start3A_155] : memref<10240x128xf32, #tpu.memory_space<hbm>> -> memref<128x128xf32, #tpu.memory_space<hbm>>
      %dma_start3A_157 = arith.constant 0 : i32
      %dma_start3A_158 = tpu.memref_slice %arg2[%mul3A_154, %dma_start3A_157] : memref<10240x128xf32, #tpu.memory_space<hbm>> -> memref<128x128xf32, #tpu.memory_space<hbm>>
      tpu.enqueue_dma source(%dma_start3A_158 : memref<128x128xf32, #tpu.memory_space<hbm>>) target(%arg8 : memref<128x128xf32, #tpu.memory_space<vmem>>) target_semaphore(%arg11 : memref<!tpu.dma_semaphore, #tpu.memory_space<semaphore_mem>>)
      %mul3A_159 = arith.constant 2 : i32
      %mul3A_160 = arith.muli %mul3A_159, %scan3A_127 : i32
      %add3A_161 = arith.constant 2 : i32
      %add3A_162 = arith.addi %mul3A_160, %add3A_161 : i32
      %mul3A_163 = arith.constant 128 : i32
      %mul3A_164 = arith.muli %add3A_162, %mul3A_163 : i32
      %dma_wait3A_165 = arith.constant 0 : i32
      %dma_wait3A_166 = tpu.memref_slice %arg2[%mul3A_164, %dma_wait3A_165] : memref<10240x128xf32, #tpu.memory_space<hbm>> -> memref<128x128xf32, #tpu.memory_space<hbm>>
      %dma_wait3A_167 = arith.constant 0 : i32
      %dma_wait3A_168 = tpu.memref_slice %arg2[%mul3A_164, %dma_wait3A_167] : memref<10240x128xf32, #tpu.memory_space<hbm>> -> memref<128x128xf32, #tpu.memory_space<hbm>>
      tpu.wait_dma2 semaphore(%arg11 : memref<!tpu.dma_semaphore, #tpu.memory_space<semaphore_mem>>) src(%dma_wait3A_168 : memref<128x128xf32, #tpu.memory_space<hbm>>) dst(%arg8 : memref<128x128xf32, #tpu.memory_space<vmem>>)
      %dma_start3A_169 = arith.constant 0 : i32
      %dma_start3A_170 = tpu.memref_slice %arg7[%add3A_162, %dma_start3A_169] : memref<40x128xi32, #tpu.memory_space<vmem>> -> memref<1x128xi32, #tpu.memory_space<vmem>>
      %dma_start3A_171 = tpu.memref_squeeze %dma_start3A_170 : memref<1x128xi32, #tpu.memory_space<vmem>> -> memref<128xi32, #tpu.memory_space<vmem>>
      %dma_start3A_172 = arith.constant 0 : i32
      %dma_start3A_173 = arith.constant 0 : i32
      %dma_start3A_174 = tpu.memref_slice %arg10[%dma_start3A_172, %dma_start3A_173] : memref<10240x128xf32, #tpu.memory_space<vmem_shared>> -> memref<10240x128xf32, #tpu.memory_space<vmem_shared>>
      tpu.enqueue_indirect_dma source(%arg8 : memref<128x128xf32, #tpu.memory_space<vmem>>) target(%dma_start3A_174 : memref<10240x128xf32, #tpu.memory_space<vmem_shared>>) offsets(%dma_start3A_171 : memref<128xi32, #tpu.memory_space<vmem>>) semaphore(%arg13 : memref<!tpu.dma_semaphore, #tpu.memory_space<semaphore_mem>>) {add = true}
      %sub3A_175 = arith.constant 1 : i32
      %sub3A_176 = arith.subi %add3A_162, %sub3A_175 : i32
      %dma_wait3A_177 = arith.constant 0 : i32
      %dma_wait3A_178 = tpu.memref_slice %arg7[%sub3A_176, %dma_wait3A_177] : memref<40x128xi32, #tpu.memory_space<vmem>> -> memref<1x128xi32, #tpu.memory_space<vmem>>
      %dma_wait3A_179 = tpu.memref_squeeze %dma_wait3A_178 : memref<1x128xi32, #tpu.memory_space<vmem>> -> memref<128xi32, #tpu.memory_space<vmem>>
      %dma_wait3A_180 = arith.constant 0 : i32
      %dma_wait3A_181 = arith.constant 0 : i32
      %dma_wait3A_182 = tpu.memref_slice %arg10[%dma_wait3A_180, %dma_wait3A_181] : memref<10240x128xf32, #tpu.memory_space<vmem_shared>> -> memref<10240x128xf32, #tpu.memory_space<vmem_shared>>
      tpu.wait_indirect_dma semaphore(%arg14 : memref<!tpu.dma_semaphore, #tpu.memory_space<semaphore_mem>>) src(%arg9 : memref<128x128xf32, #tpu.memory_space<vmem>>) dst(%dma_wait3A_182 : memref<10240x128xf32, #tpu.memory_space<vmem_shared>>)
      %add3A_183 = arith.constant 1 : i32
      %add3A_184 = arith.addi %add3A_162, %add3A_183 : i32
      %mul3A_185 = arith.constant 128 : i32
      %mul3A_186 = arith.muli %add3A_184, %mul3A_185 : i32
      %dma_start3A_187 = arith.constant 0 : i32
      %dma_start3A_188 = tpu.memref_slice %arg2[%mul3A_186, %dma_start3A_187] : memref<10240x128xf32, #tpu.memory_space<hbm>> -> memref<128x128xf32, #tpu.memory_space<hbm>>
      %dma_start3A_189 = arith.constant 0 : i32
      %dma_start3A_190 = tpu.memref_slice %arg2[%mul3A_186, %dma_start3A_189] : memref<10240x128xf32, #tpu.memory_space<hbm>> -> memref<128x128xf32, #tpu.memory_space<hbm>>
      tpu.enqueue_dma source(%dma_start3A_190 : memref<128x128xf32, #tpu.memory_space<hbm>>) target(%arg9 : memref<128x128xf32, #tpu.memory_space<vmem>>) target_semaphore(%arg12 : memref<!tpu.dma_semaphore, #tpu.memory_space<semaphore_mem>>)
      %scan3A_191 = arith.constant 0 : i32
      scf.yield %scan3A_191 : i32
    }
    %scan3A_35 = arith.constant 19 : i32
    %dma_wait3A_36 = arith.constant 4992 : i32
    %dma_wait3A_37 = arith.constant 0 : i32
    %dma_wait3A_38 = tpu.memref_slice %arg2[%dma_wait3A_36, %dma_wait3A_37] : memref<10240x128xf32, #tpu.memory_space<hbm>> -> memref<128x128xf32, #tpu.memory_space<hbm>>
    %dma_wait3A_39 = arith.constant 4992 : i32
    %dma_wait3A_40 = arith.constant 0 : i32
    %dma_wait3A_41 = tpu.memref_slice %arg2[%dma_wait3A_39, %dma_wait3A_40] : memref<10240x128xf32, #tpu.memory_space<hbm>> -> memref<128x128xf32, #tpu.memory_space<hbm>>
    tpu.wait_dma2 semaphore(%arg12 : memref<!tpu.dma_semaphore, #tpu.memory_space<semaphore_mem>>) src(%dma_wait3A_41 : memref<128x128xf32, #tpu.memory_space<hbm>>) dst(%arg9 : memref<128x128xf32, #tpu.memory_space<vmem>>)
    %dma_start3A_42 = arith.constant 39 : i32
    %dma_start3A_43 = arith.constant 0 : i32
    %dma_start3A_44 = tpu.memref_slice %arg7[%dma_start3A_42, %dma_start3A_43] : memref<40x128xi32, #tpu.memory_space<vmem>> -> memref<1x128xi32, #tpu.memory_space<vmem>>
    %dma_start3A_45 = tpu.memref_squeeze %dma_start3A_44 : memref<1x128xi32, #tpu.memory_space<vmem>> -> memref<128xi32, #tpu.memory_space<vmem>>
    %dma_start3A_46 = arith.constant 0 : i32
    %dma_start3A_47 = arith.constant 0 : i32
    %dma_start3A_48 = tpu.memref_slice %arg10[%dma_start3A_46, %dma_start3A_47] : memref<10240x128xf32, #tpu.memory_space<vmem_shared>> -> memref<10240x128xf32, #tpu.memory_space<vmem_shared>>
    tpu.enqueue_indirect_dma source(%arg9 : memref<128x128xf32, #tpu.memory_space<vmem>>) target(%dma_start3A_48 : memref<10240x128xf32, #tpu.memory_space<vmem_shared>>) offsets(%dma_start3A_45 : memref<128xi32, #tpu.memory_space<vmem>>) semaphore(%arg14 : memref<!tpu.dma_semaphore, #tpu.memory_space<semaphore_mem>>) {add = true}
    %dma_wait3A_49 = arith.constant 38 : i32
    %dma_wait3A_50 = arith.constant 0 : i32
    %dma_wait3A_51 = tpu.memref_slice %arg7[%dma_wait3A_49, %dma_wait3A_50] : memref<40x128xi32, #tpu.memory_space<vmem>> -> memref<1x128xi32, #tpu.memory_space<vmem>>
    %dma_wait3A_52 = tpu.memref_squeeze %dma_wait3A_51 : memref<1x128xi32, #tpu.memory_space<vmem>> -> memref<128xi32, #tpu.memory_space<vmem>>
    %dma_wait3A_53 = arith.constant 0 : i32
    %dma_wait3A_54 = arith.constant 0 : i32
    %dma_wait3A_55 = tpu.memref_slice %arg10[%dma_wait3A_53, %dma_wait3A_54] : memref<10240x128xf32, #tpu.memory_space<vmem_shared>> -> memref<10240x128xf32, #tpu.memory_space<vmem_shared>>
    tpu.wait_indirect_dma semaphore(%arg13 : memref<!tpu.dma_semaphore, #tpu.memory_space<semaphore_mem>>) src(%arg8 : memref<128x128xf32, #tpu.memory_space<vmem>>) dst(%dma_wait3A_55 : memref<10240x128xf32, #tpu.memory_space<vmem_shared>>)
    %dma_wait3A_56 = arith.constant 39 : i32
    %dma_wait3A_57 = arith.constant 0 : i32
    %dma_wait3A_58 = tpu.memref_slice %arg7[%dma_wait3A_56, %dma_wait3A_57] : memref<40x128xi32, #tpu.memory_space<vmem>> -> memref<1x128xi32, #tpu.memory_space<vmem>>
    %dma_wait3A_59 = tpu.memref_squeeze %dma_wait3A_58 : memref<1x128xi32, #tpu.memory_space<vmem>> -> memref<128xi32, #tpu.memory_space<vmem>>
    %dma_wait3A_60 = arith.constant 0 : i32
    %dma_wait3A_61 = arith.constant 0 : i32
    %dma_wait3A_62 = tpu.memref_slice %arg10[%dma_wait3A_60, %dma_wait3A_61] : memref<10240x128xf32, #tpu.memory_space<vmem_shared>> -> memref<10240x128xf32, #tpu.memory_space<vmem_shared>>
    tpu.wait_indirect_dma semaphore(%arg14 : memref<!tpu.dma_semaphore, #tpu.memory_space<semaphore_mem>>) src(%arg9 : memref<128x128xf32, #tpu.memory_space<vmem>>) dst(%dma_wait3A_62 : memref<10240x128xf32, #tpu.memory_space<vmem_shared>>)
    "tpu.region"() ({
      %run_scoped3A = tpu.sem_alloc : memref<!tpu.dma_semaphore, #tpu.memory_space<semaphore_mem>>
      %dma_start3A_127 = arith.constant 40 : i32
      %dma_start3A_128 = arith.constant 0 : i32
      %dma_start3A_129 = tpu.memref_slice %arg3[%arg0, %arg1, %dma_start3A_127, %dma_start3A_128] : memref<2x16x80x128xi32, #tpu.memory_space<hbm>> -> memref<1x1x40x128xi32, #tpu.memory_space<hbm>>
      %dma_start3A_130 = tpu.memref_squeeze %dma_start3A_129 : memref<1x1x40x128xi32, #tpu.memory_space<hbm>> -> memref<40x128xi32, #tpu.memory_space<hbm>>
      %dma_start3A_131 = arith.constant 40 : i32
      %dma_start3A_132 = arith.constant 0 : i32
      %dma_start3A_133 = tpu.memref_slice %arg3[%arg0, %arg1, %dma_start3A_131, %dma_start3A_132] : memref<2x16x80x128xi32, #tpu.memory_space<hbm>> -> memref<1x1x40x128xi32, #tpu.memory_space<hbm>>
      %dma_start3A_134 = tpu.memref_squeeze %dma_start3A_133 : memref<1x1x40x128xi32, #tpu.memory_space<hbm>> -> memref<40x128xi32, #tpu.memory_space<hbm>>
      tpu.enqueue_dma source(%dma_start3A_134 : memref<40x128xi32, #tpu.memory_space<hbm>>) target(%arg6 : memref<40x128xi32, #tpu.memory_space<vmem>>) target_semaphore(%run_scoped3A : memref<!tpu.dma_semaphore, #tpu.memory_space<semaphore_mem>>)
      %dma_wait3A_135 = arith.constant 40 : i32
      %dma_wait3A_136 = arith.constant 0 : i32
      %dma_wait3A_137 = tpu.memref_slice %arg3[%arg0, %arg1, %dma_wait3A_135, %dma_wait3A_136] : memref<2x16x80x128xi32, #tpu.memory_space<hbm>> -> memref<1x1x40x128xi32, #tpu.memory_space<hbm>>
      %dma_wait3A_138 = tpu.memref_squeeze %dma_wait3A_137 : memref<1x1x40x128xi32, #tpu.memory_space<hbm>> -> memref<40x128xi32, #tpu.memory_space<hbm>>
      %dma_wait3A_139 = arith.constant 40 : i32
      %dma_wait3A_140 = arith.constant 0 : i32
      %dma_wait3A_141 = tpu.memref_slice %arg3[%arg0, %arg1, %dma_wait3A_139, %dma_wait3A_140] : memref<2x16x80x128xi32, #tpu.memory_space<hbm>> -> memref<1x1x40x128xi32, #tpu.memory_space<hbm>>
      %dma_wait3A_142 = tpu.memref_squeeze %dma_wait3A_141 : memref<1x1x40x128xi32, #tpu.memory_space<hbm>> -> memref<40x128xi32, #tpu.memory_space<hbm>>
      tpu.wait_dma2 semaphore(%run_scoped3A : memref<!tpu.dma_semaphore, #tpu.memory_space<semaphore_mem>>) src(%dma_wait3A_142 : memref<40x128xi32, #tpu.memory_space<hbm>>) dst(%arg6 : memref<40x128xi32, #tpu.memory_space<vmem>>)
      tpu.yield
    }) : () -> ()
    "tpu.region"() ({
      %run_scoped3A = tpu.sem_alloc : memref<!tpu.dma_semaphore, #tpu.memory_space<semaphore_mem>>
      %dma_start3A_127 = arith.constant 40 : i32
      %dma_start3A_128 = arith.constant 0 : i32
      %dma_start3A_129 = tpu.memref_slice %arg4[%arg0, %arg1, %dma_start3A_127, %dma_start3A_128] : memref<2x16x80x128xi32, #tpu.memory_space<hbm>> -> memref<1x1x40x128xi32, #tpu.memory_space<hbm>>
      %dma_start3A_130 = tpu.memref_squeeze %dma_start3A_129 : memref<1x1x40x128xi32, #tpu.memory_space<hbm>> -> memref<40x128xi32, #tpu.memory_space<hbm>>
      %dma_start3A_131 = arith.constant 40 : i32
      %dma_start3A_132 = arith.constant 0 : i32
      %dma_start3A_133 = tpu.memref_slice %arg4[%arg0, %arg1, %dma_start3A_131, %dma_start3A_132] : memref<2x16x80x128xi32, #tpu.memory_space<hbm>> -> memref<1x1x40x128xi32, #tpu.memory_space<hbm>>
      %dma_start3A_134 = tpu.memref_squeeze %dma_start3A_133 : memref<1x1x40x128xi32, #tpu.memory_space<hbm>> -> memref<40x128xi32, #tpu.memory_space<hbm>>
      tpu.enqueue_dma source(%dma_start3A_134 : memref<40x128xi32, #tpu.memory_space<hbm>>) target(%arg7 : memref<40x128xi32, #tpu.memory_space<vmem>>) target_semaphore(%run_scoped3A : memref<!tpu.dma_semaphore, #tpu.memory_space<semaphore_mem>>)
      %dma_wait3A_135 = arith.constant 40 : i32
      %dma_wait3A_136 = arith.constant 0 : i32
      %dma_wait3A_137 = tpu.memref_slice %arg4[%arg0, %arg1, %dma_wait3A_135, %dma_wait3A_136] : memref<2x16x80x128xi32, #tpu.memory_space<hbm>> -> memref<1x1x40x128xi32, #tpu.memory_space<hbm>>
      %dma_wait3A_138 = tpu.memref_squeeze %dma_wait3A_137 : memref<1x1x40x128xi32, #tpu.memory_space<hbm>> -> memref<40x128xi32, #tpu.memory_space<hbm>>
      %dma_wait3A_139 = arith.constant 40 : i32
      %dma_wait3A_140 = arith.constant 0 : i32
      %dma_wait3A_141 = tpu.memref_slice %arg4[%arg0, %arg1, %dma_wait3A_139, %dma_wait3A_140] : memref<2x16x80x128xi32, #tpu.memory_space<hbm>> -> memref<1x1x40x128xi32, #tpu.memory_space<hbm>>
      %dma_wait3A_142 = tpu.memref_squeeze %dma_wait3A_141 : memref<1x1x40x128xi32, #tpu.memory_space<hbm>> -> memref<40x128xi32, #tpu.memory_space<hbm>>
      tpu.wait_dma2 semaphore(%run_scoped3A : memref<!tpu.dma_semaphore, #tpu.memory_space<semaphore_mem>>) src(%dma_wait3A_142 : memref<40x128xi32, #tpu.memory_space<hbm>>) dst(%arg7 : memref<40x128xi32, #tpu.memory_space<vmem>>)
      tpu.yield
    }) : () -> ()
    %dma_start3A_63 = arith.constant 0 : i32
    %dma_start3A_64 = arith.constant 0 : i32
    %dma_start3A_65 = tpu.memref_slice %arg2[%dma_start3A_63, %dma_start3A_64] : memref<10240x128xf32, #tpu.memory_space<hbm>> -> memref<128x128xf32, #tpu.memory_space<hbm>>
    %dma_start3A_66 = arith.constant 0 : i32
    %dma_start3A_67 = arith.constant 0 : i32
    %dma_start3A_68 = tpu.memref_slice %arg2[%dma_start3A_66, %dma_start3A_67] : memref<10240x128xf32, #tpu.memory_space<hbm>> -> memref<128x128xf32, #tpu.memory_space<hbm>>
    tpu.enqueue_dma source(%dma_start3A_68 : memref<128x128xf32, #tpu.memory_space<hbm>>) target(%arg8 : memref<128x128xf32, #tpu.memory_space<vmem>>) target_semaphore(%arg11 : memref<!tpu.dma_semaphore, #tpu.memory_space<semaphore_mem>>)
    %dma_wait3A_69 = arith.constant 0 : i32
    %dma_wait3A_70 = arith.constant 0 : i32
    %dma_wait3A_71 = tpu.memref_slice %arg2[%dma_wait3A_69, %dma_wait3A_70] : memref<10240x128xf32, #tpu.memory_space<hbm>> -> memref<128x128xf32, #tpu.memory_space<hbm>>
    %dma_wait3A_72 = arith.constant 0 : i32
    %dma_wait3A_73 = arith.constant 0 : i32
    %dma_wait3A_74 = tpu.memref_slice %arg2[%dma_wait3A_72, %dma_wait3A_73] : memref<10240x128xf32, #tpu.memory_space<hbm>> -> memref<128x128xf32, #tpu.memory_space<hbm>>
    tpu.wait_dma2 semaphore(%arg11 : memref<!tpu.dma_semaphore, #tpu.memory_space<semaphore_mem>>) src(%dma_wait3A_74 : memref<128x128xf32, #tpu.memory_space<hbm>>) dst(%arg8 : memref<128x128xf32, #tpu.memory_space<vmem>>)
    %dma_start3A_75 = arith.constant 0 : i32
    %dma_start3A_76 = arith.constant 0 : i32
    %dma_start3A_77 = tpu.memref_slice %arg7[%dma_start3A_75, %dma_start3A_76] : memref<40x128xi32, #tpu.memory_space<vmem>> -> memref<1x128xi32, #tpu.memory_space<vmem>>
    %dma_start3A_78 = tpu.memref_squeeze %dma_start3A_77 : memref<1x128xi32, #tpu.memory_space<vmem>> -> memref<128xi32, #tpu.memory_space<vmem>>
    %dma_start3A_79 = arith.constant 0 : i32
    %dma_start3A_80 = arith.constant 0 : i32
    %dma_start3A_81 = tpu.memref_slice %arg10[%dma_start3A_79, %dma_start3A_80] : memref<10240x128xf32, #tpu.memory_space<vmem_shared>> -> memref<10240x128xf32, #tpu.memory_space<vmem_shared>>
    tpu.enqueue_indirect_dma source(%arg8 : memref<128x128xf32, #tpu.memory_space<vmem>>) target(%dma_start3A_81 : memref<10240x128xf32, #tpu.memory_space<vmem_shared>>) offsets(%dma_start3A_78 : memref<128xi32, #tpu.memory_space<vmem>>) semaphore(%arg13 : memref<!tpu.dma_semaphore, #tpu.memory_space<semaphore_mem>>) {add = true}
    %dma_start3A_82 = arith.constant 128 : i32
    %dma_start3A_83 = arith.constant 0 : i32
    %dma_start3A_84 = tpu.memref_slice %arg2[%dma_start3A_82, %dma_start3A_83] : memref<10240x128xf32, #tpu.memory_space<hbm>> -> memref<128x128xf32, #tpu.memory_space<hbm>>
    %dma_start3A_85 = arith.constant 128 : i32
    %dma_start3A_86 = arith.constant 0 : i32
    %dma_start3A_87 = tpu.memref_slice %arg2[%dma_start3A_85, %dma_start3A_86] : memref<10240x128xf32, #tpu.memory_space<hbm>> -> memref<128x128xf32, #tpu.memory_space<hbm>>
    tpu.enqueue_dma source(%dma_start3A_87 : memref<128x128xf32, #tpu.memory_space<hbm>>) target(%arg9 : memref<128x128xf32, #tpu.memory_space<vmem>>) target_semaphore(%arg12 : memref<!tpu.dma_semaphore, #tpu.memory_space<semaphore_mem>>)
    %scan3A_88 = arith.constant 0 : i32
    %scan3A_89 = arith.constant 0 : i32
    %scan3A_90 = arith.constant 19 : i32
    %scan3A_91 = arith.addi %scan3A_89, %scan3A_90 : i32
    %scan3A_92 = arith.constant 1 : i32
    %scan3A_93 = scf.for %scan3A_127 = %scan3A_89 to %scan3A_91 step %scan3A_92 iter_args(%scan3A_128 = %scan3A_88) -> (i32)  : i32 {
      %mul3A_129 = arith.constant 2 : i32
      %mul3A_130 = arith.muli %mul3A_129, %scan3A_127 : i32
      %add3A = arith.constant 1 : i32
      %add3A_131 = arith.addi %mul3A_130, %add3A : i32
      %mul3A_132 = arith.constant 128 : i32
      %mul3A_133 = arith.muli %add3A_131, %mul3A_132 : i32
      %dma_wait3A_134 = arith.constant 0 : i32
      %dma_wait3A_135 = tpu.memref_slice %arg2[%mul3A_133, %dma_wait3A_134] : memref<10240x128xf32, #tpu.memory_space<hbm>> -> memref<128x128xf32, #tpu.memory_space<hbm>>
      %dma_wait3A_136 = arith.constant 0 : i32
      %dma_wait3A_137 = tpu.memref_slice %arg2[%mul3A_133, %dma_wait3A_136] : memref<10240x128xf32, #tpu.memory_space<hbm>> -> memref<128x128xf32, #tpu.memory_space<hbm>>
      tpu.wait_dma2 semaphore(%arg12 : memref<!tpu.dma_semaphore, #tpu.memory_space<semaphore_mem>>) src(%dma_wait3A_137 : memref<128x128xf32, #tpu.memory_space<hbm>>) dst(%arg9 : memref<128x128xf32, #tpu.memory_space<vmem>>)
      %dma_start3A_138 = arith.constant 0 : i32
      %dma_start3A_139 = tpu.memref_slice %arg7[%add3A_131, %dma_start3A_138] : memref<40x128xi32, #tpu.memory_space<vmem>> -> memref<1x128xi32, #tpu.memory_space<vmem>>
      %dma_start3A_140 = tpu.memref_squeeze %dma_start3A_139 : memref<1x128xi32, #tpu.memory_space<vmem>> -> memref<128xi32, #tpu.memory_space<vmem>>
      %dma_start3A_141 = arith.constant 0 : i32
      %dma_start3A_142 = arith.constant 0 : i32
      %dma_start3A_143 = tpu.memref_slice %arg10[%dma_start3A_141, %dma_start3A_142] : memref<10240x128xf32, #tpu.memory_space<vmem_shared>> -> memref<10240x128xf32, #tpu.memory_space<vmem_shared>>
      tpu.enqueue_indirect_dma source(%arg9 : memref<128x128xf32, #tpu.memory_space<vmem>>) target(%dma_start3A_143 : memref<10240x128xf32, #tpu.memory_space<vmem_shared>>) offsets(%dma_start3A_140 : memref<128xi32, #tpu.memory_space<vmem>>) semaphore(%arg14 : memref<!tpu.dma_semaphore, #tpu.memory_space<semaphore_mem>>) {add = true}
      %sub3A = arith.constant 1 : i32
      %sub3A_144 = arith.subi %add3A_131, %sub3A : i32
      %dma_wait3A_145 = arith.constant 0 : i32
      %dma_wait3A_146 = tpu.memref_slice %arg7[%sub3A_144, %dma_wait3A_145] : memref<40x128xi32, #tpu.memory_space<vmem>> -> memref<1x128xi32, #tpu.memory_space<vmem>>
      %dma_wait3A_147 = tpu.memref_squeeze %dma_wait3A_146 : memref<1x128xi32, #tpu.memory_space<vmem>> -> memref<128xi32, #tpu.memory_space<vmem>>
      %dma_wait3A_148 = arith.constant 0 : i32
      %dma_wait3A_149 = arith.constant 0 : i32
      %dma_wait3A_150 = tpu.memref_slice %arg10[%dma_wait3A_148, %dma_wait3A_149] : memref<10240x128xf32, #tpu.memory_space<vmem_shared>> -> memref<10240x128xf32, #tpu.memory_space<vmem_shared>>
      tpu.wait_indirect_dma semaphore(%arg13 : memref<!tpu.dma_semaphore, #tpu.memory_space<semaphore_mem>>) src(%arg8 : memref<128x128xf32, #tpu.memory_space<vmem>>) dst(%dma_wait3A_150 : memref<10240x128xf32, #tpu.memory_space<vmem_shared>>)
      %add3A_151 = arith.constant 1 : i32
      %add3A_152 = arith.addi %add3A_131, %add3A_151 : i32
      %mul3A_153 = arith.constant 128 : i32
      %mul3A_154 = arith.muli %add3A_152, %mul3A_153 : i32
      %dma_start3A_155 = arith.constant 0 : i32
      %dma_start3A_156 = tpu.memref_slice %arg2[%mul3A_154, %dma_start3A_155] : memref<10240x128xf32, #tpu.memory_space<hbm>> -> memref<128x128xf32, #tpu.memory_space<hbm>>
      %dma_start3A_157 = arith.constant 0 : i32
      %dma_start3A_158 = tpu.memref_slice %arg2[%mul3A_154, %dma_start3A_157] : memref<10240x128xf32, #tpu.memory_space<hbm>> -> memref<128x128xf32, #tpu.memory_space<hbm>>
      tpu.enqueue_dma source(%dma_start3A_158 : memref<128x128xf32, #tpu.memory_space<hbm>>) target(%arg8 : memref<128x128xf32, #tpu.memory_space<vmem>>) target_semaphore(%arg11 : memref<!tpu.dma_semaphore, #tpu.memory_space<semaphore_mem>>)
      %mul3A_159 = arith.constant 2 : i32
      %mul3A_160 = arith.muli %mul3A_159, %scan3A_127 : i32
      %add3A_161 = arith.constant 2 : i32
      %add3A_162 = arith.addi %mul3A_160, %add3A_161 : i32
      %mul3A_163 = arith.constant 128 : i32
      %mul3A_164 = arith.muli %add3A_162, %mul3A_163 : i32
      %dma_wait3A_165 = arith.constant 0 : i32
      %dma_wait3A_166 = tpu.memref_slice %arg2[%mul3A_164, %dma_wait3A_165] : memref<10240x128xf32, #tpu.memory_space<hbm>> -> memref<128x128xf32, #tpu.memory_space<hbm>>
      %dma_wait3A_167 = arith.constant 0 : i32
      %dma_wait3A_168 = tpu.memref_slice %arg2[%mul3A_164, %dma_wait3A_167] : memref<10240x128xf32, #tpu.memory_space<hbm>> -> memref<128x128xf32, #tpu.memory_space<hbm>>
      tpu.wait_dma2 semaphore(%arg11 : memref<!tpu.dma_semaphore, #tpu.memory_space<semaphore_mem>>) src(%dma_wait3A_168 : memref<128x128xf32, #tpu.memory_space<hbm>>) dst(%arg8 : memref<128x128xf32, #tpu.memory_space<vmem>>)
      %dma_start3A_169 = arith.constant 0 : i32
      %dma_start3A_170 = tpu.memref_slice %arg7[%add3A_162, %dma_start3A_169] : memref<40x128xi32, #tpu.memory_space<vmem>> -> memref<1x128xi32, #tpu.memory_space<vmem>>
      %dma_start3A_171 = tpu.memref_squeeze %dma_start3A_170 : memref<1x128xi32, #tpu.memory_space<vmem>> -> memref<128xi32, #tpu.memory_space<vmem>>
      %dma_start3A_172 = arith.constant 0 : i32
      %dma_start3A_173 = arith.constant 0 : i32
      %dma_start3A_174 = tpu.memref_slice %arg10[%dma_start3A_172, %dma_start3A_173] : memref<10240x128xf32, #tpu.memory_space<vmem_shared>> -> memref<10240x128xf32, #tpu.memory_space<vmem_shared>>
      tpu.enqueue_indirect_dma source(%arg8 : memref<128x128xf32, #tpu.memory_space<vmem>>) target(%dma_start3A_174 : memref<10240x128xf32, #tpu.memory_space<vmem_shared>>) offsets(%dma_start3A_171 : memref<128xi32, #tpu.memory_space<vmem>>) semaphore(%arg13 : memref<!tpu.dma_semaphore, #tpu.memory_space<semaphore_mem>>) {add = true}
      %sub3A_175 = arith.constant 1 : i32
      %sub3A_176 = arith.subi %add3A_162, %sub3A_175 : i32
      %dma_wait3A_177 = arith.constant 0 : i32
      %dma_wait3A_178 = tpu.memref_slice %arg7[%sub3A_176, %dma_wait3A_177] : memref<40x128xi32, #tpu.memory_space<vmem>> -> memref<1x128xi32, #tpu.memory_space<vmem>>
      %dma_wait3A_179 = tpu.memref_squeeze %dma_wait3A_178 : memref<1x128xi32, #tpu.memory_space<vmem>> -> memref<128xi32, #tpu.memory_space<vmem>>
      %dma_wait3A_180 = arith.constant 0 : i32
      %dma_wait3A_181 = arith.constant 0 : i32
      %dma_wait3A_182 = tpu.memref_slice %arg10[%dma_wait3A_180, %dma_wait3A_181] : memref<10240x128xf32, #tpu.memory_space<vmem_shared>> -> memref<10240x128xf32, #tpu.memory_space<vmem_shared>>
      tpu.wait_indirect_dma semaphore(%arg14 : memref<!tpu.dma_semaphore, #tpu.memory_space<semaphore_mem>>) src(%arg9 : memref<128x128xf32, #tpu.memory_space<vmem>>) dst(%dma_wait3A_182 : memref<10240x128xf32, #tpu.memory_space<vmem_shared>>)
      %add3A_183 = arith.constant 1 : i32
      %add3A_184 = arith.addi %add3A_162, %add3A_183 : i32
      %mul3A_185 = arith.constant 128 : i32
      %mul3A_186 = arith.muli %add3A_184, %mul3A_185 : i32
      %dma_start3A_187 = arith.constant 0 : i32
      %dma_start3A_188 = tpu.memref_slice %arg2[%mul3A_186, %dma_start3A_187] : memref<10240x128xf32, #tpu.memory_space<hbm>> -> memref<128x128xf32, #tpu.memory_space<hbm>>
      %dma_start3A_189 = arith.constant 0 : i32
      %dma_start3A_190 = tpu.memref_slice %arg2[%mul3A_186, %dma_start3A_189] : memref<10240x128xf32, #tpu.memory_space<hbm>> -> memref<128x128xf32, #tpu.memory_space<hbm>>
      tpu.enqueue_dma source(%dma_start3A_190 : memref<128x128xf32, #tpu.memory_space<hbm>>) target(%arg9 : memref<128x128xf32, #tpu.memory_space<vmem>>) target_semaphore(%arg12 : memref<!tpu.dma_semaphore, #tpu.memory_space<semaphore_mem>>)
      %scan3A_191 = arith.constant 0 : i32
      scf.yield %scan3A_191 : i32
    }
    %scan3A_94 = arith.constant 19 : i32
    %dma_wait3A_95 = arith.constant 4992 : i32
    %dma_wait3A_96 = arith.constant 0 : i32
    %dma_wait3A_97 = tpu.memref_slice %arg2[%dma_wait3A_95, %dma_wait3A_96] : memref<10240x128xf32, #tpu.memory_space<hbm>> -> memref<128x128xf32, #tpu.memory_space<hbm>>
    %dma_wait3A_98 = arith.constant 4992 : i32
    %dma_wait3A_99 = arith.constant 0 : i32
    %dma_wait3A_100 = tpu.memref_slice %arg2[%dma_wait3A_98, %dma_wait3A_99] : memref<10240x128xf32, #tpu.memory_space<hbm>> -> memref<128x128xf32, #tpu.memory_space<hbm>>
    tpu.wait_dma2 semaphore(%arg12 : memref<!tpu.dma_semaphore, #tpu.memory_space<semaphore_mem>>) src(%dma_wait3A_100 : memref<128x128xf32, #tpu.memory_space<hbm>>) dst(%arg9 : memref<128x128xf32, #tpu.memory_space<vmem>>)
    %dma_start3A_101 = arith.constant 39 : i32
    %dma_start3A_102 = arith.constant 0 : i32
    %dma_start3A_103 = tpu.memref_slice %arg7[%dma_start3A_101, %dma_start3A_102] : memref<40x128xi32, #tpu.memory_space<vmem>> -> memref<1x128xi32, #tpu.memory_space<vmem>>
    %dma_start3A_104 = tpu.memref_squeeze %dma_start3A_103 : memref<1x128xi32, #tpu.memory_space<vmem>> -> memref<128xi32, #tpu.memory_space<vmem>>
    %dma_start3A_105 = arith.constant 0 : i32
    %dma_start3A_106 = arith.constant 0 : i32
    %dma_start3A_107 = tpu.memref_slice %arg10[%dma_start3A_105, %dma_start3A_106] : memref<10240x128xf32, #tpu.memory_space<vmem_shared>> -> memref<10240x128xf32, #tpu.memory_space<vmem_shared>>
    tpu.enqueue_indirect_dma source(%arg9 : memref<128x128xf32, #tpu.memory_space<vmem>>) target(%dma_start3A_107 : memref<10240x128xf32, #tpu.memory_space<vmem_shared>>) offsets(%dma_start3A_104 : memref<128xi32, #tpu.memory_space<vmem>>) semaphore(%arg14 : memref<!tpu.dma_semaphore, #tpu.memory_space<semaphore_mem>>) {add = true}
    %dma_wait3A_108 = arith.constant 38 : i32
    %dma_wait3A_109 = arith.constant 0 : i32
    %dma_wait3A_110 = tpu.memref_slice %arg7[%dma_wait3A_108, %dma_wait3A_109] : memref<40x128xi32, #tpu.memory_space<vmem>> -> memref<1x128xi32, #tpu.memory_space<vmem>>
    %dma_wait3A_111 = tpu.memref_squeeze %dma_wait3A_110 : memref<1x128xi32, #tpu.memory_space<vmem>> -> memref<128xi32, #tpu.memory_space<vmem>>
    %dma_wait3A_112 = arith.constant 0 : i32
    %dma_wait3A_113 = arith.constant 0 : i32
    %dma_wait3A_114 = tpu.memref_slice %arg10[%dma_wait3A_112, %dma_wait3A_113] : memref<10240x128xf32, #tpu.memory_space<vmem_shared>> -> memref<10240x128xf32, #tpu.memory_space<vmem_shared>>
    tpu.wait_indirect_dma semaphore(%arg13 : memref<!tpu.dma_semaphore, #tpu.memory_space<semaphore_mem>>) src(%arg8 : memref<128x128xf32, #tpu.memory_space<vmem>>) dst(%dma_wait3A_114 : memref<10240x128xf32, #tpu.memory_space<vmem_shared>>)
    %dma_wait3A_115 = arith.constant 39 : i32
    %dma_wait3A_116 = arith.constant 0 : i32
    %dma_wait3A_117 = tpu.memref_slice %arg7[%dma_wait3A_115, %dma_wait3A_116] : memref<40x128xi32, #tpu.memory_space<vmem>> -> memref<1x128xi32, #tpu.memory_space<vmem>>
    %dma_wait3A_118 = tpu.memref_squeeze %dma_wait3A_117 : memref<1x128xi32, #tpu.memory_space<vmem>> -> memref<128xi32, #tpu.memory_space<vmem>>
    %dma_wait3A_119 = arith.constant 0 : i32
    %dma_wait3A_120 = arith.constant 0 : i32
    %dma_wait3A_121 = tpu.memref_slice %arg10[%dma_wait3A_119, %dma_wait3A_120] : memref<10240x128xf32, #tpu.memory_space<vmem_shared>> -> memref<10240x128xf32, #tpu.memory_space<vmem_shared>>
    tpu.wait_indirect_dma semaphore(%arg14 : memref<!tpu.dma_semaphore, #tpu.memory_space<semaphore_mem>>) src(%arg9 : memref<128x128xf32, #tpu.memory_space<vmem>>) dst(%dma_wait3A_121 : memref<10240x128xf32, #tpu.memory_space<vmem_shared>>)
    %barrier3A_122 = arith.constant 0 : index
    tpu.barrier barrier_id(%barrier3A_122)
    %mul3A_123 = arith.constant 640 : i32
    %mul3A_124 = arith.muli %arg1, %mul3A_123 : i32
    %mul3A_125 = arith.constant 640 : i32
    %mul3A_126 = arith.muli %arg1, %mul3A_125 : i32
    "tpu.region"() ({
      %run_scoped3A = tpu.sem_alloc : memref<!tpu.dma_semaphore, #tpu.memory_space<semaphore_mem>>
      %dma_start3A_127 = arith.constant 0 : i32
      %dma_start3A_128 = tpu.memref_slice %arg5[%arg0, %mul3A_126, %dma_start3A_127] : memref<2x10240x128xf32, #tpu.memory_space<hbm>> -> memref<1x640x128xf32, #tpu.memory_space<hbm>>
      %dma_start3A_129 = tpu.memref_squeeze %dma_start3A_128 : memref<1x640x128xf32, #tpu.memory_space<hbm>> -> memref<640x128xf32, #tpu.memory_space<hbm>>
      %dma_start3A_130 = arith.constant 0 : i32
      %dma_start3A_131 = tpu.memref_slice %arg10[%mul3A_124, %dma_start3A_130] : memref<10240x128xf32, #tpu.memory_space<vmem_shared>> -> memref<640x128xf32, #tpu.memory_space<vmem_shared>>
      tpu.enqueue_dma source(%dma_start3A_131 : memref<640x128xf32, #tpu.memory_space<vmem_shared>>) target(%dma_start3A_129 : memref<640x128xf32, #tpu.memory_space<hbm>>) target_semaphore(%run_scoped3A : memref<!tpu.dma_semaphore, #tpu.memory_space<semaphore_mem>>)
      %dma_wait3A_132 = arith.constant 0 : i32
      %dma_wait3A_133 = tpu.memref_slice %arg5[%arg0, %mul3A_126, %dma_wait3A_132] : memref<2x10240x128xf32, #tpu.memory_space<hbm>> -> memref<1x640x128xf32, #tpu.memory_space<hbm>>
      %dma_wait3A_134 = tpu.memref_squeeze %dma_wait3A_133 : memref<1x640x128xf32, #tpu.memory_space<hbm>> -> memref<640x128xf32, #tpu.memory_space<hbm>>
      %dma_wait3A_135 = arith.constant 0 : i32
      %dma_wait3A_136 = tpu.memref_slice %arg10[%mul3A_124, %dma_wait3A_135] : memref<10240x128xf32, #tpu.memory_space<vmem_shared>> -> memref<640x128xf32, #tpu.memory_space<vmem_shared>>
      tpu.wait_dma2 semaphore(%run_scoped3A : memref<!tpu.dma_semaphore, #tpu.memory_space<semaphore_mem>>) src(%dma_wait3A_136 : memref<640x128xf32, #tpu.memory_space<vmem_shared>>) dst(%dma_wait3A_134 : memref<640x128xf32, #tpu.memory_space<hbm>>)
      tpu.yield
    }) : () -> ()
    return
  }
}

#map = affine_map<(d0, d1) -> (0, 0)>
#map1 = affine_map<(d0, d1) -> (0, 0, 0, 0)>
#map2 = affine_map<(d0, d1) -> (0, 0, 0)>
module attributes {stable_mosaic.version = 14 : i64} {
  func.func @_agg_body(%arg0: i32, %arg1: i32, %arg2: memref<10240x128xf32, #tpu.memory_space<hbm>>, %arg3: memref<2x16x80x128xi32, #tpu.memory_space<hbm>>, %arg4: memref<2x16x80x128xi32, #tpu.memory_space<hbm>>, %arg5: memref<2x10240x128xf32, #tpu.memory_space<hbm>>, %arg6: memref<40x128xi32, #tpu.memory_space<vmem>>, %arg7: memref<40x128xi32, #tpu.memory_space<vmem>>, %arg8: memref<128x128xf32, #tpu.memory_space<vmem>>, %arg9: memref<128x128xf32, #tpu.memory_space<vmem>>, %arg10: memref<10240x128xf32, #tpu.memory_space<vmem_shared>>, %arg11: memref<!tpu.dma_semaphore, #tpu.memory_space<semaphore_mem>>, %arg12: memref<!tpu.dma_semaphore, #tpu.memory_space<semaphore_mem>>, %arg13: memref<!tpu.dma_semaphore, #tpu.memory_space<semaphore_mem>>, %arg14: memref<!tpu.dma_semaphore, #tpu.memory_space<semaphore_mem>>) attributes {dimension_semantics = [#tpu.dimension_semantics<core_parallel>, #tpu.dimension_semantics<subcore_parallel>], iteration_bounds = array<i64: 2, 16>, scalar_prefetch = 0 : i64, scratch_operands = 9 : i64, tpu.core_type = #tpu.core_type<sc_vector_subcore>, window_params = [{transform_indices = #map}, {transform_indices = #map1}, {transform_indices = #map1}, {transform_indices = #map2}]} {
    %mul3A = arith.constant 640 : i32
    %mul3A_0 = arith.muli %arg1, %mul3A : i32
    %eq3A = arith.constant 0 : i32
    %eq3A_1 = arith.cmpi eq, %arg0, %eq3A : i32
    %convert_element_type3A = arith.extui %eq3A_1 : i1 to i32
    %cond3A = arith.constant 0 : i32
    %cond3A_2 = arith.cmpi ne, %convert_element_type3A, %cond3A : i32
    scf.if %cond3A_2 {
      "tpu.region"() ({
        %run_scoped3A = tpu.sem_alloc : memref<!tpu.dma_semaphore, #tpu.memory_space<semaphore_mem>>
        %dma_start3A_127 = arith.constant 0 : i32
        %dma_start3A_128 = tpu.memref_slice %arg10[%mul3A_0, %dma_start3A_127] : memref<10240x128xf32, #tpu.memory_space<vmem_shared>> -> memref<640x128xf32, #tpu.memory_space<vmem_shared>>
        %dma_start3A_129 = arith.constant 0 : i32
        %dma_start3A_130 = tpu.memref_slice %arg2[%mul3A_0, %dma_start3A_129] : memref<10240x128xf32, #tpu.memory_space<hbm>> -> memref<640x128xf32, #tpu.memory_space<hbm>>
        tpu.enqueue_dma source(%dma_start3A_130 : memref<640x128xf32, #tpu.memory_space<hbm>>) target(%dma_start3A_128 : memref<640x128xf32, #tpu.memory_space<vmem_shared>>) target_semaphore(%run_scoped3A : memref<!tpu.dma_semaphore, #tpu.memory_space<semaphore_mem>>)
        %dma_wait3A_131 = arith.constant 0 : i32
        %dma_wait3A_132 = tpu.memref_slice %arg10[%mul3A_0, %dma_wait3A_131] : memref<10240x128xf32, #tpu.memory_space<vmem_shared>> -> memref<640x128xf32, #tpu.memory_space<vmem_shared>>
        %dma_wait3A_133 = arith.constant 0 : i32
        %dma_wait3A_134 = tpu.memref_slice %arg2[%mul3A_0, %dma_wait3A_133] : memref<10240x128xf32, #tpu.memory_space<hbm>> -> memref<640x128xf32, #tpu.memory_space<hbm>>
        tpu.wait_dma2 semaphore(%run_scoped3A : memref<!tpu.dma_semaphore, #tpu.memory_space<semaphore_mem>>) src(%dma_wait3A_134 : memref<640x128xf32, #tpu.memory_space<hbm>>) dst(%dma_wait3A_132 : memref<640x128xf32, #tpu.memory_space<vmem_shared>>)
        tpu.yield
      }) : () -> ()
    } else {
    }
    %ne3A = arith.constant 0 : i32
    %ne3A_3 = arith.cmpi ne, %arg0, %ne3A : i32
    %convert_element_type3A_4 = arith.extui %ne3A_3 : i1 to i32
    %cond3A_5 = arith.constant 0 : i32
    %cond3A_6 = arith.cmpi ne, %convert_element_type3A_4, %cond3A_5 : i32
    scf.if %cond3A_6 {
      %scan3A_127 = arith.constant 0 : i32
      %scan3A_128 = arith.constant 0 : i32
      %scan3A_129 = arith.constant 128 : i32
      %scan3A_130 = arith.addi %scan3A_128, %scan3A_129 : i32
      %scan3A_131 = arith.constant 1 : i32
      %scan3A_132 = scf.for %scan3A_143 = %scan3A_128 to %scan3A_130 step %scan3A_131 iter_args(%scan3A_144 = %scan3A_127) -> (i32)  : i32 {
        %broadcast_in_dim3A = arith.constant 0.000000e+00 : f32
        %broadcast_in_dim3A_145 = vector.broadcast %broadcast_in_dim3A : f32 to vector<16xf32>
        %swap3A = arith.index_cast %scan3A_143 : i32 to index
        %swap3A_146 = arith.constant 0 : index
        %swap3A_147 = tpu.vector_load %arg8[%swap3A, %swap3A_146] {strides = array<i32>} : memref<128x128xf32, #tpu.memory_space<vmem>>, vector<1x16xf32>,
        %swap3A_148 = vector.shape_cast %swap3A_147 : vector<1x16xf32> to vector<16xf32>
        %swap3A_149 = vector.shape_cast %broadcast_in_dim3A_145 : vector<16xf32> to vector<1x16xf32>
        tpu.vector_store %arg8[%swap3A, %swap3A_146], %swap3A_149 {strides = array<i32>} : memref<128x128xf32, #tpu.memory_space<vmem>>, vector<1x16xf32>,
        %broadcast_in_dim3A_150 = arith.constant 0.000000e+00 : f32
        %broadcast_in_dim3A_151 = vector.broadcast %broadcast_in_dim3A_150 : f32 to vector<16xf32>
        %swap3A_152 = arith.index_cast %scan3A_143 : i32 to index
        %swap3A_153 = arith.constant 16 : index
        %swap3A_154 = tpu.vector_load %arg8[%swap3A_152, %swap3A_153] {strides = array<i32>} : memref<128x128xf32, #tpu.memory_space<vmem>>, vector<1x16xf32>,
        %swap3A_155 = vector.shape_cast %swap3A_154 : vector<1x16xf32> to vector<16xf32>
        %swap3A_156 = vector.shape_cast %broadcast_in_dim3A_151 : vector<16xf32> to vector<1x16xf32>
        tpu.vector_store %arg8[%swap3A_152, %swap3A_153], %swap3A_156 {strides = array<i32>} : memref<128x128xf32, #tpu.memory_space<vmem>>, vector<1x16xf32>,
        %broadcast_in_dim3A_157 = arith.constant 0.000000e+00 : f32
        %broadcast_in_dim3A_158 = vector.broadcast %broadcast_in_dim3A_157 : f32 to vector<16xf32>
        %swap3A_159 = arith.index_cast %scan3A_143 : i32 to index
        %swap3A_160 = arith.constant 32 : index
        %swap3A_161 = tpu.vector_load %arg8[%swap3A_159, %swap3A_160] {strides = array<i32>} : memref<128x128xf32, #tpu.memory_space<vmem>>, vector<1x16xf32>,
        %swap3A_162 = vector.shape_cast %swap3A_161 : vector<1x16xf32> to vector<16xf32>
        %swap3A_163 = vector.shape_cast %broadcast_in_dim3A_158 : vector<16xf32> to vector<1x16xf32>
        tpu.vector_store %arg8[%swap3A_159, %swap3A_160], %swap3A_163 {strides = array<i32>} : memref<128x128xf32, #tpu.memory_space<vmem>>, vector<1x16xf32>,
        %broadcast_in_dim3A_164 = arith.constant 0.000000e+00 : f32
        %broadcast_in_dim3A_165 = vector.broadcast %broadcast_in_dim3A_164 : f32 to vector<16xf32>
        %swap3A_166 = arith.index_cast %scan3A_143 : i32 to index
        %swap3A_167 = arith.constant 48 : index
        %swap3A_168 = tpu.vector_load %arg8[%swap3A_166, %swap3A_167] {strides = array<i32>} : memref<128x128xf32, #tpu.memory_space<vmem>>, vector<1x16xf32>,
        %swap3A_169 = vector.shape_cast %swap3A_168 : vector<1x16xf32> to vector<16xf32>
        %swap3A_170 = vector.shape_cast %broadcast_in_dim3A_165 : vector<16xf32> to vector<1x16xf32>
        tpu.vector_store %arg8[%swap3A_166, %swap3A_167], %swap3A_170 {strides = array<i32>} : memref<128x128xf32, #tpu.memory_space<vmem>>, vector<1x16xf32>,
        %broadcast_in_dim3A_171 = arith.constant 0.000000e+00 : f32
        %broadcast_in_dim3A_172 = vector.broadcast %broadcast_in_dim3A_171 : f32 to vector<16xf32>
        %swap3A_173 = arith.index_cast %scan3A_143 : i32 to index
        %swap3A_174 = arith.constant 64 : index
        %swap3A_175 = tpu.vector_load %arg8[%swap3A_173, %swap3A_174] {strides = array<i32>} : memref<128x128xf32, #tpu.memory_space<vmem>>, vector<1x16xf32>,
        %swap3A_176 = vector.shape_cast %swap3A_175 : vector<1x16xf32> to vector<16xf32>
        %swap3A_177 = vector.shape_cast %broadcast_in_dim3A_172 : vector<16xf32> to vector<1x16xf32>
        tpu.vector_store %arg8[%swap3A_173, %swap3A_174], %swap3A_177 {strides = array<i32>} : memref<128x128xf32, #tpu.memory_space<vmem>>, vector<1x16xf32>,
        %broadcast_in_dim3A_178 = arith.constant 0.000000e+00 : f32
        %broadcast_in_dim3A_179 = vector.broadcast %broadcast_in_dim3A_178 : f32 to vector<16xf32>
        %swap3A_180 = arith.index_cast %scan3A_143 : i32 to index
        %swap3A_181 = arith.constant 80 : index
        %swap3A_182 = tpu.vector_load %arg8[%swap3A_180, %swap3A_181] {strides = array<i32>} : memref<128x128xf32, #tpu.memory_space<vmem>>, vector<1x16xf32>,
        %swap3A_183 = vector.shape_cast %swap3A_182 : vector<1x16xf32> to vector<16xf32>
        %swap3A_184 = vector.shape_cast %broadcast_in_dim3A_179 : vector<16xf32> to vector<1x16xf32>
        tpu.vector_store %arg8[%swap3A_180, %swap3A_181], %swap3A_184 {strides = array<i32>} : memref<128x128xf32, #tpu.memory_space<vmem>>, vector<1x16xf32>,
        %broadcast_in_dim3A_185 = arith.constant 0.000000e+00 : f32
        %broadcast_in_dim3A_186 = vector.broadcast %broadcast_in_dim3A_185 : f32 to vector<16xf32>
        %swap3A_187 = arith.index_cast %scan3A_143 : i32 to index
        %swap3A_188 = arith.constant 96 : index
        %swap3A_189 = tpu.vector_load %arg8[%swap3A_187, %swap3A_188] {strides = array<i32>} : memref<128x128xf32, #tpu.memory_space<vmem>>, vector<1x16xf32>,
        %swap3A_190 = vector.shape_cast %swap3A_189 : vector<1x16xf32> to vector<16xf32>
        %swap3A_191 = vector.shape_cast %broadcast_in_dim3A_186 : vector<16xf32> to vector<1x16xf32>
        tpu.vector_store %arg8[%swap3A_187, %swap3A_188], %swap3A_191 {strides = array<i32>} : memref<128x128xf32, #tpu.memory_space<vmem>>, vector<1x16xf32>,
        %broadcast_in_dim3A_192 = arith.constant 0.000000e+00 : f32
        %broadcast_in_dim3A_193 = vector.broadcast %broadcast_in_dim3A_192 : f32 to vector<16xf32>
        %swap3A_194 = arith.index_cast %scan3A_143 : i32 to index
        %swap3A_195 = arith.constant 112 : index
        %swap3A_196 = tpu.vector_load %arg8[%swap3A_194, %swap3A_195] {strides = array<i32>} : memref<128x128xf32, #tpu.memory_space<vmem>>, vector<1x16xf32>,
        %swap3A_197 = vector.shape_cast %swap3A_196 : vector<1x16xf32> to vector<16xf32>
        %swap3A_198 = vector.shape_cast %broadcast_in_dim3A_193 : vector<16xf32> to vector<1x16xf32>
        tpu.vector_store %arg8[%swap3A_194, %swap3A_195], %swap3A_198 {strides = array<i32>} : memref<128x128xf32, #tpu.memory_space<vmem>>, vector<1x16xf32>,
        %scan3A_199 = arith.constant 0 : i32
        scf.yield %scan3A_199 : i32
      }
      %scan3A_133 = arith.constant 128 : i32
      %add3A = arith.constant 0 : i32
      %add3A_134 = arith.addi %mul3A_0, %add3A : i32
      "tpu.region"() ({
        %run_scoped3A = tpu.sem_alloc : memref<!tpu.dma_semaphore, #tpu.memory_space<semaphore_mem>>
        %dma_start3A_143 = arith.constant 0 : i32
        %dma_start3A_144 = tpu.memref_slice %arg10[%add3A_134, %dma_start3A_143] : memref<10240x128xf32, #tpu.memory_space<vmem_shared>> -> memref<128x128xf32, #tpu.memory_space<vmem_shared>>
        %dma_start3A_145 = arith.constant 0 : i32
        %dma_start3A_146 = tpu.memref_slice %arg10[%add3A_134, %dma_start3A_145] : memref<10240x128xf32, #tpu.memory_space<vmem_shared>> -> memref<128x128xf32, #tpu.memory_space<vmem_shared>>
        tpu.enqueue_dma source(%arg8 : memref<128x128xf32, #tpu.memory_space<vmem>>) target(%dma_start3A_146 : memref<128x128xf32, #tpu.memory_space<vmem_shared>>) target_semaphore(%run_scoped3A : memref<!tpu.dma_semaphore, #tpu.memory_space<semaphore_mem>>)
        %dma_wait3A_147 = arith.constant 0 : i32
        %dma_wait3A_148 = tpu.memref_slice %arg10[%add3A_134, %dma_wait3A_147] : memref<10240x128xf32, #tpu.memory_space<vmem_shared>> -> memref<128x128xf32, #tpu.memory_space<vmem_shared>>
        %dma_wait3A_149 = arith.constant 0 : i32
        %dma_wait3A_150 = tpu.memref_slice %arg10[%add3A_134, %dma_wait3A_149] : memref<10240x128xf32, #tpu.memory_space<vmem_shared>> -> memref<128x128xf32, #tpu.memory_space<vmem_shared>>
        tpu.wait_dma2 semaphore(%run_scoped3A : memref<!tpu.dma_semaphore, #tpu.memory_space<semaphore_mem>>) src(%arg8 : memref<128x128xf32, #tpu.memory_space<vmem>>) dst(%dma_wait3A_150 : memref<128x128xf32, #tpu.memory_space<vmem_shared>>)
        tpu.yield
      }) : () -> ()
      %add3A_135 = arith.constant 128 : i32
      %add3A_136 = arith.addi %mul3A_0, %add3A_135 : i32
      "tpu.region"() ({
        %run_scoped3A = tpu.sem_alloc : memref<!tpu.dma_semaphore, #tpu.memory_space<semaphore_mem>>
        %dma_start3A_143 = arith.constant 0 : i32
        %dma_start3A_144 = tpu.memref_slice %arg10[%add3A_136, %dma_start3A_143] : memref<10240x128xf32, #tpu.memory_space<vmem_shared>> -> memref<128x128xf32, #tpu.memory_space<vmem_shared>>
        %dma_start3A_145 = arith.constant 0 : i32
        %dma_start3A_146 = tpu.memref_slice %arg10[%add3A_136, %dma_start3A_145] : memref<10240x128xf32, #tpu.memory_space<vmem_shared>> -> memref<128x128xf32, #tpu.memory_space<vmem_shared>>
        tpu.enqueue_dma source(%arg8 : memref<128x128xf32, #tpu.memory_space<vmem>>) target(%dma_start3A_146 : memref<128x128xf32, #tpu.memory_space<vmem_shared>>) target_semaphore(%run_scoped3A : memref<!tpu.dma_semaphore, #tpu.memory_space<semaphore_mem>>)
        %dma_wait3A_147 = arith.constant 0 : i32
        %dma_wait3A_148 = tpu.memref_slice %arg10[%add3A_136, %dma_wait3A_147] : memref<10240x128xf32, #tpu.memory_space<vmem_shared>> -> memref<128x128xf32, #tpu.memory_space<vmem_shared>>
        %dma_wait3A_149 = arith.constant 0 : i32
        %dma_wait3A_150 = tpu.memref_slice %arg10[%add3A_136, %dma_wait3A_149] : memref<10240x128xf32, #tpu.memory_space<vmem_shared>> -> memref<128x128xf32, #tpu.memory_space<vmem_shared>>
        tpu.wait_dma2 semaphore(%run_scoped3A : memref<!tpu.dma_semaphore, #tpu.memory_space<semaphore_mem>>) src(%arg8 : memref<128x128xf32, #tpu.memory_space<vmem>>) dst(%dma_wait3A_150 : memref<128x128xf32, #tpu.memory_space<vmem_shared>>)
        tpu.yield
      }) : () -> ()
      %add3A_137 = arith.constant 256 : i32
      %add3A_138 = arith.addi %mul3A_0, %add3A_137 : i32
      "tpu.region"() ({
        %run_scoped3A = tpu.sem_alloc : memref<!tpu.dma_semaphore, #tpu.memory_space<semaphore_mem>>
        %dma_start3A_143 = arith.constant 0 : i32
        %dma_start3A_144 = tpu.memref_slice %arg10[%add3A_138, %dma_start3A_143] : memref<10240x128xf32, #tpu.memory_space<vmem_shared>> -> memref<128x128xf32, #tpu.memory_space<vmem_shared>>
        %dma_start3A_145 = arith.constant 0 : i32
        %dma_start3A_146 = tpu.memref_slice %arg10[%add3A_138, %dma_start3A_145] : memref<10240x128xf32, #tpu.memory_space<vmem_shared>> -> memref<128x128xf32, #tpu.memory_space<vmem_shared>>
        tpu.enqueue_dma source(%arg8 : memref<128x128xf32, #tpu.memory_space<vmem>>) target(%dma_start3A_146 : memref<128x128xf32, #tpu.memory_space<vmem_shared>>) target_semaphore(%run_scoped3A : memref<!tpu.dma_semaphore, #tpu.memory_space<semaphore_mem>>)
        %dma_wait3A_147 = arith.constant 0 : i32
        %dma_wait3A_148 = tpu.memref_slice %arg10[%add3A_138, %dma_wait3A_147] : memref<10240x128xf32, #tpu.memory_space<vmem_shared>> -> memref<128x128xf32, #tpu.memory_space<vmem_shared>>
        %dma_wait3A_149 = arith.constant 0 : i32
        %dma_wait3A_150 = tpu.memref_slice %arg10[%add3A_138, %dma_wait3A_149] : memref<10240x128xf32, #tpu.memory_space<vmem_shared>> -> memref<128x128xf32, #tpu.memory_space<vmem_shared>>
        tpu.wait_dma2 semaphore(%run_scoped3A : memref<!tpu.dma_semaphore, #tpu.memory_space<semaphore_mem>>) src(%arg8 : memref<128x128xf32, #tpu.memory_space<vmem>>) dst(%dma_wait3A_150 : memref<128x128xf32, #tpu.memory_space<vmem_shared>>)
        tpu.yield
      }) : () -> ()
      %add3A_139 = arith.constant 384 : i32
      %add3A_140 = arith.addi %mul3A_0, %add3A_139 : i32
      "tpu.region"() ({
        %run_scoped3A = tpu.sem_alloc : memref<!tpu.dma_semaphore, #tpu.memory_space<semaphore_mem>>
        %dma_start3A_143 = arith.constant 0 : i32
        %dma_start3A_144 = tpu.memref_slice %arg10[%add3A_140, %dma_start3A_143] : memref<10240x128xf32, #tpu.memory_space<vmem_shared>> -> memref<128x128xf32, #tpu.memory_space<vmem_shared>>
        %dma_start3A_145 = arith.constant 0 : i32
        %dma_start3A_146 = tpu.memref_slice %arg10[%add3A_140, %dma_start3A_145] : memref<10240x128xf32, #tpu.memory_space<vmem_shared>> -> memref<128x128xf32, #tpu.memory_space<vmem_shared>>
        tpu.enqueue_dma source(%arg8 : memref<128x128xf32, #tpu.memory_space<vmem>>) target(%dma_start3A_146 : memref<128x128xf32, #tpu.memory_space<vmem_shared>>) target_semaphore(%run_scoped3A : memref<!tpu.dma_semaphore, #tpu.memory_space<semaphore_mem>>)
        %dma_wait3A_147 = arith.constant 0 : i32
        %dma_wait3A_148 = tpu.memref_slice %arg10[%add3A_140, %dma_wait3A_147] : memref<10240x128xf32, #tpu.memory_space<vmem_shared>> -> memref<128x128xf32, #tpu.memory_space<vmem_shared>>
        %dma_wait3A_149 = arith.constant 0 : i32
        %dma_wait3A_150 = tpu.memref_slice %arg10[%add3A_140, %dma_wait3A_149] : memref<10240x128xf32, #tpu.memory_space<vmem_shared>> -> memref<128x128xf32, #tpu.memory_space<vmem_shared>>
        tpu.wait_dma2 semaphore(%run_scoped3A : memref<!tpu.dma_semaphore, #tpu.memory_space<semaphore_mem>>) src(%arg8 : memref<128x128xf32, #tpu.memory_space<vmem>>) dst(%dma_wait3A_150 : memref<128x128xf32, #tpu.memory_space<vmem_shared>>)
        tpu.yield
      }) : () -> ()
      %add3A_141 = arith.constant 512 : i32
      %add3A_142 = arith.addi %mul3A_0, %add3A_141 : i32
      "tpu.region"() ({
        %run_scoped3A = tpu.sem_alloc : memref<!tpu.dma_semaphore, #tpu.memory_space<semaphore_mem>>
        %dma_start3A_143 = arith.constant 0 : i32
        %dma_start3A_144 = tpu.memref_slice %arg10[%add3A_142, %dma_start3A_143] : memref<10240x128xf32, #tpu.memory_space<vmem_shared>> -> memref<128x128xf32, #tpu.memory_space<vmem_shared>>
        %dma_start3A_145 = arith.constant 0 : i32
        %dma_start3A_146 = tpu.memref_slice %arg10[%add3A_142, %dma_start3A_145] : memref<10240x128xf32, #tpu.memory_space<vmem_shared>> -> memref<128x128xf32, #tpu.memory_space<vmem_shared>>
        tpu.enqueue_dma source(%arg8 : memref<128x128xf32, #tpu.memory_space<vmem>>) target(%dma_start3A_146 : memref<128x128xf32, #tpu.memory_space<vmem_shared>>) target_semaphore(%run_scoped3A : memref<!tpu.dma_semaphore, #tpu.memory_space<semaphore_mem>>)
        %dma_wait3A_147 = arith.constant 0 : i32
        %dma_wait3A_148 = tpu.memref_slice %arg10[%add3A_142, %dma_wait3A_147] : memref<10240x128xf32, #tpu.memory_space<vmem_shared>> -> memref<128x128xf32, #tpu.memory_space<vmem_shared>>
        %dma_wait3A_149 = arith.constant 0 : i32
        %dma_wait3A_150 = tpu.memref_slice %arg10[%add3A_142, %dma_wait3A_149] : memref<10240x128xf32, #tpu.memory_space<vmem_shared>> -> memref<128x128xf32, #tpu.memory_space<vmem_shared>>
        tpu.wait_dma2 semaphore(%run_scoped3A : memref<!tpu.dma_semaphore, #tpu.memory_space<semaphore_mem>>) src(%arg8 : memref<128x128xf32, #tpu.memory_space<vmem>>) dst(%dma_wait3A_150 : memref<128x128xf32, #tpu.memory_space<vmem_shared>>)
        tpu.yield
      }) : () -> ()
    } else {
    }
    %barrier3A = arith.constant 0 : index
    tpu.barrier barrier_id(%barrier3A)
    "tpu.region"() ({
      %run_scoped3A = tpu.sem_alloc : memref<!tpu.dma_semaphore, #tpu.memory_space<semaphore_mem>>
      %dma_start3A_127 = arith.constant 0 : i32
      %dma_start3A_128 = arith.constant 0 : i32
      %dma_start3A_129 = tpu.memref_slice %arg3[%arg0, %arg1, %dma_start3A_127, %dma_start3A_128] : memref<2x16x80x128xi32, #tpu.memory_space<hbm>> -> memref<1x1x40x128xi32, #tpu.memory_space<hbm>>
      %dma_start3A_130 = tpu.memref_squeeze %dma_start3A_129 : memref<1x1x40x128xi32, #tpu.memory_space<hbm>> -> memref<40x128xi32, #tpu.memory_space<hbm>>
      %dma_start3A_131 = arith.constant 0 : i32
      %dma_start3A_132 = arith.constant 0 : i32
      %dma_start3A_133 = tpu.memref_slice %arg3[%arg0, %arg1, %dma_start3A_131, %dma_start3A_132] : memref<2x16x80x128xi32, #tpu.memory_space<hbm>> -> memref<1x1x40x128xi32, #tpu.memory_space<hbm>>
      %dma_start3A_134 = tpu.memref_squeeze %dma_start3A_133 : memref<1x1x40x128xi32, #tpu.memory_space<hbm>> -> memref<40x128xi32, #tpu.memory_space<hbm>>
      tpu.enqueue_dma source(%dma_start3A_134 : memref<40x128xi32, #tpu.memory_space<hbm>>) target(%arg6 : memref<40x128xi32, #tpu.memory_space<vmem>>) target_semaphore(%run_scoped3A : memref<!tpu.dma_semaphore, #tpu.memory_space<semaphore_mem>>)
      %dma_wait3A_135 = arith.constant 0 : i32
      %dma_wait3A_136 = arith.constant 0 : i32
      %dma_wait3A_137 = tpu.memref_slice %arg3[%arg0, %arg1, %dma_wait3A_135, %dma_wait3A_136] : memref<2x16x80x128xi32, #tpu.memory_space<hbm>> -> memref<1x1x40x128xi32, #tpu.memory_space<hbm>>
      %dma_wait3A_138 = tpu.memref_squeeze %dma_wait3A_137 : memref<1x1x40x128xi32, #tpu.memory_space<hbm>> -> memref<40x128xi32, #tpu.memory_space<hbm>>
      %dma_wait3A_139 = arith.constant 0 : i32
      %dma_wait3A_140 = arith.constant 0 : i32
      %dma_wait3A_141 = tpu.memref_slice %arg3[%arg0, %arg1, %dma_wait3A_139, %dma_wait3A_140] : memref<2x16x80x128xi32, #tpu.memory_space<hbm>> -> memref<1x1x40x128xi32, #tpu.memory_space<hbm>>
      %dma_wait3A_142 = tpu.memref_squeeze %dma_wait3A_141 : memref<1x1x40x128xi32, #tpu.memory_space<hbm>> -> memref<40x128xi32, #tpu.memory_space<hbm>>
      tpu.wait_dma2 semaphore(%run_scoped3A : memref<!tpu.dma_semaphore, #tpu.memory_space<semaphore_mem>>) src(%dma_wait3A_142 : memref<40x128xi32, #tpu.memory_space<hbm>>) dst(%arg6 : memref<40x128xi32, #tpu.memory_space<vmem>>)
      tpu.yield
    }) : () -> ()
    "tpu.region"() ({
      %run_scoped3A = tpu.sem_alloc : memref<!tpu.dma_semaphore, #tpu.memory_space<semaphore_mem>>
      %dma_start3A_127 = arith.constant 0 : i32
      %dma_start3A_128 = arith.constant 0 : i32
      %dma_start3A_129 = tpu.memref_slice %arg4[%arg0, %arg1, %dma_start3A_127, %dma_start3A_128] : memref<2x16x80x128xi32, #tpu.memory_space<hbm>> -> memref<1x1x40x128xi32, #tpu.memory_space<hbm>>
      %dma_start3A_130 = tpu.memref_squeeze %dma_start3A_129 : memref<1x1x40x128xi32, #tpu.memory_space<hbm>> -> memref<40x128xi32, #tpu.memory_space<hbm>>
      %dma_start3A_131 = arith.constant 0 : i32
      %dma_start3A_132 = arith.constant 0 : i32
      %dma_start3A_133 = tpu.memref_slice %arg4[%arg0, %arg1, %dma_start3A_131, %dma_start3A_132] : memref<2x16x80x128xi32, #tpu.memory_space<hbm>> -> memref<1x1x40x128xi32, #tpu.memory_space<hbm>>
      %dma_start3A_134 = tpu.memref_squeeze %dma_start3A_133 : memref<1x1x40x128xi32, #tpu.memory_space<hbm>> -> memref<40x128xi32, #tpu.memory_space<hbm>>
      tpu.enqueue_dma source(%dma_start3A_134 : memref<40x128xi32, #tpu.memory_space<hbm>>) target(%arg7 : memref<40x128xi32, #tpu.memory_space<vmem>>) target_semaphore(%run_scoped3A : memref<!tpu.dma_semaphore, #tpu.memory_space<semaphore_mem>>)
      %dma_wait3A_135 = arith.constant 0 : i32
      %dma_wait3A_136 = arith.constant 0 : i32
      %dma_wait3A_137 = tpu.memref_slice %arg4[%arg0, %arg1, %dma_wait3A_135, %dma_wait3A_136] : memref<2x16x80x128xi32, #tpu.memory_space<hbm>> -> memref<1x1x40x128xi32, #tpu.memory_space<hbm>>
      %dma_wait3A_138 = tpu.memref_squeeze %dma_wait3A_137 : memref<1x1x40x128xi32, #tpu.memory_space<hbm>> -> memref<40x128xi32, #tpu.memory_space<hbm>>
      %dma_wait3A_139 = arith.constant 0 : i32
      %dma_wait3A_140 = arith.constant 0 : i32
      %dma_wait3A_141 = tpu.memref_slice %arg4[%arg0, %arg1, %dma_wait3A_139, %dma_wait3A_140] : memref<2x16x80x128xi32, #tpu.memory_space<hbm>> -> memref<1x1x40x128xi32, #tpu.memory_space<hbm>>
      %dma_wait3A_142 = tpu.memref_squeeze %dma_wait3A_141 : memref<1x1x40x128xi32, #tpu.memory_space<hbm>> -> memref<40x128xi32, #tpu.memory_space<hbm>>
      tpu.wait_dma2 semaphore(%run_scoped3A : memref<!tpu.dma_semaphore, #tpu.memory_space<semaphore_mem>>) src(%dma_wait3A_142 : memref<40x128xi32, #tpu.memory_space<hbm>>) dst(%arg7 : memref<40x128xi32, #tpu.memory_space<vmem>>)
      tpu.yield
    }) : () -> ()
    %dma_start3A = arith.constant 0 : i32
    %dma_start3A_7 = arith.constant 0 : i32
    %dma_start3A_8 = tpu.memref_slice %arg2[%dma_start3A, %dma_start3A_7] : memref<10240x128xf32, #tpu.memory_space<hbm>> -> memref<128x128xf32, #tpu.memory_space<hbm>>
    %dma_start3A_9 = arith.constant 0 : i32
    %dma_start3A_10 = arith.constant 0 : i32
    %dma_start3A_11 = tpu.memref_slice %arg2[%dma_start3A_9, %dma_start3A_10] : memref<10240x128xf32, #tpu.memory_space<hbm>> -> memref<128x128xf32, #tpu.memory_space<hbm>>
    tpu.enqueue_dma source(%dma_start3A_11 : memref<128x128xf32, #tpu.memory_space<hbm>>) target(%arg8 : memref<128x128xf32, #tpu.memory_space<vmem>>) target_semaphore(%arg11 : memref<!tpu.dma_semaphore, #tpu.memory_space<semaphore_mem>>)
    %dma_wait3A = arith.constant 0 : i32
    %dma_wait3A_12 = arith.constant 0 : i32
    %dma_wait3A_13 = tpu.memref_slice %arg2[%dma_wait3A, %dma_wait3A_12] : memref<10240x128xf32, #tpu.memory_space<hbm>> -> memref<128x128xf32, #tpu.memory_space<hbm>>
    %dma_wait3A_14 = arith.constant 0 : i32
    %dma_wait3A_15 = arith.constant 0 : i32
    %dma_wait3A_16 = tpu.memref_slice %arg2[%dma_wait3A_14, %dma_wait3A_15] : memref<10240x128xf32, #tpu.memory_space<hbm>> -> memref<128x128xf32, #tpu.memory_space<hbm>>
    tpu.wait_dma2 semaphore(%arg11 : memref<!tpu.dma_semaphore, #tpu.memory_space<semaphore_mem>>) src(%dma_wait3A_16 : memref<128x128xf32, #tpu.memory_space<hbm>>) dst(%arg8 : memref<128x128xf32, #tpu.memory_space<vmem>>)
    %dma_start3A_17 = arith.constant 0 : i32
    %dma_start3A_18 = arith.constant 0 : i32
    %dma_start3A_19 = tpu.memref_slice %arg7[%dma_start3A_17, %dma_start3A_18] : memref<40x128xi32, #tpu.memory_space<vmem>> -> memref<1x128xi32, #tpu.memory_space<vmem>>
    %dma_start3A_20 = tpu.memref_squeeze %dma_start3A_19 : memref<1x128xi32, #tpu.memory_space<vmem>> -> memref<128xi32, #tpu.memory_space<vmem>>
    %dma_start3A_21 = arith.constant 0 : i32
    %dma_start3A_22 = arith.constant 0 : i32
    %dma_start3A_23 = tpu.memref_slice %arg10[%dma_start3A_21, %dma_start3A_22] : memref<10240x128xf32, #tpu.memory_space<vmem_shared>> -> memref<10240x128xf32, #tpu.memory_space<vmem_shared>>
    tpu.enqueue_indirect_dma source(%arg8 : memref<128x128xf32, #tpu.memory_space<vmem>>) target(%dma_start3A_23 : memref<10240x128xf32, #tpu.memory_space<vmem_shared>>) offsets(%dma_start3A_20 : memref<128xi32, #tpu.memory_space<vmem>>) semaphore(%arg13 : memref<!tpu.dma_semaphore, #tpu.memory_space<semaphore_mem>>) {add = true}
    %dma_start3A_24 = arith.constant 128 : i32
    %dma_start3A_25 = arith.constant 0 : i32
    %dma_start3A_26 = tpu.memref_slice %arg2[%dma_start3A_24, %dma_start3A_25] : memref<10240x128xf32, #tpu.memory_space<hbm>> -> memref<128x128xf32, #tpu.memory_space<hbm>>
    %dma_start3A_27 = arith.constant 128 : i32
    %dma_start3A_28 = arith.constant 0 : i32
    %dma_start3A_29 = tpu.memref_slice %arg2[%dma_start3A_27, %dma_start3A_28] : memref<10240x128xf32, #tpu.memory_space<hbm>> -> memref<128x128xf32, #tpu.memory_space<hbm>>
    tpu.enqueue_dma source(%dma_start3A_29 : memref<128x128xf32, #tpu.memory_space<hbm>>) target(%arg9 : memref<128x128xf32, #tpu.memory_space<vmem>>) target_semaphore(%arg12 : memref<!tpu.dma_semaphore, #tpu.memory_space<semaphore_mem>>)
    %scan3A = arith.constant 0 : i32
    %scan3A_30 = arith.constant 0 : i32
    %scan3A_31 = arith.constant 19 : i32
    %scan3A_32 = arith.addi %scan3A_30, %scan3A_31 : i32
    %scan3A_33 = arith.constant 1 : i32
    %scan3A_34 = scf.for %scan3A_127 = %scan3A_30 to %scan3A_32 step %scan3A_33 iter_args(%scan3A_128 = %scan3A) -> (i32)  : i32 {
      %mul3A_129 = arith.constant 2 : i32
      %mul3A_130 = arith.muli %mul3A_129, %scan3A_127 : i32
      %add3A = arith.constant 1 : i32
      %add3A_131 = arith.addi %mul3A_130, %add3A : i32
      %mul3A_132 = arith.constant 128 : i32
      %mul3A_133 = arith.muli %add3A_131, %mul3A_132 : i32
      %dma_wait3A_134 = arith.constant 0 : i32
      %dma_wait3A_135 = tpu.memref_slice %arg2[%mul3A_133, %dma_wait3A_134] : memref<10240x128xf32, #tpu.memory_space<hbm>> -> memref<128x128xf32, #tpu.memory_space<hbm>>
      %dma_wait3A_136 = arith.constant 0 : i32
      %dma_wait3A_137 = tpu.memref_slice %arg2[%mul3A_133, %dma_wait3A_136] : memref<10240x128xf32, #tpu.memory_space<hbm>> -> memref<128x128xf32, #tpu.memory_space<hbm>>
      tpu.wait_dma2 semaphore(%arg12 : memref<!tpu.dma_semaphore, #tpu.memory_space<semaphore_mem>>) src(%dma_wait3A_137 : memref<128x128xf32, #tpu.memory_space<hbm>>) dst(%arg9 : memref<128x128xf32, #tpu.memory_space<vmem>>)
      %dma_start3A_138 = arith.constant 0 : i32
      %dma_start3A_139 = tpu.memref_slice %arg7[%add3A_131, %dma_start3A_138] : memref<40x128xi32, #tpu.memory_space<vmem>> -> memref<1x128xi32, #tpu.memory_space<vmem>>
      %dma_start3A_140 = tpu.memref_squeeze %dma_start3A_139 : memref<1x128xi32, #tpu.memory_space<vmem>> -> memref<128xi32, #tpu.memory_space<vmem>>
      %dma_start3A_141 = arith.constant 0 : i32
      %dma_start3A_142 = arith.constant 0 : i32
      %dma_start3A_143 = tpu.memref_slice %arg10[%dma_start3A_141, %dma_start3A_142] : memref<10240x128xf32, #tpu.memory_space<vmem_shared>> -> memref<10240x128xf32, #tpu.memory_space<vmem_shared>>
      tpu.enqueue_indirect_dma source(%arg9 : memref<128x128xf32, #tpu.memory_space<vmem>>) target(%dma_start3A_143 : memref<10240x128xf32, #tpu.memory_space<vmem_shared>>) offsets(%dma_start3A_140 : memref<128xi32, #tpu.memory_space<vmem>>) semaphore(%arg14 : memref<!tpu.dma_semaphore, #tpu.memory_space<semaphore_mem>>) {add = true}
      %sub3A = arith.constant 1 : i32
      %sub3A_144 = arith.subi %add3A_131, %sub3A : i32
      %dma_wait3A_145 = arith.constant 0 : i32
      %dma_wait3A_146 = tpu.memref_slice %arg7[%sub3A_144, %dma_wait3A_145] : memref<40x128xi32, #tpu.memory_space<vmem>> -> memref<1x128xi32, #tpu.memory_space<vmem>>
      %dma_wait3A_147 = tpu.memref_squeeze %dma_wait3A_146 : memref<1x128xi32, #tpu.memory_space<vmem>> -> memref<128xi32, #tpu.memory_space<vmem>>
      %dma_wait3A_148 = arith.constant 0 : i32
      %dma_wait3A_149 = arith.constant 0 : i32
      %dma_wait3A_150 = tpu.memref_slice %arg10[%dma_wait3A_148, %dma_wait3A_149] : memref<10240x128xf32, #tpu.memory_space<vmem_shared>> -> memref<10240x128xf32, #tpu.memory_space<vmem_shared>>
      tpu.wait_indirect_dma semaphore(%arg13 : memref<!tpu.dma_semaphore, #tpu.memory_space<semaphore_mem>>) src(%arg8 : memref<128x128xf32, #tpu.memory_space<vmem>>) dst(%dma_wait3A_150 : memref<10240x128xf32, #tpu.memory_space<vmem_shared>>)
      %add3A_151 = arith.constant 1 : i32
      %add3A_152 = arith.addi %add3A_131, %add3A_151 : i32
      %mul3A_153 = arith.constant 128 : i32
      %mul3A_154 = arith.muli %add3A_152, %mul3A_153 : i32
      %dma_start3A_155 = arith.constant 0 : i32
      %dma_start3A_156 = tpu.memref_slice %arg2[%mul3A_154, %dma_start3A_155] : memref<10240x128xf32, #tpu.memory_space<hbm>> -> memref<128x128xf32, #tpu.memory_space<hbm>>
      %dma_start3A_157 = arith.constant 0 : i32
      %dma_start3A_158 = tpu.memref_slice %arg2[%mul3A_154, %dma_start3A_157] : memref<10240x128xf32, #tpu.memory_space<hbm>> -> memref<128x128xf32, #tpu.memory_space<hbm>>
      tpu.enqueue_dma source(%dma_start3A_158 : memref<128x128xf32, #tpu.memory_space<hbm>>) target(%arg8 : memref<128x128xf32, #tpu.memory_space<vmem>>) target_semaphore(%arg11 : memref<!tpu.dma_semaphore, #tpu.memory_space<semaphore_mem>>)
      %mul3A_159 = arith.constant 2 : i32
      %mul3A_160 = arith.muli %mul3A_159, %scan3A_127 : i32
      %add3A_161 = arith.constant 2 : i32
      %add3A_162 = arith.addi %mul3A_160, %add3A_161 : i32
      %mul3A_163 = arith.constant 128 : i32
      %mul3A_164 = arith.muli %add3A_162, %mul3A_163 : i32
      %dma_wait3A_165 = arith.constant 0 : i32
      %dma_wait3A_166 = tpu.memref_slice %arg2[%mul3A_164, %dma_wait3A_165] : memref<10240x128xf32, #tpu.memory_space<hbm>> -> memref<128x128xf32, #tpu.memory_space<hbm>>
      %dma_wait3A_167 = arith.constant 0 : i32
      %dma_wait3A_168 = tpu.memref_slice %arg2[%mul3A_164, %dma_wait3A_167] : memref<10240x128xf32, #tpu.memory_space<hbm>> -> memref<128x128xf32, #tpu.memory_space<hbm>>
      tpu.wait_dma2 semaphore(%arg11 : memref<!tpu.dma_semaphore, #tpu.memory_space<semaphore_mem>>) src(%dma_wait3A_168 : memref<128x128xf32, #tpu.memory_space<hbm>>) dst(%arg8 : memref<128x128xf32, #tpu.memory_space<vmem>>)
      %dma_start3A_169 = arith.constant 0 : i32
      %dma_start3A_170 = tpu.memref_slice %arg7[%add3A_162, %dma_start3A_169] : memref<40x128xi32, #tpu.memory_space<vmem>> -> memref<1x128xi32, #tpu.memory_space<vmem>>
      %dma_start3A_171 = tpu.memref_squeeze %dma_start3A_170 : memref<1x128xi32, #tpu.memory_space<vmem>> -> memref<128xi32, #tpu.memory_space<vmem>>
      %dma_start3A_172 = arith.constant 0 : i32
      %dma_start3A_173 = arith.constant 0 : i32
      %dma_start3A_174 = tpu.memref_slice %arg10[%dma_start3A_172, %dma_start3A_173] : memref<10240x128xf32, #tpu.memory_space<vmem_shared>> -> memref<10240x128xf32, #tpu.memory_space<vmem_shared>>
      tpu.enqueue_indirect_dma source(%arg8 : memref<128x128xf32, #tpu.memory_space<vmem>>) target(%dma_start3A_174 : memref<10240x128xf32, #tpu.memory_space<vmem_shared>>) offsets(%dma_start3A_171 : memref<128xi32, #tpu.memory_space<vmem>>) semaphore(%arg13 : memref<!tpu.dma_semaphore, #tpu.memory_space<semaphore_mem>>) {add = true}
      %sub3A_175 = arith.constant 1 : i32
      %sub3A_176 = arith.subi %add3A_162, %sub3A_175 : i32
      %dma_wait3A_177 = arith.constant 0 : i32
      %dma_wait3A_178 = tpu.memref_slice %arg7[%sub3A_176, %dma_wait3A_177] : memref<40x128xi32, #tpu.memory_space<vmem>> -> memref<1x128xi32, #tpu.memory_space<vmem>>
      %dma_wait3A_179 = tpu.memref_squeeze %dma_wait3A_178 : memref<1x128xi32, #tpu.memory_space<vmem>> -> memref<128xi32, #tpu.memory_space<vmem>>
      %dma_wait3A_180 = arith.constant 0 : i32
      %dma_wait3A_181 = arith.constant 0 : i32
      %dma_wait3A_182 = tpu.memref_slice %arg10[%dma_wait3A_180, %dma_wait3A_181] : memref<10240x128xf32, #tpu.memory_space<vmem_shared>> -> memref<10240x128xf32, #tpu.memory_space<vmem_shared>>
      tpu.wait_indirect_dma semaphore(%arg14 : memref<!tpu.dma_semaphore, #tpu.memory_space<semaphore_mem>>) src(%arg9 : memref<128x128xf32, #tpu.memory_space<vmem>>) dst(%dma_wait3A_182 : memref<10240x128xf32, #tpu.memory_space<vmem_shared>>)
      %add3A_183 = arith.constant 1 : i32
      %add3A_184 = arith.addi %add3A_162, %add3A_183 : i32
      %mul3A_185 = arith.constant 128 : i32
      %mul3A_186 = arith.muli %add3A_184, %mul3A_185 : i32
      %dma_start3A_187 = arith.constant 0 : i32
      %dma_start3A_188 = tpu.memref_slice %arg2[%mul3A_186, %dma_start3A_187] : memref<10240x128xf32, #tpu.memory_space<hbm>> -> memref<128x128xf32, #tpu.memory_space<hbm>>
      %dma_start3A_189 = arith.constant 0 : i32
      %dma_start3A_190 = tpu.memref_slice %arg2[%mul3A_186, %dma_start3A_189] : memref<10240x128xf32, #tpu.memory_space<hbm>> -> memref<128x128xf32, #tpu.memory_space<hbm>>
      tpu.enqueue_dma source(%dma_start3A_190 : memref<128x128xf32, #tpu.memory_space<hbm>>) target(%arg9 : memref<128x128xf32, #tpu.memory_space<vmem>>) target_semaphore(%arg12 : memref<!tpu.dma_semaphore, #tpu.memory_space<semaphore_mem>>)
      %scan3A_191 = arith.constant 0 : i32
      scf.yield %scan3A_191 : i32
    }
    %scan3A_35 = arith.constant 19 : i32
    %dma_wait3A_36 = arith.constant 4992 : i32
    %dma_wait3A_37 = arith.constant 0 : i32
    %dma_wait3A_38 = tpu.memref_slice %arg2[%dma_wait3A_36, %dma_wait3A_37] : memref<10240x128xf32, #tpu.memory_space<hbm>> -> memref<128x128xf32, #tpu.memory_space<hbm>>
    %dma_wait3A_39 = arith.constant 4992 : i32
    %dma_wait3A_40 = arith.constant 0 : i32
    %dma_wait3A_41 = tpu.memref_slice %arg2[%dma_wait3A_39, %dma_wait3A_40] : memref<10240x128xf32, #tpu.memory_space<hbm>> -> memref<128x128xf32, #tpu.memory_space<hbm>>
    tpu.wait_dma2 semaphore(%arg12 : memref<!tpu.dma_semaphore, #tpu.memory_space<semaphore_mem>>) src(%dma_wait3A_41 : memref<128x128xf32, #tpu.memory_space<hbm>>) dst(%arg9 : memref<128x128xf32, #tpu.memory_space<vmem>>)
    %dma_start3A_42 = arith.constant 39 : i32
    %dma_start3A_43 = arith.constant 0 : i32
    %dma_start3A_44 = tpu.memref_slice %arg7[%dma_start3A_42, %dma_start3A_43] : memref<40x128xi32, #tpu.memory_space<vmem>> -> memref<1x128xi32, #tpu.memory_space<vmem>>
    %dma_start3A_45 = tpu.memref_squeeze %dma_start3A_44 : memref<1x128xi32, #tpu.memory_space<vmem>> -> memref<128xi32, #tpu.memory_space<vmem>>
    %dma_start3A_46 = arith.constant 0 : i32
    %dma_start3A_47 = arith.constant 0 : i32
    %dma_start3A_48 = tpu.memref_slice %arg10[%dma_start3A_46, %dma_start3A_47] : memref<10240x128xf32, #tpu.memory_space<vmem_shared>> -> memref<10240x128xf32, #tpu.memory_space<vmem_shared>>
    tpu.enqueue_indirect_dma source(%arg9 : memref<128x128xf32, #tpu.memory_space<vmem>>) target(%dma_start3A_48 : memref<10240x128xf32, #tpu.memory_space<vmem_shared>>) offsets(%dma_start3A_45 : memref<128xi32, #tpu.memory_space<vmem>>) semaphore(%arg14 : memref<!tpu.dma_semaphore, #tpu.memory_space<semaphore_mem>>) {add = true}
    %dma_wait3A_49 = arith.constant 38 : i32
    %dma_wait3A_50 = arith.constant 0 : i32
    %dma_wait3A_51 = tpu.memref_slice %arg7[%dma_wait3A_49, %dma_wait3A_50] : memref<40x128xi32, #tpu.memory_space<vmem>> -> memref<1x128xi32, #tpu.memory_space<vmem>>
    %dma_wait3A_52 = tpu.memref_squeeze %dma_wait3A_51 : memref<1x128xi32, #tpu.memory_space<vmem>> -> memref<128xi32, #tpu.memory_space<vmem>>
    %dma_wait3A_53 = arith.constant 0 : i32
    %dma_wait3A_54 = arith.constant 0 : i32
    %dma_wait3A_55 = tpu.memref_slice %arg10[%dma_wait3A_53, %dma_wait3A_54] : memref<10240x128xf32, #tpu.memory_space<vmem_shared>> -> memref<10240x128xf32, #tpu.memory_space<vmem_shared>>
    tpu.wait_indirect_dma semaphore(%arg13 : memref<!tpu.dma_semaphore, #tpu.memory_space<semaphore_mem>>) src(%arg8 : memref<128x128xf32, #tpu.memory_space<vmem>>) dst(%dma_wait3A_55 : memref<10240x128xf32, #tpu.memory_space<vmem_shared>>)
    %dma_wait3A_56 = arith.constant 39 : i32
    %dma_wait3A_57 = arith.constant 0 : i32
    %dma_wait3A_58 = tpu.memref_slice %arg7[%dma_wait3A_56, %dma_wait3A_57] : memref<40x128xi32, #tpu.memory_space<vmem>> -> memref<1x128xi32, #tpu.memory_space<vmem>>
    %dma_wait3A_59 = tpu.memref_squeeze %dma_wait3A_58 : memref<1x128xi32, #tpu.memory_space<vmem>> -> memref<128xi32, #tpu.memory_space<vmem>>
    %dma_wait3A_60 = arith.constant 0 : i32
    %dma_wait3A_61 = arith.constant 0 : i32
    %dma_wait3A_62 = tpu.memref_slice %arg10[%dma_wait3A_60, %dma_wait3A_61] : memref<10240x128xf32, #tpu.memory_space<vmem_shared>> -> memref<10240x128xf32, #tpu.memory_space<vmem_shared>>
    tpu.wait_indirect_dma semaphore(%arg14 : memref<!tpu.dma_semaphore, #tpu.memory_space<semaphore_mem>>) src(%arg9 : memref<128x128xf32, #tpu.memory_space<vmem>>) dst(%dma_wait3A_62 : memref<10240x128xf32, #tpu.memory_space<vmem_shared>>)
    "tpu.region"() ({
      %run_scoped3A = tpu.sem_alloc : memref<!tpu.dma_semaphore, #tpu.memory_space<semaphore_mem>>
      %dma_start3A_127 = arith.constant 40 : i32
      %dma_start3A_128 = arith.constant 0 : i32
      %dma_start3A_129 = tpu.memref_slice %arg3[%arg0, %arg1, %dma_start3A_127, %dma_start3A_128] : memref<2x16x80x128xi32, #tpu.memory_space<hbm>> -> memref<1x1x40x128xi32, #tpu.memory_space<hbm>>
      %dma_start3A_130 = tpu.memref_squeeze %dma_start3A_129 : memref<1x1x40x128xi32, #tpu.memory_space<hbm>> -> memref<40x128xi32, #tpu.memory_space<hbm>>
      %dma_start3A_131 = arith.constant 40 : i32
      %dma_start3A_132 = arith.constant 0 : i32
      %dma_start3A_133 = tpu.memref_slice %arg3[%arg0, %arg1, %dma_start3A_131, %dma_start3A_132] : memref<2x16x80x128xi32, #tpu.memory_space<hbm>> -> memref<1x1x40x128xi32, #tpu.memory_space<hbm>>
      %dma_start3A_134 = tpu.memref_squeeze %dma_start3A_133 : memref<1x1x40x128xi32, #tpu.memory_space<hbm>> -> memref<40x128xi32, #tpu.memory_space<hbm>>
      tpu.enqueue_dma source(%dma_start3A_134 : memref<40x128xi32, #tpu.memory_space<hbm>>) target(%arg6 : memref<40x128xi32, #tpu.memory_space<vmem>>) target_semaphore(%run_scoped3A : memref<!tpu.dma_semaphore, #tpu.memory_space<semaphore_mem>>)
      %dma_wait3A_135 = arith.constant 40 : i32
      %dma_wait3A_136 = arith.constant 0 : i32
      %dma_wait3A_137 = tpu.memref_slice %arg3[%arg0, %arg1, %dma_wait3A_135, %dma_wait3A_136] : memref<2x16x80x128xi32, #tpu.memory_space<hbm>> -> memref<1x1x40x128xi32, #tpu.memory_space<hbm>>
      %dma_wait3A_138 = tpu.memref_squeeze %dma_wait3A_137 : memref<1x1x40x128xi32, #tpu.memory_space<hbm>> -> memref<40x128xi32, #tpu.memory_space<hbm>>
      %dma_wait3A_139 = arith.constant 40 : i32
      %dma_wait3A_140 = arith.constant 0 : i32
      %dma_wait3A_141 = tpu.memref_slice %arg3[%arg0, %arg1, %dma_wait3A_139, %dma_wait3A_140] : memref<2x16x80x128xi32, #tpu.memory_space<hbm>> -> memref<1x1x40x128xi32, #tpu.memory_space<hbm>>
      %dma_wait3A_142 = tpu.memref_squeeze %dma_wait3A_141 : memref<1x1x40x128xi32, #tpu.memory_space<hbm>> -> memref<40x128xi32, #tpu.memory_space<hbm>>
      tpu.wait_dma2 semaphore(%run_scoped3A : memref<!tpu.dma_semaphore, #tpu.memory_space<semaphore_mem>>) src(%dma_wait3A_142 : memref<40x128xi32, #tpu.memory_space<hbm>>) dst(%arg6 : memref<40x128xi32, #tpu.memory_space<vmem>>)
      tpu.yield
    }) : () -> ()
    "tpu.region"() ({
      %run_scoped3A = tpu.sem_alloc : memref<!tpu.dma_semaphore, #tpu.memory_space<semaphore_mem>>
      %dma_start3A_127 = arith.constant 40 : i32
      %dma_start3A_128 = arith.constant 0 : i32
      %dma_start3A_129 = tpu.memref_slice %arg4[%arg0, %arg1, %dma_start3A_127, %dma_start3A_128] : memref<2x16x80x128xi32, #tpu.memory_space<hbm>> -> memref<1x1x40x128xi32, #tpu.memory_space<hbm>>
      %dma_start3A_130 = tpu.memref_squeeze %dma_start3A_129 : memref<1x1x40x128xi32, #tpu.memory_space<hbm>> -> memref<40x128xi32, #tpu.memory_space<hbm>>
      %dma_start3A_131 = arith.constant 40 : i32
      %dma_start3A_132 = arith.constant 0 : i32
      %dma_start3A_133 = tpu.memref_slice %arg4[%arg0, %arg1, %dma_start3A_131, %dma_start3A_132] : memref<2x16x80x128xi32, #tpu.memory_space<hbm>> -> memref<1x1x40x128xi32, #tpu.memory_space<hbm>>
      %dma_start3A_134 = tpu.memref_squeeze %dma_start3A_133 : memref<1x1x40x128xi32, #tpu.memory_space<hbm>> -> memref<40x128xi32, #tpu.memory_space<hbm>>
      tpu.enqueue_dma source(%dma_start3A_134 : memref<40x128xi32, #tpu.memory_space<hbm>>) target(%arg7 : memref<40x128xi32, #tpu.memory_space<vmem>>) target_semaphore(%run_scoped3A : memref<!tpu.dma_semaphore, #tpu.memory_space<semaphore_mem>>)
      %dma_wait3A_135 = arith.constant 40 : i32
      %dma_wait3A_136 = arith.constant 0 : i32
      %dma_wait3A_137 = tpu.memref_slice %arg4[%arg0, %arg1, %dma_wait3A_135, %dma_wait3A_136] : memref<2x16x80x128xi32, #tpu.memory_space<hbm>> -> memref<1x1x40x128xi32, #tpu.memory_space<hbm>>
      %dma_wait3A_138 = tpu.memref_squeeze %dma_wait3A_137 : memref<1x1x40x128xi32, #tpu.memory_space<hbm>> -> memref<40x128xi32, #tpu.memory_space<hbm>>
      %dma_wait3A_139 = arith.constant 40 : i32
      %dma_wait3A_140 = arith.constant 0 : i32
      %dma_wait3A_141 = tpu.memref_slice %arg4[%arg0, %arg1, %dma_wait3A_139, %dma_wait3A_140] : memref<2x16x80x128xi32, #tpu.memory_space<hbm>> -> memref<1x1x40x128xi32, #tpu.memory_space<hbm>>
      %dma_wait3A_142 = tpu.memref_squeeze %dma_wait3A_141 : memref<1x1x40x128xi32, #tpu.memory_space<hbm>> -> memref<40x128xi32, #tpu.memory_space<hbm>>
      tpu.wait_dma2 semaphore(%run_scoped3A : memref<!tpu.dma_semaphore, #tpu.memory_space<semaphore_mem>>) src(%dma_wait3A_142 : memref<40x128xi32, #tpu.memory_space<hbm>>) dst(%arg7 : memref<40x128xi32, #tpu.memory_space<vmem>>)
      tpu.yield
    }) : () -> ()
    %dma_start3A_63 = arith.constant 0 : i32
    %dma_start3A_64 = arith.constant 0 : i32
    %dma_start3A_65 = tpu.memref_slice %arg2[%dma_start3A_63, %dma_start3A_64] : memref<10240x128xf32, #tpu.memory_space<hbm>> -> memref<128x128xf32, #tpu.memory_space<hbm>>
    %dma_start3A_66 = arith.constant 0 : i32
    %dma_start3A_67 = arith.constant 0 : i32
    %dma_start3A_68 = tpu.memref_slice %arg2[%dma_start3A_66, %dma_start3A_67] : memref<10240x128xf32, #tpu.memory_space<hbm>> -> memref<128x128xf32, #tpu.memory_space<hbm>>
    tpu.enqueue_dma source(%dma_start3A_68 : memref<128x128xf32, #tpu.memory_space<hbm>>) target(%arg8 : memref<128x128xf32, #tpu.memory_space<vmem>>) target_semaphore(%arg11 : memref<!tpu.dma_semaphore, #tpu.memory_space<semaphore_mem>>)
    %dma_wait3A_69 = arith.constant 0 : i32
    %dma_wait3A_70 = arith.constant 0 : i32
    %dma_wait3A_71 = tpu.memref_slice %arg2[%dma_wait3A_69, %dma_wait3A_70] : memref<10240x128xf32, #tpu.memory_space<hbm>> -> memref<128x128xf32, #tpu.memory_space<hbm>>
    %dma_wait3A_72 = arith.constant 0 : i32
    %dma_wait3A_73 = arith.constant 0 : i32
    %dma_wait3A_74 = tpu.memref_slice %arg2[%dma_wait3A_72, %dma_wait3A_73] : memref<10240x128xf32, #tpu.memory_space<hbm>> -> memref<128x128xf32, #tpu.memory_space<hbm>>
    tpu.wait_dma2 semaphore(%arg11 : memref<!tpu.dma_semaphore, #tpu.memory_space<semaphore_mem>>) src(%dma_wait3A_74 : memref<128x128xf32, #tpu.memory_space<hbm>>) dst(%arg8 : memref<128x128xf32, #tpu.memory_space<vmem>>)
    %dma_start3A_75 = arith.constant 0 : i32
    %dma_start3A_76 = arith.constant 0 : i32
    %dma_start3A_77 = tpu.memref_slice %arg7[%dma_start3A_75, %dma_start3A_76] : memref<40x128xi32, #tpu.memory_space<vmem>> -> memref<1x128xi32, #tpu.memory_space<vmem>>
    %dma_start3A_78 = tpu.memref_squeeze %dma_start3A_77 : memref<1x128xi32, #tpu.memory_space<vmem>> -> memref<128xi32, #tpu.memory_space<vmem>>
    %dma_start3A_79 = arith.constant 0 : i32
    %dma_start3A_80 = arith.constant 0 : i32
    %dma_start3A_81 = tpu.memref_slice %arg10[%dma_start3A_79, %dma_start3A_80] : memref<10240x128xf32, #tpu.memory_space<vmem_shared>> -> memref<10240x128xf32, #tpu.memory_space<vmem_shared>>
    tpu.enqueue_indirect_dma source(%arg8 : memref<128x128xf32, #tpu.memory_space<vmem>>) target(%dma_start3A_81 : memref<10240x128xf32, #tpu.memory_space<vmem_shared>>) offsets(%dma_start3A_78 : memref<128xi32, #tpu.memory_space<vmem>>) semaphore(%arg13 : memref<!tpu.dma_semaphore, #tpu.memory_space<semaphore_mem>>) {add = true}
    %dma_start3A_82 = arith.constant 128 : i32
    %dma_start3A_83 = arith.constant 0 : i32
    %dma_start3A_84 = tpu.memref_slice %arg2[%dma_start3A_82, %dma_start3A_83] : memref<10240x128xf32, #tpu.memory_space<hbm>> -> memref<128x128xf32, #tpu.memory_space<hbm>>
    %dma_start3A_85 = arith.constant 128 : i32
    %dma_start3A_86 = arith.constant 0 : i32
    %dma_start3A_87 = tpu.memref_slice %arg2[%dma_start3A_85, %dma_start3A_86] : memref<10240x128xf32, #tpu.memory_space<hbm>> -> memref<128x128xf32, #tpu.memory_space<hbm>>
    tpu.enqueue_dma source(%dma_start3A_87 : memref<128x128xf32, #tpu.memory_space<hbm>>) target(%arg9 : memref<128x128xf32, #tpu.memory_space<vmem>>) target_semaphore(%arg12 : memref<!tpu.dma_semaphore, #tpu.memory_space<semaphore_mem>>)
    %scan3A_88 = arith.constant 0 : i32
    %scan3A_89 = arith.constant 0 : i32
    %scan3A_90 = arith.constant 19 : i32
    %scan3A_91 = arith.addi %scan3A_89, %scan3A_90 : i32
    %scan3A_92 = arith.constant 1 : i32
    %scan3A_93 = scf.for %scan3A_127 = %scan3A_89 to %scan3A_91 step %scan3A_92 iter_args(%scan3A_128 = %scan3A_88) -> (i32)  : i32 {
      %mul3A_129 = arith.constant 2 : i32
      %mul3A_130 = arith.muli %mul3A_129, %scan3A_127 : i32
      %add3A = arith.constant 1 : i32
      %add3A_131 = arith.addi %mul3A_130, %add3A : i32
      %mul3A_132 = arith.constant 128 : i32
      %mul3A_133 = arith.muli %add3A_131, %mul3A_132 : i32
      %dma_wait3A_134 = arith.constant 0 : i32
      %dma_wait3A_135 = tpu.memref_slice %arg2[%mul3A_133, %dma_wait3A_134] : memref<10240x128xf32, #tpu.memory_space<hbm>> -> memref<128x128xf32, #tpu.memory_space<hbm>>
      %dma_wait3A_136 = arith.constant 0 : i32
      %dma_wait3A_137 = tpu.memref_slice %arg2[%mul3A_133, %dma_wait3A_136] : memref<10240x128xf32, #tpu.memory_space<hbm>> -> memref<128x128xf32, #tpu.memory_space<hbm>>
      tpu.wait_dma2 semaphore(%arg12 : memref<!tpu.dma_semaphore, #tpu.memory_space<semaphore_mem>>) src(%dma_wait3A_137 : memref<128x128xf32, #tpu.memory_space<hbm>>) dst(%arg9 : memref<128x128xf32, #tpu.memory_space<vmem>>)
      %dma_start3A_138 = arith.constant 0 : i32
      %dma_start3A_139 = tpu.memref_slice %arg7[%add3A_131, %dma_start3A_138] : memref<40x128xi32, #tpu.memory_space<vmem>> -> memref<1x128xi32, #tpu.memory_space<vmem>>
      %dma_start3A_140 = tpu.memref_squeeze %dma_start3A_139 : memref<1x128xi32, #tpu.memory_space<vmem>> -> memref<128xi32, #tpu.memory_space<vmem>>
      %dma_start3A_141 = arith.constant 0 : i32
      %dma_start3A_142 = arith.constant 0 : i32
      %dma_start3A_143 = tpu.memref_slice %arg10[%dma_start3A_141, %dma_start3A_142] : memref<10240x128xf32, #tpu.memory_space<vmem_shared>> -> memref<10240x128xf32, #tpu.memory_space<vmem_shared>>
      tpu.enqueue_indirect_dma source(%arg9 : memref<128x128xf32, #tpu.memory_space<vmem>>) target(%dma_start3A_143 : memref<10240x128xf32, #tpu.memory_space<vmem_shared>>) offsets(%dma_start3A_140 : memref<128xi32, #tpu.memory_space<vmem>>) semaphore(%arg14 : memref<!tpu.dma_semaphore, #tpu.memory_space<semaphore_mem>>) {add = true}
      %sub3A = arith.constant 1 : i32
      %sub3A_144 = arith.subi %add3A_131, %sub3A : i32
      %dma_wait3A_145 = arith.constant 0 : i32
      %dma_wait3A_146 = tpu.memref_slice %arg7[%sub3A_144, %dma_wait3A_145] : memref<40x128xi32, #tpu.memory_space<vmem>> -> memref<1x128xi32, #tpu.memory_space<vmem>>
      %dma_wait3A_147 = tpu.memref_squeeze %dma_wait3A_146 : memref<1x128xi32, #tpu.memory_space<vmem>> -> memref<128xi32, #tpu.memory_space<vmem>>
      %dma_wait3A_148 = arith.constant 0 : i32
      %dma_wait3A_149 = arith.constant 0 : i32
      %dma_wait3A_150 = tpu.memref_slice %arg10[%dma_wait3A_148, %dma_wait3A_149] : memref<10240x128xf32, #tpu.memory_space<vmem_shared>> -> memref<10240x128xf32, #tpu.memory_space<vmem_shared>>
      tpu.wait_indirect_dma semaphore(%arg13 : memref<!tpu.dma_semaphore, #tpu.memory_space<semaphore_mem>>) src(%arg8 : memref<128x128xf32, #tpu.memory_space<vmem>>) dst(%dma_wait3A_150 : memref<10240x128xf32, #tpu.memory_space<vmem_shared>>)
      %add3A_151 = arith.constant 1 : i32
      %add3A_152 = arith.addi %add3A_131, %add3A_151 : i32
      %mul3A_153 = arith.constant 128 : i32
      %mul3A_154 = arith.muli %add3A_152, %mul3A_153 : i32
      %dma_start3A_155 = arith.constant 0 : i32
      %dma_start3A_156 = tpu.memref_slice %arg2[%mul3A_154, %dma_start3A_155] : memref<10240x128xf32, #tpu.memory_space<hbm>> -> memref<128x128xf32, #tpu.memory_space<hbm>>
      %dma_start3A_157 = arith.constant 0 : i32
      %dma_start3A_158 = tpu.memref_slice %arg2[%mul3A_154, %dma_start3A_157] : memref<10240x128xf32, #tpu.memory_space<hbm>> -> memref<128x128xf32, #tpu.memory_space<hbm>>
      tpu.enqueue_dma source(%dma_start3A_158 : memref<128x128xf32, #tpu.memory_space<hbm>>) target(%arg8 : memref<128x128xf32, #tpu.memory_space<vmem>>) target_semaphore(%arg11 : memref<!tpu.dma_semaphore, #tpu.memory_space<semaphore_mem>>)
      %mul3A_159 = arith.constant 2 : i32
      %mul3A_160 = arith.muli %mul3A_159, %scan3A_127 : i32
      %add3A_161 = arith.constant 2 : i32
      %add3A_162 = arith.addi %mul3A_160, %add3A_161 : i32
      %mul3A_163 = arith.constant 128 : i32
      %mul3A_164 = arith.muli %add3A_162, %mul3A_163 : i32
      %dma_wait3A_165 = arith.constant 0 : i32
      %dma_wait3A_166 = tpu.memref_slice %arg2[%mul3A_164, %dma_wait3A_165] : memref<10240x128xf32, #tpu.memory_space<hbm>> -> memref<128x128xf32, #tpu.memory_space<hbm>>
      %dma_wait3A_167 = arith.constant 0 : i32
      %dma_wait3A_168 = tpu.memref_slice %arg2[%mul3A_164, %dma_wait3A_167] : memref<10240x128xf32, #tpu.memory_space<hbm>> -> memref<128x128xf32, #tpu.memory_space<hbm>>
      tpu.wait_dma2 semaphore(%arg11 : memref<!tpu.dma_semaphore, #tpu.memory_space<semaphore_mem>>) src(%dma_wait3A_168 : memref<128x128xf32, #tpu.memory_space<hbm>>) dst(%arg8 : memref<128x128xf32, #tpu.memory_space<vmem>>)
      %dma_start3A_169 = arith.constant 0 : i32
      %dma_start3A_170 = tpu.memref_slice %arg7[%add3A_162, %dma_start3A_169] : memref<40x128xi32, #tpu.memory_space<vmem>> -> memref<1x128xi32, #tpu.memory_space<vmem>>
      %dma_start3A_171 = tpu.memref_squeeze %dma_start3A_170 : memref<1x128xi32, #tpu.memory_space<vmem>> -> memref<128xi32, #tpu.memory_space<vmem>>
      %dma_start3A_172 = arith.constant 0 : i32
      %dma_start3A_173 = arith.constant 0 : i32
      %dma_start3A_174 = tpu.memref_slice %arg10[%dma_start3A_172, %dma_start3A_173] : memref<10240x128xf32, #tpu.memory_space<vmem_shared>> -> memref<10240x128xf32, #tpu.memory_space<vmem_shared>>
      tpu.enqueue_indirect_dma source(%arg8 : memref<128x128xf32, #tpu.memory_space<vmem>>) target(%dma_start3A_174 : memref<10240x128xf32, #tpu.memory_space<vmem_shared>>) offsets(%dma_start3A_171 : memref<128xi32, #tpu.memory_space<vmem>>) semaphore(%arg13 : memref<!tpu.dma_semaphore, #tpu.memory_space<semaphore_mem>>) {add = true}
      %sub3A_175 = arith.constant 1 : i32
      %sub3A_176 = arith.subi %add3A_162, %sub3A_175 : i32
      %dma_wait3A_177 = arith.constant 0 : i32
      %dma_wait3A_178 = tpu.memref_slice %arg7[%sub3A_176, %dma_wait3A_177] : memref<40x128xi32, #tpu.memory_space<vmem>> -> memref<1x128xi32, #tpu.memory_space<vmem>>
      %dma_wait3A_179 = tpu.memref_squeeze %dma_wait3A_178 : memref<1x128xi32, #tpu.memory_space<vmem>> -> memref<128xi32, #tpu.memory_space<vmem>>
      %dma_wait3A_180 = arith.constant 0 : i32
      %dma_wait3A_181 = arith.constant 0 : i32
      %dma_wait3A_182 = tpu.memref_slice %arg10[%dma_wait3A_180, %dma_wait3A_181] : memref<10240x128xf32, #tpu.memory_space<vmem_shared>> -> memref<10240x128xf32, #tpu.memory_space<vmem_shared>>
      tpu.wait_indirect_dma semaphore(%arg14 : memref<!tpu.dma_semaphore, #tpu.memory_space<semaphore_mem>>) src(%arg9 : memref<128x128xf32, #tpu.memory_space<vmem>>) dst(%dma_wait3A_182 : memref<10240x128xf32, #tpu.memory_space<vmem_shared>>)
      %add3A_183 = arith.constant 1 : i32
      %add3A_184 = arith.addi %add3A_162, %add3A_183 : i32
      %mul3A_185 = arith.constant 128 : i32
      %mul3A_186 = arith.muli %add3A_184, %mul3A_185 : i32
      %dma_start3A_187 = arith.constant 0 : i32
      %dma_start3A_188 = tpu.memref_slice %arg2[%mul3A_186, %dma_start3A_187] : memref<10240x128xf32, #tpu.memory_space<hbm>> -> memref<128x128xf32, #tpu.memory_space<hbm>>
      %dma_start3A_189 = arith.constant 0 : i32
      %dma_start3A_190 = tpu.memref_slice %arg2[%mul3A_186, %dma_start3A_189] : memref<10240x128xf32, #tpu.memory_space<hbm>> -> memref<128x128xf32, #tpu.memory_space<hbm>>
      tpu.enqueue_dma source(%dma_start3A_190 : memref<128x128xf32, #tpu.memory_space<hbm>>) target(%arg9 : memref<128x128xf32, #tpu.memory_space<vmem>>) target_semaphore(%arg12 : memref<!tpu.dma_semaphore, #tpu.memory_space<semaphore_mem>>)
      %scan3A_191 = arith.constant 0 : i32
      scf.yield %scan3A_191 : i32
    }
    %scan3A_94 = arith.constant 19 : i32
    %dma_wait3A_95 = arith.constant 4992 : i32
    %dma_wait3A_96 = arith.constant 0 : i32
    %dma_wait3A_97 = tpu.memref_slice %arg2[%dma_wait3A_95, %dma_wait3A_96] : memref<10240x128xf32, #tpu.memory_space<hbm>> -> memref<128x128xf32, #tpu.memory_space<hbm>>
    %dma_wait3A_98 = arith.constant 4992 : i32
    %dma_wait3A_99 = arith.constant 0 : i32
    %dma_wait3A_100 = tpu.memref_slice %arg2[%dma_wait3A_98, %dma_wait3A_99] : memref<10240x128xf32, #tpu.memory_space<hbm>> -> memref<128x128xf32, #tpu.memory_space<hbm>>
    tpu.wait_dma2 semaphore(%arg12 : memref<!tpu.dma_semaphore, #tpu.memory_space<semaphore_mem>>) src(%dma_wait3A_100 : memref<128x128xf32, #tpu.memory_space<hbm>>) dst(%arg9 : memref<128x128xf32, #tpu.memory_space<vmem>>)
    %dma_start3A_101 = arith.constant 39 : i32
    %dma_start3A_102 = arith.constant 0 : i32
    %dma_start3A_103 = tpu.memref_slice %arg7[%dma_start3A_101, %dma_start3A_102] : memref<40x128xi32, #tpu.memory_space<vmem>> -> memref<1x128xi32, #tpu.memory_space<vmem>>
    %dma_start3A_104 = tpu.memref_squeeze %dma_start3A_103 : memref<1x128xi32, #tpu.memory_space<vmem>> -> memref<128xi32, #tpu.memory_space<vmem>>
    %dma_start3A_105 = arith.constant 0 : i32
    %dma_start3A_106 = arith.constant 0 : i32
    %dma_start3A_107 = tpu.memref_slice %arg10[%dma_start3A_105, %dma_start3A_106] : memref<10240x128xf32, #tpu.memory_space<vmem_shared>> -> memref<10240x128xf32, #tpu.memory_space<vmem_shared>>
    tpu.enqueue_indirect_dma source(%arg9 : memref<128x128xf32, #tpu.memory_space<vmem>>) target(%dma_start3A_107 : memref<10240x128xf32, #tpu.memory_space<vmem_shared>>) offsets(%dma_start3A_104 : memref<128xi32, #tpu.memory_space<vmem>>) semaphore(%arg14 : memref<!tpu.dma_semaphore, #tpu.memory_space<semaphore_mem>>) {add = true}
    %dma_wait3A_108 = arith.constant 38 : i32
    %dma_wait3A_109 = arith.constant 0 : i32
    %dma_wait3A_110 = tpu.memref_slice %arg7[%dma_wait3A_108, %dma_wait3A_109] : memref<40x128xi32, #tpu.memory_space<vmem>> -> memref<1x128xi32, #tpu.memory_space<vmem>>
    %dma_wait3A_111 = tpu.memref_squeeze %dma_wait3A_110 : memref<1x128xi32, #tpu.memory_space<vmem>> -> memref<128xi32, #tpu.memory_space<vmem>>
    %dma_wait3A_112 = arith.constant 0 : i32
    %dma_wait3A_113 = arith.constant 0 : i32
    %dma_wait3A_114 = tpu.memref_slice %arg10[%dma_wait3A_112, %dma_wait3A_113] : memref<10240x128xf32, #tpu.memory_space<vmem_shared>> -> memref<10240x128xf32, #tpu.memory_space<vmem_shared>>
    tpu.wait_indirect_dma semaphore(%arg13 : memref<!tpu.dma_semaphore, #tpu.memory_space<semaphore_mem>>) src(%arg8 : memref<128x128xf32, #tpu.memory_space<vmem>>) dst(%dma_wait3A_114 : memref<10240x128xf32, #tpu.memory_space<vmem_shared>>)
    %dma_wait3A_115 = arith.constant 39 : i32
    %dma_wait3A_116 = arith.constant 0 : i32
    %dma_wait3A_117 = tpu.memref_slice %arg7[%dma_wait3A_115, %dma_wait3A_116] : memref<40x128xi32, #tpu.memory_space<vmem>> -> memref<1x128xi32, #tpu.memory_space<vmem>>
    %dma_wait3A_118 = tpu.memref_squeeze %dma_wait3A_117 : memref<1x128xi32, #tpu.memory_space<vmem>> -> memref<128xi32, #tpu.memory_space<vmem>>
    %dma_wait3A_119 = arith.constant 0 : i32
    %dma_wait3A_120 = arith.constant 0 : i32
    %dma_wait3A_121 = tpu.memref_slice %arg10[%dma_wait3A_119, %dma_wait3A_120] : memref<10240x128xf32, #tpu.memory_space<vmem_shared>> -> memref<10240x128xf32, #tpu.memory_space<vmem_shared>>
    tpu.wait_indirect_dma semaphore(%arg14 : memref<!tpu.dma_semaphore, #tpu.memory_space<semaphore_mem>>) src(%arg9 : memref<128x128xf32, #tpu.memory_space<vmem>>) dst(%dma_wait3A_121 : memref<10240x128xf32, #tpu.memory_space<vmem_shared>>)
    %barrier3A_122 = arith.constant 0 : index
    tpu.barrier barrier_id(%barrier3A_122)
    %mul3A_123 = arith.constant 640 : i32
    %mul3A_124 = arith.muli %arg1, %mul3A_123 : i32
    %mul3A_125 = arith.constant 640 : i32
    %mul3A_126 = arith.muli %arg1, %mul3A_125 : i32
    "tpu.region"() ({
      %run_scoped3A = tpu.sem_alloc : memref<!tpu.dma_semaphore, #tpu.memory_space<semaphore_mem>>
      %dma_start3A_127 = arith.constant 0 : i32
      %dma_start3A_128 = tpu.memref_slice %arg5[%arg0, %mul3A_126, %dma_start3A_127] : memref<2x10240x128xf32, #tpu.memory_space<hbm>> -> memref<1x640x128xf32, #tpu.memory_space<hbm>>
      %dma_start3A_129 = tpu.memref_squeeze %dma_start3A_128 : memref<1x640x128xf32, #tpu.memory_space<hbm>> -> memref<640x128xf32, #tpu.memory_space<hbm>>
      %dma_start3A_130 = arith.constant 0 : i32
      %dma_start3A_131 = tpu.memref_slice %arg10[%mul3A_124, %dma_start3A_130] : memref<10240x128xf32, #tpu.memory_space<vmem_shared>> -> memref<640x128xf32, #tpu.memory_space<vmem_shared>>
      tpu.enqueue_dma source(%dma_start3A_131 : memref<640x128xf32, #tpu.memory_space<vmem_shared>>) target(%dma_start3A_129 : memref<640x128xf32, #tpu.memory_space<hbm>>) target_semaphore(%run_scoped3A : memref<!tpu.dma_semaphore, #tpu.memory_space<semaphore_mem>>)
      %dma_wait3A_132 = arith.constant 0 : i32
      %dma_wait3A_133 = tpu.memref_slice %arg5[%arg0, %mul3A_126, %dma_wait3A_132] : memref<2x10240x128xf32, #tpu.memory_space<hbm>> -> memref<1x640x128xf32, #tpu.memory_space<hbm>>
      %dma_wait3A_134 = tpu.memref_squeeze %dma_wait3A_133 : memref<1x640x128xf32, #tpu.memory_space<hbm>> -> memref<640x128xf32, #tpu.memory_space<hbm>>
      %dma_wait3A_135 = arith.constant 0 : i32
      %dma_wait3A_136 = tpu.memref_slice %arg10[%mul3A_124, %dma_wait3A_135] : memref<10240x128xf32, #tpu.memory_space<vmem_shared>> -> memref<640x128xf32, #tpu.memory_space<vmem_shared>>
      tpu.wait_dma2 semaphore(%run_scoped3A : memref<!tpu.dma_semaphore, #tpu.memory_space<semaphore_mem>>) src(%dma_wait3A_136 : memref<640x128xf32, #tpu.memory_space<vmem_shared>>) dst(%dma_wait3A_134 : memref<640x128xf32, #tpu.memory_space<hbm>>)
      tpu.yield
    }) : () -> ()
    return
  }
}

#map = affine_map<(d0, d1) -> (0, 0)>
#map1 = affine_map<(d0, d1) -> (0, 0, 0, 0)>
#map2 = affine_map<(d0, d1) -> (0, 0, 0)>
module attributes {stable_mosaic.version = 14 : i64} {
  func.func @_agg_body(%arg0: i32, %arg1: i32, %arg2: memref<10240x128xf32, #tpu.memory_space<hbm>>, %arg3: memref<2x16x80x128xi32, #tpu.memory_space<hbm>>, %arg4: memref<2x16x80x128xi32, #tpu.memory_space<hbm>>, %arg5: memref<2x10240x128xf32, #tpu.memory_space<hbm>>, %arg6: memref<40x128xi32, #tpu.memory_space<vmem>>, %arg7: memref<40x128xi32, #tpu.memory_space<vmem>>, %arg8: memref<128x128xf32, #tpu.memory_space<vmem>>, %arg9: memref<128x128xf32, #tpu.memory_space<vmem>>, %arg10: memref<10240x128xf32, #tpu.memory_space<vmem_shared>>, %arg11: memref<!tpu.dma_semaphore, #tpu.memory_space<semaphore_mem>>, %arg12: memref<!tpu.dma_semaphore, #tpu.memory_space<semaphore_mem>>, %arg13: memref<!tpu.dma_semaphore, #tpu.memory_space<semaphore_mem>>, %arg14: memref<!tpu.dma_semaphore, #tpu.memory_space<semaphore_mem>>) attributes {dimension_semantics = [#tpu.dimension_semantics<core_parallel>, #tpu.dimension_semantics<subcore_parallel>], iteration_bounds = array<i64: 2, 16>, scalar_prefetch = 0 : i64, scratch_operands = 9 : i64, tpu.core_type = #tpu.core_type<sc_vector_subcore>, window_params = [{transform_indices = #map}, {transform_indices = #map1}, {transform_indices = #map1}, {transform_indices = #map2}]} {
    %mul3A = arith.constant 640 : i32
    %mul3A_0 = arith.muli %arg1, %mul3A : i32
    %eq3A = arith.constant 0 : i32
    %eq3A_1 = arith.cmpi eq, %arg0, %eq3A : i32
    %convert_element_type3A = arith.extui %eq3A_1 : i1 to i32
    %cond3A = arith.constant 0 : i32
    %cond3A_2 = arith.cmpi ne, %convert_element_type3A, %cond3A : i32
    scf.if %cond3A_2 {
      "tpu.region"() ({
        %run_scoped3A = tpu.sem_alloc : memref<!tpu.dma_semaphore, #tpu.memory_space<semaphore_mem>>
        %dma_start3A_127 = arith.constant 0 : i32
        %dma_start3A_128 = tpu.memref_slice %arg10[%mul3A_0, %dma_start3A_127] : memref<10240x128xf32, #tpu.memory_space<vmem_shared>> -> memref<640x128xf32, #tpu.memory_space<vmem_shared>>
        %dma_start3A_129 = arith.constant 0 : i32
        %dma_start3A_130 = tpu.memref_slice %arg2[%mul3A_0, %dma_start3A_129] : memref<10240x128xf32, #tpu.memory_space<hbm>> -> memref<640x128xf32, #tpu.memory_space<hbm>>
        tpu.enqueue_dma source(%dma_start3A_130 : memref<640x128xf32, #tpu.memory_space<hbm>>) target(%dma_start3A_128 : memref<640x128xf32, #tpu.memory_space<vmem_shared>>) target_semaphore(%run_scoped3A : memref<!tpu.dma_semaphore, #tpu.memory_space<semaphore_mem>>)
        %dma_wait3A_131 = arith.constant 0 : i32
        %dma_wait3A_132 = tpu.memref_slice %arg10[%mul3A_0, %dma_wait3A_131] : memref<10240x128xf32, #tpu.memory_space<vmem_shared>> -> memref<640x128xf32, #tpu.memory_space<vmem_shared>>
        %dma_wait3A_133 = arith.constant 0 : i32
        %dma_wait3A_134 = tpu.memref_slice %arg2[%mul3A_0, %dma_wait3A_133] : memref<10240x128xf32, #tpu.memory_space<hbm>> -> memref<640x128xf32, #tpu.memory_space<hbm>>
        tpu.wait_dma2 semaphore(%run_scoped3A : memref<!tpu.dma_semaphore, #tpu.memory_space<semaphore_mem>>) src(%dma_wait3A_134 : memref<640x128xf32, #tpu.memory_space<hbm>>) dst(%dma_wait3A_132 : memref<640x128xf32, #tpu.memory_space<vmem_shared>>)
        tpu.yield
      }) : () -> ()
    } else {
    }
    %ne3A = arith.constant 0 : i32
    %ne3A_3 = arith.cmpi ne, %arg0, %ne3A : i32
    %convert_element_type3A_4 = arith.extui %ne3A_3 : i1 to i32
    %cond3A_5 = arith.constant 0 : i32
    %cond3A_6 = arith.cmpi ne, %convert_element_type3A_4, %cond3A_5 : i32
    scf.if %cond3A_6 {
      %scan3A_127 = arith.constant 0 : i32
      %scan3A_128 = arith.constant 0 : i32
      %scan3A_129 = arith.constant 128 : i32
      %scan3A_130 = arith.addi %scan3A_128, %scan3A_129 : i32
      %scan3A_131 = arith.constant 1 : i32
      %scan3A_132 = scf.for %scan3A_143 = %scan3A_128 to %scan3A_130 step %scan3A_131 iter_args(%scan3A_144 = %scan3A_127) -> (i32)  : i32 {
        %broadcast_in_dim3A = arith.constant 0.000000e+00 : f32
        %broadcast_in_dim3A_145 = vector.broadcast %broadcast_in_dim3A : f32 to vector<16xf32>
        %swap3A = arith.index_cast %scan3A_143 : i32 to index
        %swap3A_146 = arith.constant 0 : index
        %swap3A_147 = tpu.vector_load %arg8[%swap3A, %swap3A_146] {strides = array<i32>} : memref<128x128xf32, #tpu.memory_space<vmem>>, vector<1x16xf32>,
        %swap3A_148 = vector.shape_cast %swap3A_147 : vector<1x16xf32> to vector<16xf32>
        %swap3A_149 = vector.shape_cast %broadcast_in_dim3A_145 : vector<16xf32> to vector<1x16xf32>
        tpu.vector_store %arg8[%swap3A, %swap3A_146], %swap3A_149 {strides = array<i32>} : memref<128x128xf32, #tpu.memory_space<vmem>>, vector<1x16xf32>,
        %broadcast_in_dim3A_150 = arith.constant 0.000000e+00 : f32
        %broadcast_in_dim3A_151 = vector.broadcast %broadcast_in_dim3A_150 : f32 to vector<16xf32>
        %swap3A_152 = arith.index_cast %scan3A_143 : i32 to index
        %swap3A_153 = arith.constant 16 : index
        %swap3A_154 = tpu.vector_load %arg8[%swap3A_152, %swap3A_153] {strides = array<i32>} : memref<128x128xf32, #tpu.memory_space<vmem>>, vector<1x16xf32>,
        %swap3A_155 = vector.shape_cast %swap3A_154 : vector<1x16xf32> to vector<16xf32>
        %swap3A_156 = vector.shape_cast %broadcast_in_dim3A_151 : vector<16xf32> to vector<1x16xf32>
        tpu.vector_store %arg8[%swap3A_152, %swap3A_153], %swap3A_156 {strides = array<i32>} : memref<128x128xf32, #tpu.memory_space<vmem>>, vector<1x16xf32>,
        %broadcast_in_dim3A_157 = arith.constant 0.000000e+00 : f32
        %broadcast_in_dim3A_158 = vector.broadcast %broadcast_in_dim3A_157 : f32 to vector<16xf32>
        %swap3A_159 = arith.index_cast %scan3A_143 : i32 to index
        %swap3A_160 = arith.constant 32 : index
        %swap3A_161 = tpu.vector_load %arg8[%swap3A_159, %swap3A_160] {strides = array<i32>} : memref<128x128xf32, #tpu.memory_space<vmem>>, vector<1x16xf32>,
        %swap3A_162 = vector.shape_cast %swap3A_161 : vector<1x16xf32> to vector<16xf32>
        %swap3A_163 = vector.shape_cast %broadcast_in_dim3A_158 : vector<16xf32> to vector<1x16xf32>
        tpu.vector_store %arg8[%swap3A_159, %swap3A_160], %swap3A_163 {strides = array<i32>} : memref<128x128xf32, #tpu.memory_space<vmem>>, vector<1x16xf32>,
        %broadcast_in_dim3A_164 = arith.constant 0.000000e+00 : f32
        %broadcast_in_dim3A_165 = vector.broadcast %broadcast_in_dim3A_164 : f32 to vector<16xf32>
        %swap3A_166 = arith.index_cast %scan3A_143 : i32 to index
        %swap3A_167 = arith.constant 48 : index
        %swap3A_168 = tpu.vector_load %arg8[%swap3A_166, %swap3A_167] {strides = array<i32>} : memref<128x128xf32, #tpu.memory_space<vmem>>, vector<1x16xf32>,
        %swap3A_169 = vector.shape_cast %swap3A_168 : vector<1x16xf32> to vector<16xf32>
        %swap3A_170 = vector.shape_cast %broadcast_in_dim3A_165 : vector<16xf32> to vector<1x16xf32>
        tpu.vector_store %arg8[%swap3A_166, %swap3A_167], %swap3A_170 {strides = array<i32>} : memref<128x128xf32, #tpu.memory_space<vmem>>, vector<1x16xf32>,
        %broadcast_in_dim3A_171 = arith.constant 0.000000e+00 : f32
        %broadcast_in_dim3A_172 = vector.broadcast %broadcast_in_dim3A_171 : f32 to vector<16xf32>
        %swap3A_173 = arith.index_cast %scan3A_143 : i32 to index
        %swap3A_174 = arith.constant 64 : index
        %swap3A_175 = tpu.vector_load %arg8[%swap3A_173, %swap3A_174] {strides = array<i32>} : memref<128x128xf32, #tpu.memory_space<vmem>>, vector<1x16xf32>,
        %swap3A_176 = vector.shape_cast %swap3A_175 : vector<1x16xf32> to vector<16xf32>
        %swap3A_177 = vector.shape_cast %broadcast_in_dim3A_172 : vector<16xf32> to vector<1x16xf32>
        tpu.vector_store %arg8[%swap3A_173, %swap3A_174], %swap3A_177 {strides = array<i32>} : memref<128x128xf32, #tpu.memory_space<vmem>>, vector<1x16xf32>,
        %broadcast_in_dim3A_178 = arith.constant 0.000000e+00 : f32
        %broadcast_in_dim3A_179 = vector.broadcast %broadcast_in_dim3A_178 : f32 to vector<16xf32>
        %swap3A_180 = arith.index_cast %scan3A_143 : i32 to index
        %swap3A_181 = arith.constant 80 : index
        %swap3A_182 = tpu.vector_load %arg8[%swap3A_180, %swap3A_181] {strides = array<i32>} : memref<128x128xf32, #tpu.memory_space<vmem>>, vector<1x16xf32>,
        %swap3A_183 = vector.shape_cast %swap3A_182 : vector<1x16xf32> to vector<16xf32>
        %swap3A_184 = vector.shape_cast %broadcast_in_dim3A_179 : vector<16xf32> to vector<1x16xf32>
        tpu.vector_store %arg8[%swap3A_180, %swap3A_181], %swap3A_184 {strides = array<i32>} : memref<128x128xf32, #tpu.memory_space<vmem>>, vector<1x16xf32>,
        %broadcast_in_dim3A_185 = arith.constant 0.000000e+00 : f32
        %broadcast_in_dim3A_186 = vector.broadcast %broadcast_in_dim3A_185 : f32 to vector<16xf32>
        %swap3A_187 = arith.index_cast %scan3A_143 : i32 to index
        %swap3A_188 = arith.constant 96 : index
        %swap3A_189 = tpu.vector_load %arg8[%swap3A_187, %swap3A_188] {strides = array<i32>} : memref<128x128xf32, #tpu.memory_space<vmem>>, vector<1x16xf32>,
        %swap3A_190 = vector.shape_cast %swap3A_189 : vector<1x16xf32> to vector<16xf32>
        %swap3A_191 = vector.shape_cast %broadcast_in_dim3A_186 : vector<16xf32> to vector<1x16xf32>
        tpu.vector_store %arg8[%swap3A_187, %swap3A_188], %swap3A_191 {strides = array<i32>} : memref<128x128xf32, #tpu.memory_space<vmem>>, vector<1x16xf32>,
        %broadcast_in_dim3A_192 = arith.constant 0.000000e+00 : f32
        %broadcast_in_dim3A_193 = vector.broadcast %broadcast_in_dim3A_192 : f32 to vector<16xf32>
        %swap3A_194 = arith.index_cast %scan3A_143 : i32 to index
        %swap3A_195 = arith.constant 112 : index
        %swap3A_196 = tpu.vector_load %arg8[%swap3A_194, %swap3A_195] {strides = array<i32>} : memref<128x128xf32, #tpu.memory_space<vmem>>, vector<1x16xf32>,
        %swap3A_197 = vector.shape_cast %swap3A_196 : vector<1x16xf32> to vector<16xf32>
        %swap3A_198 = vector.shape_cast %broadcast_in_dim3A_193 : vector<16xf32> to vector<1x16xf32>
        tpu.vector_store %arg8[%swap3A_194, %swap3A_195], %swap3A_198 {strides = array<i32>} : memref<128x128xf32, #tpu.memory_space<vmem>>, vector<1x16xf32>,
        %scan3A_199 = arith.constant 0 : i32
        scf.yield %scan3A_199 : i32
      }
      %scan3A_133 = arith.constant 128 : i32
      %add3A = arith.constant 0 : i32
      %add3A_134 = arith.addi %mul3A_0, %add3A : i32
      "tpu.region"() ({
        %run_scoped3A = tpu.sem_alloc : memref<!tpu.dma_semaphore, #tpu.memory_space<semaphore_mem>>
        %dma_start3A_143 = arith.constant 0 : i32
        %dma_start3A_144 = tpu.memref_slice %arg10[%add3A_134, %dma_start3A_143] : memref<10240x128xf32, #tpu.memory_space<vmem_shared>> -> memref<128x128xf32, #tpu.memory_space<vmem_shared>>
        %dma_start3A_145 = arith.constant 0 : i32
        %dma_start3A_146 = tpu.memref_slice %arg10[%add3A_134, %dma_start3A_145] : memref<10240x128xf32, #tpu.memory_space<vmem_shared>> -> memref<128x128xf32, #tpu.memory_space<vmem_shared>>
        tpu.enqueue_dma source(%arg8 : memref<128x128xf32, #tpu.memory_space<vmem>>) target(%dma_start3A_146 : memref<128x128xf32, #tpu.memory_space<vmem_shared>>) target_semaphore(%run_scoped3A : memref<!tpu.dma_semaphore, #tpu.memory_space<semaphore_mem>>)
        %dma_wait3A_147 = arith.constant 0 : i32
        %dma_wait3A_148 = tpu.memref_slice %arg10[%add3A_134, %dma_wait3A_147] : memref<10240x128xf32, #tpu.memory_space<vmem_shared>> -> memref<128x128xf32, #tpu.memory_space<vmem_shared>>
        %dma_wait3A_149 = arith.constant 0 : i32
        %dma_wait3A_150 = tpu.memref_slice %arg10[%add3A_134, %dma_wait3A_149] : memref<10240x128xf32, #tpu.memory_space<vmem_shared>> -> memref<128x128xf32, #tpu.memory_space<vmem_shared>>
        tpu.wait_dma2 semaphore(%run_scoped3A : memref<!tpu.dma_semaphore, #tpu.memory_space<semaphore_mem>>) src(%arg8 : memref<128x128xf32, #tpu.memory_space<vmem>>) dst(%dma_wait3A_150 : memref<128x128xf32, #tpu.memory_space<vmem_shared>>)
        tpu.yield
      }) : () -> ()
      %add3A_135 = arith.constant 128 : i32
      %add3A_136 = arith.addi %mul3A_0, %add3A_135 : i32
      "tpu.region"() ({
        %run_scoped3A = tpu.sem_alloc : memref<!tpu.dma_semaphore, #tpu.memory_space<semaphore_mem>>
        %dma_start3A_143 = arith.constant 0 : i32
        %dma_start3A_144 = tpu.memref_slice %arg10[%add3A_136, %dma_start3A_143] : memref<10240x128xf32, #tpu.memory_space<vmem_shared>> -> memref<128x128xf32, #tpu.memory_space<vmem_shared>>
        %dma_start3A_145 = arith.constant 0 : i32
        %dma_start3A_146 = tpu.memref_slice %arg10[%add3A_136, %dma_start3A_145] : memref<10240x128xf32, #tpu.memory_space<vmem_shared>> -> memref<128x128xf32, #tpu.memory_space<vmem_shared>>
        tpu.enqueue_dma source(%arg8 : memref<128x128xf32, #tpu.memory_space<vmem>>) target(%dma_start3A_146 : memref<128x128xf32, #tpu.memory_space<vmem_shared>>) target_semaphore(%run_scoped3A : memref<!tpu.dma_semaphore, #tpu.memory_space<semaphore_mem>>)
        %dma_wait3A_147 = arith.constant 0 : i32
        %dma_wait3A_148 = tpu.memref_slice %arg10[%add3A_136, %dma_wait3A_147] : memref<10240x128xf32, #tpu.memory_space<vmem_shared>> -> memref<128x128xf32, #tpu.memory_space<vmem_shared>>
        %dma_wait3A_149 = arith.constant 0 : i32
        %dma_wait3A_150 = tpu.memref_slice %arg10[%add3A_136, %dma_wait3A_149] : memref<10240x128xf32, #tpu.memory_space<vmem_shared>> -> memref<128x128xf32, #tpu.memory_space<vmem_shared>>
        tpu.wait_dma2 semaphore(%run_scoped3A : memref<!tpu.dma_semaphore, #tpu.memory_space<semaphore_mem>>) src(%arg8 : memref<128x128xf32, #tpu.memory_space<vmem>>) dst(%dma_wait3A_150 : memref<128x128xf32, #tpu.memory_space<vmem_shared>>)
        tpu.yield
      }) : () -> ()
      %add3A_137 = arith.constant 256 : i32
      %add3A_138 = arith.addi %mul3A_0, %add3A_137 : i32
      "tpu.region"() ({
        %run_scoped3A = tpu.sem_alloc : memref<!tpu.dma_semaphore, #tpu.memory_space<semaphore_mem>>
        %dma_start3A_143 = arith.constant 0 : i32
        %dma_start3A_144 = tpu.memref_slice %arg10[%add3A_138, %dma_start3A_143] : memref<10240x128xf32, #tpu.memory_space<vmem_shared>> -> memref<128x128xf32, #tpu.memory_space<vmem_shared>>
        %dma_start3A_145 = arith.constant 0 : i32
        %dma_start3A_146 = tpu.memref_slice %arg10[%add3A_138, %dma_start3A_145] : memref<10240x128xf32, #tpu.memory_space<vmem_shared>> -> memref<128x128xf32, #tpu.memory_space<vmem_shared>>
        tpu.enqueue_dma source(%arg8 : memref<128x128xf32, #tpu.memory_space<vmem>>) target(%dma_start3A_146 : memref<128x128xf32, #tpu.memory_space<vmem_shared>>) target_semaphore(%run_scoped3A : memref<!tpu.dma_semaphore, #tpu.memory_space<semaphore_mem>>)
        %dma_wait3A_147 = arith.constant 0 : i32
        %dma_wait3A_148 = tpu.memref_slice %arg10[%add3A_138, %dma_wait3A_147] : memref<10240x128xf32, #tpu.memory_space<vmem_shared>> -> memref<128x128xf32, #tpu.memory_space<vmem_shared>>
        %dma_wait3A_149 = arith.constant 0 : i32
        %dma_wait3A_150 = tpu.memref_slice %arg10[%add3A_138, %dma_wait3A_149] : memref<10240x128xf32, #tpu.memory_space<vmem_shared>> -> memref<128x128xf32, #tpu.memory_space<vmem_shared>>
        tpu.wait_dma2 semaphore(%run_scoped3A : memref<!tpu.dma_semaphore, #tpu.memory_space<semaphore_mem>>) src(%arg8 : memref<128x128xf32, #tpu.memory_space<vmem>>) dst(%dma_wait3A_150 : memref<128x128xf32, #tpu.memory_space<vmem_shared>>)
        tpu.yield
      }) : () -> ()
      %add3A_139 = arith.constant 384 : i32
      %add3A_140 = arith.addi %mul3A_0, %add3A_139 : i32
      "tpu.region"() ({
        %run_scoped3A = tpu.sem_alloc : memref<!tpu.dma_semaphore, #tpu.memory_space<semaphore_mem>>
        %dma_start3A_143 = arith.constant 0 : i32
        %dma_start3A_144 = tpu.memref_slice %arg10[%add3A_140, %dma_start3A_143] : memref<10240x128xf32, #tpu.memory_space<vmem_shared>> -> memref<128x128xf32, #tpu.memory_space<vmem_shared>>
        %dma_start3A_145 = arith.constant 0 : i32
        %dma_start3A_146 = tpu.memref_slice %arg10[%add3A_140, %dma_start3A_145] : memref<10240x128xf32, #tpu.memory_space<vmem_shared>> -> memref<128x128xf32, #tpu.memory_space<vmem_shared>>
        tpu.enqueue_dma source(%arg8 : memref<128x128xf32, #tpu.memory_space<vmem>>) target(%dma_start3A_146 : memref<128x128xf32, #tpu.memory_space<vmem_shared>>) target_semaphore(%run_scoped3A : memref<!tpu.dma_semaphore, #tpu.memory_space<semaphore_mem>>)
        %dma_wait3A_147 = arith.constant 0 : i32
        %dma_wait3A_148 = tpu.memref_slice %arg10[%add3A_140, %dma_wait3A_147] : memref<10240x128xf32, #tpu.memory_space<vmem_shared>> -> memref<128x128xf32, #tpu.memory_space<vmem_shared>>
        %dma_wait3A_149 = arith.constant 0 : i32
        %dma_wait3A_150 = tpu.memref_slice %arg10[%add3A_140, %dma_wait3A_149] : memref<10240x128xf32, #tpu.memory_space<vmem_shared>> -> memref<128x128xf32, #tpu.memory_space<vmem_shared>>
        tpu.wait_dma2 semaphore(%run_scoped3A : memref<!tpu.dma_semaphore, #tpu.memory_space<semaphore_mem>>) src(%arg8 : memref<128x128xf32, #tpu.memory_space<vmem>>) dst(%dma_wait3A_150 : memref<128x128xf32, #tpu.memory_space<vmem_shared>>)
        tpu.yield
      }) : () -> ()
      %add3A_141 = arith.constant 512 : i32
      %add3A_142 = arith.addi %mul3A_0, %add3A_141 : i32
      "tpu.region"() ({
        %run_scoped3A = tpu.sem_alloc : memref<!tpu.dma_semaphore, #tpu.memory_space<semaphore_mem>>
        %dma_start3A_143 = arith.constant 0 : i32
        %dma_start3A_144 = tpu.memref_slice %arg10[%add3A_142, %dma_start3A_143] : memref<10240x128xf32, #tpu.memory_space<vmem_shared>> -> memref<128x128xf32, #tpu.memory_space<vmem_shared>>
        %dma_start3A_145 = arith.constant 0 : i32
        %dma_start3A_146 = tpu.memref_slice %arg10[%add3A_142, %dma_start3A_145] : memref<10240x128xf32, #tpu.memory_space<vmem_shared>> -> memref<128x128xf32, #tpu.memory_space<vmem_shared>>
        tpu.enqueue_dma source(%arg8 : memref<128x128xf32, #tpu.memory_space<vmem>>) target(%dma_start3A_146 : memref<128x128xf32, #tpu.memory_space<vmem_shared>>) target_semaphore(%run_scoped3A : memref<!tpu.dma_semaphore, #tpu.memory_space<semaphore_mem>>)
        %dma_wait3A_147 = arith.constant 0 : i32
        %dma_wait3A_148 = tpu.memref_slice %arg10[%add3A_142, %dma_wait3A_147] : memref<10240x128xf32, #tpu.memory_space<vmem_shared>> -> memref<128x128xf32, #tpu.memory_space<vmem_shared>>
        %dma_wait3A_149 = arith.constant 0 : i32
        %dma_wait3A_150 = tpu.memref_slice %arg10[%add3A_142, %dma_wait3A_149] : memref<10240x128xf32, #tpu.memory_space<vmem_shared>> -> memref<128x128xf32, #tpu.memory_space<vmem_shared>>
        tpu.wait_dma2 semaphore(%run_scoped3A : memref<!tpu.dma_semaphore, #tpu.memory_space<semaphore_mem>>) src(%arg8 : memref<128x128xf32, #tpu.memory_space<vmem>>) dst(%dma_wait3A_150 : memref<128x128xf32, #tpu.memory_space<vmem_shared>>)
        tpu.yield
      }) : () -> ()
    } else {
    }
    %barrier3A = arith.constant 0 : index
    tpu.barrier barrier_id(%barrier3A)
    "tpu.region"() ({
      %run_scoped3A = tpu.sem_alloc : memref<!tpu.dma_semaphore, #tpu.memory_space<semaphore_mem>>
      %dma_start3A_127 = arith.constant 0 : i32
      %dma_start3A_128 = arith.constant 0 : i32
      %dma_start3A_129 = tpu.memref_slice %arg3[%arg0, %arg1, %dma_start3A_127, %dma_start3A_128] : memref<2x16x80x128xi32, #tpu.memory_space<hbm>> -> memref<1x1x40x128xi32, #tpu.memory_space<hbm>>
      %dma_start3A_130 = tpu.memref_squeeze %dma_start3A_129 : memref<1x1x40x128xi32, #tpu.memory_space<hbm>> -> memref<40x128xi32, #tpu.memory_space<hbm>>
      %dma_start3A_131 = arith.constant 0 : i32
      %dma_start3A_132 = arith.constant 0 : i32
      %dma_start3A_133 = tpu.memref_slice %arg3[%arg0, %arg1, %dma_start3A_131, %dma_start3A_132] : memref<2x16x80x128xi32, #tpu.memory_space<hbm>> -> memref<1x1x40x128xi32, #tpu.memory_space<hbm>>
      %dma_start3A_134 = tpu.memref_squeeze %dma_start3A_133 : memref<1x1x40x128xi32, #tpu.memory_space<hbm>> -> memref<40x128xi32, #tpu.memory_space<hbm>>
      tpu.enqueue_dma source(%dma_start3A_134 : memref<40x128xi32, #tpu.memory_space<hbm>>) target(%arg6 : memref<40x128xi32, #tpu.memory_space<vmem>>) target_semaphore(%run_scoped3A : memref<!tpu.dma_semaphore, #tpu.memory_space<semaphore_mem>>)
      %dma_wait3A_135 = arith.constant 0 : i32
      %dma_wait3A_136 = arith.constant 0 : i32
      %dma_wait3A_137 = tpu.memref_slice %arg3[%arg0, %arg1, %dma_wait3A_135, %dma_wait3A_136] : memref<2x16x80x128xi32, #tpu.memory_space<hbm>> -> memref<1x1x40x128xi32, #tpu.memory_space<hbm>>
      %dma_wait3A_138 = tpu.memref_squeeze %dma_wait3A_137 : memref<1x1x40x128xi32, #tpu.memory_space<hbm>> -> memref<40x128xi32, #tpu.memory_space<hbm>>
      %dma_wait3A_139 = arith.constant 0 : i32
      %dma_wait3A_140 = arith.constant 0 : i32
      %dma_wait3A_141 = tpu.memref_slice %arg3[%arg0, %arg1, %dma_wait3A_139, %dma_wait3A_140] : memref<2x16x80x128xi32, #tpu.memory_space<hbm>> -> memref<1x1x40x128xi32, #tpu.memory_space<hbm>>
      %dma_wait3A_142 = tpu.memref_squeeze %dma_wait3A_141 : memref<1x1x40x128xi32, #tpu.memory_space<hbm>> -> memref<40x128xi32, #tpu.memory_space<hbm>>
      tpu.wait_dma2 semaphore(%run_scoped3A : memref<!tpu.dma_semaphore, #tpu.memory_space<semaphore_mem>>) src(%dma_wait3A_142 : memref<40x128xi32, #tpu.memory_space<hbm>>) dst(%arg6 : memref<40x128xi32, #tpu.memory_space<vmem>>)
      tpu.yield
    }) : () -> ()
    "tpu.region"() ({
      %run_scoped3A = tpu.sem_alloc : memref<!tpu.dma_semaphore, #tpu.memory_space<semaphore_mem>>
      %dma_start3A_127 = arith.constant 0 : i32
      %dma_start3A_128 = arith.constant 0 : i32
      %dma_start3A_129 = tpu.memref_slice %arg4[%arg0, %arg1, %dma_start3A_127, %dma_start3A_128] : memref<2x16x80x128xi32, #tpu.memory_space<hbm>> -> memref<1x1x40x128xi32, #tpu.memory_space<hbm>>
      %dma_start3A_130 = tpu.memref_squeeze %dma_start3A_129 : memref<1x1x40x128xi32, #tpu.memory_space<hbm>> -> memref<40x128xi32, #tpu.memory_space<hbm>>
      %dma_start3A_131 = arith.constant 0 : i32
      %dma_start3A_132 = arith.constant 0 : i32
      %dma_start3A_133 = tpu.memref_slice %arg4[%arg0, %arg1, %dma_start3A_131, %dma_start3A_132] : memref<2x16x80x128xi32, #tpu.memory_space<hbm>> -> memref<1x1x40x128xi32, #tpu.memory_space<hbm>>
      %dma_start3A_134 = tpu.memref_squeeze %dma_start3A_133 : memref<1x1x40x128xi32, #tpu.memory_space<hbm>> -> memref<40x128xi32, #tpu.memory_space<hbm>>
      tpu.enqueue_dma source(%dma_start3A_134 : memref<40x128xi32, #tpu.memory_space<hbm>>) target(%arg7 : memref<40x128xi32, #tpu.memory_space<vmem>>) target_semaphore(%run_scoped3A : memref<!tpu.dma_semaphore, #tpu.memory_space<semaphore_mem>>)
      %dma_wait3A_135 = arith.constant 0 : i32
      %dma_wait3A_136 = arith.constant 0 : i32
      %dma_wait3A_137 = tpu.memref_slice %arg4[%arg0, %arg1, %dma_wait3A_135, %dma_wait3A_136] : memref<2x16x80x128xi32, #tpu.memory_space<hbm>> -> memref<1x1x40x128xi32, #tpu.memory_space<hbm>>
      %dma_wait3A_138 = tpu.memref_squeeze %dma_wait3A_137 : memref<1x1x40x128xi32, #tpu.memory_space<hbm>> -> memref<40x128xi32, #tpu.memory_space<hbm>>
      %dma_wait3A_139 = arith.constant 0 : i32
      %dma_wait3A_140 = arith.constant 0 : i32
      %dma_wait3A_141 = tpu.memref_slice %arg4[%arg0, %arg1, %dma_wait3A_139, %dma_wait3A_140] : memref<2x16x80x128xi32, #tpu.memory_space<hbm>> -> memref<1x1x40x128xi32, #tpu.memory_space<hbm>>
      %dma_wait3A_142 = tpu.memref_squeeze %dma_wait3A_141 : memref<1x1x40x128xi32, #tpu.memory_space<hbm>> -> memref<40x128xi32, #tpu.memory_space<hbm>>
      tpu.wait_dma2 semaphore(%run_scoped3A : memref<!tpu.dma_semaphore, #tpu.memory_space<semaphore_mem>>) src(%dma_wait3A_142 : memref<40x128xi32, #tpu.memory_space<hbm>>) dst(%arg7 : memref<40x128xi32, #tpu.memory_space<vmem>>)
      tpu.yield
    }) : () -> ()
    %dma_start3A = arith.constant 0 : i32
    %dma_start3A_7 = arith.constant 0 : i32
    %dma_start3A_8 = tpu.memref_slice %arg2[%dma_start3A, %dma_start3A_7] : memref<10240x128xf32, #tpu.memory_space<hbm>> -> memref<128x128xf32, #tpu.memory_space<hbm>>
    %dma_start3A_9 = arith.constant 0 : i32
    %dma_start3A_10 = arith.constant 0 : i32
    %dma_start3A_11 = tpu.memref_slice %arg2[%dma_start3A_9, %dma_start3A_10] : memref<10240x128xf32, #tpu.memory_space<hbm>> -> memref<128x128xf32, #tpu.memory_space<hbm>>
    tpu.enqueue_dma source(%dma_start3A_11 : memref<128x128xf32, #tpu.memory_space<hbm>>) target(%arg8 : memref<128x128xf32, #tpu.memory_space<vmem>>) target_semaphore(%arg11 : memref<!tpu.dma_semaphore, #tpu.memory_space<semaphore_mem>>)
    %dma_wait3A = arith.constant 0 : i32
    %dma_wait3A_12 = arith.constant 0 : i32
    %dma_wait3A_13 = tpu.memref_slice %arg2[%dma_wait3A, %dma_wait3A_12] : memref<10240x128xf32, #tpu.memory_space<hbm>> -> memref<128x128xf32, #tpu.memory_space<hbm>>
    %dma_wait3A_14 = arith.constant 0 : i32
    %dma_wait3A_15 = arith.constant 0 : i32
    %dma_wait3A_16 = tpu.memref_slice %arg2[%dma_wait3A_14, %dma_wait3A_15] : memref<10240x128xf32, #tpu.memory_space<hbm>> -> memref<128x128xf32, #tpu.memory_space<hbm>>
    tpu.wait_dma2 semaphore(%arg11 : memref<!tpu.dma_semaphore, #tpu.memory_space<semaphore_mem>>) src(%dma_wait3A_16 : memref<128x128xf32, #tpu.memory_space<hbm>>) dst(%arg8 : memref<128x128xf32, #tpu.memory_space<vmem>>)
    %dma_start3A_17 = arith.constant 0 : i32
    %dma_start3A_18 = arith.constant 0 : i32
    %dma_start3A_19 = tpu.memref_slice %arg7[%dma_start3A_17, %dma_start3A_18] : memref<40x128xi32, #tpu.memory_space<vmem>> -> memref<1x128xi32, #tpu.memory_space<vmem>>
    %dma_start3A_20 = tpu.memref_squeeze %dma_start3A_19 : memref<1x128xi32, #tpu.memory_space<vmem>> -> memref<128xi32, #tpu.memory_space<vmem>>
    %dma_start3A_21 = arith.constant 0 : i32
    %dma_start3A_22 = arith.constant 0 : i32
    %dma_start3A_23 = tpu.memref_slice %arg10[%dma_start3A_21, %dma_start3A_22] : memref<10240x128xf32, #tpu.memory_space<vmem_shared>> -> memref<10240x128xf32, #tpu.memory_space<vmem_shared>>
    tpu.enqueue_indirect_dma source(%arg8 : memref<128x128xf32, #tpu.memory_space<vmem>>) target(%dma_start3A_23 : memref<10240x128xf32, #tpu.memory_space<vmem_shared>>) offsets(%dma_start3A_20 : memref<128xi32, #tpu.memory_space<vmem>>) semaphore(%arg13 : memref<!tpu.dma_semaphore, #tpu.memory_space<semaphore_mem>>) {add = true}
    %dma_start3A_24 = arith.constant 128 : i32
    %dma_start3A_25 = arith.constant 0 : i32
    %dma_start3A_26 = tpu.memref_slice %arg2[%dma_start3A_24, %dma_start3A_25] : memref<10240x128xf32, #tpu.memory_space<hbm>> -> memref<128x128xf32, #tpu.memory_space<hbm>>
    %dma_start3A_27 = arith.constant 128 : i32
    %dma_start3A_28 = arith.constant 0 : i32
    %dma_start3A_29 = tpu.memref_slice %arg2[%dma_start3A_27, %dma_start3A_28] : memref<10240x128xf32, #tpu.memory_space<hbm>> -> memref<128x128xf32, #tpu.memory_space<hbm>>
    tpu.enqueue_dma source(%dma_start3A_29 : memref<128x128xf32, #tpu.memory_space<hbm>>) target(%arg9 : memref<128x128xf32, #tpu.memory_space<vmem>>) target_semaphore(%arg12 : memref<!tpu.dma_semaphore, #tpu.memory_space<semaphore_mem>>)
    %scan3A = arith.constant 0 : i32
    %scan3A_30 = arith.constant 0 : i32
    %scan3A_31 = arith.constant 19 : i32
    %scan3A_32 = arith.addi %scan3A_30, %scan3A_31 : i32
    %scan3A_33 = arith.constant 1 : i32
    %scan3A_34 = scf.for %scan3A_127 = %scan3A_30 to %scan3A_32 step %scan3A_33 iter_args(%scan3A_128 = %scan3A) -> (i32)  : i32 {
      %mul3A_129 = arith.constant 2 : i32
      %mul3A_130 = arith.muli %mul3A_129, %scan3A_127 : i32
      %add3A = arith.constant 1 : i32
      %add3A_131 = arith.addi %mul3A_130, %add3A : i32
      %mul3A_132 = arith.constant 128 : i32
      %mul3A_133 = arith.muli %add3A_131, %mul3A_132 : i32
      %dma_wait3A_134 = arith.constant 0 : i32
      %dma_wait3A_135 = tpu.memref_slice %arg2[%mul3A_133, %dma_wait3A_134] : memref<10240x128xf32, #tpu.memory_space<hbm>> -> memref<128x128xf32, #tpu.memory_space<hbm>>
      %dma_wait3A_136 = arith.constant 0 : i32
      %dma_wait3A_137 = tpu.memref_slice %arg2[%mul3A_133, %dma_wait3A_136] : memref<10240x128xf32, #tpu.memory_space<hbm>> -> memref<128x128xf32, #tpu.memory_space<hbm>>
      tpu.wait_dma2 semaphore(%arg12 : memref<!tpu.dma_semaphore, #tpu.memory_space<semaphore_mem>>) src(%dma_wait3A_137 : memref<128x128xf32, #tpu.memory_space<hbm>>) dst(%arg9 : memref<128x128xf32, #tpu.memory_space<vmem>>)
      %dma_start3A_138 = arith.constant 0 : i32
      %dma_start3A_139 = tpu.memref_slice %arg7[%add3A_131, %dma_start3A_138] : memref<40x128xi32, #tpu.memory_space<vmem>> -> memref<1x128xi32, #tpu.memory_space<vmem>>
      %dma_start3A_140 = tpu.memref_squeeze %dma_start3A_139 : memref<1x128xi32, #tpu.memory_space<vmem>> -> memref<128xi32, #tpu.memory_space<vmem>>
      %dma_start3A_141 = arith.constant 0 : i32
      %dma_start3A_142 = arith.constant 0 : i32
      %dma_start3A_143 = tpu.memref_slice %arg10[%dma_start3A_141, %dma_start3A_142] : memref<10240x128xf32, #tpu.memory_space<vmem_shared>> -> memref<10240x128xf32, #tpu.memory_space<vmem_shared>>
      tpu.enqueue_indirect_dma source(%arg9 : memref<128x128xf32, #tpu.memory_space<vmem>>) target(%dma_start3A_143 : memref<10240x128xf32, #tpu.memory_space<vmem_shared>>) offsets(%dma_start3A_140 : memref<128xi32, #tpu.memory_space<vmem>>) semaphore(%arg14 : memref<!tpu.dma_semaphore, #tpu.memory_space<semaphore_mem>>) {add = true}
      %sub3A = arith.constant 1 : i32
      %sub3A_144 = arith.subi %add3A_131, %sub3A : i32
      %dma_wait3A_145 = arith.constant 0 : i32
      %dma_wait3A_146 = tpu.memref_slice %arg7[%sub3A_144, %dma_wait3A_145] : memref<40x128xi32, #tpu.memory_space<vmem>> -> memref<1x128xi32, #tpu.memory_space<vmem>>
      %dma_wait3A_147 = tpu.memref_squeeze %dma_wait3A_146 : memref<1x128xi32, #tpu.memory_space<vmem>> -> memref<128xi32, #tpu.memory_space<vmem>>
      %dma_wait3A_148 = arith.constant 0 : i32
      %dma_wait3A_149 = arith.constant 0 : i32
      %dma_wait3A_150 = tpu.memref_slice %arg10[%dma_wait3A_148, %dma_wait3A_149] : memref<10240x128xf32, #tpu.memory_space<vmem_shared>> -> memref<10240x128xf32, #tpu.memory_space<vmem_shared>>
      tpu.wait_indirect_dma semaphore(%arg13 : memref<!tpu.dma_semaphore, #tpu.memory_space<semaphore_mem>>) src(%arg8 : memref<128x128xf32, #tpu.memory_space<vmem>>) dst(%dma_wait3A_150 : memref<10240x128xf32, #tpu.memory_space<vmem_shared>>)
      %add3A_151 = arith.constant 1 : i32
      %add3A_152 = arith.addi %add3A_131, %add3A_151 : i32
      %mul3A_153 = arith.constant 128 : i32
      %mul3A_154 = arith.muli %add3A_152, %mul3A_153 : i32
      %dma_start3A_155 = arith.constant 0 : i32
      %dma_start3A_156 = tpu.memref_slice %arg2[%mul3A_154, %dma_start3A_155] : memref<10240x128xf32, #tpu.memory_space<hbm>> -> memref<128x128xf32, #tpu.memory_space<hbm>>
      %dma_start3A_157 = arith.constant 0 : i32
      %dma_start3A_158 = tpu.memref_slice %arg2[%mul3A_154, %dma_start3A_157] : memref<10240x128xf32, #tpu.memory_space<hbm>> -> memref<128x128xf32, #tpu.memory_space<hbm>>
      tpu.enqueue_dma source(%dma_start3A_158 : memref<128x128xf32, #tpu.memory_space<hbm>>) target(%arg8 : memref<128x128xf32, #tpu.memory_space<vmem>>) target_semaphore(%arg11 : memref<!tpu.dma_semaphore, #tpu.memory_space<semaphore_mem>>)
      %mul3A_159 = arith.constant 2 : i32
      %mul3A_160 = arith.muli %mul3A_159, %scan3A_127 : i32
      %add3A_161 = arith.constant 2 : i32
      %add3A_162 = arith.addi %mul3A_160, %add3A_161 : i32
      %mul3A_163 = arith.constant 128 : i32
      %mul3A_164 = arith.muli %add3A_162, %mul3A_163 : i32
      %dma_wait3A_165 = arith.constant 0 : i32
      %dma_wait3A_166 = tpu.memref_slice %arg2[%mul3A_164, %dma_wait3A_165] : memref<10240x128xf32, #tpu.memory_space<hbm>> -> memref<128x128xf32, #tpu.memory_space<hbm>>
      %dma_wait3A_167 = arith.constant 0 : i32
      %dma_wait3A_168 = tpu.memref_slice %arg2[%mul3A_164, %dma_wait3A_167] : memref<10240x128xf32, #tpu.memory_space<hbm>> -> memref<128x128xf32, #tpu.memory_space<hbm>>
      tpu.wait_dma2 semaphore(%arg11 : memref<!tpu.dma_semaphore, #tpu.memory_space<semaphore_mem>>) src(%dma_wait3A_168 : memref<128x128xf32, #tpu.memory_space<hbm>>) dst(%arg8 : memref<128x128xf32, #tpu.memory_space<vmem>>)
      %dma_start3A_169 = arith.constant 0 : i32
      %dma_start3A_170 = tpu.memref_slice %arg7[%add3A_162, %dma_start3A_169] : memref<40x128xi32, #tpu.memory_space<vmem>> -> memref<1x128xi32, #tpu.memory_space<vmem>>
      %dma_start3A_171 = tpu.memref_squeeze %dma_start3A_170 : memref<1x128xi32, #tpu.memory_space<vmem>> -> memref<128xi32, #tpu.memory_space<vmem>>
      %dma_start3A_172 = arith.constant 0 : i32
      %dma_start3A_173 = arith.constant 0 : i32
      %dma_start3A_174 = tpu.memref_slice %arg10[%dma_start3A_172, %dma_start3A_173] : memref<10240x128xf32, #tpu.memory_space<vmem_shared>> -> memref<10240x128xf32, #tpu.memory_space<vmem_shared>>
      tpu.enqueue_indirect_dma source(%arg8 : memref<128x128xf32, #tpu.memory_space<vmem>>) target(%dma_start3A_174 : memref<10240x128xf32, #tpu.memory_space<vmem_shared>>) offsets(%dma_start3A_171 : memref<128xi32, #tpu.memory_space<vmem>>) semaphore(%arg13 : memref<!tpu.dma_semaphore, #tpu.memory_space<semaphore_mem>>) {add = true}
      %sub3A_175 = arith.constant 1 : i32
      %sub3A_176 = arith.subi %add3A_162, %sub3A_175 : i32
      %dma_wait3A_177 = arith.constant 0 : i32
      %dma_wait3A_178 = tpu.memref_slice %arg7[%sub3A_176, %dma_wait3A_177] : memref<40x128xi32, #tpu.memory_space<vmem>> -> memref<1x128xi32, #tpu.memory_space<vmem>>
      %dma_wait3A_179 = tpu.memref_squeeze %dma_wait3A_178 : memref<1x128xi32, #tpu.memory_space<vmem>> -> memref<128xi32, #tpu.memory_space<vmem>>
      %dma_wait3A_180 = arith.constant 0 : i32
      %dma_wait3A_181 = arith.constant 0 : i32
      %dma_wait3A_182 = tpu.memref_slice %arg10[%dma_wait3A_180, %dma_wait3A_181] : memref<10240x128xf32, #tpu.memory_space<vmem_shared>> -> memref<10240x128xf32, #tpu.memory_space<vmem_shared>>
      tpu.wait_indirect_dma semaphore(%arg14 : memref<!tpu.dma_semaphore, #tpu.memory_space<semaphore_mem>>) src(%arg9 : memref<128x128xf32, #tpu.memory_space<vmem>>) dst(%dma_wait3A_182 : memref<10240x128xf32, #tpu.memory_space<vmem_shared>>)
      %add3A_183 = arith.constant 1 : i32
      %add3A_184 = arith.addi %add3A_162, %add3A_183 : i32
      %mul3A_185 = arith.constant 128 : i32
      %mul3A_186 = arith.muli %add3A_184, %mul3A_185 : i32
      %dma_start3A_187 = arith.constant 0 : i32
      %dma_start3A_188 = tpu.memref_slice %arg2[%mul3A_186, %dma_start3A_187] : memref<10240x128xf32, #tpu.memory_space<hbm>> -> memref<128x128xf32, #tpu.memory_space<hbm>>
      %dma_start3A_189 = arith.constant 0 : i32
      %dma_start3A_190 = tpu.memref_slice %arg2[%mul3A_186, %dma_start3A_189] : memref<10240x128xf32, #tpu.memory_space<hbm>> -> memref<128x128xf32, #tpu.memory_space<hbm>>
      tpu.enqueue_dma source(%dma_start3A_190 : memref<128x128xf32, #tpu.memory_space<hbm>>) target(%arg9 : memref<128x128xf32, #tpu.memory_space<vmem>>) target_semaphore(%arg12 : memref<!tpu.dma_semaphore, #tpu.memory_space<semaphore_mem>>)
      %scan3A_191 = arith.constant 0 : i32
      scf.yield %scan3A_191 : i32
    }
    %scan3A_35 = arith.constant 19 : i32
    %dma_wait3A_36 = arith.constant 4992 : i32
    %dma_wait3A_37 = arith.constant 0 : i32
    %dma_wait3A_38 = tpu.memref_slice %arg2[%dma_wait3A_36, %dma_wait3A_37] : memref<10240x128xf32, #tpu.memory_space<hbm>> -> memref<128x128xf32, #tpu.memory_space<hbm>>
    %dma_wait3A_39 = arith.constant 4992 : i32
    %dma_wait3A_40 = arith.constant 0 : i32
    %dma_wait3A_41 = tpu.memref_slice %arg2[%dma_wait3A_39, %dma_wait3A_40] : memref<10240x128xf32, #tpu.memory_space<hbm>> -> memref<128x128xf32, #tpu.memory_space<hbm>>
    tpu.wait_dma2 semaphore(%arg12 : memref<!tpu.dma_semaphore, #tpu.memory_space<semaphore_mem>>) src(%dma_wait3A_41 : memref<128x128xf32, #tpu.memory_space<hbm>>) dst(%arg9 : memref<128x128xf32, #tpu.memory_space<vmem>>)
    %dma_start3A_42 = arith.constant 39 : i32
    %dma_start3A_43 = arith.constant 0 : i32
    %dma_start3A_44 = tpu.memref_slice %arg7[%dma_start3A_42, %dma_start3A_43] : memref<40x128xi32, #tpu.memory_space<vmem>> -> memref<1x128xi32, #tpu.memory_space<vmem>>
    %dma_start3A_45 = tpu.memref_squeeze %dma_start3A_44 : memref<1x128xi32, #tpu.memory_space<vmem>> -> memref<128xi32, #tpu.memory_space<vmem>>
    %dma_start3A_46 = arith.constant 0 : i32
    %dma_start3A_47 = arith.constant 0 : i32
    %dma_start3A_48 = tpu.memref_slice %arg10[%dma_start3A_46, %dma_start3A_47] : memref<10240x128xf32, #tpu.memory_space<vmem_shared>> -> memref<10240x128xf32, #tpu.memory_space<vmem_shared>>
    tpu.enqueue_indirect_dma source(%arg9 : memref<128x128xf32, #tpu.memory_space<vmem>>) target(%dma_start3A_48 : memref<10240x128xf32, #tpu.memory_space<vmem_shared>>) offsets(%dma_start3A_45 : memref<128xi32, #tpu.memory_space<vmem>>) semaphore(%arg14 : memref<!tpu.dma_semaphore, #tpu.memory_space<semaphore_mem>>) {add = true}
    %dma_wait3A_49 = arith.constant 38 : i32
    %dma_wait3A_50 = arith.constant 0 : i32
    %dma_wait3A_51 = tpu.memref_slice %arg7[%dma_wait3A_49, %dma_wait3A_50] : memref<40x128xi32, #tpu.memory_space<vmem>> -> memref<1x128xi32, #tpu.memory_space<vmem>>
    %dma_wait3A_52 = tpu.memref_squeeze %dma_wait3A_51 : memref<1x128xi32, #tpu.memory_space<vmem>> -> memref<128xi32, #tpu.memory_space<vmem>>
    %dma_wait3A_53 = arith.constant 0 : i32
    %dma_wait3A_54 = arith.constant 0 : i32
    %dma_wait3A_55 = tpu.memref_slice %arg10[%dma_wait3A_53, %dma_wait3A_54] : memref<10240x128xf32, #tpu.memory_space<vmem_shared>> -> memref<10240x128xf32, #tpu.memory_space<vmem_shared>>
    tpu.wait_indirect_dma semaphore(%arg13 : memref<!tpu.dma_semaphore, #tpu.memory_space<semaphore_mem>>) src(%arg8 : memref<128x128xf32, #tpu.memory_space<vmem>>) dst(%dma_wait3A_55 : memref<10240x128xf32, #tpu.memory_space<vmem_shared>>)
    %dma_wait3A_56 = arith.constant 39 : i32
    %dma_wait3A_57 = arith.constant 0 : i32
    %dma_wait3A_58 = tpu.memref_slice %arg7[%dma_wait3A_56, %dma_wait3A_57] : memref<40x128xi32, #tpu.memory_space<vmem>> -> memref<1x128xi32, #tpu.memory_space<vmem>>
    %dma_wait3A_59 = tpu.memref_squeeze %dma_wait3A_58 : memref<1x128xi32, #tpu.memory_space<vmem>> -> memref<128xi32, #tpu.memory_space<vmem>>
    %dma_wait3A_60 = arith.constant 0 : i32
    %dma_wait3A_61 = arith.constant 0 : i32
    %dma_wait3A_62 = tpu.memref_slice %arg10[%dma_wait3A_60, %dma_wait3A_61] : memref<10240x128xf32, #tpu.memory_space<vmem_shared>> -> memref<10240x128xf32, #tpu.memory_space<vmem_shared>>
    tpu.wait_indirect_dma semaphore(%arg14 : memref<!tpu.dma_semaphore, #tpu.memory_space<semaphore_mem>>) src(%arg9 : memref<128x128xf32, #tpu.memory_space<vmem>>) dst(%dma_wait3A_62 : memref<10240x128xf32, #tpu.memory_space<vmem_shared>>)
    "tpu.region"() ({
      %run_scoped3A = tpu.sem_alloc : memref<!tpu.dma_semaphore, #tpu.memory_space<semaphore_mem>>
      %dma_start3A_127 = arith.constant 40 : i32
      %dma_start3A_128 = arith.constant 0 : i32
      %dma_start3A_129 = tpu.memref_slice %arg3[%arg0, %arg1, %dma_start3A_127, %dma_start3A_128] : memref<2x16x80x128xi32, #tpu.memory_space<hbm>> -> memref<1x1x40x128xi32, #tpu.memory_space<hbm>>
      %dma_start3A_130 = tpu.memref_squeeze %dma_start3A_129 : memref<1x1x40x128xi32, #tpu.memory_space<hbm>> -> memref<40x128xi32, #tpu.memory_space<hbm>>
      %dma_start3A_131 = arith.constant 40 : i32
      %dma_start3A_132 = arith.constant 0 : i32
      %dma_start3A_133 = tpu.memref_slice %arg3[%arg0, %arg1, %dma_start3A_131, %dma_start3A_132] : memref<2x16x80x128xi32, #tpu.memory_space<hbm>> -> memref<1x1x40x128xi32, #tpu.memory_space<hbm>>
      %dma_start3A_134 = tpu.memref_squeeze %dma_start3A_133 : memref<1x1x40x128xi32, #tpu.memory_space<hbm>> -> memref<40x128xi32, #tpu.memory_space<hbm>>
      tpu.enqueue_dma source(%dma_start3A_134 : memref<40x128xi32, #tpu.memory_space<hbm>>) target(%arg6 : memref<40x128xi32, #tpu.memory_space<vmem>>) target_semaphore(%run_scoped3A : memref<!tpu.dma_semaphore, #tpu.memory_space<semaphore_mem>>)
      %dma_wait3A_135 = arith.constant 40 : i32
      %dma_wait3A_136 = arith.constant 0 : i32
      %dma_wait3A_137 = tpu.memref_slice %arg3[%arg0, %arg1, %dma_wait3A_135, %dma_wait3A_136] : memref<2x16x80x128xi32, #tpu.memory_space<hbm>> -> memref<1x1x40x128xi32, #tpu.memory_space<hbm>>
      %dma_wait3A_138 = tpu.memref_squeeze %dma_wait3A_137 : memref<1x1x40x128xi32, #tpu.memory_space<hbm>> -> memref<40x128xi32, #tpu.memory_space<hbm>>
      %dma_wait3A_139 = arith.constant 40 : i32
      %dma_wait3A_140 = arith.constant 0 : i32
      %dma_wait3A_141 = tpu.memref_slice %arg3[%arg0, %arg1, %dma_wait3A_139, %dma_wait3A_140] : memref<2x16x80x128xi32, #tpu.memory_space<hbm>> -> memref<1x1x40x128xi32, #tpu.memory_space<hbm>>
      %dma_wait3A_142 = tpu.memref_squeeze %dma_wait3A_141 : memref<1x1x40x128xi32, #tpu.memory_space<hbm>> -> memref<40x128xi32, #tpu.memory_space<hbm>>
      tpu.wait_dma2 semaphore(%run_scoped3A : memref<!tpu.dma_semaphore, #tpu.memory_space<semaphore_mem>>) src(%dma_wait3A_142 : memref<40x128xi32, #tpu.memory_space<hbm>>) dst(%arg6 : memref<40x128xi32, #tpu.memory_space<vmem>>)
      tpu.yield
    }) : () -> ()
    "tpu.region"() ({
      %run_scoped3A = tpu.sem_alloc : memref<!tpu.dma_semaphore, #tpu.memory_space<semaphore_mem>>
      %dma_start3A_127 = arith.constant 40 : i32
      %dma_start3A_128 = arith.constant 0 : i32
      %dma_start3A_129 = tpu.memref_slice %arg4[%arg0, %arg1, %dma_start3A_127, %dma_start3A_128] : memref<2x16x80x128xi32, #tpu.memory_space<hbm>> -> memref<1x1x40x128xi32, #tpu.memory_space<hbm>>
      %dma_start3A_130 = tpu.memref_squeeze %dma_start3A_129 : memref<1x1x40x128xi32, #tpu.memory_space<hbm>> -> memref<40x128xi32, #tpu.memory_space<hbm>>
      %dma_start3A_131 = arith.constant 40 : i32
      %dma_start3A_132 = arith.constant 0 : i32
      %dma_start3A_133 = tpu.memref_slice %arg4[%arg0, %arg1, %dma_start3A_131, %dma_start3A_132] : memref<2x16x80x128xi32, #tpu.memory_space<hbm>> -> memref<1x1x40x128xi32, #tpu.memory_space<hbm>>
      %dma_start3A_134 = tpu.memref_squeeze %dma_start3A_133 : memref<1x1x40x128xi32, #tpu.memory_space<hbm>> -> memref<40x128xi32, #tpu.memory_space<hbm>>
      tpu.enqueue_dma source(%dma_start3A_134 : memref<40x128xi32, #tpu.memory_space<hbm>>) target(%arg7 : memref<40x128xi32, #tpu.memory_space<vmem>>) target_semaphore(%run_scoped3A : memref<!tpu.dma_semaphore, #tpu.memory_space<semaphore_mem>>)
      %dma_wait3A_135 = arith.constant 40 : i32
      %dma_wait3A_136 = arith.constant 0 : i32
      %dma_wait3A_137 = tpu.memref_slice %arg4[%arg0, %arg1, %dma_wait3A_135, %dma_wait3A_136] : memref<2x16x80x128xi32, #tpu.memory_space<hbm>> -> memref<1x1x40x128xi32, #tpu.memory_space<hbm>>
      %dma_wait3A_138 = tpu.memref_squeeze %dma_wait3A_137 : memref<1x1x40x128xi32, #tpu.memory_space<hbm>> -> memref<40x128xi32, #tpu.memory_space<hbm>>
      %dma_wait3A_139 = arith.constant 40 : i32
      %dma_wait3A_140 = arith.constant 0 : i32
      %dma_wait3A_141 = tpu.memref_slice %arg4[%arg0, %arg1, %dma_wait3A_139, %dma_wait3A_140] : memref<2x16x80x128xi32, #tpu.memory_space<hbm>> -> memref<1x1x40x128xi32, #tpu.memory_space<hbm>>
      %dma_wait3A_142 = tpu.memref_squeeze %dma_wait3A_141 : memref<1x1x40x128xi32, #tpu.memory_space<hbm>> -> memref<40x128xi32, #tpu.memory_space<hbm>>
      tpu.wait_dma2 semaphore(%run_scoped3A : memref<!tpu.dma_semaphore, #tpu.memory_space<semaphore_mem>>) src(%dma_wait3A_142 : memref<40x128xi32, #tpu.memory_space<hbm>>) dst(%arg7 : memref<40x128xi32, #tpu.memory_space<vmem>>)
      tpu.yield
    }) : () -> ()
    %dma_start3A_63 = arith.constant 0 : i32
    %dma_start3A_64 = arith.constant 0 : i32
    %dma_start3A_65 = tpu.memref_slice %arg2[%dma_start3A_63, %dma_start3A_64] : memref<10240x128xf32, #tpu.memory_space<hbm>> -> memref<128x128xf32, #tpu.memory_space<hbm>>
    %dma_start3A_66 = arith.constant 0 : i32
    %dma_start3A_67 = arith.constant 0 : i32
    %dma_start3A_68 = tpu.memref_slice %arg2[%dma_start3A_66, %dma_start3A_67] : memref<10240x128xf32, #tpu.memory_space<hbm>> -> memref<128x128xf32, #tpu.memory_space<hbm>>
    tpu.enqueue_dma source(%dma_start3A_68 : memref<128x128xf32, #tpu.memory_space<hbm>>) target(%arg8 : memref<128x128xf32, #tpu.memory_space<vmem>>) target_semaphore(%arg11 : memref<!tpu.dma_semaphore, #tpu.memory_space<semaphore_mem>>)
    %dma_wait3A_69 = arith.constant 0 : i32
    %dma_wait3A_70 = arith.constant 0 : i32
    %dma_wait3A_71 = tpu.memref_slice %arg2[%dma_wait3A_69, %dma_wait3A_70] : memref<10240x128xf32, #tpu.memory_space<hbm>> -> memref<128x128xf32, #tpu.memory_space<hbm>>
    %dma_wait3A_72 = arith.constant 0 : i32
    %dma_wait3A_73 = arith.constant 0 : i32
    %dma_wait3A_74 = tpu.memref_slice %arg2[%dma_wait3A_72, %dma_wait3A_73] : memref<10240x128xf32, #tpu.memory_space<hbm>> -> memref<128x128xf32, #tpu.memory_space<hbm>>
    tpu.wait_dma2 semaphore(%arg11 : memref<!tpu.dma_semaphore, #tpu.memory_space<semaphore_mem>>) src(%dma_wait3A_74 : memref<128x128xf32, #tpu.memory_space<hbm>>) dst(%arg8 : memref<128x128xf32, #tpu.memory_space<vmem>>)
    %dma_start3A_75 = arith.constant 0 : i32
    %dma_start3A_76 = arith.constant 0 : i32
    %dma_start3A_77 = tpu.memref_slice %arg7[%dma_start3A_75, %dma_start3A_76] : memref<40x128xi32, #tpu.memory_space<vmem>> -> memref<1x128xi32, #tpu.memory_space<vmem>>
    %dma_start3A_78 = tpu.memref_squeeze %dma_start3A_77 : memref<1x128xi32, #tpu.memory_space<vmem>> -> memref<128xi32, #tpu.memory_space<vmem>>
    %dma_start3A_79 = arith.constant 0 : i32
    %dma_start3A_80 = arith.constant 0 : i32
    %dma_start3A_81 = tpu.memref_slice %arg10[%dma_start3A_79, %dma_start3A_80] : memref<10240x128xf32, #tpu.memory_space<vmem_shared>> -> memref<10240x128xf32, #tpu.memory_space<vmem_shared>>
    tpu.enqueue_indirect_dma source(%arg8 : memref<128x128xf32, #tpu.memory_space<vmem>>) target(%dma_start3A_81 : memref<10240x128xf32, #tpu.memory_space<vmem_shared>>) offsets(%dma_start3A_78 : memref<128xi32, #tpu.memory_space<vmem>>) semaphore(%arg13 : memref<!tpu.dma_semaphore, #tpu.memory_space<semaphore_mem>>) {add = true}
    %dma_start3A_82 = arith.constant 128 : i32
    %dma_start3A_83 = arith.constant 0 : i32
    %dma_start3A_84 = tpu.memref_slice %arg2[%dma_start3A_82, %dma_start3A_83] : memref<10240x128xf32, #tpu.memory_space<hbm>> -> memref<128x128xf32, #tpu.memory_space<hbm>>
    %dma_start3A_85 = arith.constant 128 : i32
    %dma_start3A_86 = arith.constant 0 : i32
    %dma_start3A_87 = tpu.memref_slice %arg2[%dma_start3A_85, %dma_start3A_86] : memref<10240x128xf32, #tpu.memory_space<hbm>> -> memref<128x128xf32, #tpu.memory_space<hbm>>
    tpu.enqueue_dma source(%dma_start3A_87 : memref<128x128xf32, #tpu.memory_space<hbm>>) target(%arg9 : memref<128x128xf32, #tpu.memory_space<vmem>>) target_semaphore(%arg12 : memref<!tpu.dma_semaphore, #tpu.memory_space<semaphore_mem>>)
    %scan3A_88 = arith.constant 0 : i32
    %scan3A_89 = arith.constant 0 : i32
    %scan3A_90 = arith.constant 19 : i32
    %scan3A_91 = arith.addi %scan3A_89, %scan3A_90 : i32
    %scan3A_92 = arith.constant 1 : i32
    %scan3A_93 = scf.for %scan3A_127 = %scan3A_89 to %scan3A_91 step %scan3A_92 iter_args(%scan3A_128 = %scan3A_88) -> (i32)  : i32 {
      %mul3A_129 = arith.constant 2 : i32
      %mul3A_130 = arith.muli %mul3A_129, %scan3A_127 : i32
      %add3A = arith.constant 1 : i32
      %add3A_131 = arith.addi %mul3A_130, %add3A : i32
      %mul3A_132 = arith.constant 128 : i32
      %mul3A_133 = arith.muli %add3A_131, %mul3A_132 : i32
      %dma_wait3A_134 = arith.constant 0 : i32
      %dma_wait3A_135 = tpu.memref_slice %arg2[%mul3A_133, %dma_wait3A_134] : memref<10240x128xf32, #tpu.memory_space<hbm>> -> memref<128x128xf32, #tpu.memory_space<hbm>>
      %dma_wait3A_136 = arith.constant 0 : i32
      %dma_wait3A_137 = tpu.memref_slice %arg2[%mul3A_133, %dma_wait3A_136] : memref<10240x128xf32, #tpu.memory_space<hbm>> -> memref<128x128xf32, #tpu.memory_space<hbm>>
      tpu.wait_dma2 semaphore(%arg12 : memref<!tpu.dma_semaphore, #tpu.memory_space<semaphore_mem>>) src(%dma_wait3A_137 : memref<128x128xf32, #tpu.memory_space<hbm>>) dst(%arg9 : memref<128x128xf32, #tpu.memory_space<vmem>>)
      %dma_start3A_138 = arith.constant 0 : i32
      %dma_start3A_139 = tpu.memref_slice %arg7[%add3A_131, %dma_start3A_138] : memref<40x128xi32, #tpu.memory_space<vmem>> -> memref<1x128xi32, #tpu.memory_space<vmem>>
      %dma_start3A_140 = tpu.memref_squeeze %dma_start3A_139 : memref<1x128xi32, #tpu.memory_space<vmem>> -> memref<128xi32, #tpu.memory_space<vmem>>
      %dma_start3A_141 = arith.constant 0 : i32
      %dma_start3A_142 = arith.constant 0 : i32
      %dma_start3A_143 = tpu.memref_slice %arg10[%dma_start3A_141, %dma_start3A_142] : memref<10240x128xf32, #tpu.memory_space<vmem_shared>> -> memref<10240x128xf32, #tpu.memory_space<vmem_shared>>
      tpu.enqueue_indirect_dma source(%arg9 : memref<128x128xf32, #tpu.memory_space<vmem>>) target(%dma_start3A_143 : memref<10240x128xf32, #tpu.memory_space<vmem_shared>>) offsets(%dma_start3A_140 : memref<128xi32, #tpu.memory_space<vmem>>) semaphore(%arg14 : memref<!tpu.dma_semaphore, #tpu.memory_space<semaphore_mem>>) {add = true}
      %sub3A = arith.constant 1 : i32
      %sub3A_144 = arith.subi %add3A_131, %sub3A : i32
      %dma_wait3A_145 = arith.constant 0 : i32
      %dma_wait3A_146 = tpu.memref_slice %arg7[%sub3A_144, %dma_wait3A_145] : memref<40x128xi32, #tpu.memory_space<vmem>> -> memref<1x128xi32, #tpu.memory_space<vmem>>
      %dma_wait3A_147 = tpu.memref_squeeze %dma_wait3A_146 : memref<1x128xi32, #tpu.memory_space<vmem>> -> memref<128xi32, #tpu.memory_space<vmem>>
      %dma_wait3A_148 = arith.constant 0 : i32
      %dma_wait3A_149 = arith.constant 0 : i32
      %dma_wait3A_150 = tpu.memref_slice %arg10[%dma_wait3A_148, %dma_wait3A_149] : memref<10240x128xf32, #tpu.memory_space<vmem_shared>> -> memref<10240x128xf32, #tpu.memory_space<vmem_shared>>
      tpu.wait_indirect_dma semaphore(%arg13 : memref<!tpu.dma_semaphore, #tpu.memory_space<semaphore_mem>>) src(%arg8 : memref<128x128xf32, #tpu.memory_space<vmem>>) dst(%dma_wait3A_150 : memref<10240x128xf32, #tpu.memory_space<vmem_shared>>)
      %add3A_151 = arith.constant 1 : i32
      %add3A_152 = arith.addi %add3A_131, %add3A_151 : i32
      %mul3A_153 = arith.constant 128 : i32
      %mul3A_154 = arith.muli %add3A_152, %mul3A_153 : i32
      %dma_start3A_155 = arith.constant 0 : i32
      %dma_start3A_156 = tpu.memref_slice %arg2[%mul3A_154, %dma_start3A_155] : memref<10240x128xf32, #tpu.memory_space<hbm>> -> memref<128x128xf32, #tpu.memory_space<hbm>>
      %dma_start3A_157 = arith.constant 0 : i32
      %dma_start3A_158 = tpu.memref_slice %arg2[%mul3A_154, %dma_start3A_157] : memref<10240x128xf32, #tpu.memory_space<hbm>> -> memref<128x128xf32, #tpu.memory_space<hbm>>
      tpu.enqueue_dma source(%dma_start3A_158 : memref<128x128xf32, #tpu.memory_space<hbm>>) target(%arg8 : memref<128x128xf32, #tpu.memory_space<vmem>>) target_semaphore(%arg11 : memref<!tpu.dma_semaphore, #tpu.memory_space<semaphore_mem>>)
      %mul3A_159 = arith.constant 2 : i32
      %mul3A_160 = arith.muli %mul3A_159, %scan3A_127 : i32
      %add3A_161 = arith.constant 2 : i32
      %add3A_162 = arith.addi %mul3A_160, %add3A_161 : i32
      %mul3A_163 = arith.constant 128 : i32
      %mul3A_164 = arith.muli %add3A_162, %mul3A_163 : i32
      %dma_wait3A_165 = arith.constant 0 : i32
      %dma_wait3A_166 = tpu.memref_slice %arg2[%mul3A_164, %dma_wait3A_165] : memref<10240x128xf32, #tpu.memory_space<hbm>> -> memref<128x128xf32, #tpu.memory_space<hbm>>
      %dma_wait3A_167 = arith.constant 0 : i32
      %dma_wait3A_168 = tpu.memref_slice %arg2[%mul3A_164, %dma_wait3A_167] : memref<10240x128xf32, #tpu.memory_space<hbm>> -> memref<128x128xf32, #tpu.memory_space<hbm>>
      tpu.wait_dma2 semaphore(%arg11 : memref<!tpu.dma_semaphore, #tpu.memory_space<semaphore_mem>>) src(%dma_wait3A_168 : memref<128x128xf32, #tpu.memory_space<hbm>>) dst(%arg8 : memref<128x128xf32, #tpu.memory_space<vmem>>)
      %dma_start3A_169 = arith.constant 0 : i32
      %dma_start3A_170 = tpu.memref_slice %arg7[%add3A_162, %dma_start3A_169] : memref<40x128xi32, #tpu.memory_space<vmem>> -> memref<1x128xi32, #tpu.memory_space<vmem>>
      %dma_start3A_171 = tpu.memref_squeeze %dma_start3A_170 : memref<1x128xi32, #tpu.memory_space<vmem>> -> memref<128xi32, #tpu.memory_space<vmem>>
      %dma_start3A_172 = arith.constant 0 : i32
      %dma_start3A_173 = arith.constant 0 : i32
      %dma_start3A_174 = tpu.memref_slice %arg10[%dma_start3A_172, %dma_start3A_173] : memref<10240x128xf32, #tpu.memory_space<vmem_shared>> -> memref<10240x128xf32, #tpu.memory_space<vmem_shared>>
      tpu.enqueue_indirect_dma source(%arg8 : memref<128x128xf32, #tpu.memory_space<vmem>>) target(%dma_start3A_174 : memref<10240x128xf32, #tpu.memory_space<vmem_shared>>) offsets(%dma_start3A_171 : memref<128xi32, #tpu.memory_space<vmem>>) semaphore(%arg13 : memref<!tpu.dma_semaphore, #tpu.memory_space<semaphore_mem>>) {add = true}
      %sub3A_175 = arith.constant 1 : i32
      %sub3A_176 = arith.subi %add3A_162, %sub3A_175 : i32
      %dma_wait3A_177 = arith.constant 0 : i32
      %dma_wait3A_178 = tpu.memref_slice %arg7[%sub3A_176, %dma_wait3A_177] : memref<40x128xi32, #tpu.memory_space<vmem>> -> memref<1x128xi32, #tpu.memory_space<vmem>>
      %dma_wait3A_179 = tpu.memref_squeeze %dma_wait3A_178 : memref<1x128xi32, #tpu.memory_space<vmem>> -> memref<128xi32, #tpu.memory_space<vmem>>
      %dma_wait3A_180 = arith.constant 0 : i32
      %dma_wait3A_181 = arith.constant 0 : i32
      %dma_wait3A_182 = tpu.memref_slice %arg10[%dma_wait3A_180, %dma_wait3A_181] : memref<10240x128xf32, #tpu.memory_space<vmem_shared>> -> memref<10240x128xf32, #tpu.memory_space<vmem_shared>>
      tpu.wait_indirect_dma semaphore(%arg14 : memref<!tpu.dma_semaphore, #tpu.memory_space<semaphore_mem>>) src(%arg9 : memref<128x128xf32, #tpu.memory_space<vmem>>) dst(%dma_wait3A_182 : memref<10240x128xf32, #tpu.memory_space<vmem_shared>>)
      %add3A_183 = arith.constant 1 : i32
      %add3A_184 = arith.addi %add3A_162, %add3A_183 : i32
      %mul3A_185 = arith.constant 128 : i32
      %mul3A_186 = arith.muli %add3A_184, %mul3A_185 : i32
      %dma_start3A_187 = arith.constant 0 : i32
      %dma_start3A_188 = tpu.memref_slice %arg2[%mul3A_186, %dma_start3A_187] : memref<10240x128xf32, #tpu.memory_space<hbm>> -> memref<128x128xf32, #tpu.memory_space<hbm>>
      %dma_start3A_189 = arith.constant 0 : i32
      %dma_start3A_190 = tpu.memref_slice %arg2[%mul3A_186, %dma_start3A_189] : memref<10240x128xf32, #tpu.memory_space<hbm>> -> memref<128x128xf32, #tpu.memory_space<hbm>>
      tpu.enqueue_dma source(%dma_start3A_190 : memref<128x128xf32, #tpu.memory_space<hbm>>) target(%arg9 : memref<128x128xf32, #tpu.memory_space<vmem>>) target_semaphore(%arg12 : memref<!tpu.dma_semaphore, #tpu.memory_space<semaphore_mem>>)
      %scan3A_191 = arith.constant 0 : i32
      scf.yield %scan3A_191 : i32
    }
    %scan3A_94 = arith.constant 19 : i32
    %dma_wait3A_95 = arith.constant 4992 : i32
    %dma_wait3A_96 = arith.constant 0 : i32
    %dma_wait3A_97 = tpu.memref_slice %arg2[%dma_wait3A_95, %dma_wait3A_96] : memref<10240x128xf32, #tpu.memory_space<hbm>> -> memref<128x128xf32, #tpu.memory_space<hbm>>
    %dma_wait3A_98 = arith.constant 4992 : i32
    %dma_wait3A_99 = arith.constant 0 : i32
    %dma_wait3A_100 = tpu.memref_slice %arg2[%dma_wait3A_98, %dma_wait3A_99] : memref<10240x128xf32, #tpu.memory_space<hbm>> -> memref<128x128xf32, #tpu.memory_space<hbm>>
    tpu.wait_dma2 semaphore(%arg12 : memref<!tpu.dma_semaphore, #tpu.memory_space<semaphore_mem>>) src(%dma_wait3A_100 : memref<128x128xf32, #tpu.memory_space<hbm>>) dst(%arg9 : memref<128x128xf32, #tpu.memory_space<vmem>>)
    %dma_start3A_101 = arith.constant 39 : i32
    %dma_start3A_102 = arith.constant 0 : i32
    %dma_start3A_103 = tpu.memref_slice %arg7[%dma_start3A_101, %dma_start3A_102] : memref<40x128xi32, #tpu.memory_space<vmem>> -> memref<1x128xi32, #tpu.memory_space<vmem>>
    %dma_start3A_104 = tpu.memref_squeeze %dma_start3A_103 : memref<1x128xi32, #tpu.memory_space<vmem>> -> memref<128xi32, #tpu.memory_space<vmem>>
    %dma_start3A_105 = arith.constant 0 : i32
    %dma_start3A_106 = arith.constant 0 : i32
    %dma_start3A_107 = tpu.memref_slice %arg10[%dma_start3A_105, %dma_start3A_106] : memref<10240x128xf32, #tpu.memory_space<vmem_shared>> -> memref<10240x128xf32, #tpu.memory_space<vmem_shared>>
    tpu.enqueue_indirect_dma source(%arg9 : memref<128x128xf32, #tpu.memory_space<vmem>>) target(%dma_start3A_107 : memref<10240x128xf32, #tpu.memory_space<vmem_shared>>) offsets(%dma_start3A_104 : memref<128xi32, #tpu.memory_space<vmem>>) semaphore(%arg14 : memref<!tpu.dma_semaphore, #tpu.memory_space<semaphore_mem>>) {add = true}
    %dma_wait3A_108 = arith.constant 38 : i32
    %dma_wait3A_109 = arith.constant 0 : i32
    %dma_wait3A_110 = tpu.memref_slice %arg7[%dma_wait3A_108, %dma_wait3A_109] : memref<40x128xi32, #tpu.memory_space<vmem>> -> memref<1x128xi32, #tpu.memory_space<vmem>>
    %dma_wait3A_111 = tpu.memref_squeeze %dma_wait3A_110 : memref<1x128xi32, #tpu.memory_space<vmem>> -> memref<128xi32, #tpu.memory_space<vmem>>
    %dma_wait3A_112 = arith.constant 0 : i32
    %dma_wait3A_113 = arith.constant 0 : i32
    %dma_wait3A_114 = tpu.memref_slice %arg10[%dma_wait3A_112, %dma_wait3A_113] : memref<10240x128xf32, #tpu.memory_space<vmem_shared>> -> memref<10240x128xf32, #tpu.memory_space<vmem_shared>>
    tpu.wait_indirect_dma semaphore(%arg13 : memref<!tpu.dma_semaphore, #tpu.memory_space<semaphore_mem>>) src(%arg8 : memref<128x128xf32, #tpu.memory_space<vmem>>) dst(%dma_wait3A_114 : memref<10240x128xf32, #tpu.memory_space<vmem_shared>>)
    %dma_wait3A_115 = arith.constant 39 : i32
    %dma_wait3A_116 = arith.constant 0 : i32
    %dma_wait3A_117 = tpu.memref_slice %arg7[%dma_wait3A_115, %dma_wait3A_116] : memref<40x128xi32, #tpu.memory_space<vmem>> -> memref<1x128xi32, #tpu.memory_space<vmem>>
    %dma_wait3A_118 = tpu.memref_squeeze %dma_wait3A_117 : memref<1x128xi32, #tpu.memory_space<vmem>> -> memref<128xi32, #tpu.memory_space<vmem>>
    %dma_wait3A_119 = arith.constant 0 : i32
    %dma_wait3A_120 = arith.constant 0 : i32
    %dma_wait3A_121 = tpu.memref_slice %arg10[%dma_wait3A_119, %dma_wait3A_120] : memref<10240x128xf32, #tpu.memory_space<vmem_shared>> -> memref<10240x128xf32, #tpu.memory_space<vmem_shared>>
    tpu.wait_indirect_dma semaphore(%arg14 : memref<!tpu.dma_semaphore, #tpu.memory_space<semaphore_mem>>) src(%arg9 : memref<128x128xf32, #tpu.memory_space<vmem>>) dst(%dma_wait3A_121 : memref<10240x128xf32, #tpu.memory_space<vmem_shared>>)
    %barrier3A_122 = arith.constant 0 : index
    tpu.barrier barrier_id(%barrier3A_122)
    %mul3A_123 = arith.constant 640 : i32
    %mul3A_124 = arith.muli %arg1, %mul3A_123 : i32
    %mul3A_125 = arith.constant 640 : i32
    %mul3A_126 = arith.muli %arg1, %mul3A_125 : i32
    "tpu.region"() ({
      %run_scoped3A = tpu.sem_alloc : memref<!tpu.dma_semaphore, #tpu.memory_space<semaphore_mem>>
      %dma_start3A_127 = arith.constant 0 : i32
      %dma_start3A_128 = tpu.memref_slice %arg5[%arg0, %mul3A_126, %dma_start3A_127] : memref<2x10240x128xf32, #tpu.memory_space<hbm>> -> memref<1x640x128xf32, #tpu.memory_space<hbm>>
      %dma_start3A_129 = tpu.memref_squeeze %dma_start3A_128 : memref<1x640x128xf32, #tpu.memory_space<hbm>> -> memref<640x128xf32, #tpu.memory_space<hbm>>
      %dma_start3A_130 = arith.constant 0 : i32
      %dma_start3A_131 = tpu.memref_slice %arg10[%mul3A_124, %dma_start3A_130] : memref<10240x128xf32, #tpu.memory_space<vmem_shared>> -> memref<640x128xf32, #tpu.memory_space<vmem_shared>>
      tpu.enqueue_dma source(%dma_start3A_131 : memref<640x128xf32, #tpu.memory_space<vmem_shared>>) target(%dma_start3A_129 : memref<640x128xf32, #tpu.memory_space<hbm>>) target_semaphore(%run_scoped3A : memref<!tpu.dma_semaphore, #tpu.memory_space<semaphore_mem>>)
      %dma_wait3A_132 = arith.constant 0 : i32
      %dma_wait3A_133 = tpu.memref_slice %arg5[%arg0, %mul3A_126, %dma_wait3A_132] : memref<2x10240x128xf32, #tpu.memory_space<hbm>> -> memref<1x640x128xf32, #tpu.memory_space<hbm>>
      %dma_wait3A_134 = tpu.memref_squeeze %dma_wait3A_133 : memref<1x640x128xf32, #tpu.memory_space<hbm>> -> memref<640x128xf32, #tpu.memory_space<hbm>>
      %dma_wait3A_135 = arith.constant 0 : i32
      %dma_wait3A_136 = tpu.memref_slice %arg10[%mul3A_124, %dma_wait3A_135] : memref<10240x128xf32, #tpu.memory_space<vmem_shared>> -> memref<640x128xf32, #tpu.memory_space<vmem_shared>>
      tpu.wait_dma2 semaphore(%run_scoped3A : memref<!tpu.dma_semaphore, #tpu.memory_space<semaphore_mem>>) src(%dma_wait3A_136 : memref<640x128xf32, #tpu.memory_space<vmem_shared>>) dst(%dma_wait3A_134 : memref<640x128xf32, #tpu.memory_space<hbm>>)
      tpu.yield
    }) : () -> ()
    return
  }
}

#map = affine_map<(d0, d1) -> (0, 0)>
#map1 = affine_map<(d0, d1) -> (0, 0, 0, 0)>
#map2 = affine_map<(d0, d1) -> (0, 0, 0)>
module attributes {stable_mosaic.version = 14 : i64} {
  func.func @_agg_body(%arg0: i32, %arg1: i32, %arg2: memref<10240x128xf32, #tpu.memory_space<hbm>>, %arg3: memref<2x16x80x128xi32, #tpu.memory_space<hbm>>, %arg4: memref<2x16x80x128xi32, #tpu.memory_space<hbm>>, %arg5: memref<2x10240x128xf32, #tpu.memory_space<hbm>>, %arg6: memref<40x128xi32, #tpu.memory_space<vmem>>, %arg7: memref<40x128xi32, #tpu.memory_space<vmem>>, %arg8: memref<128x128xf32, #tpu.memory_space<vmem>>, %arg9: memref<128x128xf32, #tpu.memory_space<vmem>>, %arg10: memref<10240x128xf32, #tpu.memory_space<vmem_shared>>, %arg11: memref<!tpu.dma_semaphore, #tpu.memory_space<semaphore_mem>>, %arg12: memref<!tpu.dma_semaphore, #tpu.memory_space<semaphore_mem>>, %arg13: memref<!tpu.dma_semaphore, #tpu.memory_space<semaphore_mem>>, %arg14: memref<!tpu.dma_semaphore, #tpu.memory_space<semaphore_mem>>) attributes {dimension_semantics = [#tpu.dimension_semantics<core_parallel>, #tpu.dimension_semantics<subcore_parallel>], iteration_bounds = array<i64: 2, 16>, scalar_prefetch = 0 : i64, scratch_operands = 9 : i64, tpu.core_type = #tpu.core_type<sc_vector_subcore>, window_params = [{transform_indices = #map}, {transform_indices = #map1}, {transform_indices = #map1}, {transform_indices = #map2}]} {
    %mul3A = arith.constant 640 : i32
    %mul3A_0 = arith.muli %arg1, %mul3A : i32
    %eq3A = arith.constant 0 : i32
    %eq3A_1 = arith.cmpi eq, %arg0, %eq3A : i32
    %convert_element_type3A = arith.extui %eq3A_1 : i1 to i32
    %cond3A = arith.constant 0 : i32
    %cond3A_2 = arith.cmpi ne, %convert_element_type3A, %cond3A : i32
    scf.if %cond3A_2 {
      "tpu.region"() ({
        %run_scoped3A = tpu.sem_alloc : memref<!tpu.dma_semaphore, #tpu.memory_space<semaphore_mem>>
        %dma_start3A_127 = arith.constant 0 : i32
        %dma_start3A_128 = tpu.memref_slice %arg10[%mul3A_0, %dma_start3A_127] : memref<10240x128xf32, #tpu.memory_space<vmem_shared>> -> memref<640x128xf32, #tpu.memory_space<vmem_shared>>
        %dma_start3A_129 = arith.constant 0 : i32
        %dma_start3A_130 = tpu.memref_slice %arg2[%mul3A_0, %dma_start3A_129] : memref<10240x128xf32, #tpu.memory_space<hbm>> -> memref<640x128xf32, #tpu.memory_space<hbm>>
        tpu.enqueue_dma source(%dma_start3A_130 : memref<640x128xf32, #tpu.memory_space<hbm>>) target(%dma_start3A_128 : memref<640x128xf32, #tpu.memory_space<vmem_shared>>) target_semaphore(%run_scoped3A : memref<!tpu.dma_semaphore, #tpu.memory_space<semaphore_mem>>)
        %dma_wait3A_131 = arith.constant 0 : i32
        %dma_wait3A_132 = tpu.memref_slice %arg10[%mul3A_0, %dma_wait3A_131] : memref<10240x128xf32, #tpu.memory_space<vmem_shared>> -> memref<640x128xf32, #tpu.memory_space<vmem_shared>>
        %dma_wait3A_133 = arith.constant 0 : i32
        %dma_wait3A_134 = tpu.memref_slice %arg2[%mul3A_0, %dma_wait3A_133] : memref<10240x128xf32, #tpu.memory_space<hbm>> -> memref<640x128xf32, #tpu.memory_space<hbm>>
        tpu.wait_dma2 semaphore(%run_scoped3A : memref<!tpu.dma_semaphore, #tpu.memory_space<semaphore_mem>>) src(%dma_wait3A_134 : memref<640x128xf32, #tpu.memory_space<hbm>>) dst(%dma_wait3A_132 : memref<640x128xf32, #tpu.memory_space<vmem_shared>>)
        tpu.yield
      }) : () -> ()
    } else {
    }
    %ne3A = arith.constant 0 : i32
    %ne3A_3 = arith.cmpi ne, %arg0, %ne3A : i32
    %convert_element_type3A_4 = arith.extui %ne3A_3 : i1 to i32
    %cond3A_5 = arith.constant 0 : i32
    %cond3A_6 = arith.cmpi ne, %convert_element_type3A_4, %cond3A_5 : i32
    scf.if %cond3A_6 {
      %scan3A_127 = arith.constant 0 : i32
      %scan3A_128 = arith.constant 0 : i32
      %scan3A_129 = arith.constant 128 : i32
      %scan3A_130 = arith.addi %scan3A_128, %scan3A_129 : i32
      %scan3A_131 = arith.constant 1 : i32
      %scan3A_132 = scf.for %scan3A_143 = %scan3A_128 to %scan3A_130 step %scan3A_131 iter_args(%scan3A_144 = %scan3A_127) -> (i32)  : i32 {
        %broadcast_in_dim3A = arith.constant 0.000000e+00 : f32
        %broadcast_in_dim3A_145 = vector.broadcast %broadcast_in_dim3A : f32 to vector<16xf32>
        %swap3A = arith.index_cast %scan3A_143 : i32 to index
        %swap3A_146 = arith.constant 0 : index
        %swap3A_147 = tpu.vector_load %arg8[%swap3A, %swap3A_146] {strides = array<i32>} : memref<128x128xf32, #tpu.memory_space<vmem>>, vector<1x16xf32>,
        %swap3A_148 = vector.shape_cast %swap3A_147 : vector<1x16xf32> to vector<16xf32>
        %swap3A_149 = vector.shape_cast %broadcast_in_dim3A_145 : vector<16xf32> to vector<1x16xf32>
        tpu.vector_store %arg8[%swap3A, %swap3A_146], %swap3A_149 {strides = array<i32>} : memref<128x128xf32, #tpu.memory_space<vmem>>, vector<1x16xf32>,
        %broadcast_in_dim3A_150 = arith.constant 0.000000e+00 : f32
        %broadcast_in_dim3A_151 = vector.broadcast %broadcast_in_dim3A_150 : f32 to vector<16xf32>
        %swap3A_152 = arith.index_cast %scan3A_143 : i32 to index
        %swap3A_153 = arith.constant 16 : index
        %swap3A_154 = tpu.vector_load %arg8[%swap3A_152, %swap3A_153] {strides = array<i32>} : memref<128x128xf32, #tpu.memory_space<vmem>>, vector<1x16xf32>,
        %swap3A_155 = vector.shape_cast %swap3A_154 : vector<1x16xf32> to vector<16xf32>
        %swap3A_156 = vector.shape_cast %broadcast_in_dim3A_151 : vector<16xf32> to vector<1x16xf32>
        tpu.vector_store %arg8[%swap3A_152, %swap3A_153], %swap3A_156 {strides = array<i32>} : memref<128x128xf32, #tpu.memory_space<vmem>>, vector<1x16xf32>,
        %broadcast_in_dim3A_157 = arith.constant 0.000000e+00 : f32
        %broadcast_in_dim3A_158 = vector.broadcast %broadcast_in_dim3A_157 : f32 to vector<16xf32>
        %swap3A_159 = arith.index_cast %scan3A_143 : i32 to index
        %swap3A_160 = arith.constant 32 : index
        %swap3A_161 = tpu.vector_load %arg8[%swap3A_159, %swap3A_160] {strides = array<i32>} : memref<128x128xf32, #tpu.memory_space<vmem>>, vector<1x16xf32>,
        %swap3A_162 = vector.shape_cast %swap3A_161 : vector<1x16xf32> to vector<16xf32>
        %swap3A_163 = vector.shape_cast %broadcast_in_dim3A_158 : vector<16xf32> to vector<1x16xf32>
        tpu.vector_store %arg8[%swap3A_159, %swap3A_160], %swap3A_163 {strides = array<i32>} : memref<128x128xf32, #tpu.memory_space<vmem>>, vector<1x16xf32>,
        %broadcast_in_dim3A_164 = arith.constant 0.000000e+00 : f32
        %broadcast_in_dim3A_165 = vector.broadcast %broadcast_in_dim3A_164 : f32 to vector<16xf32>
        %swap3A_166 = arith.index_cast %scan3A_143 : i32 to index
        %swap3A_167 = arith.constant 48 : index
        %swap3A_168 = tpu.vector_load %arg8[%swap3A_166, %swap3A_167] {strides = array<i32>} : memref<128x128xf32, #tpu.memory_space<vmem>>, vector<1x16xf32>,
        %swap3A_169 = vector.shape_cast %swap3A_168 : vector<1x16xf32> to vector<16xf32>
        %swap3A_170 = vector.shape_cast %broadcast_in_dim3A_165 : vector<16xf32> to vector<1x16xf32>
        tpu.vector_store %arg8[%swap3A_166, %swap3A_167], %swap3A_170 {strides = array<i32>} : memref<128x128xf32, #tpu.memory_space<vmem>>, vector<1x16xf32>,
        %broadcast_in_dim3A_171 = arith.constant 0.000000e+00 : f32
        %broadcast_in_dim3A_172 = vector.broadcast %broadcast_in_dim3A_171 : f32 to vector<16xf32>
        %swap3A_173 = arith.index_cast %scan3A_143 : i32 to index
        %swap3A_174 = arith.constant 64 : index
        %swap3A_175 = tpu.vector_load %arg8[%swap3A_173, %swap3A_174] {strides = array<i32>} : memref<128x128xf32, #tpu.memory_space<vmem>>, vector<1x16xf32>,
        %swap3A_176 = vector.shape_cast %swap3A_175 : vector<1x16xf32> to vector<16xf32>
        %swap3A_177 = vector.shape_cast %broadcast_in_dim3A_172 : vector<16xf32> to vector<1x16xf32>
        tpu.vector_store %arg8[%swap3A_173, %swap3A_174], %swap3A_177 {strides = array<i32>} : memref<128x128xf32, #tpu.memory_space<vmem>>, vector<1x16xf32>,
        %broadcast_in_dim3A_178 = arith.constant 0.000000e+00 : f32
        %broadcast_in_dim3A_179 = vector.broadcast %broadcast_in_dim3A_178 : f32 to vector<16xf32>
        %swap3A_180 = arith.index_cast %scan3A_143 : i32 to index
        %swap3A_181 = arith.constant 80 : index
        %swap3A_182 = tpu.vector_load %arg8[%swap3A_180, %swap3A_181] {strides = array<i32>} : memref<128x128xf32, #tpu.memory_space<vmem>>, vector<1x16xf32>,
        %swap3A_183 = vector.shape_cast %swap3A_182 : vector<1x16xf32> to vector<16xf32>
        %swap3A_184 = vector.shape_cast %broadcast_in_dim3A_179 : vector<16xf32> to vector<1x16xf32>
        tpu.vector_store %arg8[%swap3A_180, %swap3A_181], %swap3A_184 {strides = array<i32>} : memref<128x128xf32, #tpu.memory_space<vmem>>, vector<1x16xf32>,
        %broadcast_in_dim3A_185 = arith.constant 0.000000e+00 : f32
        %broadcast_in_dim3A_186 = vector.broadcast %broadcast_in_dim3A_185 : f32 to vector<16xf32>
        %swap3A_187 = arith.index_cast %scan3A_143 : i32 to index
        %swap3A_188 = arith.constant 96 : index
        %swap3A_189 = tpu.vector_load %arg8[%swap3A_187, %swap3A_188] {strides = array<i32>} : memref<128x128xf32, #tpu.memory_space<vmem>>, vector<1x16xf32>,
        %swap3A_190 = vector.shape_cast %swap3A_189 : vector<1x16xf32> to vector<16xf32>
        %swap3A_191 = vector.shape_cast %broadcast_in_dim3A_186 : vector<16xf32> to vector<1x16xf32>
        tpu.vector_store %arg8[%swap3A_187, %swap3A_188], %swap3A_191 {strides = array<i32>} : memref<128x128xf32, #tpu.memory_space<vmem>>, vector<1x16xf32>,
        %broadcast_in_dim3A_192 = arith.constant 0.000000e+00 : f32
        %broadcast_in_dim3A_193 = vector.broadcast %broadcast_in_dim3A_192 : f32 to vector<16xf32>
        %swap3A_194 = arith.index_cast %scan3A_143 : i32 to index
        %swap3A_195 = arith.constant 112 : index
        %swap3A_196 = tpu.vector_load %arg8[%swap3A_194, %swap3A_195] {strides = array<i32>} : memref<128x128xf32, #tpu.memory_space<vmem>>, vector<1x16xf32>,
        %swap3A_197 = vector.shape_cast %swap3A_196 : vector<1x16xf32> to vector<16xf32>
        %swap3A_198 = vector.shape_cast %broadcast_in_dim3A_193 : vector<16xf32> to vector<1x16xf32>
        tpu.vector_store %arg8[%swap3A_194, %swap3A_195], %swap3A_198 {strides = array<i32>} : memref<128x128xf32, #tpu.memory_space<vmem>>, vector<1x16xf32>,
        %scan3A_199 = arith.constant 0 : i32
        scf.yield %scan3A_199 : i32
      }
      %scan3A_133 = arith.constant 128 : i32
      %add3A = arith.constant 0 : i32
      %add3A_134 = arith.addi %mul3A_0, %add3A : i32
      "tpu.region"() ({
        %run_scoped3A = tpu.sem_alloc : memref<!tpu.dma_semaphore, #tpu.memory_space<semaphore_mem>>
        %dma_start3A_143 = arith.constant 0 : i32
        %dma_start3A_144 = tpu.memref_slice %arg10[%add3A_134, %dma_start3A_143] : memref<10240x128xf32, #tpu.memory_space<vmem_shared>> -> memref<128x128xf32, #tpu.memory_space<vmem_shared>>
        %dma_start3A_145 = arith.constant 0 : i32
        %dma_start3A_146 = tpu.memref_slice %arg10[%add3A_134, %dma_start3A_145] : memref<10240x128xf32, #tpu.memory_space<vmem_shared>> -> memref<128x128xf32, #tpu.memory_space<vmem_shared>>
        tpu.enqueue_dma source(%arg8 : memref<128x128xf32, #tpu.memory_space<vmem>>) target(%dma_start3A_146 : memref<128x128xf32, #tpu.memory_space<vmem_shared>>) target_semaphore(%run_scoped3A : memref<!tpu.dma_semaphore, #tpu.memory_space<semaphore_mem>>)
        %dma_wait3A_147 = arith.constant 0 : i32
        %dma_wait3A_148 = tpu.memref_slice %arg10[%add3A_134, %dma_wait3A_147] : memref<10240x128xf32, #tpu.memory_space<vmem_shared>> -> memref<128x128xf32, #tpu.memory_space<vmem_shared>>
        %dma_wait3A_149 = arith.constant 0 : i32
        %dma_wait3A_150 = tpu.memref_slice %arg10[%add3A_134, %dma_wait3A_149] : memref<10240x128xf32, #tpu.memory_space<vmem_shared>> -> memref<128x128xf32, #tpu.memory_space<vmem_shared>>
        tpu.wait_dma2 semaphore(%run_scoped3A : memref<!tpu.dma_semaphore, #tpu.memory_space<semaphore_mem>>) src(%arg8 : memref<128x128xf32, #tpu.memory_space<vmem>>) dst(%dma_wait3A_150 : memref<128x128xf32, #tpu.memory_space<vmem_shared>>)
        tpu.yield
      }) : () -> ()
      %add3A_135 = arith.constant 128 : i32
      %add3A_136 = arith.addi %mul3A_0, %add3A_135 : i32
      "tpu.region"() ({
        %run_scoped3A = tpu.sem_alloc : memref<!tpu.dma_semaphore, #tpu.memory_space<semaphore_mem>>
        %dma_start3A_143 = arith.constant 0 : i32
        %dma_start3A_144 = tpu.memref_slice %arg10[%add3A_136, %dma_start3A_143] : memref<10240x128xf32, #tpu.memory_space<vmem_shared>> -> memref<128x128xf32, #tpu.memory_space<vmem_shared>>
        %dma_start3A_145 = arith.constant 0 : i32
        %dma_start3A_146 = tpu.memref_slice %arg10[%add3A_136, %dma_start3A_145] : memref<10240x128xf32, #tpu.memory_space<vmem_shared>> -> memref<128x128xf32, #tpu.memory_space<vmem_shared>>
        tpu.enqueue_dma source(%arg8 : memref<128x128xf32, #tpu.memory_space<vmem>>) target(%dma_start3A_146 : memref<128x128xf32, #tpu.memory_space<vmem_shared>>) target_semaphore(%run_scoped3A : memref<!tpu.dma_semaphore, #tpu.memory_space<semaphore_mem>>)
        %dma_wait3A_147 = arith.constant 0 : i32
        %dma_wait3A_148 = tpu.memref_slice %arg10[%add3A_136, %dma_wait3A_147] : memref<10240x128xf32, #tpu.memory_space<vmem_shared>> -> memref<128x128xf32, #tpu.memory_space<vmem_shared>>
        %dma_wait3A_149 = arith.constant 0 : i32
        %dma_wait3A_150 = tpu.memref_slice %arg10[%add3A_136, %dma_wait3A_149] : memref<10240x128xf32, #tpu.memory_space<vmem_shared>> -> memref<128x128xf32, #tpu.memory_space<vmem_shared>>
        tpu.wait_dma2 semaphore(%run_scoped3A : memref<!tpu.dma_semaphore, #tpu.memory_space<semaphore_mem>>) src(%arg8 : memref<128x128xf32, #tpu.memory_space<vmem>>) dst(%dma_wait3A_150 : memref<128x128xf32, #tpu.memory_space<vmem_shared>>)
        tpu.yield
      }) : () -> ()
      %add3A_137 = arith.constant 256 : i32
      %add3A_138 = arith.addi %mul3A_0, %add3A_137 : i32
      "tpu.region"() ({
        %run_scoped3A = tpu.sem_alloc : memref<!tpu.dma_semaphore, #tpu.memory_space<semaphore_mem>>
        %dma_start3A_143 = arith.constant 0 : i32
        %dma_start3A_144 = tpu.memref_slice %arg10[%add3A_138, %dma_start3A_143] : memref<10240x128xf32, #tpu.memory_space<vmem_shared>> -> memref<128x128xf32, #tpu.memory_space<vmem_shared>>
        %dma_start3A_145 = arith.constant 0 : i32
        %dma_start3A_146 = tpu.memref_slice %arg10[%add3A_138, %dma_start3A_145] : memref<10240x128xf32, #tpu.memory_space<vmem_shared>> -> memref<128x128xf32, #tpu.memory_space<vmem_shared>>
        tpu.enqueue_dma source(%arg8 : memref<128x128xf32, #tpu.memory_space<vmem>>) target(%dma_start3A_146 : memref<128x128xf32, #tpu.memory_space<vmem_shared>>) target_semaphore(%run_scoped3A : memref<!tpu.dma_semaphore, #tpu.memory_space<semaphore_mem>>)
        %dma_wait3A_147 = arith.constant 0 : i32
        %dma_wait3A_148 = tpu.memref_slice %arg10[%add3A_138, %dma_wait3A_147] : memref<10240x128xf32, #tpu.memory_space<vmem_shared>> -> memref<128x128xf32, #tpu.memory_space<vmem_shared>>
        %dma_wait3A_149 = arith.constant 0 : i32
        %dma_wait3A_150 = tpu.memref_slice %arg10[%add3A_138, %dma_wait3A_149] : memref<10240x128xf32, #tpu.memory_space<vmem_shared>> -> memref<128x128xf32, #tpu.memory_space<vmem_shared>>
        tpu.wait_dma2 semaphore(%run_scoped3A : memref<!tpu.dma_semaphore, #tpu.memory_space<semaphore_mem>>) src(%arg8 : memref<128x128xf32, #tpu.memory_space<vmem>>) dst(%dma_wait3A_150 : memref<128x128xf32, #tpu.memory_space<vmem_shared>>)
        tpu.yield
      }) : () -> ()
      %add3A_139 = arith.constant 384 : i32
      %add3A_140 = arith.addi %mul3A_0, %add3A_139 : i32
      "tpu.region"() ({
        %run_scoped3A = tpu.sem_alloc : memref<!tpu.dma_semaphore, #tpu.memory_space<semaphore_mem>>
        %dma_start3A_143 = arith.constant 0 : i32
        %dma_start3A_144 = tpu.memref_slice %arg10[%add3A_140, %dma_start3A_143] : memref<10240x128xf32, #tpu.memory_space<vmem_shared>> -> memref<128x128xf32, #tpu.memory_space<vmem_shared>>
        %dma_start3A_145 = arith.constant 0 : i32
        %dma_start3A_146 = tpu.memref_slice %arg10[%add3A_140, %dma_start3A_145] : memref<10240x128xf32, #tpu.memory_space<vmem_shared>> -> memref<128x128xf32, #tpu.memory_space<vmem_shared>>
        tpu.enqueue_dma source(%arg8 : memref<128x128xf32, #tpu.memory_space<vmem>>) target(%dma_start3A_146 : memref<128x128xf32, #tpu.memory_space<vmem_shared>>) target_semaphore(%run_scoped3A : memref<!tpu.dma_semaphore, #tpu.memory_space<semaphore_mem>>)
        %dma_wait3A_147 = arith.constant 0 : i32
        %dma_wait3A_148 = tpu.memref_slice %arg10[%add3A_140, %dma_wait3A_147] : memref<10240x128xf32, #tpu.memory_space<vmem_shared>> -> memref<128x128xf32, #tpu.memory_space<vmem_shared>>
        %dma_wait3A_149 = arith.constant 0 : i32
        %dma_wait3A_150 = tpu.memref_slice %arg10[%add3A_140, %dma_wait3A_149] : memref<10240x128xf32, #tpu.memory_space<vmem_shared>> -> memref<128x128xf32, #tpu.memory_space<vmem_shared>>
        tpu.wait_dma2 semaphore(%run_scoped3A : memref<!tpu.dma_semaphore, #tpu.memory_space<semaphore_mem>>) src(%arg8 : memref<128x128xf32, #tpu.memory_space<vmem>>) dst(%dma_wait3A_150 : memref<128x128xf32, #tpu.memory_space<vmem_shared>>)
        tpu.yield
      }) : () -> ()
      %add3A_141 = arith.constant 512 : i32
      %add3A_142 = arith.addi %mul3A_0, %add3A_141 : i32
      "tpu.region"() ({
        %run_scoped3A = tpu.sem_alloc : memref<!tpu.dma_semaphore, #tpu.memory_space<semaphore_mem>>
        %dma_start3A_143 = arith.constant 0 : i32
        %dma_start3A_144 = tpu.memref_slice %arg10[%add3A_142, %dma_start3A_143] : memref<10240x128xf32, #tpu.memory_space<vmem_shared>> -> memref<128x128xf32, #tpu.memory_space<vmem_shared>>
        %dma_start3A_145 = arith.constant 0 : i32
        %dma_start3A_146 = tpu.memref_slice %arg10[%add3A_142, %dma_start3A_145] : memref<10240x128xf32, #tpu.memory_space<vmem_shared>> -> memref<128x128xf32, #tpu.memory_space<vmem_shared>>
        tpu.enqueue_dma source(%arg8 : memref<128x128xf32, #tpu.memory_space<vmem>>) target(%dma_start3A_146 : memref<128x128xf32, #tpu.memory_space<vmem_shared>>) target_semaphore(%run_scoped3A : memref<!tpu.dma_semaphore, #tpu.memory_space<semaphore_mem>>)
        %dma_wait3A_147 = arith.constant 0 : i32
        %dma_wait3A_148 = tpu.memref_slice %arg10[%add3A_142, %dma_wait3A_147] : memref<10240x128xf32, #tpu.memory_space<vmem_shared>> -> memref<128x128xf32, #tpu.memory_space<vmem_shared>>
        %dma_wait3A_149 = arith.constant 0 : i32
        %dma_wait3A_150 = tpu.memref_slice %arg10[%add3A_142, %dma_wait3A_149] : memref<10240x128xf32, #tpu.memory_space<vmem_shared>> -> memref<128x128xf32, #tpu.memory_space<vmem_shared>>
        tpu.wait_dma2 semaphore(%run_scoped3A : memref<!tpu.dma_semaphore, #tpu.memory_space<semaphore_mem>>) src(%arg8 : memref<128x128xf32, #tpu.memory_space<vmem>>) dst(%dma_wait3A_150 : memref<128x128xf32, #tpu.memory_space<vmem_shared>>)
        tpu.yield
      }) : () -> ()
    } else {
    }
    %barrier3A = arith.constant 0 : index
    tpu.barrier barrier_id(%barrier3A)
    "tpu.region"() ({
      %run_scoped3A = tpu.sem_alloc : memref<!tpu.dma_semaphore, #tpu.memory_space<semaphore_mem>>
      %dma_start3A_127 = arith.constant 0 : i32
      %dma_start3A_128 = arith.constant 0 : i32
      %dma_start3A_129 = tpu.memref_slice %arg3[%arg0, %arg1, %dma_start3A_127, %dma_start3A_128] : memref<2x16x80x128xi32, #tpu.memory_space<hbm>> -> memref<1x1x40x128xi32, #tpu.memory_space<hbm>>
      %dma_start3A_130 = tpu.memref_squeeze %dma_start3A_129 : memref<1x1x40x128xi32, #tpu.memory_space<hbm>> -> memref<40x128xi32, #tpu.memory_space<hbm>>
      %dma_start3A_131 = arith.constant 0 : i32
      %dma_start3A_132 = arith.constant 0 : i32
      %dma_start3A_133 = tpu.memref_slice %arg3[%arg0, %arg1, %dma_start3A_131, %dma_start3A_132] : memref<2x16x80x128xi32, #tpu.memory_space<hbm>> -> memref<1x1x40x128xi32, #tpu.memory_space<hbm>>
      %dma_start3A_134 = tpu.memref_squeeze %dma_start3A_133 : memref<1x1x40x128xi32, #tpu.memory_space<hbm>> -> memref<40x128xi32, #tpu.memory_space<hbm>>
      tpu.enqueue_dma source(%dma_start3A_134 : memref<40x128xi32, #tpu.memory_space<hbm>>) target(%arg6 : memref<40x128xi32, #tpu.memory_space<vmem>>) target_semaphore(%run_scoped3A : memref<!tpu.dma_semaphore, #tpu.memory_space<semaphore_mem>>)
      %dma_wait3A_135 = arith.constant 0 : i32
      %dma_wait3A_136 = arith.constant 0 : i32
      %dma_wait3A_137 = tpu.memref_slice %arg3[%arg0, %arg1, %dma_wait3A_135, %dma_wait3A_136] : memref<2x16x80x128xi32, #tpu.memory_space<hbm>> -> memref<1x1x40x128xi32, #tpu.memory_space<hbm>>
      %dma_wait3A_138 = tpu.memref_squeeze %dma_wait3A_137 : memref<1x1x40x128xi32, #tpu.memory_space<hbm>> -> memref<40x128xi32, #tpu.memory_space<hbm>>
      %dma_wait3A_139 = arith.constant 0 : i32
      %dma_wait3A_140 = arith.constant 0 : i32
      %dma_wait3A_141 = tpu.memref_slice %arg3[%arg0, %arg1, %dma_wait3A_139, %dma_wait3A_140] : memref<2x16x80x128xi32, #tpu.memory_space<hbm>> -> memref<1x1x40x128xi32, #tpu.memory_space<hbm>>
      %dma_wait3A_142 = tpu.memref_squeeze %dma_wait3A_141 : memref<1x1x40x128xi32, #tpu.memory_space<hbm>> -> memref<40x128xi32, #tpu.memory_space<hbm>>
      tpu.wait_dma2 semaphore(%run_scoped3A : memref<!tpu.dma_semaphore, #tpu.memory_space<semaphore_mem>>) src(%dma_wait3A_142 : memref<40x128xi32, #tpu.memory_space<hbm>>) dst(%arg6 : memref<40x128xi32, #tpu.memory_space<vmem>>)
      tpu.yield
    }) : () -> ()
    "tpu.region"() ({
      %run_scoped3A = tpu.sem_alloc : memref<!tpu.dma_semaphore, #tpu.memory_space<semaphore_mem>>
      %dma_start3A_127 = arith.constant 0 : i32
      %dma_start3A_128 = arith.constant 0 : i32
      %dma_start3A_129 = tpu.memref_slice %arg4[%arg0, %arg1, %dma_start3A_127, %dma_start3A_128] : memref<2x16x80x128xi32, #tpu.memory_space<hbm>> -> memref<1x1x40x128xi32, #tpu.memory_space<hbm>>
      %dma_start3A_130 = tpu.memref_squeeze %dma_start3A_129 : memref<1x1x40x128xi32, #tpu.memory_space<hbm>> -> memref<40x128xi32, #tpu.memory_space<hbm>>
      %dma_start3A_131 = arith.constant 0 : i32
      %dma_start3A_132 = arith.constant 0 : i32
      %dma_start3A_133 = tpu.memref_slice %arg4[%arg0, %arg1, %dma_start3A_131, %dma_start3A_132] : memref<2x16x80x128xi32, #tpu.memory_space<hbm>> -> memref<1x1x40x128xi32, #tpu.memory_space<hbm>>
      %dma_start3A_134 = tpu.memref_squeeze %dma_start3A_133 : memref<1x1x40x128xi32, #tpu.memory_space<hbm>> -> memref<40x128xi32, #tpu.memory_space<hbm>>
      tpu.enqueue_dma source(%dma_start3A_134 : memref<40x128xi32, #tpu.memory_space<hbm>>) target(%arg7 : memref<40x128xi32, #tpu.memory_space<vmem>>) target_semaphore(%run_scoped3A : memref<!tpu.dma_semaphore, #tpu.memory_space<semaphore_mem>>)
      %dma_wait3A_135 = arith.constant 0 : i32
      %dma_wait3A_136 = arith.constant 0 : i32
      %dma_wait3A_137 = tpu.memref_slice %arg4[%arg0, %arg1, %dma_wait3A_135, %dma_wait3A_136] : memref<2x16x80x128xi32, #tpu.memory_space<hbm>> -> memref<1x1x40x128xi32, #tpu.memory_space<hbm>>
      %dma_wait3A_138 = tpu.memref_squeeze %dma_wait3A_137 : memref<1x1x40x128xi32, #tpu.memory_space<hbm>> -> memref<40x128xi32, #tpu.memory_space<hbm>>
      %dma_wait3A_139 = arith.constant 0 : i32
      %dma_wait3A_140 = arith.constant 0 : i32
      %dma_wait3A_141 = tpu.memref_slice %arg4[%arg0, %arg1, %dma_wait3A_139, %dma_wait3A_140] : memref<2x16x80x128xi32, #tpu.memory_space<hbm>> -> memref<1x1x40x128xi32, #tpu.memory_space<hbm>>
      %dma_wait3A_142 = tpu.memref_squeeze %dma_wait3A_141 : memref<1x1x40x128xi32, #tpu.memory_space<hbm>> -> memref<40x128xi32, #tpu.memory_space<hbm>>
      tpu.wait_dma2 semaphore(%run_scoped3A : memref<!tpu.dma_semaphore, #tpu.memory_space<semaphore_mem>>) src(%dma_wait3A_142 : memref<40x128xi32, #tpu.memory_space<hbm>>) dst(%arg7 : memref<40x128xi32, #tpu.memory_space<vmem>>)
      tpu.yield
    }) : () -> ()
    %dma_start3A = arith.constant 0 : i32
    %dma_start3A_7 = arith.constant 0 : i32
    %dma_start3A_8 = tpu.memref_slice %arg2[%dma_start3A, %dma_start3A_7] : memref<10240x128xf32, #tpu.memory_space<hbm>> -> memref<128x128xf32, #tpu.memory_space<hbm>>
    %dma_start3A_9 = arith.constant 0 : i32
    %dma_start3A_10 = arith.constant 0 : i32
    %dma_start3A_11 = tpu.memref_slice %arg2[%dma_start3A_9, %dma_start3A_10] : memref<10240x128xf32, #tpu.memory_space<hbm>> -> memref<128x128xf32, #tpu.memory_space<hbm>>
    tpu.enqueue_dma source(%dma_start3A_11 : memref<128x128xf32, #tpu.memory_space<hbm>>) target(%arg8 : memref<128x128xf32, #tpu.memory_space<vmem>>) target_semaphore(%arg11 : memref<!tpu.dma_semaphore, #tpu.memory_space<semaphore_mem>>)
    %dma_wait3A = arith.constant 0 : i32
    %dma_wait3A_12 = arith.constant 0 : i32
    %dma_wait3A_13 = tpu.memref_slice %arg2[%dma_wait3A, %dma_wait3A_12] : memref<10240x128xf32, #tpu.memory_space<hbm>> -> memref<128x128xf32, #tpu.memory_space<hbm>>
    %dma_wait3A_14 = arith.constant 0 : i32
    %dma_wait3A_15 = arith.constant 0 : i32
    %dma_wait3A_16 = tpu.memref_slice %arg2[%dma_wait3A_14, %dma_wait3A_15] : memref<10240x128xf32, #tpu.memory_space<hbm>> -> memref<128x128xf32, #tpu.memory_space<hbm>>
    tpu.wait_dma2 semaphore(%arg11 : memref<!tpu.dma_semaphore, #tpu.memory_space<semaphore_mem>>) src(%dma_wait3A_16 : memref<128x128xf32, #tpu.memory_space<hbm>>) dst(%arg8 : memref<128x128xf32, #tpu.memory_space<vmem>>)
    %dma_start3A_17 = arith.constant 0 : i32
    %dma_start3A_18 = arith.constant 0 : i32
    %dma_start3A_19 = tpu.memref_slice %arg7[%dma_start3A_17, %dma_start3A_18] : memref<40x128xi32, #tpu.memory_space<vmem>> -> memref<1x128xi32, #tpu.memory_space<vmem>>
    %dma_start3A_20 = tpu.memref_squeeze %dma_start3A_19 : memref<1x128xi32, #tpu.memory_space<vmem>> -> memref<128xi32, #tpu.memory_space<vmem>>
    %dma_start3A_21 = arith.constant 0 : i32
    %dma_start3A_22 = arith.constant 0 : i32
    %dma_start3A_23 = tpu.memref_slice %arg10[%dma_start3A_21, %dma_start3A_22] : memref<10240x128xf32, #tpu.memory_space<vmem_shared>> -> memref<10240x128xf32, #tpu.memory_space<vmem_shared>>
    tpu.enqueue_indirect_dma source(%arg8 : memref<128x128xf32, #tpu.memory_space<vmem>>) target(%dma_start3A_23 : memref<10240x128xf32, #tpu.memory_space<vmem_shared>>) offsets(%dma_start3A_20 : memref<128xi32, #tpu.memory_space<vmem>>) semaphore(%arg13 : memref<!tpu.dma_semaphore, #tpu.memory_space<semaphore_mem>>) {add = true}
    %dma_start3A_24 = arith.constant 128 : i32
    %dma_start3A_25 = arith.constant 0 : i32
    %dma_start3A_26 = tpu.memref_slice %arg2[%dma_start3A_24, %dma_start3A_25] : memref<10240x128xf32, #tpu.memory_space<hbm>> -> memref<128x128xf32, #tpu.memory_space<hbm>>
    %dma_start3A_27 = arith.constant 128 : i32
    %dma_start3A_28 = arith.constant 0 : i32
    %dma_start3A_29 = tpu.memref_slice %arg2[%dma_start3A_27, %dma_start3A_28] : memref<10240x128xf32, #tpu.memory_space<hbm>> -> memref<128x128xf32, #tpu.memory_space<hbm>>
    tpu.enqueue_dma source(%dma_start3A_29 : memref<128x128xf32, #tpu.memory_space<hbm>>) target(%arg9 : memref<128x128xf32, #tpu.memory_space<vmem>>) target_semaphore(%arg12 : memref<!tpu.dma_semaphore, #tpu.memory_space<semaphore_mem>>)
    %scan3A = arith.constant 0 : i32
    %scan3A_30 = arith.constant 0 : i32
    %scan3A_31 = arith.constant 19 : i32
    %scan3A_32 = arith.addi %scan3A_30, %scan3A_31 : i32
    %scan3A_33 = arith.constant 1 : i32
    %scan3A_34 = scf.for %scan3A_127 = %scan3A_30 to %scan3A_32 step %scan3A_33 iter_args(%scan3A_128 = %scan3A) -> (i32)  : i32 {
      %mul3A_129 = arith.constant 2 : i32
      %mul3A_130 = arith.muli %mul3A_129, %scan3A_127 : i32
      %add3A = arith.constant 1 : i32
      %add3A_131 = arith.addi %mul3A_130, %add3A : i32
      %mul3A_132 = arith.constant 128 : i32
      %mul3A_133 = arith.muli %add3A_131, %mul3A_132 : i32
      %dma_wait3A_134 = arith.constant 0 : i32
      %dma_wait3A_135 = tpu.memref_slice %arg2[%mul3A_133, %dma_wait3A_134] : memref<10240x128xf32, #tpu.memory_space<hbm>> -> memref<128x128xf32, #tpu.memory_space<hbm>>
      %dma_wait3A_136 = arith.constant 0 : i32
      %dma_wait3A_137 = tpu.memref_slice %arg2[%mul3A_133, %dma_wait3A_136] : memref<10240x128xf32, #tpu.memory_space<hbm>> -> memref<128x128xf32, #tpu.memory_space<hbm>>
      tpu.wait_dma2 semaphore(%arg12 : memref<!tpu.dma_semaphore, #tpu.memory_space<semaphore_mem>>) src(%dma_wait3A_137 : memref<128x128xf32, #tpu.memory_space<hbm>>) dst(%arg9 : memref<128x128xf32, #tpu.memory_space<vmem>>)
      %dma_start3A_138 = arith.constant 0 : i32
      %dma_start3A_139 = tpu.memref_slice %arg7[%add3A_131, %dma_start3A_138] : memref<40x128xi32, #tpu.memory_space<vmem>> -> memref<1x128xi32, #tpu.memory_space<vmem>>
      %dma_start3A_140 = tpu.memref_squeeze %dma_start3A_139 : memref<1x128xi32, #tpu.memory_space<vmem>> -> memref<128xi32, #tpu.memory_space<vmem>>
      %dma_start3A_141 = arith.constant 0 : i32
      %dma_start3A_142 = arith.constant 0 : i32
      %dma_start3A_143 = tpu.memref_slice %arg10[%dma_start3A_141, %dma_start3A_142] : memref<10240x128xf32, #tpu.memory_space<vmem_shared>> -> memref<10240x128xf32, #tpu.memory_space<vmem_shared>>
      tpu.enqueue_indirect_dma source(%arg9 : memref<128x128xf32, #tpu.memory_space<vmem>>) target(%dma_start3A_143 : memref<10240x128xf32, #tpu.memory_space<vmem_shared>>) offsets(%dma_start3A_140 : memref<128xi32, #tpu.memory_space<vmem>>) semaphore(%arg14 : memref<!tpu.dma_semaphore, #tpu.memory_space<semaphore_mem>>) {add = true}
      %sub3A = arith.constant 1 : i32
      %sub3A_144 = arith.subi %add3A_131, %sub3A : i32
      %dma_wait3A_145 = arith.constant 0 : i32
      %dma_wait3A_146 = tpu.memref_slice %arg7[%sub3A_144, %dma_wait3A_145] : memref<40x128xi32, #tpu.memory_space<vmem>> -> memref<1x128xi32, #tpu.memory_space<vmem>>
      %dma_wait3A_147 = tpu.memref_squeeze %dma_wait3A_146 : memref<1x128xi32, #tpu.memory_space<vmem>> -> memref<128xi32, #tpu.memory_space<vmem>>
      %dma_wait3A_148 = arith.constant 0 : i32
      %dma_wait3A_149 = arith.constant 0 : i32
      %dma_wait3A_150 = tpu.memref_slice %arg10[%dma_wait3A_148, %dma_wait3A_149] : memref<10240x128xf32, #tpu.memory_space<vmem_shared>> -> memref<10240x128xf32, #tpu.memory_space<vmem_shared>>
      tpu.wait_indirect_dma semaphore(%arg13 : memref<!tpu.dma_semaphore, #tpu.memory_space<semaphore_mem>>) src(%arg8 : memref<128x128xf32, #tpu.memory_space<vmem>>) dst(%dma_wait3A_150 : memref<10240x128xf32, #tpu.memory_space<vmem_shared>>)
      %add3A_151 = arith.constant 1 : i32
      %add3A_152 = arith.addi %add3A_131, %add3A_151 : i32
      %mul3A_153 = arith.constant 128 : i32
      %mul3A_154 = arith.muli %add3A_152, %mul3A_153 : i32
      %dma_start3A_155 = arith.constant 0 : i32
      %dma_start3A_156 = tpu.memref_slice %arg2[%mul3A_154, %dma_start3A_155] : memref<10240x128xf32, #tpu.memory_space<hbm>> -> memref<128x128xf32, #tpu.memory_space<hbm>>
      %dma_start3A_157 = arith.constant 0 : i32
      %dma_start3A_158 = tpu.memref_slice %arg2[%mul3A_154, %dma_start3A_157] : memref<10240x128xf32, #tpu.memory_space<hbm>> -> memref<128x128xf32, #tpu.memory_space<hbm>>
      tpu.enqueue_dma source(%dma_start3A_158 : memref<128x128xf32, #tpu.memory_space<hbm>>) target(%arg8 : memref<128x128xf32, #tpu.memory_space<vmem>>) target_semaphore(%arg11 : memref<!tpu.dma_semaphore, #tpu.memory_space<semaphore_mem>>)
      %mul3A_159 = arith.constant 2 : i32
      %mul3A_160 = arith.muli %mul3A_159, %scan3A_127 : i32
      %add3A_161 = arith.constant 2 : i32
      %add3A_162 = arith.addi %mul3A_160, %add3A_161 : i32
      %mul3A_163 = arith.constant 128 : i32
      %mul3A_164 = arith.muli %add3A_162, %mul3A_163 : i32
      %dma_wait3A_165 = arith.constant 0 : i32
      %dma_wait3A_166 = tpu.memref_slice %arg2[%mul3A_164, %dma_wait3A_165] : memref<10240x128xf32, #tpu.memory_space<hbm>> -> memref<128x128xf32, #tpu.memory_space<hbm>>
      %dma_wait3A_167 = arith.constant 0 : i32
      %dma_wait3A_168 = tpu.memref_slice %arg2[%mul3A_164, %dma_wait3A_167] : memref<10240x128xf32, #tpu.memory_space<hbm>> -> memref<128x128xf32, #tpu.memory_space<hbm>>
      tpu.wait_dma2 semaphore(%arg11 : memref<!tpu.dma_semaphore, #tpu.memory_space<semaphore_mem>>) src(%dma_wait3A_168 : memref<128x128xf32, #tpu.memory_space<hbm>>) dst(%arg8 : memref<128x128xf32, #tpu.memory_space<vmem>>)
      %dma_start3A_169 = arith.constant 0 : i32
      %dma_start3A_170 = tpu.memref_slice %arg7[%add3A_162, %dma_start3A_169] : memref<40x128xi32, #tpu.memory_space<vmem>> -> memref<1x128xi32, #tpu.memory_space<vmem>>
      %dma_start3A_171 = tpu.memref_squeeze %dma_start3A_170 : memref<1x128xi32, #tpu.memory_space<vmem>> -> memref<128xi32, #tpu.memory_space<vmem>>
      %dma_start3A_172 = arith.constant 0 : i32
      %dma_start3A_173 = arith.constant 0 : i32
      %dma_start3A_174 = tpu.memref_slice %arg10[%dma_start3A_172, %dma_start3A_173] : memref<10240x128xf32, #tpu.memory_space<vmem_shared>> -> memref<10240x128xf32, #tpu.memory_space<vmem_shared>>
      tpu.enqueue_indirect_dma source(%arg8 : memref<128x128xf32, #tpu.memory_space<vmem>>) target(%dma_start3A_174 : memref<10240x128xf32, #tpu.memory_space<vmem_shared>>) offsets(%dma_start3A_171 : memref<128xi32, #tpu.memory_space<vmem>>) semaphore(%arg13 : memref<!tpu.dma_semaphore, #tpu.memory_space<semaphore_mem>>) {add = true}
      %sub3A_175 = arith.constant 1 : i32
      %sub3A_176 = arith.subi %add3A_162, %sub3A_175 : i32
      %dma_wait3A_177 = arith.constant 0 : i32
      %dma_wait3A_178 = tpu.memref_slice %arg7[%sub3A_176, %dma_wait3A_177] : memref<40x128xi32, #tpu.memory_space<vmem>> -> memref<1x128xi32, #tpu.memory_space<vmem>>
      %dma_wait3A_179 = tpu.memref_squeeze %dma_wait3A_178 : memref<1x128xi32, #tpu.memory_space<vmem>> -> memref<128xi32, #tpu.memory_space<vmem>>
      %dma_wait3A_180 = arith.constant 0 : i32
      %dma_wait3A_181 = arith.constant 0 : i32
      %dma_wait3A_182 = tpu.memref_slice %arg10[%dma_wait3A_180, %dma_wait3A_181] : memref<10240x128xf32, #tpu.memory_space<vmem_shared>> -> memref<10240x128xf32, #tpu.memory_space<vmem_shared>>
      tpu.wait_indirect_dma semaphore(%arg14 : memref<!tpu.dma_semaphore, #tpu.memory_space<semaphore_mem>>) src(%arg9 : memref<128x128xf32, #tpu.memory_space<vmem>>) dst(%dma_wait3A_182 : memref<10240x128xf32, #tpu.memory_space<vmem_shared>>)
      %add3A_183 = arith.constant 1 : i32
      %add3A_184 = arith.addi %add3A_162, %add3A_183 : i32
      %mul3A_185 = arith.constant 128 : i32
      %mul3A_186 = arith.muli %add3A_184, %mul3A_185 : i32
      %dma_start3A_187 = arith.constant 0 : i32
      %dma_start3A_188 = tpu.memref_slice %arg2[%mul3A_186, %dma_start3A_187] : memref<10240x128xf32, #tpu.memory_space<hbm>> -> memref<128x128xf32, #tpu.memory_space<hbm>>
      %dma_start3A_189 = arith.constant 0 : i32
      %dma_start3A_190 = tpu.memref_slice %arg2[%mul3A_186, %dma_start3A_189] : memref<10240x128xf32, #tpu.memory_space<hbm>> -> memref<128x128xf32, #tpu.memory_space<hbm>>
      tpu.enqueue_dma source(%dma_start3A_190 : memref<128x128xf32, #tpu.memory_space<hbm>>) target(%arg9 : memref<128x128xf32, #tpu.memory_space<vmem>>) target_semaphore(%arg12 : memref<!tpu.dma_semaphore, #tpu.memory_space<semaphore_mem>>)
      %scan3A_191 = arith.constant 0 : i32
      scf.yield %scan3A_191 : i32
    }
    %scan3A_35 = arith.constant 19 : i32
    %dma_wait3A_36 = arith.constant 4992 : i32
    %dma_wait3A_37 = arith.constant 0 : i32
    %dma_wait3A_38 = tpu.memref_slice %arg2[%dma_wait3A_36, %dma_wait3A_37] : memref<10240x128xf32, #tpu.memory_space<hbm>> -> memref<128x128xf32, #tpu.memory_space<hbm>>
    %dma_wait3A_39 = arith.constant 4992 : i32
    %dma_wait3A_40 = arith.constant 0 : i32
    %dma_wait3A_41 = tpu.memref_slice %arg2[%dma_wait3A_39, %dma_wait3A_40] : memref<10240x128xf32, #tpu.memory_space<hbm>> -> memref<128x128xf32, #tpu.memory_space<hbm>>
    tpu.wait_dma2 semaphore(%arg12 : memref<!tpu.dma_semaphore, #tpu.memory_space<semaphore_mem>>) src(%dma_wait3A_41 : memref<128x128xf32, #tpu.memory_space<hbm>>) dst(%arg9 : memref<128x128xf32, #tpu.memory_space<vmem>>)
    %dma_start3A_42 = arith.constant 39 : i32
    %dma_start3A_43 = arith.constant 0 : i32
    %dma_start3A_44 = tpu.memref_slice %arg7[%dma_start3A_42, %dma_start3A_43] : memref<40x128xi32, #tpu.memory_space<vmem>> -> memref<1x128xi32, #tpu.memory_space<vmem>>
    %dma_start3A_45 = tpu.memref_squeeze %dma_start3A_44 : memref<1x128xi32, #tpu.memory_space<vmem>> -> memref<128xi32, #tpu.memory_space<vmem>>
    %dma_start3A_46 = arith.constant 0 : i32
    %dma_start3A_47 = arith.constant 0 : i32
    %dma_start3A_48 = tpu.memref_slice %arg10[%dma_start3A_46, %dma_start3A_47] : memref<10240x128xf32, #tpu.memory_space<vmem_shared>> -> memref<10240x128xf32, #tpu.memory_space<vmem_shared>>
    tpu.enqueue_indirect_dma source(%arg9 : memref<128x128xf32, #tpu.memory_space<vmem>>) target(%dma_start3A_48 : memref<10240x128xf32, #tpu.memory_space<vmem_shared>>) offsets(%dma_start3A_45 : memref<128xi32, #tpu.memory_space<vmem>>) semaphore(%arg14 : memref<!tpu.dma_semaphore, #tpu.memory_space<semaphore_mem>>) {add = true}
    %dma_wait3A_49 = arith.constant 38 : i32
    %dma_wait3A_50 = arith.constant 0 : i32
    %dma_wait3A_51 = tpu.memref_slice %arg7[%dma_wait3A_49, %dma_wait3A_50] : memref<40x128xi32, #tpu.memory_space<vmem>> -> memref<1x128xi32, #tpu.memory_space<vmem>>
    %dma_wait3A_52 = tpu.memref_squeeze %dma_wait3A_51 : memref<1x128xi32, #tpu.memory_space<vmem>> -> memref<128xi32, #tpu.memory_space<vmem>>
    %dma_wait3A_53 = arith.constant 0 : i32
    %dma_wait3A_54 = arith.constant 0 : i32
    %dma_wait3A_55 = tpu.memref_slice %arg10[%dma_wait3A_53, %dma_wait3A_54] : memref<10240x128xf32, #tpu.memory_space<vmem_shared>> -> memref<10240x128xf32, #tpu.memory_space<vmem_shared>>
    tpu.wait_indirect_dma semaphore(%arg13 : memref<!tpu.dma_semaphore, #tpu.memory_space<semaphore_mem>>) src(%arg8 : memref<128x128xf32, #tpu.memory_space<vmem>>) dst(%dma_wait3A_55 : memref<10240x128xf32, #tpu.memory_space<vmem_shared>>)
    %dma_wait3A_56 = arith.constant 39 : i32
    %dma_wait3A_57 = arith.constant 0 : i32
    %dma_wait3A_58 = tpu.memref_slice %arg7[%dma_wait3A_56, %dma_wait3A_57] : memref<40x128xi32, #tpu.memory_space<vmem>> -> memref<1x128xi32, #tpu.memory_space<vmem>>
    %dma_wait3A_59 = tpu.memref_squeeze %dma_wait3A_58 : memref<1x128xi32, #tpu.memory_space<vmem>> -> memref<128xi32, #tpu.memory_space<vmem>>
    %dma_wait3A_60 = arith.constant 0 : i32
    %dma_wait3A_61 = arith.constant 0 : i32
    %dma_wait3A_62 = tpu.memref_slice %arg10[%dma_wait3A_60, %dma_wait3A_61] : memref<10240x128xf32, #tpu.memory_space<vmem_shared>> -> memref<10240x128xf32, #tpu.memory_space<vmem_shared>>
    tpu.wait_indirect_dma semaphore(%arg14 : memref<!tpu.dma_semaphore, #tpu.memory_space<semaphore_mem>>) src(%arg9 : memref<128x128xf32, #tpu.memory_space<vmem>>) dst(%dma_wait3A_62 : memref<10240x128xf32, #tpu.memory_space<vmem_shared>>)
    "tpu.region"() ({
      %run_scoped3A = tpu.sem_alloc : memref<!tpu.dma_semaphore, #tpu.memory_space<semaphore_mem>>
      %dma_start3A_127 = arith.constant 40 : i32
      %dma_start3A_128 = arith.constant 0 : i32
      %dma_start3A_129 = tpu.memref_slice %arg3[%arg0, %arg1, %dma_start3A_127, %dma_start3A_128] : memref<2x16x80x128xi32, #tpu.memory_space<hbm>> -> memref<1x1x40x128xi32, #tpu.memory_space<hbm>>
      %dma_start3A_130 = tpu.memref_squeeze %dma_start3A_129 : memref<1x1x40x128xi32, #tpu.memory_space<hbm>> -> memref<40x128xi32, #tpu.memory_space<hbm>>
      %dma_start3A_131 = arith.constant 40 : i32
      %dma_start3A_132 = arith.constant 0 : i32
      %dma_start3A_133 = tpu.memref_slice %arg3[%arg0, %arg1, %dma_start3A_131, %dma_start3A_132] : memref<2x16x80x128xi32, #tpu.memory_space<hbm>> -> memref<1x1x40x128xi32, #tpu.memory_space<hbm>>
      %dma_start3A_134 = tpu.memref_squeeze %dma_start3A_133 : memref<1x1x40x128xi32, #tpu.memory_space<hbm>> -> memref<40x128xi32, #tpu.memory_space<hbm>>
      tpu.enqueue_dma source(%dma_start3A_134 : memref<40x128xi32, #tpu.memory_space<hbm>>) target(%arg6 : memref<40x128xi32, #tpu.memory_space<vmem>>) target_semaphore(%run_scoped3A : memref<!tpu.dma_semaphore, #tpu.memory_space<semaphore_mem>>)
      %dma_wait3A_135 = arith.constant 40 : i32
      %dma_wait3A_136 = arith.constant 0 : i32
      %dma_wait3A_137 = tpu.memref_slice %arg3[%arg0, %arg1, %dma_wait3A_135, %dma_wait3A_136] : memref<2x16x80x128xi32, #tpu.memory_space<hbm>> -> memref<1x1x40x128xi32, #tpu.memory_space<hbm>>
      %dma_wait3A_138 = tpu.memref_squeeze %dma_wait3A_137 : memref<1x1x40x128xi32, #tpu.memory_space<hbm>> -> memref<40x128xi32, #tpu.memory_space<hbm>>
      %dma_wait3A_139 = arith.constant 40 : i32
      %dma_wait3A_140 = arith.constant 0 : i32
      %dma_wait3A_141 = tpu.memref_slice %arg3[%arg0, %arg1, %dma_wait3A_139, %dma_wait3A_140] : memref<2x16x80x128xi32, #tpu.memory_space<hbm>> -> memref<1x1x40x128xi32, #tpu.memory_space<hbm>>
      %dma_wait3A_142 = tpu.memref_squeeze %dma_wait3A_141 : memref<1x1x40x128xi32, #tpu.memory_space<hbm>> -> memref<40x128xi32, #tpu.memory_space<hbm>>
      tpu.wait_dma2 semaphore(%run_scoped3A : memref<!tpu.dma_semaphore, #tpu.memory_space<semaphore_mem>>) src(%dma_wait3A_142 : memref<40x128xi32, #tpu.memory_space<hbm>>) dst(%arg6 : memref<40x128xi32, #tpu.memory_space<vmem>>)
      tpu.yield
    }) : () -> ()
    "tpu.region"() ({
      %run_scoped3A = tpu.sem_alloc : memref<!tpu.dma_semaphore, #tpu.memory_space<semaphore_mem>>
      %dma_start3A_127 = arith.constant 40 : i32
      %dma_start3A_128 = arith.constant 0 : i32
      %dma_start3A_129 = tpu.memref_slice %arg4[%arg0, %arg1, %dma_start3A_127, %dma_start3A_128] : memref<2x16x80x128xi32, #tpu.memory_space<hbm>> -> memref<1x1x40x128xi32, #tpu.memory_space<hbm>>
      %dma_start3A_130 = tpu.memref_squeeze %dma_start3A_129 : memref<1x1x40x128xi32, #tpu.memory_space<hbm>> -> memref<40x128xi32, #tpu.memory_space<hbm>>
      %dma_start3A_131 = arith.constant 40 : i32
      %dma_start3A_132 = arith.constant 0 : i32
      %dma_start3A_133 = tpu.memref_slice %arg4[%arg0, %arg1, %dma_start3A_131, %dma_start3A_132] : memref<2x16x80x128xi32, #tpu.memory_space<hbm>> -> memref<1x1x40x128xi32, #tpu.memory_space<hbm>>
      %dma_start3A_134 = tpu.memref_squeeze %dma_start3A_133 : memref<1x1x40x128xi32, #tpu.memory_space<hbm>> -> memref<40x128xi32, #tpu.memory_space<hbm>>
      tpu.enqueue_dma source(%dma_start3A_134 : memref<40x128xi32, #tpu.memory_space<hbm>>) target(%arg7 : memref<40x128xi32, #tpu.memory_space<vmem>>) target_semaphore(%run_scoped3A : memref<!tpu.dma_semaphore, #tpu.memory_space<semaphore_mem>>)
      %dma_wait3A_135 = arith.constant 40 : i32
      %dma_wait3A_136 = arith.constant 0 : i32
      %dma_wait3A_137 = tpu.memref_slice %arg4[%arg0, %arg1, %dma_wait3A_135, %dma_wait3A_136] : memref<2x16x80x128xi32, #tpu.memory_space<hbm>> -> memref<1x1x40x128xi32, #tpu.memory_space<hbm>>
      %dma_wait3A_138 = tpu.memref_squeeze %dma_wait3A_137 : memref<1x1x40x128xi32, #tpu.memory_space<hbm>> -> memref<40x128xi32, #tpu.memory_space<hbm>>
      %dma_wait3A_139 = arith.constant 40 : i32
      %dma_wait3A_140 = arith.constant 0 : i32
      %dma_wait3A_141 = tpu.memref_slice %arg4[%arg0, %arg1, %dma_wait3A_139, %dma_wait3A_140] : memref<2x16x80x128xi32, #tpu.memory_space<hbm>> -> memref<1x1x40x128xi32, #tpu.memory_space<hbm>>
      %dma_wait3A_142 = tpu.memref_squeeze %dma_wait3A_141 : memref<1x1x40x128xi32, #tpu.memory_space<hbm>> -> memref<40x128xi32, #tpu.memory_space<hbm>>
      tpu.wait_dma2 semaphore(%run_scoped3A : memref<!tpu.dma_semaphore, #tpu.memory_space<semaphore_mem>>) src(%dma_wait3A_142 : memref<40x128xi32, #tpu.memory_space<hbm>>) dst(%arg7 : memref<40x128xi32, #tpu.memory_space<vmem>>)
      tpu.yield
    }) : () -> ()
    %dma_start3A_63 = arith.constant 0 : i32
    %dma_start3A_64 = arith.constant 0 : i32
    %dma_start3A_65 = tpu.memref_slice %arg2[%dma_start3A_63, %dma_start3A_64] : memref<10240x128xf32, #tpu.memory_space<hbm>> -> memref<128x128xf32, #tpu.memory_space<hbm>>
    %dma_start3A_66 = arith.constant 0 : i32
    %dma_start3A_67 = arith.constant 0 : i32
    %dma_start3A_68 = tpu.memref_slice %arg2[%dma_start3A_66, %dma_start3A_67] : memref<10240x128xf32, #tpu.memory_space<hbm>> -> memref<128x128xf32, #tpu.memory_space<hbm>>
    tpu.enqueue_dma source(%dma_start3A_68 : memref<128x128xf32, #tpu.memory_space<hbm>>) target(%arg8 : memref<128x128xf32, #tpu.memory_space<vmem>>) target_semaphore(%arg11 : memref<!tpu.dma_semaphore, #tpu.memory_space<semaphore_mem>>)
    %dma_wait3A_69 = arith.constant 0 : i32
    %dma_wait3A_70 = arith.constant 0 : i32
    %dma_wait3A_71 = tpu.memref_slice %arg2[%dma_wait3A_69, %dma_wait3A_70] : memref<10240x128xf32, #tpu.memory_space<hbm>> -> memref<128x128xf32, #tpu.memory_space<hbm>>
    %dma_wait3A_72 = arith.constant 0 : i32
    %dma_wait3A_73 = arith.constant 0 : i32
    %dma_wait3A_74 = tpu.memref_slice %arg2[%dma_wait3A_72, %dma_wait3A_73] : memref<10240x128xf32, #tpu.memory_space<hbm>> -> memref<128x128xf32, #tpu.memory_space<hbm>>
    tpu.wait_dma2 semaphore(%arg11 : memref<!tpu.dma_semaphore, #tpu.memory_space<semaphore_mem>>) src(%dma_wait3A_74 : memref<128x128xf32, #tpu.memory_space<hbm>>) dst(%arg8 : memref<128x128xf32, #tpu.memory_space<vmem>>)
    %dma_start3A_75 = arith.constant 0 : i32
    %dma_start3A_76 = arith.constant 0 : i32
    %dma_start3A_77 = tpu.memref_slice %arg7[%dma_start3A_75, %dma_start3A_76] : memref<40x128xi32, #tpu.memory_space<vmem>> -> memref<1x128xi32, #tpu.memory_space<vmem>>
    %dma_start3A_78 = tpu.memref_squeeze %dma_start3A_77 : memref<1x128xi32, #tpu.memory_space<vmem>> -> memref<128xi32, #tpu.memory_space<vmem>>
    %dma_start3A_79 = arith.constant 0 : i32
    %dma_start3A_80 = arith.constant 0 : i32
    %dma_start3A_81 = tpu.memref_slice %arg10[%dma_start3A_79, %dma_start3A_80] : memref<10240x128xf32, #tpu.memory_space<vmem_shared>> -> memref<10240x128xf32, #tpu.memory_space<vmem_shared>>
    tpu.enqueue_indirect_dma source(%arg8 : memref<128x128xf32, #tpu.memory_space<vmem>>) target(%dma_start3A_81 : memref<10240x128xf32, #tpu.memory_space<vmem_shared>>) offsets(%dma_start3A_78 : memref<128xi32, #tpu.memory_space<vmem>>) semaphore(%arg13 : memref<!tpu.dma_semaphore, #tpu.memory_space<semaphore_mem>>) {add = true}
    %dma_start3A_82 = arith.constant 128 : i32
    %dma_start3A_83 = arith.constant 0 : i32
    %dma_start3A_84 = tpu.memref_slice %arg2[%dma_start3A_82, %dma_start3A_83] : memref<10240x128xf32, #tpu.memory_space<hbm>> -> memref<128x128xf32, #tpu.memory_space<hbm>>
    %dma_start3A_85 = arith.constant 128 : i32
    %dma_start3A_86 = arith.constant 0 : i32
    %dma_start3A_87 = tpu.memref_slice %arg2[%dma_start3A_85, %dma_start3A_86] : memref<10240x128xf32, #tpu.memory_space<hbm>> -> memref<128x128xf32, #tpu.memory_space<hbm>>
    tpu.enqueue_dma source(%dma_start3A_87 : memref<128x128xf32, #tpu.memory_space<hbm>>) target(%arg9 : memref<128x128xf32, #tpu.memory_space<vmem>>) target_semaphore(%arg12 : memref<!tpu.dma_semaphore, #tpu.memory_space<semaphore_mem>>)
    %scan3A_88 = arith.constant 0 : i32
    %scan3A_89 = arith.constant 0 : i32
    %scan3A_90 = arith.constant 19 : i32
    %scan3A_91 = arith.addi %scan3A_89, %scan3A_90 : i32
    %scan3A_92 = arith.constant 1 : i32
    %scan3A_93 = scf.for %scan3A_127 = %scan3A_89 to %scan3A_91 step %scan3A_92 iter_args(%scan3A_128 = %scan3A_88) -> (i32)  : i32 {
      %mul3A_129 = arith.constant 2 : i32
      %mul3A_130 = arith.muli %mul3A_129, %scan3A_127 : i32
      %add3A = arith.constant 1 : i32
      %add3A_131 = arith.addi %mul3A_130, %add3A : i32
      %mul3A_132 = arith.constant 128 : i32
      %mul3A_133 = arith.muli %add3A_131, %mul3A_132 : i32
      %dma_wait3A_134 = arith.constant 0 : i32
      %dma_wait3A_135 = tpu.memref_slice %arg2[%mul3A_133, %dma_wait3A_134] : memref<10240x128xf32, #tpu.memory_space<hbm>> -> memref<128x128xf32, #tpu.memory_space<hbm>>
      %dma_wait3A_136 = arith.constant 0 : i32
      %dma_wait3A_137 = tpu.memref_slice %arg2[%mul3A_133, %dma_wait3A_136] : memref<10240x128xf32, #tpu.memory_space<hbm>> -> memref<128x128xf32, #tpu.memory_space<hbm>>
      tpu.wait_dma2 semaphore(%arg12 : memref<!tpu.dma_semaphore, #tpu.memory_space<semaphore_mem>>) src(%dma_wait3A_137 : memref<128x128xf32, #tpu.memory_space<hbm>>) dst(%arg9 : memref<128x128xf32, #tpu.memory_space<vmem>>)
      %dma_start3A_138 = arith.constant 0 : i32
      %dma_start3A_139 = tpu.memref_slice %arg7[%add3A_131, %dma_start3A_138] : memref<40x128xi32, #tpu.memory_space<vmem>> -> memref<1x128xi32, #tpu.memory_space<vmem>>
      %dma_start3A_140 = tpu.memref_squeeze %dma_start3A_139 : memref<1x128xi32, #tpu.memory_space<vmem>> -> memref<128xi32, #tpu.memory_space<vmem>>
      %dma_start3A_141 = arith.constant 0 : i32
      %dma_start3A_142 = arith.constant 0 : i32
      %dma_start3A_143 = tpu.memref_slice %arg10[%dma_start3A_141, %dma_start3A_142] : memref<10240x128xf32, #tpu.memory_space<vmem_shared>> -> memref<10240x128xf32, #tpu.memory_space<vmem_shared>>
      tpu.enqueue_indirect_dma source(%arg9 : memref<128x128xf32, #tpu.memory_space<vmem>>) target(%dma_start3A_143 : memref<10240x128xf32, #tpu.memory_space<vmem_shared>>) offsets(%dma_start3A_140 : memref<128xi32, #tpu.memory_space<vmem>>) semaphore(%arg14 : memref<!tpu.dma_semaphore, #tpu.memory_space<semaphore_mem>>) {add = true}
      %sub3A = arith.constant 1 : i32
      %sub3A_144 = arith.subi %add3A_131, %sub3A : i32
      %dma_wait3A_145 = arith.constant 0 : i32
      %dma_wait3A_146 = tpu.memref_slice %arg7[%sub3A_144, %dma_wait3A_145] : memref<40x128xi32, #tpu.memory_space<vmem>> -> memref<1x128xi32, #tpu.memory_space<vmem>>
      %dma_wait3A_147 = tpu.memref_squeeze %dma_wait3A_146 : memref<1x128xi32, #tpu.memory_space<vmem>> -> memref<128xi32, #tpu.memory_space<vmem>>
      %dma_wait3A_148 = arith.constant 0 : i32
      %dma_wait3A_149 = arith.constant 0 : i32
      %dma_wait3A_150 = tpu.memref_slice %arg10[%dma_wait3A_148, %dma_wait3A_149] : memref<10240x128xf32, #tpu.memory_space<vmem_shared>> -> memref<10240x128xf32, #tpu.memory_space<vmem_shared>>
      tpu.wait_indirect_dma semaphore(%arg13 : memref<!tpu.dma_semaphore, #tpu.memory_space<semaphore_mem>>) src(%arg8 : memref<128x128xf32, #tpu.memory_space<vmem>>) dst(%dma_wait3A_150 : memref<10240x128xf32, #tpu.memory_space<vmem_shared>>)
      %add3A_151 = arith.constant 1 : i32
      %add3A_152 = arith.addi %add3A_131, %add3A_151 : i32
      %mul3A_153 = arith.constant 128 : i32
      %mul3A_154 = arith.muli %add3A_152, %mul3A_153 : i32
      %dma_start3A_155 = arith.constant 0 : i32
      %dma_start3A_156 = tpu.memref_slice %arg2[%mul3A_154, %dma_start3A_155] : memref<10240x128xf32, #tpu.memory_space<hbm>> -> memref<128x128xf32, #tpu.memory_space<hbm>>
      %dma_start3A_157 = arith.constant 0 : i32
      %dma_start3A_158 = tpu.memref_slice %arg2[%mul3A_154, %dma_start3A_157] : memref<10240x128xf32, #tpu.memory_space<hbm>> -> memref<128x128xf32, #tpu.memory_space<hbm>>
      tpu.enqueue_dma source(%dma_start3A_158 : memref<128x128xf32, #tpu.memory_space<hbm>>) target(%arg8 : memref<128x128xf32, #tpu.memory_space<vmem>>) target_semaphore(%arg11 : memref<!tpu.dma_semaphore, #tpu.memory_space<semaphore_mem>>)
      %mul3A_159 = arith.constant 2 : i32
      %mul3A_160 = arith.muli %mul3A_159, %scan3A_127 : i32
      %add3A_161 = arith.constant 2 : i32
      %add3A_162 = arith.addi %mul3A_160, %add3A_161 : i32
      %mul3A_163 = arith.constant 128 : i32
      %mul3A_164 = arith.muli %add3A_162, %mul3A_163 : i32
      %dma_wait3A_165 = arith.constant 0 : i32
      %dma_wait3A_166 = tpu.memref_slice %arg2[%mul3A_164, %dma_wait3A_165] : memref<10240x128xf32, #tpu.memory_space<hbm>> -> memref<128x128xf32, #tpu.memory_space<hbm>>
      %dma_wait3A_167 = arith.constant 0 : i32
      %dma_wait3A_168 = tpu.memref_slice %arg2[%mul3A_164, %dma_wait3A_167] : memref<10240x128xf32, #tpu.memory_space<hbm>> -> memref<128x128xf32, #tpu.memory_space<hbm>>
      tpu.wait_dma2 semaphore(%arg11 : memref<!tpu.dma_semaphore, #tpu.memory_space<semaphore_mem>>) src(%dma_wait3A_168 : memref<128x128xf32, #tpu.memory_space<hbm>>) dst(%arg8 : memref<128x128xf32, #tpu.memory_space<vmem>>)
      %dma_start3A_169 = arith.constant 0 : i32
      %dma_start3A_170 = tpu.memref_slice %arg7[%add3A_162, %dma_start3A_169] : memref<40x128xi32, #tpu.memory_space<vmem>> -> memref<1x128xi32, #tpu.memory_space<vmem>>
      %dma_start3A_171 = tpu.memref_squeeze %dma_start3A_170 : memref<1x128xi32, #tpu.memory_space<vmem>> -> memref<128xi32, #tpu.memory_space<vmem>>
      %dma_start3A_172 = arith.constant 0 : i32
      %dma_start3A_173 = arith.constant 0 : i32
      %dma_start3A_174 = tpu.memref_slice %arg10[%dma_start3A_172, %dma_start3A_173] : memref<10240x128xf32, #tpu.memory_space<vmem_shared>> -> memref<10240x128xf32, #tpu.memory_space<vmem_shared>>
      tpu.enqueue_indirect_dma source(%arg8 : memref<128x128xf32, #tpu.memory_space<vmem>>) target(%dma_start3A_174 : memref<10240x128xf32, #tpu.memory_space<vmem_shared>>) offsets(%dma_start3A_171 : memref<128xi32, #tpu.memory_space<vmem>>) semaphore(%arg13 : memref<!tpu.dma_semaphore, #tpu.memory_space<semaphore_mem>>) {add = true}
      %sub3A_175 = arith.constant 1 : i32
      %sub3A_176 = arith.subi %add3A_162, %sub3A_175 : i32
      %dma_wait3A_177 = arith.constant 0 : i32
      %dma_wait3A_178 = tpu.memref_slice %arg7[%sub3A_176, %dma_wait3A_177] : memref<40x128xi32, #tpu.memory_space<vmem>> -> memref<1x128xi32, #tpu.memory_space<vmem>>
      %dma_wait3A_179 = tpu.memref_squeeze %dma_wait3A_178 : memref<1x128xi32, #tpu.memory_space<vmem>> -> memref<128xi32, #tpu.memory_space<vmem>>
      %dma_wait3A_180 = arith.constant 0 : i32
      %dma_wait3A_181 = arith.constant 0 : i32
      %dma_wait3A_182 = tpu.memref_slice %arg10[%dma_wait3A_180, %dma_wait3A_181] : memref<10240x128xf32, #tpu.memory_space<vmem_shared>> -> memref<10240x128xf32, #tpu.memory_space<vmem_shared>>
      tpu.wait_indirect_dma semaphore(%arg14 : memref<!tpu.dma_semaphore, #tpu.memory_space<semaphore_mem>>) src(%arg9 : memref<128x128xf32, #tpu.memory_space<vmem>>) dst(%dma_wait3A_182 : memref<10240x128xf32, #tpu.memory_space<vmem_shared>>)
      %add3A_183 = arith.constant 1 : i32
      %add3A_184 = arith.addi %add3A_162, %add3A_183 : i32
      %mul3A_185 = arith.constant 128 : i32
      %mul3A_186 = arith.muli %add3A_184, %mul3A_185 : i32
      %dma_start3A_187 = arith.constant 0 : i32
      %dma_start3A_188 = tpu.memref_slice %arg2[%mul3A_186, %dma_start3A_187] : memref<10240x128xf32, #tpu.memory_space<hbm>> -> memref<128x128xf32, #tpu.memory_space<hbm>>
      %dma_start3A_189 = arith.constant 0 : i32
      %dma_start3A_190 = tpu.memref_slice %arg2[%mul3A_186, %dma_start3A_189] : memref<10240x128xf32, #tpu.memory_space<hbm>> -> memref<128x128xf32, #tpu.memory_space<hbm>>
      tpu.enqueue_dma source(%dma_start3A_190 : memref<128x128xf32, #tpu.memory_space<hbm>>) target(%arg9 : memref<128x128xf32, #tpu.memory_space<vmem>>) target_semaphore(%arg12 : memref<!tpu.dma_semaphore, #tpu.memory_space<semaphore_mem>>)
      %scan3A_191 = arith.constant 0 : i32
      scf.yield %scan3A_191 : i32
    }
    %scan3A_94 = arith.constant 19 : i32
    %dma_wait3A_95 = arith.constant 4992 : i32
    %dma_wait3A_96 = arith.constant 0 : i32
    %dma_wait3A_97 = tpu.memref_slice %arg2[%dma_wait3A_95, %dma_wait3A_96] : memref<10240x128xf32, #tpu.memory_space<hbm>> -> memref<128x128xf32, #tpu.memory_space<hbm>>
    %dma_wait3A_98 = arith.constant 4992 : i32
    %dma_wait3A_99 = arith.constant 0 : i32
    %dma_wait3A_100 = tpu.memref_slice %arg2[%dma_wait3A_98, %dma_wait3A_99] : memref<10240x128xf32, #tpu.memory_space<hbm>> -> memref<128x128xf32, #tpu.memory_space<hbm>>
    tpu.wait_dma2 semaphore(%arg12 : memref<!tpu.dma_semaphore, #tpu.memory_space<semaphore_mem>>) src(%dma_wait3A_100 : memref<128x128xf32, #tpu.memory_space<hbm>>) dst(%arg9 : memref<128x128xf32, #tpu.memory_space<vmem>>)
    %dma_start3A_101 = arith.constant 39 : i32
    %dma_start3A_102 = arith.constant 0 : i32
    %dma_start3A_103 = tpu.memref_slice %arg7[%dma_start3A_101, %dma_start3A_102] : memref<40x128xi32, #tpu.memory_space<vmem>> -> memref<1x128xi32, #tpu.memory_space<vmem>>
    %dma_start3A_104 = tpu.memref_squeeze %dma_start3A_103 : memref<1x128xi32, #tpu.memory_space<vmem>> -> memref<128xi32, #tpu.memory_space<vmem>>
    %dma_start3A_105 = arith.constant 0 : i32
    %dma_start3A_106 = arith.constant 0 : i32
    %dma_start3A_107 = tpu.memref_slice %arg10[%dma_start3A_105, %dma_start3A_106] : memref<10240x128xf32, #tpu.memory_space<vmem_shared>> -> memref<10240x128xf32, #tpu.memory_space<vmem_shared>>
    tpu.enqueue_indirect_dma source(%arg9 : memref<128x128xf32, #tpu.memory_space<vmem>>) target(%dma_start3A_107 : memref<10240x128xf32, #tpu.memory_space<vmem_shared>>) offsets(%dma_start3A_104 : memref<128xi32, #tpu.memory_space<vmem>>) semaphore(%arg14 : memref<!tpu.dma_semaphore, #tpu.memory_space<semaphore_mem>>) {add = true}
    %dma_wait3A_108 = arith.constant 38 : i32
    %dma_wait3A_109 = arith.constant 0 : i32
    %dma_wait3A_110 = tpu.memref_slice %arg7[%dma_wait3A_108, %dma_wait3A_109] : memref<40x128xi32, #tpu.memory_space<vmem>> -> memref<1x128xi32, #tpu.memory_space<vmem>>
    %dma_wait3A_111 = tpu.memref_squeeze %dma_wait3A_110 : memref<1x128xi32, #tpu.memory_space<vmem>> -> memref<128xi32, #tpu.memory_space<vmem>>
    %dma_wait3A_112 = arith.constant 0 : i32
    %dma_wait3A_113 = arith.constant 0 : i32
    %dma_wait3A_114 = tpu.memref_slice %arg10[%dma_wait3A_112, %dma_wait3A_113] : memref<10240x128xf32, #tpu.memory_space<vmem_shared>> -> memref<10240x128xf32, #tpu.memory_space<vmem_shared>>
    tpu.wait_indirect_dma semaphore(%arg13 : memref<!tpu.dma_semaphore, #tpu.memory_space<semaphore_mem>>) src(%arg8 : memref<128x128xf32, #tpu.memory_space<vmem>>) dst(%dma_wait3A_114 : memref<10240x128xf32, #tpu.memory_space<vmem_shared>>)
    %dma_wait3A_115 = arith.constant 39 : i32
    %dma_wait3A_116 = arith.constant 0 : i32
    %dma_wait3A_117 = tpu.memref_slice %arg7[%dma_wait3A_115, %dma_wait3A_116] : memref<40x128xi32, #tpu.memory_space<vmem>> -> memref<1x128xi32, #tpu.memory_space<vmem>>
    %dma_wait3A_118 = tpu.memref_squeeze %dma_wait3A_117 : memref<1x128xi32, #tpu.memory_space<vmem>> -> memref<128xi32, #tpu.memory_space<vmem>>
    %dma_wait3A_119 = arith.constant 0 : i32
    %dma_wait3A_120 = arith.constant 0 : i32
    %dma_wait3A_121 = tpu.memref_slice %arg10[%dma_wait3A_119, %dma_wait3A_120] : memref<10240x128xf32, #tpu.memory_space<vmem_shared>> -> memref<10240x128xf32, #tpu.memory_space<vmem_shared>>
    tpu.wait_indirect_dma semaphore(%arg14 : memref<!tpu.dma_semaphore, #tpu.memory_space<semaphore_mem>>) src(%arg9 : memref<128x128xf32, #tpu.memory_space<vmem>>) dst(%dma_wait3A_121 : memref<10240x128xf32, #tpu.memory_space<vmem_shared>>)
    %barrier3A_122 = arith.constant 0 : index
    tpu.barrier barrier_id(%barrier3A_122)
    %mul3A_123 = arith.constant 640 : i32
    %mul3A_124 = arith.muli %arg1, %mul3A_123 : i32
    %mul3A_125 = arith.constant 640 : i32
    %mul3A_126 = arith.muli %arg1, %mul3A_125 : i32
    "tpu.region"() ({
      %run_scoped3A = tpu.sem_alloc : memref<!tpu.dma_semaphore, #tpu.memory_space<semaphore_mem>>
      %dma_start3A_127 = arith.constant 0 : i32
      %dma_start3A_128 = tpu.memref_slice %arg5[%arg0, %mul3A_126, %dma_start3A_127] : memref<2x10240x128xf32, #tpu.memory_space<hbm>> -> memref<1x640x128xf32, #tpu.memory_space<hbm>>
      %dma_start3A_129 = tpu.memref_squeeze %dma_start3A_128 : memref<1x640x128xf32, #tpu.memory_space<hbm>> -> memref<640x128xf32, #tpu.memory_space<hbm>>
      %dma_start3A_130 = arith.constant 0 : i32
      %dma_start3A_131 = tpu.memref_slice %arg10[%mul3A_124, %dma_start3A_130] : memref<10240x128xf32, #tpu.memory_space<vmem_shared>> -> memref<640x128xf32, #tpu.memory_space<vmem_shared>>
      tpu.enqueue_dma source(%dma_start3A_131 : memref<640x128xf32, #tpu.memory_space<vmem_shared>>) target(%dma_start3A_129 : memref<640x128xf32, #tpu.memory_space<hbm>>) target_semaphore(%run_scoped3A : memref<!tpu.dma_semaphore, #tpu.memory_space<semaphore_mem>>)
      %dma_wait3A_132 = arith.constant 0 : i32
      %dma_wait3A_133 = tpu.memref_slice %arg5[%arg0, %mul3A_126, %dma_wait3A_132] : memref<2x10240x128xf32, #tpu.memory_space<hbm>> -> memref<1x640x128xf32, #tpu.memory_space<hbm>>
      %dma_wait3A_134 = tpu.memref_squeeze %dma_wait3A_133 : memref<1x640x128xf32, #tpu.memory_space<hbm>> -> memref<640x128xf32, #tpu.memory_space<hbm>>
      %dma_wait3A_135 = arith.constant 0 : i32
      %dma_wait3A_136 = tpu.memref_slice %arg10[%mul3A_124, %dma_wait3A_135] : memref<10240x128xf32, #tpu.memory_space<vmem_shared>> -> memref<640x128xf32, #tpu.memory_space<vmem_shared>>
      tpu.wait_dma2 semaphore(%run_scoped3A : memref<!tpu.dma_semaphore, #tpu.memory_space<semaphore_mem>>) src(%dma_wait3A_136 : memref<640x128xf32, #tpu.memory_space<vmem_shared>>) dst(%dma_wait3A_134 : memref<640x128xf32, #tpu.memory_space<hbm>>)
      tpu.yield
    }) : () -> ()
    return
  }
}

module attributes {stable_mosaic.version = 14 : i64} {
  func.func @_prep_body(%arg0: i32, %arg1: memref<1024x1xf32, #tpu.memory_space<vmem>>, %arg2: memref<1024x1xf32, #tpu.memory_space<vmem>>, %arg3: memref<1024x128xf32, #tpu.memory_space<vmem>>, %arg4: memref<1024x1xf32, #tpu.memory_space<vmem>>, %arg5: memref<1024x128xf32, #tpu.memory_space<vmem>>) attributes {dimension_semantics = [#tpu.dimension_semantics<arbitrary>], iteration_bounds = array<i64: 10>, scalar_prefetch = 0 : i64, scratch_operands = 0 : i64, tpu.core_type = #tpu.core_type<tc>, window_params = [{transform_indices = @transform_0, window_bounds = array<i64: 1024, 1>}, {transform_indices = @transform_1, window_bounds = array<i64: 1024, 1>}, {transform_indices = @transform_2, window_bounds = array<i64: 1024, 128>}, {transform_indices = @transform_3, window_bounds = array<i64: 1024, 1>}, {transform_indices = @transform_4, window_bounds = array<i64: 1024, 128>}]} {
    %get3A = arith.constant 0 : index
    %get3A_0 = arith.constant 0 : index
    %get3A_1 = vector.load %arg1[%get3A, %get3A_0] : memref<1024x1xf32, #tpu.memory_space<vmem>>, vector<1024x1xf32>
    %get3A_2 = arith.constant 0 : index
    %get3A_3 = arith.constant 0 : index
    %get3A_4 = vector.load %arg2[%get3A_2, %get3A_3] : memref<1024x1xf32, #tpu.memory_space<vmem>>, vector<1024x1xf32>
    %add3A = arith.addf %get3A_1, %get3A_4 : vector<1024x1xf32>
    %add3A_5 = arith.constant 1.000000e+00 : f32
    %add3A_6 = vector.broadcast %add3A_5 : f32 to vector<1024x1xf32>
    %add3A_7 = arith.addf %add3A, %add3A_6 : vector<1024x1xf32>
    %rsqrt3A = math.rsqrt %add3A_7 : vector<1024x1xf32>
    %mul3A = arith.constant 1024 : i32
    %mul3A_8 = arith.muli %arg0, %mul3A : i32
    %iota3A = tpu.iota {dimensions = array<i32: 0>} : vector<1024x1xi32>
    %add3A_9 = vector.broadcast %mul3A_8 : i32 to vector<1024x1xi32>
    %add3A_10 = arith.addi %add3A_9, %iota3A : vector<1024x1xi32>
    %lt3A = arith.constant 10000 : i32
    %lt3A_11 = vector.broadcast %lt3A : i32 to vector<1024x1xi32>
    %lt3A_12 = arith.cmpi slt, %add3A_10, %lt3A_11 : vector<1024x1xi32>
    %jit3A = arith.constant 0.000000e+00 : f32
    %broadcast_in_dim3A = vector.broadcast %jit3A : f32 to vector<1024x1xf32>
    %select_n3A = arith.select %lt3A_12, %rsqrt3A, %broadcast_in_dim3A : vector<1024x1xi1>, vector<1024x1xf32>
    %swap3A = arith.constant 0 : index
    %swap3A_13 = arith.constant 0 : index
    %swap3A_14 = vector.load %arg4[%swap3A, %swap3A_13] : memref<1024x1xf32, #tpu.memory_space<vmem>>, vector<1024x1xf32>
    tpu.vector_store %arg4[%swap3A, %swap3A_13], %select_n3A {strides = array<i32>} : memref<1024x1xf32, #tpu.memory_space<vmem>>, vector<1024x1xf32>,
    %get3A_15 = arith.constant 0 : index
    %get3A_16 = arith.constant 0 : index
    %get3A_17 = vector.load %arg3[%get3A_15, %get3A_16] : memref<1024x128xf32, #tpu.memory_space<vmem>>, vector<1024x128xf32>
    %mul3A_18 = vector.broadcast %select_n3A : vector<1024x1xf32> to vector<1024x128xf32>
    %mul3A_19 = arith.mulf %get3A_17, %mul3A_18 : vector<1024x128xf32>
    %swap3A_20 = arith.constant 0 : index
    %swap3A_21 = arith.constant 0 : index
    %swap3A_22 = vector.load %arg5[%swap3A_20, %swap3A_21] : memref<1024x128xf32, #tpu.memory_space<vmem>>, vector<1024x128xf32>
    tpu.vector_store %arg5[%swap3A_20, %swap3A_21], %mul3A_19 {strides = array<i32>} : memref<1024x128xf32, #tpu.memory_space<vmem>>, vector<1024x128xf32>,
    return
  }
  func.func @transform_0(%arg0: i32) -> (i32, i32) {
    %c0_i32 = arith.constant 0 : i32
    %c0_i32_0 = arith.constant 0 : i32
    return %arg0, %c0_i32 : i32, i32
  }
  func.func @transform_1(%arg0: i32) -> (i32, i32) {
    %c0_i32 = arith.constant 0 : i32
    %c0_i32_0 = arith.constant 0 : i32
    return %arg0, %c0_i32 : i32, i32
  }
  func.func @transform_2(%arg0: i32) -> (i32, i32) {
    %c0_i32 = arith.constant 0 : i32
    %c0_i32_0 = arith.constant 0 : i32
    return %arg0, %c0_i32 : i32, i32
  }
  func.func @transform_3(%arg0: i32) -> (i32, i32) {
    %c0_i32 = arith.constant 0 : i32
    %c0_i32_0 = arith.constant 0 : i32
    return %arg0, %c0_i32 : i32, i32
  }
  func.func @transform_4(%arg0: i32) -> (i32, i32) {
    %c0_i32 = arith.constant 0 : i32
    %c0_i32_0 = arith.constant 0 : i32
    return %arg0, %c0_i32 : i32, i32
  }
}

module attributes {stable_mosaic.version = 14 : i64} {
  func.func @_final_body(%arg0: i32, %arg1: memref<2x1024x128xf32, #tpu.memory_space<vmem>>, %arg2: memref<1024x1xf32, #tpu.memory_space<vmem>>, %arg3: memref<128x128xf32, #tpu.memory_space<vmem>>, %arg4: memref<1x128xf32, #tpu.memory_space<vmem>>, %arg5: memref<2x128xf32, #tpu.memory_space<vmem>>, %arg6: memref<1x128xf32, #tpu.memory_space<vmem>>) attributes {dimension_semantics = [#tpu.dimension_semantics<arbitrary>], iteration_bounds = array<i64: 10>, scalar_prefetch = 0 : i64, scratch_operands = 1 : i64, tpu.core_type = #tpu.core_type<tc>, window_params = [{transform_indices = @transform_0, window_bounds = array<i64: 2, 1024, 128>}, {transform_indices = @transform_1, window_bounds = array<i64: 1024, 1>}, {pipeline_mode = #tpu.pipeline_mode<synchronous>, transform_indices = @transform_2, window_bounds = array<i64: 128, 128>}, {pipeline_mode = #tpu.pipeline_mode<synchronous>, transform_indices = @transform_3, window_bounds = array<i64: 1, 128>}, {pipeline_mode = #tpu.pipeline_mode<synchronous>, transform_indices = @transform_4, window_bounds = array<i64: 2, 128>}]} {
    %eq3A = arith.constant 0 : i32
    %eq3A_0 = arith.cmpi eq, %arg0, %eq3A : i32
    %convert_element_type3A = arith.extui %eq3A_0 : i1 to i32
    %cond3A = arith.constant 0 : i32
    %cond3A_1 = arith.cmpi ne, %convert_element_type3A, %cond3A : i32
    scf.if %cond3A_1 {
      %broadcast_in_dim3A_45 = arith.constant 0.000000e+00 : f32
      %broadcast_in_dim3A_46 = vector.broadcast %broadcast_in_dim3A_45 : f32 to vector<1x128xf32>
      %swap3A_47 = arith.constant 0 : index
      %swap3A_48 = arith.constant 0 : index
      %swap3A_49 = vector.load %arg6[%swap3A_47, %swap3A_48] : memref<1x128xf32, #tpu.memory_space<vmem>>, vector<1x128xf32>
      tpu.vector_store %arg6[%swap3A_47, %swap3A_48], %broadcast_in_dim3A_46 {strides = array<i32>} : memref<1x128xf32, #tpu.memory_space<vmem>>, vector<1x128xf32>,
    } else {
    }
    %get3A = arith.constant 0 : index
    %get3A_2 = arith.constant 0 : index
    %get3A_3 = arith.constant 0 : index
    %get3A_4 = vector.load %arg1[%get3A, %get3A_2, %get3A_3] : memref<2x1024x128xf32, #tpu.memory_space<vmem>>, vector<1x1024x128xf32>
    %get3A_5 = vector.shape_cast %get3A_4 : vector<1x1024x128xf32> to vector<1024x128xf32>
    %get3A_6 = arith.constant 1 : index
    %get3A_7 = arith.constant 0 : index
    %get3A_8 = arith.constant 0 : index
    %get3A_9 = vector.load %arg1[%get3A_6, %get3A_7, %get3A_8] : memref<2x1024x128xf32, #tpu.memory_space<vmem>>, vector<1x1024x128xf32>
    %get3A_10 = vector.shape_cast %get3A_9 : vector<1x1024x128xf32> to vector<1024x128xf32>
    %add3A = arith.addf %get3A_5, %get3A_10 : vector<1024x128xf32>
    %get3A_11 = arith.constant 0 : index
    %get3A_12 = arith.constant 0 : index
    %get3A_13 = vector.load %arg2[%get3A_11, %get3A_12] : memref<1024x1xf32, #tpu.memory_space<vmem>>, vector<1024x1xf32>
    %mul3A = vector.broadcast %get3A_13 : vector<1024x1xf32> to vector<1024x128xf32>
    %mul3A_14 = arith.mulf %add3A, %mul3A : vector<1024x128xf32>
    %get3A_15 = arith.constant 0 : index
    %get3A_16 = arith.constant 0 : index
    %get3A_17 = vector.load %arg3[%get3A_15, %get3A_16] : memref<128x128xf32, #tpu.memory_space<vmem>>, vector<128x128xf32>
    %dot_general3A = arith.constant dense<0.000000e+00> : vector<1024x128xf32>
    %dot_general3A_18 = tpu.matmul %mul3A_14, %get3A_17, %dot_general3A {dimension_numbers = #tpu.dot_dimension_numbers<[1], [0], [0], [1], [0, 0, 1, 1], [], []>, transpose_lhs_hint = false} : vector<1024x128xf32>, vector<128x128xf32>, vector<1024x128xf32> -> vector<1024x128xf32>
    %get3A_19 = arith.constant 0 : index
    %get3A_20 = arith.constant 0 : index
    %get3A_21 = vector.load %arg4[%get3A_19, %get3A_20] : memref<1x128xf32, #tpu.memory_space<vmem>>, vector<1x128xf32>
    %add3A_22 = vector.broadcast %get3A_21 : vector<1x128xf32> to vector<1024x128xf32>
    %add3A_23 = arith.addf %dot_general3A_18, %add3A_22 : vector<1024x128xf32>
    %mul3A_24 = arith.constant 1024 : i32
    %mul3A_25 = arith.muli %arg0, %mul3A_24 : i32
    %iota3A = tpu.iota {dimensions = array<i32: 0>} : vector<1024x1xi32>
    %add3A_26 = vector.broadcast %mul3A_25 : i32 to vector<1024x1xi32>
    %add3A_27 = arith.addi %add3A_26, %iota3A : vector<1024x1xi32>
    %lt3A = arith.constant 10000 : i32
    %lt3A_28 = vector.broadcast %lt3A : i32 to vector<1024x1xi32>
    %lt3A_29 = arith.cmpi slt, %add3A_27, %lt3A_28 : vector<1024x1xi32>
    %jit3A = arith.constant 0.000000e+00 : f32
    %broadcast_in_dim3A = vector.shape_cast %lt3A_29 : vector<1024x1xi1> to vector<1024x1xi1>
    %broadcast_in_dim3A_30 = vector.broadcast %broadcast_in_dim3A : vector<1024x1xi1> to vector<1024x128xi1>
    %broadcast_in_dim3A_31 = vector.broadcast %jit3A : f32 to vector<1024x128xf32>
    %select_n3A = arith.select %broadcast_in_dim3A_30, %add3A_23, %broadcast_in_dim3A_31 : vector<1024x128xi1>, vector<1024x128xf32>
    %get3A_32 = arith.constant 0 : index
    %get3A_33 = arith.constant 0 : index
    %get3A_34 = vector.load %arg6[%get3A_32, %get3A_33] : memref<1x128xf32, #tpu.memory_space<vmem>>, vector<1x128xf32>
    %reduce_sum3A = arith.constant dense<0.000000e+00> : vector<128xf32>
    %reduce_sum3A_35 = vector.multi_reduction <add>, %select_n3A, %reduce_sum3A [0] : vector<1024x128xf32> to vector<128xf32>
    %broadcast_in_dim3A_36 = vector.shape_cast %reduce_sum3A_35 : vector<128xf32> to vector<1x128xf32>
    %add3A_37 = arith.addf %get3A_34, %broadcast_in_dim3A_36 : vector<1x128xf32>
    %swap3A = arith.constant 0 : index
    %swap3A_38 = arith.constant 0 : index
    %swap3A_39 = vector.load %arg6[%swap3A, %swap3A_38] : memref<1x128xf32, #tpu.memory_space<vmem>>, vector<1x128xf32>
    tpu.vector_store %arg6[%swap3A, %swap3A_38], %add3A_37 {strides = array<i32>} : memref<1x128xf32, #tpu.memory_space<vmem>>, vector<1x128xf32>,
    %eq3A_40 = arith.constant 9 : i32
    %eq3A_41 = arith.cmpi eq, %arg0, %eq3A_40 : i32
    %convert_element_type3A_42 = arith.extui %eq3A_41 : i1 to i32
    %cond3A_43 = arith.constant 0 : i32
    %cond3A_44 = arith.cmpi ne, %convert_element_type3A_42, %cond3A_43 : i32
    scf.if %cond3A_44 {
      %get3A_45 = arith.constant 0 : index
      %get3A_46 = arith.constant 0 : index
      %get3A_47 = vector.load %arg6[%get3A_45, %get3A_46] : memref<1x128xf32, #tpu.memory_space<vmem>>, vector<1x128xf32>
      %iota3A_48 = tpu.iota {dimensions = array<i32: 1>} : vector<1x128xi32>
      %lt3A_49 = arith.constant 40 : i32
      %lt3A_50 = vector.broadcast %lt3A_49 : i32 to vector<1x128xi32>
      %lt3A_51 = arith.cmpi slt, %iota3A_48, %lt3A_50 : vector<1x128xi32>
      %jit3A_52 = arith.constant -1.000000e+30 : f32
      %broadcast_in_dim3A_53 = vector.broadcast %jit3A_52 : f32 to vector<1x128xf32>
      %select_n3A_54 = arith.select %lt3A_51, %get3A_47, %broadcast_in_dim3A_53 : vector<1x128xi1>, vector<1x128xf32>
      %reduce_max3A = arith.constant dense<0xFF800000> : vector<1xf32>
      %reduce_max3A_55 = vector.multi_reduction <maximumf>, %select_n3A_54, %reduce_max3A [1] : vector<1x128xf32> to vector<1xf32>
      %broadcast_in_dim3A_56 = vector.shape_cast %reduce_max3A_55 : vector<1xf32> to vector<1x1xf32>
      %sub3A = vector.broadcast %broadcast_in_dim3A_56 : vector<1x1xf32> to vector<1x128xf32>
      %sub3A_57 = arith.subf %get3A_47, %sub3A : vector<1x128xf32>
      %exp3A = math.exp %sub3A_57 : vector<1x128xf32>
      %jit3A_58 = arith.constant 0.000000e+00 : f32
      %broadcast_in_dim3A_59 = vector.broadcast %jit3A_58 : f32 to vector<1x128xf32>
      %select_n3A_60 = arith.select %lt3A_51, %exp3A, %broadcast_in_dim3A_59 : vector<1x128xi1>, vector<1x128xf32>
      %reduce_sum3A_61 = arith.constant dense<0.000000e+00> : vector<1xf32>
      %reduce_sum3A_62 = vector.multi_reduction <add>, %select_n3A_60, %reduce_sum3A_61 [1] : vector<1x128xf32> to vector<1xf32>
      %broadcast_in_dim3A_63 = vector.shape_cast %reduce_sum3A_62 : vector<1xf32> to vector<1x1xf32>
      %log3A = math.log %broadcast_in_dim3A_63 : vector<1x1xf32>
      %add3A_64 = arith.addf %broadcast_in_dim3A_56, %log3A : vector<1x1xf32>
      %sub3A_65 = vector.broadcast %add3A_64 : vector<1x1xf32> to vector<1x128xf32>
      %sub3A_66 = arith.subf %get3A_47, %sub3A_65 : vector<1x128xf32>
      %swap3A_67 = arith.constant 0 : index
      %swap3A_68 = arith.constant 0 : index
      %swap3A_69 = vector.load %arg5[%swap3A_67, %swap3A_68] : memref<2x128xf32, #tpu.memory_space<vmem>>, vector<1x128xf32>
      tpu.vector_store %arg5[%swap3A_67, %swap3A_68], %get3A_47 {strides = array<i32>} : memref<2x128xf32, #tpu.memory_space<vmem>>, vector<1x128xf32>,
      %swap3A_70 = arith.constant 1 : index
      %swap3A_71 = arith.constant 0 : index
      %swap3A_72 = vector.load %arg5[%swap3A_70, %swap3A_71] : memref<2x128xf32, #tpu.memory_space<vmem>>, vector<1x128xf32>
      tpu.vector_store %arg5[%swap3A_70, %swap3A_71], %sub3A_66 {strides = array<i32>} : memref<2x128xf32, #tpu.memory_space<vmem>>, vector<1x128xf32>,
    } else {
    }
    return
  }
  func.func @transform_0(%arg0: i32) -> (i32, i32, i32) {
    %c0_i32 = arith.constant 0 : i32
    %c0_i32_0 = arith.constant 0 : i32
    %c0_i32_1 = arith.constant 0 : i32
    return %c0_i32, %arg0, %c0_i32_0 : i32, i32, i32
  }
  func.func @transform_1(%arg0: i32) -> (i32, i32) {
    %c0_i32 = arith.constant 0 : i32
    %c0_i32_0 = arith.constant 0 : i32
    return %arg0, %c0_i32 : i32, i32
  }
  func.func @transform_2(%arg0: i32) -> (i32, i32) {
    %c0_i32 = arith.constant 0 : i32
    %c0_i32_0 = arith.constant 0 : i32
    %c0_i32_1 = arith.constant 0 : i32
    return %c0_i32, %c0_i32_0 : i32, i32
  }
  func.func @transform_3(%arg0: i32) -> (i32, i32) {
    %c0_i32 = arith.constant 0 : i32
    %c0_i32_0 = arith.constant 0 : i32
    %c0_i32_1 = arith.constant 0 : i32
    return %c0_i32, %c0_i32_0 : i32, i32
  }
  func.func @transform_4(%arg0: i32) -> (i32, i32) {
    %c0_i32 = arith.constant 0 : i32
    %c0_i32_0 = arith.constant 0 : i32
    %c0_i32_1 = arith.constant 0 : i32
    return %c0_i32, %c0_i32_0 : i32, i32
  }
}

module attributes {stable_mosaic.version = 14 : i64} {
  func.func @_layer_body(%arg0: i32, %arg1: memref<2x1024x128xf32, #tpu.memory_space<vmem>>, %arg2: memref<1024x1xf32, #tpu.memory_space<vmem>>, %arg3: memref<128x128xf32, #tpu.memory_space<vmem>>, %arg4: memref<1x128xf32, #tpu.memory_space<vmem>>, %arg5: memref<1024x128xf32, #tpu.memory_space<vmem>>) attributes {dimension_semantics = [#tpu.dimension_semantics<arbitrary>], iteration_bounds = array<i64: 10>, scalar_prefetch = 0 : i64, scratch_operands = 0 : i64, tpu.core_type = #tpu.core_type<tc>, window_params = [{transform_indices = @transform_0, window_bounds = array<i64: 2, 1024, 128>}, {transform_indices = @transform_1, window_bounds = array<i64: 1024, 1>}, {pipeline_mode = #tpu.pipeline_mode<synchronous>, transform_indices = @transform_2, window_bounds = array<i64: 128, 128>}, {pipeline_mode = #tpu.pipeline_mode<synchronous>, transform_indices = @transform_3, window_bounds = array<i64: 1, 128>}, {transform_indices = @transform_4, window_bounds = array<i64: 1024, 128>}]} {
    %get3A = arith.constant 0 : index
    %get3A_0 = arith.constant 0 : index
    %get3A_1 = arith.constant 0 : index
    %get3A_2 = vector.load %arg1[%get3A, %get3A_0, %get3A_1] : memref<2x1024x128xf32, #tpu.memory_space<vmem>>, vector<1x1024x128xf32>
    %get3A_3 = vector.shape_cast %get3A_2 : vector<1x1024x128xf32> to vector<1024x128xf32>
    %get3A_4 = arith.constant 1 : index
    %get3A_5 = arith.constant 0 : index
    %get3A_6 = arith.constant 0 : index
    %get3A_7 = vector.load %arg1[%get3A_4, %get3A_5, %get3A_6] : memref<2x1024x128xf32, #tpu.memory_space<vmem>>, vector<1x1024x128xf32>
    %get3A_8 = vector.shape_cast %get3A_7 : vector<1x1024x128xf32> to vector<1024x128xf32>
    %add3A = arith.addf %get3A_3, %get3A_8 : vector<1024x128xf32>
    %get3A_9 = arith.constant 0 : index
    %get3A_10 = arith.constant 0 : index
    %get3A_11 = vector.load %arg2[%get3A_9, %get3A_10] : memref<1024x1xf32, #tpu.memory_space<vmem>>, vector<1024x1xf32>
    %mul3A = vector.broadcast %get3A_11 : vector<1024x1xf32> to vector<1024x128xf32>
    %mul3A_12 = arith.mulf %add3A, %mul3A : vector<1024x128xf32>
    %get3A_13 = arith.constant 0 : index
    %get3A_14 = arith.constant 0 : index
    %get3A_15 = vector.load %arg3[%get3A_13, %get3A_14] : memref<128x128xf32, #tpu.memory_space<vmem>>, vector<128x128xf32>
    %dot_general3A = arith.constant dense<0.000000e+00> : vector<1024x128xf32>
    %dot_general3A_16 = tpu.matmul %mul3A_12, %get3A_15, %dot_general3A {dimension_numbers = #tpu.dot_dimension_numbers<[1], [0], [0], [1], [0, 0, 1, 1], [], []>, transpose_lhs_hint = false} : vector<1024x128xf32>, vector<128x128xf32>, vector<1024x128xf32> -> vector<1024x128xf32>
    %get3A_17 = arith.constant 0 : index
    %get3A_18 = arith.constant 0 : index
    %get3A_19 = vector.load %arg4[%get3A_17, %get3A_18] : memref<1x128xf32, #tpu.memory_space<vmem>>, vector<1x128xf32>
    %add3A_20 = vector.broadcast %get3A_19 : vector<1x128xf32> to vector<1024x128xf32>
    %add3A_21 = arith.addf %dot_general3A_16, %add3A_20 : vector<1024x128xf32>
    %max3A = arith.constant 0.000000e+00 : f32
    %max3A_22 = vector.broadcast %max3A : f32 to vector<1024x128xf32>
    %max3A_23 = arith.maximumf %add3A_21, %max3A_22 : vector<1024x128xf32>
    %get3A_24 = arith.constant 0 : index
    %get3A_25 = arith.constant 0 : index
    %get3A_26 = vector.load %arg2[%get3A_24, %get3A_25] : memref<1024x1xf32, #tpu.memory_space<vmem>>, vector<1024x1xf32>
    %mul3A_27 = vector.broadcast %get3A_26 : vector<1024x1xf32> to vector<1024x128xf32>
    %mul3A_28 = arith.mulf %max3A_23, %mul3A_27 : vector<1024x128xf32>
    %swap3A = arith.constant 0 : index
    %swap3A_29 = arith.constant 0 : index
    %swap3A_30 = vector.load %arg5[%swap3A, %swap3A_29] : memref<1024x128xf32, #tpu.memory_space<vmem>>, vector<1024x128xf32>
    tpu.vector_store %arg5[%swap3A, %swap3A_29], %mul3A_28 {strides = array<i32>} : memref<1024x128xf32, #tpu.memory_space<vmem>>, vector<1024x128xf32>,
    return
  }
  func.func @transform_0(%arg0: i32) -> (i32, i32, i32) {
    %c0_i32 = arith.constant 0 : i32
    %c0_i32_0 = arith.constant 0 : i32
    %c0_i32_1 = arith.constant 0 : i32
    return %c0_i32, %arg0, %c0_i32_0 : i32, i32, i32
  }
  func.func @transform_1(%arg0: i32) -> (i32, i32) {
    %c0_i32 = arith.constant 0 : i32
    %c0_i32_0 = arith.constant 0 : i32
    return %arg0, %c0_i32 : i32, i32
  }
  func.func @transform_2(%arg0: i32) -> (i32, i32) {
    %c0_i32 = arith.constant 0 : i32
    %c0_i32_0 = arith.constant 0 : i32
    %c0_i32_1 = arith.constant 0 : i32
    return %c0_i32, %c0_i32_0 : i32, i32
  }
  func.func @transform_3(%arg0: i32) -> (i32, i32) {
    %c0_i32 = arith.constant 0 : i32
    %c0_i32_0 = arith.constant 0 : i32
    %c0_i32_1 = arith.constant 0 : i32
    return %c0_i32, %c0_i32_0 : i32, i32
  }
  func.func @transform_4(%arg0: i32) -> (i32, i32) {
    %c0_i32 = arith.constant 0 : i32
    %c0_i32_0 = arith.constant 0 : i32
    return %arg0, %c0_i32 : i32, i32
  }
}

</mosaic_0001>

<sc_bundles>
// kernel: kernel.12.cloned.1.call-start
scs
__scs_entry_jumppad:
0x0: {  	(pc) =	sbr.rel $0x88, $3  }
0x1: {  	(tag) =	ssettag $0x0;
	lr =	simm.s32 $0x1  }
0x2: {  	[smem:$0x3F97] =	sst lr;
	_ =	strace $0xD0000000  }
0x3: {  	_ = 	snop  }
0x4: {  	_ = 	snop  }
0x5: {  	_ = 	snop  }
0x6: {  	_ = 	snop  }
0x7: {  	_ = 	snop  }
__scs_overlays_trampoline_lowered:
0x8: {  	[smem:$0x3FA6] =	sst s0  }
0x9: {  	[smem:$0x3FA7] =	sst s1  }
0xa: {  	[smem:$0x3FA8] =	sst s2  }
0xb: {  	[smem:$0x3FA9] =	sst s3  }
0xc: {  	[smem:$0x3FAA] =	sst s4  }
0xd: {  	[smem:$0x3FAB] =	sst s5  }
0xe: {  	[smem:$0x3FAC] =	sst s6  }
0xf: {  	[smem:$0x3FAD] =	sst s7  }
0x10: {  	[smem:$0x3FAE] =	sst s8  }
0x11: {  	[smem:$0x3FAF] =	sst s9;
	s0 =	simm.s32 @!p0 $0x0  }
0x12: {  	s1 =	sld [smem:$0x3F95];
	s0 =	simm.s32 @p0 $0x1  }
0x13: {  	[smem:$0x3FB0] =	sst s0;
	s0 =	simm.s32 @!p1 $0x0  }
0x14: {  	s2 =	sld [smem:$0x3F94];
	s0 =	simm.s32 @p1 $0x1  }
0x15: {  	[smem:$0x3FB1] =	sst s0;
	s0 =	simm.s32 @!p2 $0x0  }
0x16: {  	s3 =	sld [smem:$0x3FDB];
	s0 =	simm.s32 @p2 $0x1  }
0x17: {  	s4 =	simm.s32 $0x1BF5;
	[smem:$0x3FB3] =	sst s0  }
0x18: {  	s0 =	sld [smem:$0x3F96];
	_ =	swait.ge [sflag:s4], $0x0  }
0x19: {  	s7 =	sld [smem:$0x3F97]  }
0x1a: {  	s8 =	sadd.s32 $0xFFFFE003, lr  }
0x1b: {  	s9 =	sadd.s32 $0xFFFFFEF7, lr;
	s5 =	simm.s32 $0xFFFFFFFF;
	p2 =	slt.u32 s8, $0xFFFFF086  }
0x1c: {  	p1 =	slt.u32 s9, $0xF7A;
	s5 =	simm.s32 @!p2 $0x0  }
0x1d: {  	s5 =	simm.s32 @p1 $0x1;
	p0 =	seq.s32 s7, s2  }
0x1e: {  	s7 =	smul.u32 @!p0 $0xF7A, s2;
	p2 =	seq.s32 @!p0 s5, $0x0  }
0x1f: {  	s9 =	smul.u32 $0xF7A, s1;
	s8 =	simm.s32 @!p0 $0x1BF5;
	p2 =	por !p2, p0  }
0x20: {  	[sflag:s8] =	ssyncset.s32 @!p0 $0xFFFFF086;
	s6 =	sadd.s32 @!p0 s3, s7;
	s7 =	simm.s32 @!p0 $0x108  }
0x21: {  	s3 =	sadd.s32 s3, s9;
	s6 =	sadd.s32 @!p0 $0x88, s6;
	s7 =	simm.s32 @p2 $0x1082  }
0x22: {  	[simem:s7], [sflag:s8] =	dma.local @!p0 [hbm:s6], $0xF7A  }
0x23: {  	s9 =	sor.u32 $0xD0000000, s2;
	s6 =	simm.s32 $0x108;
	_ =	swait.ge @!p0 [sflag:s8], $0x0  }
0x24: {  	s3 =	sadd.s32 $0x88, s3;
	s6 =	simm.s32 @!p1 $0x1082;
	[sflag:s4] =	ssyncset.s32 $0xFFFFF086  }
0x25: {  	[simem:s6], [sflag:s4] =	dma.local [hbm:s3], $0xF7A  }
0x26: {  	[smem:$0x3F97] =	sst s1;
	(tag) =	ssettag s2;
	_ =	strace s9  }
0x27: {  	s1 =	sld [smem:$0x3FA7]  }
0x28: {  	s2 =	sld [smem:$0x3FA8]  }
0x29: {  	s4 =	sld [smem:$0x3FAA]  }
0x2a: {  	p0 =	seq.s32 s5, $0x0;
	s5 =	sld [smem:$0x3FAB]  }
0x2b: {  	s6 =	sld [smem:$0x3FAC]  }
0x2c: {  	s7 =	sld [smem:$0x3FAD]  }
0x2d: {  	s3 =	simm.s32 $0x108;
	s8 =	sld [smem:$0x3FAE]  }
0x2e: {  	s3 =	simm.s32 @!p0 $0x1082;
	s9 =	sld [smem:$0x3FAF]  }
0x2f: {  	lr =	sadd.s32 s0, s3;
	s0 =	sld [smem:$0x3FA6]  }
0x30: {  	s3 =	sld [smem:$0x3FA9]  }
0x31: {  	[smem:$0x3FB2] =	sst s10  }
0x32: {  	s10 =	sld [smem:$0x3FB0];
	_ =	sdelay $0x3  }
0x33: {  	p0 =	seq.s32 s10, $0x1;
	s10 =	sld [smem:$0x3FB2];
	_ =	sdelay $0x3  }
0x34: {  	[smem:$0x3FB2] =	sst s10  }
0x35: {  	s10 =	sld [smem:$0x3FB1];
	_ =	sdelay $0x3  }
0x36: {  	p1 =	seq.s32 s10, $0x1;
	s10 =	sld [smem:$0x3FB2];
	_ =	sdelay $0x3  }
0x37: {  	[smem:$0x3FB2] =	sst s10  }
0x38: {  	s10 =	sld [smem:$0x3FB3]  }
0x39: {  	_ = 	snop;
	(pc) =	sbr.ind lr, $3  }
0x3a: {  	_ = 	snop  }
0x3b: {  	_ = 	snop  }
0x3c: {  	p2 =	seq.s32 s10, $0x1;
	s10 =	sld [smem:$0x3FB2]  }
0x3d: {  	_ =	shalt  }
0x3e: {  	_ =	shalt  }
0x3f: {  	_ =	shalt  }
0x40: {  	_ =	shalt  }
0x41: {  	_ =	shalt  }
0x42: {  	_ =	shalt  }
0x43: {  	_ =	shalt  }
0x44: {  	_ =	shalt  }
0x45: {  	_ =	shalt  }
0x46: {  	_ =	shalt  }
0x47: {  	_ =	shalt  }
0x48: {  	_ =	shalt  }
0x49: {  	_ =	shalt  }
0x4a: {  	_ =	shalt  }
0x4b: {  	_ =	shalt  }
0x4c: {  	_ =	shalt  }
0x4d: {  	_ =	shalt  }
0x4e: {  	_ =	shalt  }
0x4f: {  	_ =	shalt  }
0x50: {  	_ =	shalt  }
0x51: {  	_ =	shalt  }
0x52: {  	_ =	shalt  }
0x53: {  	_ =	shalt  }
0x54: {  	_ =	shalt  }
0x55: {  	_ =	shalt  }
0x56: {  	_ =	shalt  }
0x57: {  	_ =	shalt  }
0x58: {  	_ =	shalt  }
0x59: {  	_ =	shalt  }
0x5a: {  	_ =	shalt  }
0x5b: {  	_ =	shalt  }
0x5c: {  	_ =	shalt  }
0x5d: {  	_ =	shalt  }
0x5e: {  	_ =	shalt  }
0x5f: {  	_ =	shalt  }
0x60: {  	_ =	shalt  }
0x61: {  	_ =	shalt  }
0x62: {  	_ =	shalt  }
0x63: {  	_ =	shalt  }
0x64: {  	_ =	shalt  }
0x65: {  	_ =	shalt  }
0x66: {  	_ =	shalt  }
0x67: {  	_ =	shalt  }
0x68: {  	_ =	shalt  }
0x69: {  	_ =	shalt  }
0x6a: {  	_ =	shalt  }
0x6b: {  	_ =	shalt  }
0x6c: {  	_ =	shalt  }
0x6d: {  	_ =	shalt  }
0x6e: {  	_ =	shalt  }
0x6f: {  	_ =	shalt  }
0x70: {  	_ =	shalt  }
0x71: {  	_ =	shalt  }
0x72: {  	_ =	shalt  }
0x73: {  	_ =	shalt  }
0x74: {  	_ =	shalt  }
0x75: {  	_ =	shalt  }
0x76: {  	_ =	shalt  }
0x77: {  	_ =	shalt  }
0x78: {  	_ =	shalt  }
0x79: {  	_ =	shalt  }
0x7a: {  	_ =	shalt  }
0x7b: {  	_ =	shalt  }
0x7c: {  	_ =	shalt  }
0x7d: {  	_ =	shalt  }
0x7e: {  	_ =	shalt  }
0x7f: {  	_ =	shalt  }
0x80: {  	_ =	shalt  }
0x81: {  	_ =	shalt  }
0x82: {  	_ =	shalt  }
0x83: {  	_ =	shalt  }
0x84: {  	_ =	shalt  }
0x85: {  	_ =	shalt  }
0x86: {  	_ =	shalt  }
0x87: {  	_ =	shalt  }
.Lfunc_end0:
.L_simem_size_0:
called_computation_lowered:
.L_overlay_start_0:
0x88: {  	s2 =	sld [smem:$0x3FD9]  }
0x89: {  	s3 =	sld [smem:$0x3FFE];
	_ =	sdelay $0x1  }
0x8a: {  	s1 =	srdreg.scid  }
0x8b: {  	s0 =	sand.u32 $0x1, s1  }
0x8c: {  	s16 =	sshll.u32 s0, $0xA;
	s2 =	sadd.s32 s3, s2  }
0x8d: {  	s2 =	sadd.s32 s2, s16  }
0x8e: {  	[smem:$0x3FBE] =	sst s2  }
0x8f: {  	_ = 	snop  }
0x90: {  	(tm) =	ssettm $0x1  }
0x91: {  	s17 =	sld [smem:$0x3FFB];
	_ =	sdelay $0x3  }
0x92: {  	_ =	strace s17  }
0x93: {  	s2 =	sld [smem:$0x3FFC];
	_ =	sdelay $0x3  }
0x94: {  	_ =	strace s2  }
0x95: {  	s2 =	sld [smem:$0x3FFD];
	_ =	sdelay $0x3  }
0x96: {  	_ =	strace s2  }
0x97: {  	_ =	strace $0x8FFFFFFF  }
0x98: {  	s18 =	sld [smem:$0x3FDB];
	_ =	sdelay $0x1  }
0x99: {  	s19 =	simm.s32 $_scs_section_size  }
0x9a: {  	s4 =	simm.s32 $_size__tile_overlayer_lowered;
	s5 =	simm.s32 $_tile_overlayer_lowered  }
0x9b: {  	s22 =	simm.s32 $0x1BFF;
	s21 =	sshll.u32 s5, $0x1;
	s2 =	sadd.s32 s19, s18  }
0x9c: {  	s6 =	simm.s32 $0x0;
	s20 =	sshll.u32 s4, $0x1;
	s4 =	sadd.s32 s21, s2  }
0x9d: {  	[timem:s6], [sflag:s22] =	dma.local [hbm:s4], s20  }
0x9e: {  	_ =	swait.ge [sflag:s22], s20  }
0x9f: {  	s3 =	ssub.s32 $0x0, s20;
	[sflag:s22] =	ssyncset.done $0x0  }
0xa0: {  	[sflag:s22] =	ssyncadd.s32 s3;
	_ =	sdelay $0x1  }
0xa1: {  	s23 =	simm.s32 $0x1B8B  }
0xa2: {  	_ =	swait.ge [sflag:s23], $0x1  }
0xa3: {  	[sflag:s23] =	ssyncset.done $0x0  }
0xa4: {  	s25 =	simm.s32 $0x1B8E;
	s24 =	sld [smem:$0x3FFE];
	[sflag:s23] =	ssyncadd.s32 $0xFFFFFFFF  }
0xa5: {  	s26 =	simm.s32 $execute0_lowered;
	[smem:$0x3FD2] =	sst s25  }
0xa6: {  	s4 =	sshll.u32 s26, $0x1;
	_ =	strace $0x80000046;
	[dreg:$0x1] =	wrdreg $0xFFFFFFFF  }
0xa7: {  	s28 =	simm.s32 $_size_execute0_lowered;
	s2 =	sadd.s32 s2, s4;
	[dreg:$0x0] =	wrdreg $0x0  }
0xa8: {  	s4 =	sshll.u32 s28, $0x1;
	[dreg:$0x2] =	wrdreg s2  }
0xa9: {  	[dreg:$0x3] =	wrdreg s4  }
0xaa: {  	[dreg:$0x4] =	wrdreg $0xC0  }
0xab: {  	_ =	task [dreg:s6], $0x5FFFF  }
0xac: {  	[dreg:$0x1] =	wrdreg $0xFFFFFFFF  }
0xad: {  	[dreg:$0x0] =	wrdreg $0x60  }
0xae: {  	[dreg:$0x2] =	wrdreg s24  }
0xaf: {  	[dreg:$0x3] =	wrdreg $0x2B000  }
0xb0: {  	[dreg:$0x4] =	wrdreg $0x9  }
0xb1: {  	_ =	task.clear_ibuf [dreg:s6], $0x5FFFF;
	_ =	strace $0x90000046  }
0xb2: {  	s29 =	simm.s32 $0x9;
	_ =	strace $0x80000048  }
0xb3: {  	_ =	swait.ge [sflag:s29], $0x1  }
0xb4: {  	[sflag:s29] =	ssyncadd.s32 $0xFFFFFFFF  }
0xb5: {  	_ =	strace $0x90000048  }
0xb6: {  	_ =	sfence  }
0xb7: {  	s30 =	sld [smem:$0x0];
	_ =	sdelay $0x2  }
0xb8: {  	s31 =	sshll.u32 s1, $0xD;
	s1 =	sshrl.u32 s1, $0x2  }
0xb9: {  	s3 =	sand.u32 $0x4000, s31;
	s1 =	sadd.s32 s1, s30  }
0xba: {  	s0 =	sor.u32 s3, s0;
	s1 =	sshll.u32 s1, $0x11  }
0xbb: {  	s0 =	sor.u32 s1, s0  }
0xbc: {  	s0 =	sadd.s32 $0x8F2B, s0  }
0xbd: {  	[sflag:s0] =	ssyncadd.remote.s32 $0x1  }
0xbe: {  	_ =	sfence.sel $0xFFFF  }
0xbf: {  	[dreg:$0x0] =	wrdreg $0xFFFFFFFF;
	(pc) =	sbr.abs _section_cstart, $3  }
0xc0: {  	[dreg:$0x1] =	wrdreg $0xFFFFFFFF  }
0xc1: {  	_ =	task.clear_ibuf [dreg:s6], $0x2FFFF;
	_ =	strace $0x9FFFFFFF  }
0xc2: {  	(tm) =	ssettm $0x7FFFFFFF  }
0xc3: {  	_ =	shalt  }
tec
execute0_lowered:
.L_overlay_start_1:
0x0: {  	(tag) =	ssettag $0x1  }
0x1: {  	s4 =	rddreg [dreg:$0x0]  }
0x2: {  	s0 =	srdreg.scid;
	s2 =	rddreg [dreg:$0x1]  }
0x3: {  	s1 =	rddreg [dreg:$0x2];
	s3 =	simm.s32 $0x0;
	s10 =	simm.s32 $0x80  }
0x4: {  	s11 =	simm.s32 $0x2800;
	s12 =	simm.s32 $0x1;
	s5 =	sand.u32 $0x1, s0  }
0x5: {  	s15 =	simm.s32 $0x20;
	s0 =	stileid.u32;
	s6 =	smul.u32 $0x28000, s5  }
0x6: {  	s16 =	simm.s32 $0x10;
	[smem:$0x7FF] =	sst s3;
	s7 =	smul.u32 $0x2800, s0  }
0x7: {  	s17 =	simm.s32 $0x0;
	s29 =	smul.u32 $0x500, s0;
	_ =	strace $0x80000047  }
0x8: {  	s8 =	sshll.u32 s5, $0x7;
	s5 =	ssub.s32 $0x2, s5;
	s13 =	sshll.u32 s0, $0x6  }
0x9: {  	s30 =	smul.u32 $0xA00, s0;
	s9 =	sshrl.u32 s5, $0x1;
	s13 =	sor.u32 $0x1C02, s13  }
0xa: {  	s6 =	sadd.s32 s7, s6;
	s7 =	sor.u32 s8, s29;
	s9 =	ssub.s32 s5, s9  }
0xb: {  	s31 =	sshrl.u32 s30, $0x2;
	s8 =	simm.s32 $0x2;
	s6 =	sshrl.u32 s6, $0x3  }
0xc: {  	s7 =	sshrl.u32 s7, $0x3;
	s5 =	sadd.s32 s31, s2;
	s6 =	sadd.s32 s6, s4  }
0xd: {  	s7 =	sadd.s32 s7, s4;
	s14 =	sshrl.u32 s5, $0x3;
	s4 =	sadd.s32 $0xDC00, s6  }
0xe: {  	v0 =	vimm.f32 $0.0e+00;
	v1 =	vimm.f32 $1.000000000e+00;
	s6 =	sadd.s32 $0x17C00, s7;
	s7 =	smax.u32 s9, $0x1;
	s9 =	simm.s32 $0x2880  }
.LBB2_1:
0xf: {  	[tilespmem:$0x2880] =	vst v0  }
0x10: {  	[tilespmem:$0x2890] =	vst v0  }
0x11: {  	[tilespmem:$0x28A0] =	vst v0  }
0x12: {  	[tilespmem:$0x28B0] =	vst v0  }
0x13: {  	[tilespmem:$0x28C0] =	vst v0  }
0x14: {  	[tilespmem:$0x28D0] =	vst v0  }
0x15: {  	[tilespmem:$0x28E0] =	vst v0  }
0x16: {  	[tilespmem:$0x28F0] =	vst v0  }
0x17: {  	[tilespmem:$0x2900] =	vst v0  }
0x18: {  	[tilespmem:$0x2910] =	vst v0  }
0x19: {  	[tilespmem:$0x2920] =	vst v0  }
0x1a: {  	[tilespmem:$0x2930] =	vst v0  }
0x1b: {  	[tilespmem:$0x2940] =	vst v0  }
0x1c: {  	[tilespmem:$0x2950] =	vst v0  }
0x1d: {  	[tilespmem:$0x2960] =	vst v0  }
0x1e: {  	[tilespmem:$0x2970] =	vst v0  }
0x1f: {  	[tilespmem:$0x2980] =	vst v0  }
0x20: {  	[tilespmem:$0x2990] =	vst v0  }
0x21: {  	[tilespmem:$0x29A0] =	vst v0  }
0x22: {  	[tilespmem:$0x29B0] =	vst v0  }
0x23: {  	[tilespmem:$0x29C0] =	vst v0  }
0x24: {  	[tilespmem:$0x29D0] =	vst v0  }
0x25: {  	[tilespmem:$0x29E0] =	vst v0  }
0x26: {  	[tilespmem:$0x29F0] =	vst v0  }
0x27: {  	[tilespmem:$0x2A00] =	vst v0  }
0x28: {  	[tilespmem:$0x2A10] =	vst v0  }
0x29: {  	[tilespmem:$0x2A20] =	vst v0  }
0x2a: {  	[tilespmem:$0x2A30] =	vst v0  }
0x2b: {  	[tilespmem:$0x2A40] =	vst v0  }
0x2c: {  	[tilespmem:$0x2A50] =	vst v0  }
0x2d: {  	[tilespmem:$0x2A60] =	vst v0  }
0x2e: {  	[tilespmem:$0x2A70] =	vst v0  }
0x2f: {  	[tilespmem:$0x2A80] =	vst v0  }
0x30: {  	[tilespmem:$0x2A90] =	vst v0  }
0x31: {  	[tilespmem:$0x2AA0] =	vst v0  }
0x32: {  	[tilespmem:$0x2AB0] =	vst v0  }
0x33: {  	[tilespmem:$0x2AC0] =	vst v0  }
0x34: {  	[tilespmem:$0x2AD0] =	vst v0  }
0x35: {  	[tilespmem:$0x2AE0] =	vst v0  }
0x36: {  	[tilespmem:$0x2AF0] =	vst v0  }
0x37: {  	[tilespmem:$0x2800] =	vst v1  }
0x38: {  	[tilespmem:$0x2810] =	vst v1  }
0x39: {  	[tilespmem:$0x2820] =	vst v1  }
0x3a: {  	[tilespmem:$0x2830] =	vst v1  }
0x3b: {  	[tilespmem:$0x2840] =	vst v1  }
0x3c: {  	[tilespmem:$0x2850] =	vst v1  }
0x3d: {  	[tilespmem:$0x2860] =	vst v1  }
0x3e: {  	[tilespmem:$0x2870] =	vst v1  }
0x3f: {  	[tilespmem:s3], [sflag:$0x2] =	stream.linear.gather [hbm4b:s4+s3], $0x2800, $0x38;
	[tilespmem:$0x2D80] =	vst v63  }
0x40: {  	_ =	swait.ge [sflag:s8], $0x2800  }
0x41: {  	[sflag:s8] =	ssyncset.done $0x0  }
0x42: {  	[sflag:s8] =	ssyncadd.s32 $0xFFFFD800  }
0x43: {  	[spmem:s5] =	stream.linear.scatter [tilespmem:s9], [sflag:$0x2], $0x280, $0x38;
	[tilespmem:$0x2D80] =	vst v63  }
0x44: {  	_ =	swait.ge [sflag:s8], $0x280  }
0x45: {  	[sflag:s8] =	ssyncset.done $0x0  }
0x46: {  	[sflag:s8] =	ssyncadd.s32 $0xFFFFFD80  }
0x47: {  	s18 =	simm.s32 $0x0;
	[bflag:$0x0] =	sbarrier.arrive $0xFFFF  }
.LBB2_2:
0x48: {  	p0 =	sne.s32 s18, $0x9E00  }
.Ltmp0:
0x49: {  	_ = 	snop;
	(pc) =	sbr.rel @p0 .LBB2_2-.Ltmp0, $3  }
0x4a: {  	_ =	sdelay $0x1  }
0x4b: {  	s19 =	sshra.s32 s18, $0x2;
	s18 =	sadd.s32 $0x200, s18  }
0x4c: {  	[spmem:s2] =	stream.indirect.scatter.add.f32 [tilespmem:s11], [sflag:$0x1], $0x1, s19, s10, $0xb8;
	[tilespmem:$0x2D80] =	vst v63  }
0x4d: {  	_ =	swait.ge [sflag:s12], $0x80  }
0x4e: {  	s18 =	simm.s32 $0x4F;
	[sflag:s12] =	ssyncset.done $0x0  }
.LBB2_4:
0x4f: {  	p0 =	sne.s32 s18, $0x1;
	s18 =	sadd.s32 $0xFFFFFFFF, s18;
	[sflag:s12] =	ssyncadd.s32 $0xFFFFFF80  }
.Ltmp1:
0x50: {  	(pc) =	sbr.rel @p0 .LBB2_4-.Ltmp1, $3  }
0x51: {  	_ =	sdelay $0x1  }
0x52: {  	_ =	swait.ge [sflag:s12], $0x80  }
0x53: {  	[sflag:s12] =	ssyncset.done $0x0  }
0x54: {  	s17 =	sadd.s32 $0x1, s17  }
0x55: {  	[sflag:s12] =	ssyncadd.s32 $0xFFFFFF80;
	p0 =	sne.s32 s17, s7  }
.Ltmp2:
0x56: {  	[bflag:$0x0] =	sbarrier.arrive $0xFFFF;
	(pc) =	sbr.rel @p0 .LBB2_1-.Ltmp2, $4  }
0x57: {  	[hbm:s6@s15], [sflag:s13] =	dma.strided [spmem:s14@s16], $0x50, s12, $0x10   }
0x58: {  	_ =	swait.ge [sflag:s8], $0x50  }
0x59: {  	[sflag:s8] =	ssyncset.done $0x0  }
0x5a: {  	[sflag:s8] =	ssyncadd.s32 $0xFFFFFFB0  }
0x5b: {  	_ =	sfence.sel $0x180000  }
0x5c: {  	[bflag:$0x0] =	sbarrier.arrive $0xFFFF  }
0x5d: {  	p0 =	sne.s32 s0, $0x0;
	_ =	strace $0x90000047  }
0x5e: {  	s0 =	sadd.s32 @!p0 $0x100000, s1;
	[bflag:$0x2] =	sbarrier.arrive $0xFFFF  }
0x5f: {  	[sflag:s0] =	ssyncadd.tile.s32 @!p0 $0x1;
	_ =	shalt  }
.Lfunc_end2:
_tile_overlayer_lowered:
.L_overlay_start_2:
0x60: {  	(tag) =	ssettag $0x2  }
0x61: {  	s0 =	rddreg [dreg:$0x0];
	s2 =	stileid.u32  }
0x62: {  	s1 =	rddreg [dreg:$0x1];
	p0 =	sne.s32 s2, $0x0  }
0x63: {  	s3 =	rddreg [dreg:$0x2];
	[bflag:$0x3] =	sbarrier.arrive $0xFFFF;
	s2 =	simm.s32 @!p0 $0x1C02  }
0x64: {  	[timem:s3], [sflag:s2] =	dma.local @!p0 [hbm:s0], s1  }
0x65: {  	s0 =	simm.s32 @!p0 $0x2  }
0x66: {  	_ =	swait.ge @!p0 [sflag:s0], s1  }
0x67: {  	s1 =	ssub.s32 @!p0 $0x0, s1;
	[sflag:s0] =	ssyncset.done @!p0 $0x0  }
0x68: {  	[sflag:s0] =	ssyncadd.s32 @!p0 s1  }
0x69: {  	[bflag:$0x3] =	sbarrier.arrive $0xFFFF  }
0x6a: {  	_ =	shalt  }

// kernel: kernel.15.cloned.1.call-start
scs
__scs_entry_jumppad:
0x0: {  	(pc) =	sbr.rel $0x88, $3  }
0x1: {  	(tag) =	ssettag $0x0;
	lr =	simm.s32 $0x1  }
0x2: {  	[smem:$0x3F97] =	sst lr;
	_ =	strace $0xD0000000  }
0x3: {  	_ = 	snop  }
0x4: {  	_ = 	snop  }
0x5: {  	_ = 	snop  }
0x6: {  	_ = 	snop  }
0x7: {  	_ = 	snop  }
__scs_overlays_trampoline_lowered:
0x8: {  	[smem:$0x3FA6] =	sst s0  }
0x9: {  	[smem:$0x3FA7] =	sst s1  }
0xa: {  	[smem:$0x3FA8] =	sst s2  }
0xb: {  	[smem:$0x3FA9] =	sst s3  }
0xc: {  	[smem:$0x3FAA] =	sst s4  }
0xd: {  	[smem:$0x3FAB] =	sst s5  }
0xe: {  	[smem:$0x3FAC] =	sst s6  }
0xf: {  	[smem:$0x3FAD] =	sst s7  }
0x10: {  	[smem:$0x3FAE] =	sst s8  }
0x11: {  	[smem:$0x3FAF] =	sst s9;
	s0 =	simm.s32 @!p0 $0x0  }
0x12: {  	s1 =	sld [smem:$0x3F95];
	s0 =	simm.s32 @p0 $0x1  }
0x13: {  	[smem:$0x3FB0] =	sst s0;
	s0 =	simm.s32 @!p1 $0x0  }
0x14: {  	s2 =	sld [smem:$0x3F94];
	s0 =	simm.s32 @p1 $0x1  }
0x15: {  	[smem:$0x3FB1] =	sst s0;
	s0 =	simm.s32 @!p2 $0x0  }
0x16: {  	s3 =	sld [smem:$0x3FDB];
	s0 =	simm.s32 @p2 $0x1  }
0x17: {  	s4 =	simm.s32 $0x1BF5;
	[smem:$0x3FB3] =	sst s0  }
0x18: {  	s0 =	sld [smem:$0x3F96];
	_ =	swait.ge [sflag:s4], $0x0  }
0x19: {  	s7 =	sld [smem:$0x3F97]  }
0x1a: {  	s8 =	sadd.s32 $0xFFFFE003, lr  }
0x1b: {  	s9 =	sadd.s32 $0xFFFFFEF7, lr;
	s5 =	simm.s32 $0xFFFFFFFF;
	p2 =	slt.u32 s8, $0xFFFFF086  }
0x1c: {  	p1 =	slt.u32 s9, $0xF7A;
	s5 =	simm.s32 @!p2 $0x0  }
0x1d: {  	s5 =	simm.s32 @p1 $0x1;
	p0 =	seq.s32 s7, s2  }
0x1e: {  	s7 =	smul.u32 @!p0 $0xF7A, s2;
	p2 =	seq.s32 @!p0 s5, $0x0  }
0x1f: {  	s9 =	smul.u32 $0xF7A, s1;
	s8 =	simm.s32 @!p0 $0x1BF5;
	p2 =	por !p2, p0  }
0x20: {  	[sflag:s8] =	ssyncset.s32 @!p0 $0xFFFFF086;
	s6 =	sadd.s32 @!p0 s3, s7;
	s7 =	simm.s32 @!p0 $0x108  }
0x21: {  	s3 =	sadd.s32 s3, s9;
	s6 =	sadd.s32 @!p0 $0x88, s6;
	s7 =	simm.s32 @p2 $0x1082  }
0x22: {  	[simem:s7], [sflag:s8] =	dma.local @!p0 [hbm:s6], $0xF7A  }
0x23: {  	s9 =	sor.u32 $0xD0000000, s2;
	s6 =	simm.s32 $0x108;
	_ =	swait.ge @!p0 [sflag:s8], $0x0  }
0x24: {  	s3 =	sadd.s32 $0x88, s3;
	s6 =	simm.s32 @!p1 $0x1082;
	[sflag:s4] =	ssyncset.s32 $0xFFFFF086  }
0x25: {  	[simem:s6], [sflag:s4] =	dma.local [hbm:s3], $0xF7A  }
0x26: {  	[smem:$0x3F97] =	sst s1;
	(tag) =	ssettag s2;
	_ =	strace s9  }
0x27: {  	s1 =	sld [smem:$0x3FA7]  }
0x28: {  	s2 =	sld [smem:$0x3FA8]  }
0x29: {  	s4 =	sld [smem:$0x3FAA]  }
0x2a: {  	p0 =	seq.s32 s5, $0x0;
	s5 =	sld [smem:$0x3FAB]  }
0x2b: {  	s6 =	sld [smem:$0x3FAC]  }
0x2c: {  	s7 =	sld [smem:$0x3FAD]  }
0x2d: {  	s3 =	simm.s32 $0x108;
	s8 =	sld [smem:$0x3FAE]  }
0x2e: {  	s3 =	simm.s32 @!p0 $0x1082;
	s9 =	sld [smem:$0x3FAF]  }
0x2f: {  	lr =	sadd.s32 s0, s3;
	s0 =	sld [smem:$0x3FA6]  }
0x30: {  	s3 =	sld [smem:$0x3FA9]  }
0x31: {  	[smem:$0x3FB2] =	sst s10  }
0x32: {  	s10 =	sld [smem:$0x3FB0];
	_ =	sdelay $0x3  }
0x33: {  	p0 =	seq.s32 s10, $0x1;
	s10 =	sld [smem:$0x3FB2];
	_ =	sdelay $0x3  }
0x34: {  	[smem:$0x3FB2] =	sst s10  }
0x35: {  	s10 =	sld [smem:$0x3FB1];
	_ =	sdelay $0x3  }
0x36: {  	p1 =	seq.s32 s10, $0x1;
	s10 =	sld [smem:$0x3FB2];
	_ =	sdelay $0x3  }
0x37: {  	[smem:$0x3FB2] =	sst s10  }
0x38: {  	s10 =	sld [smem:$0x3FB3]  }
0x39: {  	_ = 	snop;
	(pc) =	sbr.ind lr, $3  }
0x3a: {  	_ = 	snop  }
0x3b: {  	_ = 	snop  }
0x3c: {  	p2 =	seq.s32 s10, $0x1;
	s10 =	sld [smem:$0x3FB2]  }
0x3d: {  	_ =	shalt  }
0x3e: {  	_ =	shalt  }
0x3f: {  	_ =	shalt  }
0x40: {  	_ =	shalt  }
0x41: {  	_ =	shalt  }
0x42: {  	_ =	shalt  }
0x43: {  	_ =	shalt  }
0x44: {  	_ =	shalt  }
0x45: {  	_ =	shalt  }
0x46: {  	_ =	shalt  }
0x47: {  	_ =	shalt  }
0x48: {  	_ =	shalt  }
0x49: {  	_ =	shalt  }
0x4a: {  	_ =	shalt  }
0x4b: {  	_ =	shalt  }
0x4c: {  	_ =	shalt  }
0x4d: {  	_ =	shalt  }
0x4e: {  	_ =	shalt  }
0x4f: {  	_ =	shalt  }
0x50: {  	_ =	shalt  }
0x51: {  	_ =	shalt  }
0x52: {  	_ =	shalt  }
0x53: {  	_ =	shalt  }
0x54: {  	_ =	shalt  }
0x55: {  	_ =	shalt  }
0x56: {  	_ =	shalt  }
0x57: {  	_ =	shalt  }
0x58: {  	_ =	shalt  }
0x59: {  	_ =	shalt  }
0x5a: {  	_ =	shalt  }
0x5b: {  	_ =	shalt  }
0x5c: {  	_ =	shalt  }
0x5d: {  	_ =	shalt  }
0x5e: {  	_ =	shalt  }
0x5f: {  	_ =	shalt  }
0x60: {  	_ =	shalt  }
0x61: {  	_ =	shalt  }
0x62: {  	_ =	shalt  }
0x63: {  	_ =	shalt  }
0x64: {  	_ =	shalt  }
0x65: {  	_ =	shalt  }
0x66: {  	_ =	shalt  }
0x67: {  	_ =	shalt  }
0x68: {  	_ =	shalt  }
0x69: {  	_ =	shalt  }
0x6a: {  	_ =	shalt  }
0x6b: {  	_ =	shalt  }
0x6c: {  	_ =	shalt  }
0x6d: {  	_ =	shalt  }
0x6e: {  	_ =	shalt  }
0x6f: {  	_ =	shalt  }
0x70: {  	_ =	shalt  }
0x71: {  	_ =	shalt  }
0x72: {  	_ =	shalt  }
0x73: {  	_ =	shalt  }
0x74: {  	_ =	shalt  }
0x75: {  	_ =	shalt  }
0x76: {  	_ =	shalt  }
0x77: {  	_ =	shalt  }
0x78: {  	_ =	shalt  }
0x79: {  	_ =	shalt  }
0x7a: {  	_ =	shalt  }
0x7b: {  	_ =	shalt  }
0x7c: {  	_ =	shalt  }
0x7d: {  	_ =	shalt  }
0x7e: {  	_ =	shalt  }
0x7f: {  	_ =	shalt  }
0x80: {  	_ =	shalt  }
0x81: {  	_ =	shalt  }
0x82: {  	_ =	shalt  }
0x83: {  	_ =	shalt  }
0x84: {  	_ =	shalt  }
0x85: {  	_ =	shalt  }
0x86: {  	_ =	shalt  }
0x87: {  	_ =	shalt  }
.Lfunc_end0:
.L_simem_size_0:
called_computation.1_lowered:
.L_overlay_start_0:
0x88: {  	s2 =	sld [smem:$0x3FD9]  }
0x89: {  	s3 =	sld [smem:$0x3FFE];
	_ =	sdelay $0x1  }
0x8a: {  	s1 =	srdreg.scid  }
0x8b: {  	s0 =	sand.u32 $0x1, s1  }
0x8c: {  	s16 =	sshll.u32 s0, $0xA;
	s2 =	sadd.s32 s3, s2  }
0x8d: {  	s2 =	sadd.s32 s2, s16  }
0x8e: {  	[smem:$0x3FBE] =	sst s2  }
0x8f: {  	_ = 	snop  }
0x90: {  	(tm) =	ssettm $0x1  }
0x91: {  	s17 =	sld [smem:$0x3FFB];
	_ =	sdelay $0x3  }
0x92: {  	_ =	strace s17  }
0x93: {  	s2 =	sld [smem:$0x3FFC];
	_ =	sdelay $0x3  }
0x94: {  	_ =	strace s2  }
0x95: {  	s2 =	sld [smem:$0x3FFD];
	_ =	sdelay $0x3  }
0x96: {  	_ =	strace s2  }
0x97: {  	_ =	strace $0x8FFFFFFF  }
0x98: {  	s18 =	sld [smem:$0x3FDB];
	_ =	sdelay $0x1  }
0x99: {  	s19 =	simm.s32 $_scs_section_size  }
0x9a: {  	s4 =	simm.s32 $_size__tile_overlayer_lowered;
	s5 =	simm.s32 $_tile_overlayer_lowered  }
0x9b: {  	s22 =	simm.s32 $0x1BFF;
	s21 =	sshll.u32 s5, $0x1;
	s2 =	sadd.s32 s19, s18  }
0x9c: {  	s6 =	simm.s32 $0x0;
	s20 =	sshll.u32 s4, $0x1;
	s4 =	sadd.s32 s21, s2  }
0x9d: {  	[timem:s6], [sflag:s22] =	dma.local [hbm:s4], s20  }
0x9e: {  	_ =	swait.ge [sflag:s22], s20  }
0x9f: {  	s3 =	ssub.s32 $0x0, s20;
	[sflag:s22] =	ssyncset.done $0x0  }
0xa0: {  	[sflag:s22] =	ssyncadd.s32 s3;
	_ =	sdelay $0x1  }
0xa1: {  	s23 =	simm.s32 $0x1B8B  }
0xa2: {  	_ =	swait.ge [sflag:s23], $0x1  }
0xa3: {  	[sflag:s23] =	ssyncset.done $0x0  }
0xa4: {  	s25 =	simm.s32 $0x1B8E;
	s24 =	sld [smem:$0x3FFE];
	[sflag:s23] =	ssyncadd.s32 $0xFFFFFFFF  }
0xa5: {  	s26 =	simm.s32 $execute0_lowered;
	[smem:$0x3FD2] =	sst s25  }
0xa6: {  	s4 =	sshll.u32 s26, $0x1;
	_ =	strace $0x80000049;
	[dreg:$0x1] =	wrdreg $0xFFFFFFFF  }
0xa7: {  	s28 =	simm.s32 $_size_execute0_lowered;
	s2 =	sadd.s32 s2, s4;
	[dreg:$0x0] =	wrdreg $0x0  }
0xa8: {  	s4 =	sshll.u32 s28, $0x1;
	[dreg:$0x2] =	wrdreg s2  }
0xa9: {  	[dreg:$0x3] =	wrdreg s4  }
0xaa: {  	[dreg:$0x4] =	wrdreg $0xC0  }
0xab: {  	_ =	task [dreg:s6], $0x5FFFF  }
0xac: {  	[dreg:$0x1] =	wrdreg $0xFFFFFFFF  }
0xad: {  	[dreg:$0x0] =	wrdreg $0x60  }
0xae: {  	[dreg:$0x2] =	wrdreg s24  }
0xaf: {  	[dreg:$0x3] =	wrdreg $0xA8000  }
0xb0: {  	[dreg:$0x4] =	wrdreg $0x9  }
0xb1: {  	_ =	task.clear_ibuf [dreg:s6], $0x5FFFF;
	_ =	strace $0x90000049  }
0xb2: {  	s29 =	simm.s32 $0x9;
	_ =	strace $0x8000004B  }
0xb3: {  	_ =	swait.ge [sflag:s29], $0x1  }
0xb4: {  	[sflag:s29] =	ssyncadd.s32 $0xFFFFFFFF  }
0xb5: {  	_ =	strace $0x9000004B  }
0xb6: {  	_ =	sfence  }
0xb7: {  	s30 =	sld [smem:$0x0];
	_ =	sdelay $0x2  }
0xb8: {  	s31 =	sshll.u32 s1, $0xD;
	s1 =	sshrl.u32 s1, $0x2  }
0xb9: {  	s3 =	sand.u32 $0x4000, s31;
	s1 =	sadd.s32 s1, s30  }
0xba: {  	s0 =	sor.u32 s3, s0;
	s1 =	sshll.u32 s1, $0x11  }
0xbb: {  	s0 =	sor.u32 s1, s0  }
0xbc: {  	s0 =	sadd.s32 $0x8F2B, s0  }
0xbd: {  	[sflag:s0] =	ssyncadd.remote.s32 $0x1  }
0xbe: {  	_ =	sfence.sel $0xFFFF  }
0xbf: {  	[dreg:$0x0] =	wrdreg $0xFFFFFFFF;
	(pc) =	sbr.abs _section_cstart, $3  }
0xc0: {  	[dreg:$0x1] =	wrdreg $0xFFFFFFFF  }
0xc1: {  	_ =	task.clear_ibuf [dreg:s6], $0x2FFFF;
	_ =	strace $0x9FFFFFFF  }
0xc2: {  	(tm) =	ssettm $0x7FFFFFFF  }
0xc3: {  	_ =	shalt  }
tec
execute0_lowered:
.L_overlay_start_1:
0x0: {  	(tag) =	ssettag $0x1  }
0x1: {  	s0 =	rddreg [dreg:$0x0]  }
0x2: {  	s1 =	rddreg [dreg:$0x1];
	s2 =	srdreg.scid  }
0x3: {  	s3 =	simm.s32 $0x0;
	s18 =	stileid.u32;
	s28 =	simm.s32 $0x2  }
0x4: {  	s29 =	simm.s32 $0x3;
	s30 =	simm.s32 $0x4;
	s31 =	simm.s32 $0x2780  }
0x5: {  	s2 =	sand.u32 $0x1, s2;
	[smem:$0x7FF] =	sst s3;
	s6 =	smul.u32 $0x14000, s18  }
0x6: {  	s4 =	sadd.s32 $0x17C00, s0;
	s16 =	smul.u32 $0x50000, s18;
	s7 =	sadd.s32 $0x3C00, s0  }
0x7: {  	s8 =	sadd.s32 $0xDC00, s0;
	s19 =	smul.u32 $0x2800, s18;
	s13 =	sadd.s32 $0x18400, s0  }
0x8: {  	s26 =	sshll.u32 s18, $0x6;
	s5 =	smul.u32 $0x140000, s2;
	_ =	strace $0x8000004A  }
0x9: {  	s10 =	ssub.s32 $0x2, s2;
	s12 =	smul.u32 $0x28000, s2;
	p0 =	sne.s32 s2, $0x0  }
0xa: {  	s17 =	sshrl.u32 s16, $0x2;
	s11 =	sshrl.u32 s10, $0x1;
	s5 =	sadd.s32 s6, s5  }
0xb: {  	s23 =	sadd.s32 s19, s12;
	s6 =	sadd.s32 s4, s19;
	s19 =	sor.u32 $0x1C05, s26  }
0xc: {  	s26 =	simm.s32 $0x6800;
	s9 =	sshrl.u32 s5, $0x3;
	s5 =	sadd.s32 s17, s1  }
0xd: {  	s17 =	ssub.s32 s10, s11;
	[dreg:$0x7] =	wrdreg s6;
	s25 =	sshrl.u32 s23, $0x3  }
0xe: {  	s23 =	simm.s32 $0x2800;
	s16 =	sadd.s32 s9, s0;
	s20 =	sadd.s32 $0x4000, s5  }
0xf: {  	s21 =	sadd.s32 $0x8000, s5;
	s22 =	sadd.s32 $0xC000, s5;
	[dreg:$0x3] =	wrdreg s20  }
0x10: {  	s24 =	sadd.s32 $0x10000, s5;
	s11 =	sadd.s32 s7, s25;
	[dreg:$0x4] =	wrdreg s21  }
0x11: {  	s12 =	sadd.s32 s8, s25;
	s6 =	sadd.s32 $0x280, s25;
	[dreg:$0x5] =	wrdreg s22  }
0x12: {  	s17 =	smax.u32 s17, $0x1;
	s25 =	simm.s32 $0x80;
	[dreg:$0x6] =	wrdreg s24  }
0x13: {  	s14 =	sadd.s32 s7, s6;
	s15 =	sadd.s32 s8, s6;
	s16 =	sadd.s32 $0x3FC00, s16  }
0x14: {  	s8 =	sadd.s32 $0x19400, s0;
	s20 =	sshrl.u32 s5, $0x3;
	s21 =	simm.s32 $0x5  }
0x15: {  	v0 =	vimm.f32 $0.0e+00;
	s22 =	simm.s32 $0x1400;
	s24 =	simm.s32 $0x1;
	s0 =	simm.s32 $0x0  }
.LBB2_1:
.Ltmp0:
0x16: {  	(pc) =	sbr.rel @p0 .LBB2_3-.Ltmp0, $1  }
0x17: {  	_ =	sdelay $0x3  }
.Ltmp1:
0x18: {  	s2 =	rddreg [dreg:$0x7];
	(pc) =	sbr.rel .LBB2_6-.Ltmp1, $4  }
0x19: {  	[spmem:s20], [sflag:s19] =	dma.local [hbm:s2], $0x2800  }
0x1a: {  	_ =	swait.ge [sflag:s21], $0x2800  }
0x1b: {  	[sflag:s21] =	ssyncset.done $0x0  }
0x1c: {  	[sflag:s21] =	ssyncadd.s32 $0xFFFFD800  }
.LBB2_3:
0x1d: {  	s2 =	sshra.s32 s3, $0x2;
	s6 =	sadd.s32 $0x200, s3  }
.LBB2_4:
0x1e: {  	p1 =	sne.s32 s6, $0xFE00;
	[tilespmem:s2+$0x2870] =	vst v0  }
0x1f: {  	[tilespmem:s2+$0x2800] =	vst v0  }
0x20: {  	[tilespmem:s2+$0x2810] =	vst v0  }
.Ltmp2:
0x21: {  	[tilespmem:s2+$0x2820] =	vst v0;
	(pc) =	sbr.rel @p1 .LBB2_4-.Ltmp2, $4  }
0x22: {  	[tilespmem:s2+$0x2830] =	vst v0  }
0x23: {  	[tilespmem:s2+$0x2840] =	vst v0  }
0x24: {  	[tilespmem:s2+$0x2850] =	vst v0  }
0x25: {  	[tilespmem:s2+$0x2860] =	vst v0;
	s2 =	sshra.s32 s6, $0x2;
	s6 =	sadd.s32 $0x200, s6  }
0x26: {  	[tilespmem:s2+$0x2870] =	vst v0  }
0x27: {  	[tilespmem:s2+$0x2800] =	vst v0  }
0x28: {  	[tilespmem:s2+$0x2810] =	vst v0  }
0x29: {  	[tilespmem:s2+$0x2820] =	vst v0  }
0x2a: {  	[tilespmem:s2+$0x2830] =	vst v0  }
0x2b: {  	[tilespmem:s2+$0x2840] =	vst v0  }
0x2c: {  	[tilespmem:s2+$0x2850] =	vst v0  }
0x2d: {  	[tilespmem:s2+$0x2860] =	vst v0  }
0x2e: {  	[spmem:s5] =	stream.linear.scatter [tilespmem:s23], [sflag:$0x5], $0x4000, $0x38;
	[tilespmem:$0x1E800] =	vst v63  }
0x2f: {  	_ =	swait.ge [sflag:s21], $0x4000  }
0x30: {  	[sflag:s21] =	ssyncset.done $0x0  }
0x31: {  	s7 =	rddreg [dreg:$0x3];
	[sflag:s21] =	ssyncadd.s32 $0xFFFFC000  }
0x32: {  	[spmem:s7] =	stream.linear.scatter [tilespmem:s23], [sflag:$0x5], $0x4000, $0x38;
	[tilespmem:$0x1E800] =	vst v63  }
0x33: {  	_ =	swait.ge [sflag:s21], $0x4000  }
0x34: {  	[sflag:s21] =	ssyncset.done $0x0  }
0x35: {  	s9 =	rddreg [dreg:$0x4];
	[sflag:s21] =	ssyncadd.s32 $0xFFFFC000  }
0x36: {  	[spmem:s9] =	stream.linear.scatter [tilespmem:s23], [sflag:$0x5], $0x4000, $0x38;
	[tilespmem:$0x1E800] =	vst v63  }
0x37: {  	_ =	swait.ge [sflag:s21], $0x4000  }
0x38: {  	[sflag:s21] =	ssyncset.done $0x0  }
0x39: {  	s10 =	rddreg [dreg:$0x5];
	[sflag:s21] =	ssyncadd.s32 $0xFFFFC000  }
0x3a: {  	[spmem:s10] =	stream.linear.scatter [tilespmem:s23], [sflag:$0x5], $0x4000, $0x38;
	[tilespmem:$0x1E800] =	vst v63  }
0x3b: {  	_ =	swait.ge [sflag:s21], $0x4000  }
0x3c: {  	[sflag:s21] =	ssyncset.done $0x0  }
0x3d: {  	s18 =	rddreg [dreg:$0x6];
	[sflag:s21] =	ssyncadd.s32 $0xFFFFC000  }
0x3e: {  	[spmem:s18] =	stream.linear.scatter [tilespmem:s23], [sflag:$0x5], $0x4000, $0x38;
	[tilespmem:$0x1E800] =	vst v63  }
0x3f: {  	_ =	swait.ge [sflag:s21], $0x4000  }
0x40: {  	[sflag:s21] =	ssyncset.done $0x0  }
0x41: {  	[sflag:s21] =	ssyncadd.s32 $0xFFFFC000  }
.LBB2_6:
0x42: {  	[bflag:$0x0] =	sbarrier.arrive $0xFFFF  }
0x43: {  	[tilespmem:s3], [sflag:$0x5] =	stream.linear.gather [hbm4b:s11+s3], $0x1400, $0x38;
	[tilespmem:$0x1E800] =	vst v63  }
0x44: {  	_ =	swait.ge [sflag:s21], $0x1400  }
0x45: {  	[sflag:s21] =	ssyncset.done $0x0  }
0x46: {  	[sflag:s21] =	ssyncadd.s32 $0xFFFFEC00  }
0x47: {  	[tilespmem:s22], [sflag:$0x5] =	stream.linear.gather [hbm4b:s12+s3], $0x1400, $0x38;
	[tilespmem:$0x1E800] =	vst v63  }
0x48: {  	_ =	swait.ge [sflag:s21], $0x1400  }
0x49: {  	[sflag:s21] =	ssyncset.done $0x0  }
0x4a: {  	[sflag:s21] =	ssyncadd.s32 $0xFFFFEC00  }
0x4b: {  	[tilespmem:s23], [sflag:$0x1] =	stream.linear.gather [hbm4b:s4+s3], $0x4000, $0x38;
	[tilespmem:$0x1E800] =	vst v63  }
0x4c: {  	_ =	swait.ge [sflag:s24], $0x4000  }
0x4d: {  	[sflag:s24] =	ssyncset.done $0x0  }
0x4e: {  	[sflag:s24] =	ssyncadd.s32 $0xFFFFC000  }
0x4f: {  	[spmem:s1] =	stream.indirect.scatter.add.f32 [tilespmem:s23], [sflag:$0x3], $0x80, s22, s25, $0xb8;
	[tilespmem:$0x1E800] =	vst v63  }
0x50: {  	_ = 	snop  }
0x51: {  	[tilespmem:s26], [sflag:$0x2] =	stream.linear.gather [hbm4b:s13+s3], $0x4000, $0x38;
	[tilespmem:$0x1E800] =	vst v63  }
0x52: {  	_ =	swait.ge [sflag:s28], $0x4000  }
0x53: {  	[sflag:s28] =	ssyncset.done $0x0  }
0x54: {  	s2 =	simm.s32 $0x1480;
	[sflag:s28] =	ssyncadd.s32 $0xFFFFC000  }
0x55: {  	[spmem:s1] =	stream.indirect.scatter.add.f32 [tilespmem:s26], [sflag:$0x4], $0x80, s2, s25, $0xb8;
	[tilespmem:$0x1E800] =	vst v63  }
0x56: {  	_ =	swait.ge [sflag:s29], $0x4000  }
0x57: {  	[sflag:s29] =	ssyncset.done $0x0  }
0x58: {  	s2 =	sadd.s32 $0xFFFFF800, s8;
	[sflag:s29] =	ssyncadd.s32 $0xFFFFC000  }
0x59: {  	[tilespmem:s23], [sflag:$0x1] =	stream.linear.gather [hbm4b:s2+s3], $0x4000, $0x38;
	[tilespmem:$0x1E800] =	vst v63  }
0x5a: {  	_ =	swait.ge [sflag:s24], $0x4000  }
0x5b: {  	[sflag:s24] =	ssyncset.done $0x0  }
0x5c: {  	s6 =	simm.s32 $0x1500;
	[sflag:s24] =	ssyncadd.s32 $0xFFFFC000  }
0x5d: {  	[spmem:s1] =	stream.indirect.scatter.add.f32 [tilespmem:s23], [sflag:$0x3], $0x80, s6, s25, $0xb8;
	[tilespmem:$0x1E800] =	vst v63  }
0x5e: {  	_ =	swait.ge [sflag:s30], $0x4000  }
0x5f: {  	s7 =	sadd.s32 $0x1000, s8;
	[sflag:s30] =	ssyncset.done $0x0  }
0x60: {  	s18 =	smov.u32 s8;
	s6 =	simm.s32 $0xFFFFB800;
	[sflag:s30] =	ssyncadd.s32 $0xFFFFC000  }
.LBB2_7:
0x61: {  	[tilespmem:s26], [sflag:$0x2] =	stream.linear.gather [hbm4b:s18+s3], $0x4000, $0x38;
	[tilespmem:$0x1E800] =	vst v63  }
0x62: {  	s9 =	smov.u32 s6;
	s18 =	smov.u32 s7  }
0x63: {  	p1 =	sne.s32 s6, $0xFFFFFC00;
	s6 =	sadd.s32 $0x400, s6;
	_ =	swait.ge [sflag:s28], $0x4000  }
0x64: {  	s9 =	sshra.s32 s9, $0x2;
	[sflag:s28] =	ssyncset.done $0x0  }
0x65: {  	s10 =	sadd.s32 $0x2780, s9;
	[sflag:s28] =	ssyncadd.s32 $0xFFFFC000  }
0x66: {  	[spmem:s1] =	stream.indirect.scatter.add.f32 [tilespmem:s26], [sflag:$0x4], $0x80, s10, s25, $0xb8;
	[tilespmem:$0x1E800] =	vst v63  }
0x67: {  	_ =	swait.ge [sflag:s29], $0x4000  }
0x68: {  	[sflag:s29] =	ssyncset.done $0x0  }
0x69: {  	s10 =	sadd.s32 $0xFFFFF800, s7;
	[sflag:s29] =	ssyncadd.s32 $0xFFFFC000  }
0x6a: {  	[tilespmem:s23], [sflag:$0x1] =	stream.linear.gather [hbm4b:s10+s3], $0x4000, $0x38;
	[tilespmem:$0x1E800] =	vst v63  }
0x6b: {  	_ =	swait.ge [sflag:s24], $0x4000  }
0x6c: {  	[sflag:s24] =	ssyncset.done $0x0  }
.Ltmp3:
0x6d: {  	s9 =	sadd.s32 $0x2800, s9;
	[sflag:s24] =	ssyncadd.s32 $0xFFFFC000;
	(pc) =	sbr.rel @p1 .LBB2_7-.Ltmp3, $4  }
0x6e: {  	[spmem:s1] =	stream.indirect.scatter.add.f32 [tilespmem:s23], [sflag:$0x3], $0x80, s9, s25, $0xb8;
	[tilespmem:$0x1E800] =	vst v63  }
0x6f: {  	_ =	swait.ge [sflag:s30], $0x4000  }
0x70: {  	[sflag:s30] =	ssyncset.done $0x0  }
0x71: {  	s7 =	sadd.s32 $0x1000, s7;
	[sflag:s30] =	ssyncadd.s32 $0xFFFFC000  }
0x72: {  	[tilespmem:s26], [sflag:$0x2] =	stream.linear.gather [hbm4b:s18+s3], $0x4000, $0x38;
	[tilespmem:$0x1E800] =	vst v63  }
0x73: {  	_ =	swait.ge [sflag:s28], $0x4000  }
0x74: {  	[sflag:s28] =	ssyncset.done $0x0  }
0x75: {  	[sflag:s28] =	ssyncadd.s32 $0xFFFFC000  }
0x76: {  	[spmem:s1] =	stream.indirect.scatter.add.f32 [tilespmem:s26], [sflag:$0x4], $0x80, s31, s25, $0xb8;
	[tilespmem:$0x1E800] =	vst v63  }
0x77: {  	_ =	swait.ge [sflag:s29], $0x4000  }
0x78: {  	[sflag:s29] =	ssyncset.done $0x0  }
0x79: {  	[sflag:s29] =	ssyncadd.s32 $0xFFFFC000  }
0x7a: {  	_ =	swait.ge [sflag:s30], $0x4000  }
0x7b: {  	[sflag:s30] =	ssyncset.done $0x0  }
0x7c: {  	[sflag:s30] =	ssyncadd.s32 $0xFFFFC000  }
0x7d: {  	[tilespmem:s3], [sflag:$0x5] =	stream.linear.gather [hbm4b:s14+s3], $0x1400, $0x38;
	[tilespmem:$0x1E800] =	vst v63  }
0x7e: {  	_ =	swait.ge [sflag:s21], $0x1400  }
0x7f: {  	[sflag:s21] =	ssyncset.done $0x0  }
0x80: {  	[sflag:s21] =	ssyncadd.s32 $0xFFFFEC00  }
0x81: {  	[tilespmem:s22], [sflag:$0x5] =	stream.linear.gather [hbm4b:s15+s3], $0x1400, $0x38;
	[tilespmem:$0x1E800] =	vst v63  }
0x82: {  	_ =	swait.ge [sflag:s21], $0x1400  }
0x83: {  	[sflag:s21] =	ssyncset.done $0x0  }
0x84: {  	[sflag:s21] =	ssyncadd.s32 $0xFFFFEC00  }
0x85: {  	[tilespmem:s23], [sflag:$0x1] =	stream.linear.gather [hbm4b:s4+s3], $0x4000, $0x38;
	[tilespmem:$0x1E800] =	vst v63  }
0x86: {  	_ =	swait.ge [sflag:s24], $0x4000  }
0x87: {  	[sflag:s24] =	ssyncset.done $0x0  }
0x88: {  	[sflag:s24] =	ssyncadd.s32 $0xFFFFC000  }
0x89: {  	[spmem:s1] =	stream.indirect.scatter.add.f32 [tilespmem:s23], [sflag:$0x3], $0x80, s22, s25, $0xb8;
	[tilespmem:$0x1E800] =	vst v63  }
0x8a: {  	_ = 	snop  }
0x8b: {  	[tilespmem:s26], [sflag:$0x2] =	stream.linear.gather [hbm4b:s13+s3], $0x4000, $0x38;
	[tilespmem:$0x1E800] =	vst v63  }
0x8c: {  	_ =	swait.ge [sflag:s28], $0x4000  }
0x8d: {  	[sflag:s28] =	ssyncset.done $0x0  }
0x8e: {  	s6 =	simm.s32 $0x1480;
	[sflag:s28] =	ssyncadd.s32 $0xFFFFC000  }
0x8f: {  	[spmem:s1] =	stream.indirect.scatter.add.f32 [tilespmem:s26], [sflag:$0x4], $0x80, s6, s25, $0xb8;
	[tilespmem:$0x1E800] =	vst v63  }
0x90: {  	_ =	swait.ge [sflag:s29], $0x4000  }
0x91: {  	[sflag:s29] =	ssyncset.done $0x0  }
0x92: {  	[sflag:s29] =	ssyncadd.s32 $0xFFFFC000  }
0x93: {  	[tilespmem:s23], [sflag:$0x1] =	stream.linear.gather [hbm4b:s2+s3], $0x4000, $0x38;
	[tilespmem:$0x1E800] =	vst v63  }
0x94: {  	_ =	swait.ge [sflag:s24], $0x4000  }
0x95: {  	[sflag:s24] =	ssyncset.done $0x0  }
0x96: {  	s18 =	simm.s32 $0x1500;
	[sflag:s24] =	ssyncadd.s32 $0xFFFFC000  }
0x97: {  	[spmem:s1] =	stream.indirect.scatter.add.f32 [tilespmem:s23], [sflag:$0x3], $0x80, s18, s25, $0xb8;
	[tilespmem:$0x1E800] =	vst v63  }
0x98: {  	_ =	swait.ge [sflag:s30], $0x4000  }
0x99: {  	s7 =	smov.u32 s8;
	[sflag:s30] =	ssyncset.done $0x0  }
0x9a: {  	s6 =	sadd.s32 $0x1000, s8;
	s2 =	simm.s32 $0xFFFFB800;
	[sflag:s30] =	ssyncadd.s32 $0xFFFFC000  }
.LBB2_9:
0x9b: {  	[tilespmem:s26], [sflag:$0x2] =	stream.linear.gather [hbm4b:s7+s3], $0x4000, $0x38;
	[tilespmem:$0x1E800] =	vst v63  }
0x9c: {  	s9 =	smov.u32 s2;
	s7 =	smov.u32 s6  }
0x9d: {  	p1 =	sne.s32 s2, $0xFFFFFC00;
	s2 =	sadd.s32 $0x400, s2;
	_ =	swait.ge [sflag:s28], $0x4000  }
0x9e: {  	s9 =	sshra.s32 s9, $0x2;
	[sflag:s28] =	ssyncset.done $0x0  }
0x9f: {  	s10 =	sadd.s32 $0x2780, s9;
	[sflag:s28] =	ssyncadd.s32 $0xFFFFC000  }
0xa0: {  	[spmem:s1] =	stream.indirect.scatter.add.f32 [tilespmem:s26], [sflag:$0x4], $0x80, s10, s25, $0xb8;
	[tilespmem:$0x1E800] =	vst v63  }
0xa1: {  	_ =	swait.ge [sflag:s29], $0x4000  }
0xa2: {  	[sflag:s29] =	ssyncset.done $0x0  }
0xa3: {  	s10 =	sadd.s32 $0xFFFFF800, s6;
	[sflag:s29] =	ssyncadd.s32 $0xFFFFC000  }
0xa4: {  	[tilespmem:s23], [sflag:$0x1] =	stream.linear.gather [hbm4b:s10+s3], $0x4000, $0x38;
	[tilespmem:$0x1E800] =	vst v63  }
0xa5: {  	_ =	swait.ge [sflag:s24], $0x4000  }
0xa6: {  	[sflag:s24] =	ssyncset.done $0x0  }
.Ltmp4:
0xa7: {  	s9 =	sadd.s32 $0x2800, s9;
	[sflag:s24] =	ssyncadd.s32 $0xFFFFC000;
	(pc) =	sbr.rel @p1 .LBB2_9-.Ltmp4, $4  }
0xa8: {  	[spmem:s1] =	stream.indirect.scatter.add.f32 [tilespmem:s23], [sflag:$0x3], $0x80, s9, s25, $0xb8;
	[tilespmem:$0x1E800] =	vst v63  }
0xa9: {  	_ =	swait.ge [sflag:s30], $0x4000  }
0xaa: {  	[sflag:s30] =	ssyncset.done $0x0  }
0xab: {  	s6 =	sadd.s32 $0x1000, s6;
	[sflag:s30] =	ssyncadd.s32 $0xFFFFC000  }
0xac: {  	[tilespmem:s26], [sflag:$0x2] =	stream.linear.gather [hbm4b:s7+s3], $0x4000, $0x38;
	[tilespmem:$0x1E800] =	vst v63  }
0xad: {  	_ =	swait.ge [sflag:s28], $0x4000  }
0xae: {  	[sflag:s28] =	ssyncset.done $0x0  }
0xaf: {  	[sflag:s28] =	ssyncadd.s32 $0xFFFFC000  }
0xb0: {  	[spmem:s1] =	stream.indirect.scatter.add.f32 [tilespmem:s26], [sflag:$0x4], $0x80, s31, s25, $0xb8;
	[tilespmem:$0x1E800] =	vst v63  }
0xb1: {  	_ =	swait.ge [sflag:s29], $0x4000  }
0xb2: {  	[sflag:s29] =	ssyncset.done $0x0  }
0xb3: {  	[sflag:s29] =	ssyncadd.s32 $0xFFFFC000  }
0xb4: {  	_ =	swait.ge [sflag:s30], $0x4000  }
0xb5: {  	s0 =	sadd.s32 $0x1, s0;
	[sflag:s30] =	ssyncset.done $0x0  }
0xb6: {  	p1 =	sne.s32 s0, s17;
	[sflag:s30] =	ssyncadd.s32 $0xFFFFC000  }
.Ltmp5:
0xb7: {  	[bflag:$0x0] =	sbarrier.arrive $0xFFFF;
	(pc) =	sbr.rel @p1 .LBB2_1-.Ltmp5, $4  }
0xb8: {  	[hbm:s16], [sflag:s19] =	dma.local [spmem:s20], $0x2800  }
0xb9: {  	_ =	swait.ge [sflag:s21], $0x2800  }
0xba: {  	[sflag:s21] =	ssyncset.done $0x0  }
0xbb: {  	[sflag:s21] =	ssyncadd.s32 $0xFFFFD800  }
0xbc: {  	_ =	sfence.sel $0x180000  }
0xbd: {  	[bflag:$0x0] =	sbarrier.arrive $0xFFFF  }
0xbe: {  	_ =	strace $0x9000004A  }
0xbf: {  	s0 =	stileid.u32;
	[bflag:$0x2] =	sbarrier.arrive $0xFFFF  }
0xc0: {  	p0 =	sne.s32 s0, $0x0;
	s0 =	rddreg [dreg:$0x2]  }
0xc1: {  	s0 =	sadd.s32 @!p0 $0x100000, s0  }
0xc2: {  	[sflag:s0] =	ssyncadd.tile.s32 @!p0 $0x1;
	_ =	shalt  }
.Lfunc_end2:
_tile_overlayer_lowered:
.L_overlay_start_2:
0xc3: {  	(tag) =	ssettag $0x2  }
0xc4: {  	s0 =	rddreg [dreg:$0x0];
	s2 =	stileid.u32  }
0xc5: {  	s1 =	rddreg [dreg:$0x1];
	p0 =	sne.s32 s2, $0x0  }
0xc6: {  	s3 =	rddreg [dreg:$0x2];
	[bflag:$0x3] =	sbarrier.arrive $0xFFFF;
	s2 =	simm.s32 @!p0 $0x1C05  }
0xc7: {  	[timem:s3], [sflag:s2] =	dma.local @!p0 [hbm:s0], s1  }
0xc8: {  	s0 =	simm.s32 @!p0 $0x5  }
0xc9: {  	_ =	swait.ge @!p0 [sflag:s0], s1  }
0xca: {  	s1 =	ssub.s32 @!p0 $0x0, s1;
	[sflag:s0] =	ssyncset.done @!p0 $0x0  }
0xcb: {  	[sflag:s0] =	ssyncadd.s32 @!p0 s1  }
0xcc: {  	[bflag:$0x3] =	sbarrier.arrive $0xFFFF  }
0xcd: {  	_ =	shalt  }

// kernel: kernel.18.cloned.1.call-start
scs
__scs_entry_jumppad:
0x0: {  	(pc) =	sbr.rel $0x88, $3  }
0x1: {  	(tag) =	ssettag $0x0;
	lr =	simm.s32 $0x1  }
0x2: {  	[smem:$0x3F97] =	sst lr;
	_ =	strace $0xD0000000  }
0x3: {  	_ = 	snop  }
0x4: {  	_ = 	snop  }
0x5: {  	_ = 	snop  }
0x6: {  	_ = 	snop  }
0x7: {  	_ = 	snop  }
__scs_overlays_trampoline_lowered:
0x8: {  	[smem:$0x3FA6] =	sst s0  }
0x9: {  	[smem:$0x3FA7] =	sst s1  }
0xa: {  	[smem:$0x3FA8] =	sst s2  }
0xb: {  	[smem:$0x3FA9] =	sst s3  }
0xc: {  	[smem:$0x3FAA] =	sst s4  }
0xd: {  	[smem:$0x3FAB] =	sst s5  }
0xe: {  	[smem:$0x3FAC] =	sst s6  }
0xf: {  	[smem:$0x3FAD] =	sst s7  }
0x10: {  	[smem:$0x3FAE] =	sst s8  }
0x11: {  	[smem:$0x3FAF] =	sst s9;
	s0 =	simm.s32 @!p0 $0x0  }
0x12: {  	s1 =	sld [smem:$0x3F95];
	s0 =	simm.s32 @p0 $0x1  }
0x13: {  	[smem:$0x3FB0] =	sst s0;
	s0 =	simm.s32 @!p1 $0x0  }
0x14: {  	s2 =	sld [smem:$0x3F94];
	s0 =	simm.s32 @p1 $0x1  }
0x15: {  	[smem:$0x3FB1] =	sst s0;
	s0 =	simm.s32 @!p2 $0x0  }
0x16: {  	s3 =	sld [smem:$0x3FDB];
	s0 =	simm.s32 @p2 $0x1  }
0x17: {  	s4 =	simm.s32 $0x1BF5;
	[smem:$0x3FB3] =	sst s0  }
0x18: {  	s0 =	sld [smem:$0x3F96];
	_ =	swait.ge [sflag:s4], $0x0  }
0x19: {  	s7 =	sld [smem:$0x3F97]  }
0x1a: {  	s8 =	sadd.s32 $0xFFFFE003, lr  }
0x1b: {  	s9 =	sadd.s32 $0xFFFFFEF7, lr;
	s5 =	simm.s32 $0xFFFFFFFF;
	p2 =	slt.u32 s8, $0xFFFFF086  }
0x1c: {  	p1 =	slt.u32 s9, $0xF7A;
	s5 =	simm.s32 @!p2 $0x0  }
0x1d: {  	s5 =	simm.s32 @p1 $0x1;
	p0 =	seq.s32 s7, s2  }
0x1e: {  	s7 =	smul.u32 @!p0 $0xF7A, s2;
	p2 =	seq.s32 @!p0 s5, $0x0  }
0x1f: {  	s9 =	smul.u32 $0xF7A, s1;
	s8 =	simm.s32 @!p0 $0x1BF5;
	p2 =	por !p2, p0  }
0x20: {  	[sflag:s8] =	ssyncset.s32 @!p0 $0xFFFFF086;
	s6 =	sadd.s32 @!p0 s3, s7;
	s7 =	simm.s32 @!p0 $0x108  }
0x21: {  	s3 =	sadd.s32 s3, s9;
	s6 =	sadd.s32 @!p0 $0x88, s6;
	s7 =	simm.s32 @p2 $0x1082  }
0x22: {  	[simem:s7], [sflag:s8] =	dma.local @!p0 [hbm:s6], $0xF7A  }
0x23: {  	s9 =	sor.u32 $0xD0000000, s2;
	s6 =	simm.s32 $0x108;
	_ =	swait.ge @!p0 [sflag:s8], $0x0  }
0x24: {  	s3 =	sadd.s32 $0x88, s3;
	s6 =	simm.s32 @!p1 $0x1082;
	[sflag:s4] =	ssyncset.s32 $0xFFFFF086  }
0x25: {  	[simem:s6], [sflag:s4] =	dma.local [hbm:s3], $0xF7A  }
0x26: {  	[smem:$0x3F97] =	sst s1;
	(tag) =	ssettag s2;
	_ =	strace s9  }
0x27: {  	s1 =	sld [smem:$0x3FA7]  }
0x28: {  	s2 =	sld [smem:$0x3FA8]  }
0x29: {  	s4 =	sld [smem:$0x3FAA]  }
0x2a: {  	p0 =	seq.s32 s5, $0x0;
	s5 =	sld [smem:$0x3FAB]  }
0x2b: {  	s6 =	sld [smem:$0x3FAC]  }
0x2c: {  	s7 =	sld [smem:$0x3FAD]  }
0x2d: {  	s3 =	simm.s32 $0x108;
	s8 =	sld [smem:$0x3FAE]  }
0x2e: {  	s3 =	simm.s32 @!p0 $0x1082;
	s9 =	sld [smem:$0x3FAF]  }
0x2f: {  	lr =	sadd.s32 s0, s3;
	s0 =	sld [smem:$0x3FA6]  }
0x30: {  	s3 =	sld [smem:$0x3FA9]  }
0x31: {  	[smem:$0x3FB2] =	sst s10  }
0x32: {  	s10 =	sld [smem:$0x3FB0];
	_ =	sdelay $0x3  }
0x33: {  	p0 =	seq.s32 s10, $0x1;
	s10 =	sld [smem:$0x3FB2];
	_ =	sdelay $0x3  }
0x34: {  	[smem:$0x3FB2] =	sst s10  }
0x35: {  	s10 =	sld [smem:$0x3FB1];
	_ =	sdelay $0x3  }
0x36: {  	p1 =	seq.s32 s10, $0x1;
	s10 =	sld [smem:$0x3FB2];
	_ =	sdelay $0x3  }
0x37: {  	[smem:$0x3FB2] =	sst s10  }
0x38: {  	s10 =	sld [smem:$0x3FB3]  }
0x39: {  	_ = 	snop;
	(pc) =	sbr.ind lr, $3  }
0x3a: {  	_ = 	snop  }
0x3b: {  	_ = 	snop  }
0x3c: {  	p2 =	seq.s32 s10, $0x1;
	s10 =	sld [smem:$0x3FB2]  }
0x3d: {  	_ =	shalt  }
0x3e: {  	_ =	shalt  }
0x3f: {  	_ =	shalt  }
0x40: {  	_ =	shalt  }
0x41: {  	_ =	shalt  }
0x42: {  	_ =	shalt  }
0x43: {  	_ =	shalt  }
0x44: {  	_ =	shalt  }
0x45: {  	_ =	shalt  }
0x46: {  	_ =	shalt  }
0x47: {  	_ =	shalt  }
0x48: {  	_ =	shalt  }
0x49: {  	_ =	shalt  }
0x4a: {  	_ =	shalt  }
0x4b: {  	_ =	shalt  }
0x4c: {  	_ =	shalt  }
0x4d: {  	_ =	shalt  }
0x4e: {  	_ =	shalt  }
0x4f: {  	_ =	shalt  }
0x50: {  	_ =	shalt  }
0x51: {  	_ =	shalt  }
0x52: {  	_ =	shalt  }
0x53: {  	_ =	shalt  }
0x54: {  	_ =	shalt  }
0x55: {  	_ =	shalt  }
0x56: {  	_ =	shalt  }
0x57: {  	_ =	shalt  }
0x58: {  	_ =	shalt  }
0x59: {  	_ =	shalt  }
0x5a: {  	_ =	shalt  }
0x5b: {  	_ =	shalt  }
0x5c: {  	_ =	shalt  }
0x5d: {  	_ =	shalt  }
0x5e: {  	_ =	shalt  }
0x5f: {  	_ =	shalt  }
0x60: {  	_ =	shalt  }
0x61: {  	_ =	shalt  }
0x62: {  	_ =	shalt  }
0x63: {  	_ =	shalt  }
0x64: {  	_ =	shalt  }
0x65: {  	_ =	shalt  }
0x66: {  	_ =	shalt  }
0x67: {  	_ =	shalt  }
0x68: {  	_ =	shalt  }
0x69: {  	_ =	shalt  }
0x6a: {  	_ =	shalt  }
0x6b: {  	_ =	shalt  }
0x6c: {  	_ =	shalt  }
0x6d: {  	_ =	shalt  }
0x6e: {  	_ =	shalt  }
0x6f: {  	_ =	shalt  }
0x70: {  	_ =	shalt  }
0x71: {  	_ =	shalt  }
0x72: {  	_ =	shalt  }
0x73: {  	_ =	shalt  }
0x74: {  	_ =	shalt  }
0x75: {  	_ =	shalt  }
0x76: {  	_ =	shalt  }
0x77: {  	_ =	shalt  }
0x78: {  	_ =	shalt  }
0x79: {  	_ =	shalt  }
0x7a: {  	_ =	shalt  }
0x7b: {  	_ =	shalt  }
0x7c: {  	_ =	shalt  }
0x7d: {  	_ =	shalt  }
0x7e: {  	_ =	shalt  }
0x7f: {  	_ =	shalt  }
0x80: {  	_ =	shalt  }
0x81: {  	_ =	shalt  }
0x82: {  	_ =	shalt  }
0x83: {  	_ =	shalt  }
0x84: {  	_ =	shalt  }
0x85: {  	_ =	shalt  }
0x86: {  	_ =	shalt  }
0x87: {  	_ =	shalt  }
.Lfunc_end0:
.L_simem_size_0:
called_computation.2_lowered:
.L_overlay_start_0:
0x88: {  	s2 =	sld [smem:$0x3FD9]  }
0x89: {  	s3 =	sld [smem:$0x3FFE];
	_ =	sdelay $0x1  }
0x8a: {  	s1 =	srdreg.scid  }
0x8b: {  	s0 =	sand.u32 $0x1, s1  }
0x8c: {  	s16 =	sshll.u32 s0, $0xA;
	s2 =	sadd.s32 s3, s2  }
0x8d: {  	s2 =	sadd.s32 s2, s16  }
0x8e: {  	[smem:$0x3FBE] =	sst s2  }
0x8f: {  	_ = 	snop  }
0x90: {  	(tm) =	ssettm $0x1  }
0x91: {  	s17 =	sld [smem:$0x3FFB];
	_ =	sdelay $0x3  }
0x92: {  	_ =	strace s17  }
0x93: {  	s2 =	sld [smem:$0x3FFC];
	_ =	sdelay $0x3  }
0x94: {  	_ =	strace s2  }
0x95: {  	s2 =	sld [smem:$0x3FFD];
	_ =	sdelay $0x3  }
0x96: {  	_ =	strace s2  }
0x97: {  	_ =	strace $0x8FFFFFFF  }
0x98: {  	s18 =	sld [smem:$0x3FDB];
	_ =	sdelay $0x1  }
0x99: {  	s19 =	simm.s32 $_scs_section_size  }
0x9a: {  	s4 =	simm.s32 $_size__tile_overlayer_lowered;
	s5 =	simm.s32 $_tile_overlayer_lowered  }
0x9b: {  	s22 =	simm.s32 $0x1BFF;
	s21 =	sshll.u32 s5, $0x1;
	s2 =	sadd.s32 s19, s18  }
0x9c: {  	s6 =	simm.s32 $0x0;
	s20 =	sshll.u32 s4, $0x1;
	s4 =	sadd.s32 s21, s2  }
0x9d: {  	[timem:s6], [sflag:s22] =	dma.local [hbm:s4], s20  }
0x9e: {  	_ =	swait.ge [sflag:s22], s20  }
0x9f: {  	s3 =	ssub.s32 $0x0, s20;
	[sflag:s22] =	ssyncset.done $0x0  }
0xa0: {  	[sflag:s22] =	ssyncadd.s32 s3;
	_ =	sdelay $0x1  }
0xa1: {  	s23 =	simm.s32 $0x1B8B  }
0xa2: {  	_ =	swait.ge [sflag:s23], $0x1  }
0xa3: {  	[sflag:s23] =	ssyncset.done $0x0  }
0xa4: {  	s25 =	simm.s32 $0x1B8E;
	s24 =	sld [smem:$0x3FFE];
	[sflag:s23] =	ssyncadd.s32 $0xFFFFFFFF  }
0xa5: {  	s26 =	simm.s32 $execute0_lowered;
	[smem:$0x3FD2] =	sst s25  }
0xa6: {  	s4 =	sshll.u32 s26, $0x1;
	_ =	strace $0x8000004C;
	[dreg:$0x1] =	wrdreg $0xFFFFFFFF  }
0xa7: {  	s28 =	simm.s32 $_size_execute0_lowered;
	s2 =	sadd.s32 s2, s4;
	[dreg:$0x0] =	wrdreg $0x0  }
0xa8: {  	s4 =	sshll.u32 s28, $0x1;
	[dreg:$0x2] =	wrdreg s2  }
0xa9: {  	[dreg:$0x3] =	wrdreg s4  }
0xaa: {  	[dreg:$0x4] =	wrdreg $0xC0  }
0xab: {  	_ =	task [dreg:s6], $0x5FFFF  }
0xac: {  	[dreg:$0x1] =	wrdreg $0xFFFFFFFF  }
0xad: {  	[dreg:$0x0] =	wrdreg $0x60  }
0xae: {  	[dreg:$0x2] =	wrdreg s24  }
0xaf: {  	[dreg:$0x3] =	wrdreg $0xA8000  }
0xb0: {  	[dreg:$0x4] =	wrdreg $0x9  }
0xb1: {  	_ =	task.clear_ibuf [dreg:s6], $0x5FFFF;
	_ =	strace $0x9000004C  }
0xb2: {  	s29 =	simm.s32 $0x9;
	_ =	strace $0x8000004E  }
0xb3: {  	_ =	swait.ge [sflag:s29], $0x1  }
0xb4: {  	[sflag:s29] =	ssyncadd.s32 $0xFFFFFFFF  }
0xb5: {  	_ =	strace $0x9000004E  }
0xb6: {  	_ =	sfence  }
0xb7: {  	s30 =	sld [smem:$0x0];
	_ =	sdelay $0x2  }
0xb8: {  	s31 =	sshll.u32 s1, $0xD;
	s1 =	sshrl.u32 s1, $0x2  }
0xb9: {  	s3 =	sand.u32 $0x4000, s31;
	s1 =	sadd.s32 s1, s30  }
0xba: {  	s0 =	sor.u32 s3, s0;
	s1 =	sshll.u32 s1, $0x11  }
0xbb: {  	s0 =	sor.u32 s1, s0  }
0xbc: {  	s0 =	sadd.s32 $0x8F2B, s0  }
0xbd: {  	[sflag:s0] =	ssyncadd.remote.s32 $0x1  }
0xbe: {  	_ =	sfence.sel $0xFFFF  }
0xbf: {  	[dreg:$0x0] =	wrdreg $0xFFFFFFFF;
	(pc) =	sbr.abs _section_cstart, $3  }
0xc0: {  	[dreg:$0x1] =	wrdreg $0xFFFFFFFF  }
0xc1: {  	_ =	task.clear_ibuf [dreg:s6], $0x2FFFF;
	_ =	strace $0x9FFFFFFF  }
0xc2: {  	(tm) =	ssettm $0x7FFFFFFF  }
0xc3: {  	_ =	shalt  }
tec
execute0_lowered:
.L_overlay_start_1:
0x0: {  	(tag) =	ssettag $0x1  }
0x1: {  	s0 =	rddreg [dreg:$0x0]  }
0x2: {  	s1 =	rddreg [dreg:$0x1];
	s2 =	srdreg.scid  }
0x3: {  	s3 =	simm.s32 $0x0;
	s18 =	stileid.u32;
	s28 =	simm.s32 $0x2  }
0x4: {  	s29 =	simm.s32 $0x3;
	s30 =	simm.s32 $0x4;
	s31 =	simm.s32 $0x2780  }
0x5: {  	s2 =	sand.u32 $0x1, s2;
	[smem:$0x7FF] =	sst s3;
	s6 =	smul.u32 $0x14000, s18  }
0x6: {  	s4 =	sadd.s32 $0x17C00, s0;
	s16 =	smul.u32 $0x50000, s18;
	s7 =	sadd.s32 $0x3C00, s0  }
0x7: {  	s8 =	sadd.s32 $0xDC00, s0;
	s19 =	smul.u32 $0x2800, s18;
	s13 =	sadd.s32 $0x18400, s0  }
0x8: {  	s26 =	sshll.u32 s18, $0x6;
	s5 =	smul.u32 $0x140000, s2;
	_ =	strace $0x8000004D  }
0x9: {  	s10 =	ssub.s32 $0x2, s2;
	s12 =	smul.u32 $0x28000, s2;
	p0 =	sne.s32 s2, $0x0  }
0xa: {  	s17 =	sshrl.u32 s16, $0x2;
	s11 =	sshrl.u32 s10, $0x1;
	s5 =	sadd.s32 s6, s5  }
0xb: {  	s23 =	sadd.s32 s19, s12;
	s6 =	sadd.s32 s4, s19;
	s19 =	sor.u32 $0x1C05, s26  }
0xc: {  	s26 =	simm.s32 $0x6800;
	s9 =	sshrl.u32 s5, $0x3;
	s5 =	sadd.s32 s17, s1  }
0xd: {  	s17 =	ssub.s32 s10, s11;
	[dreg:$0x7] =	wrdreg s6;
	s25 =	sshrl.u32 s23, $0x3  }
0xe: {  	s23 =	simm.s32 $0x2800;
	s16 =	sadd.s32 s9, s0;
	s20 =	sadd.s32 $0x4000, s5  }
0xf: {  	s21 =	sadd.s32 $0x8000, s5;
	s22 =	sadd.s32 $0xC000, s5;
	[dreg:$0x3] =	wrdreg s20  }
0x10: {  	s24 =	sadd.s32 $0x10000, s5;
	s11 =	sadd.s32 s7, s25;
	[dreg:$0x4] =	wrdreg s21  }
0x11: {  	s12 =	sadd.s32 s8, s25;
	s6 =	sadd.s32 $0x280, s25;
	[dreg:$0x5] =	wrdreg s22  }
0x12: {  	s17 =	smax.u32 s17, $0x1;
	s25 =	simm.s32 $0x80;
	[dreg:$0x6] =	wrdreg s24  }
0x13: {  	s14 =	sadd.s32 s7, s6;
	s15 =	sadd.s32 s8, s6;
	s16 =	sadd.s32 $0x3FC00, s16  }
0x14: {  	s8 =	sadd.s32 $0x19400, s0;
	s20 =	sshrl.u32 s5, $0x3;
	s21 =	simm.s32 $0x5  }
0x15: {  	v0 =	vimm.f32 $0.0e+00;
	s22 =	simm.s32 $0x1400;
	s24 =	simm.s32 $0x1;
	s0 =	simm.s32 $0x0  }
.LBB2_1:
.Ltmp0:
0x16: {  	(pc) =	sbr.rel @p0 .LBB2_3-.Ltmp0, $1  }
0x17: {  	_ =	sdelay $0x3  }
.Ltmp1:
0x18: {  	s2 =	rddreg [dreg:$0x7];
	(pc) =	sbr.rel .LBB2_6-.Ltmp1, $4  }
0x19: {  	[spmem:s20], [sflag:s19] =	dma.local [hbm:s2], $0x2800  }
0x1a: {  	_ =	swait.ge [sflag:s21], $0x2800  }
0x1b: {  	[sflag:s21] =	ssyncset.done $0x0  }
0x1c: {  	[sflag:s21] =	ssyncadd.s32 $0xFFFFD800  }
.LBB2_3:
0x1d: {  	s2 =	sshra.s32 s3, $0x2;
	s6 =	sadd.s32 $0x200, s3  }
.LBB2_4:
0x1e: {  	p1 =	sne.s32 s6, $0xFE00;
	[tilespmem:s2+$0x2870] =	vst v0  }
0x1f: {  	[tilespmem:s2+$0x2800] =	vst v0  }
0x20: {  	[tilespmem:s2+$0x2810] =	vst v0  }
.Ltmp2:
0x21: {  	[tilespmem:s2+$0x2820] =	vst v0;
	(pc) =	sbr.rel @p1 .LBB2_4-.Ltmp2, $4  }
0x22: {  	[tilespmem:s2+$0x2830] =	vst v0  }
0x23: {  	[tilespmem:s2+$0x2840] =	vst v0  }
0x24: {  	[tilespmem:s2+$0x2850] =	vst v0  }
0x25: {  	[tilespmem:s2+$0x2860] =	vst v0;
	s2 =	sshra.s32 s6, $0x2;
	s6 =	sadd.s32 $0x200, s6  }
0x26: {  	[tilespmem:s2+$0x2870] =	vst v0  }
0x27: {  	[tilespmem:s2+$0x2800] =	vst v0  }
0x28: {  	[tilespmem:s2+$0x2810] =	vst v0  }
0x29: {  	[tilespmem:s2+$0x2820] =	vst v0  }
0x2a: {  	[tilespmem:s2+$0x2830] =	vst v0  }
0x2b: {  	[tilespmem:s2+$0x2840] =	vst v0  }
0x2c: {  	[tilespmem:s2+$0x2850] =	vst v0  }
0x2d: {  	[tilespmem:s2+$0x2860] =	vst v0  }
0x2e: {  	[spmem:s5] =	stream.linear.scatter [tilespmem:s23], [sflag:$0x5], $0x4000, $0x38;
	[tilespmem:$0x1E800] =	vst v63  }
0x2f: {  	_ =	swait.ge [sflag:s21], $0x4000  }
0x30: {  	[sflag:s21] =	ssyncset.done $0x0  }
0x31: {  	s7 =	rddreg [dreg:$0x3];
	[sflag:s21] =	ssyncadd.s32 $0xFFFFC000  }
0x32: {  	[spmem:s7] =	stream.linear.scatter [tilespmem:s23], [sflag:$0x5], $0x4000, $0x38;
	[tilespmem:$0x1E800] =	vst v63  }
0x33: {  	_ =	swait.ge [sflag:s21], $0x4000  }
0x34: {  	[sflag:s21] =	ssyncset.done $0x0  }
0x35: {  	s9 =	rddreg [dreg:$0x4];
	[sflag:s21] =	ssyncadd.s32 $0xFFFFC000  }
0x36: {  	[spmem:s9] =	stream.linear.scatter [tilespmem:s23], [sflag:$0x5], $0x4000, $0x38;
	[tilespmem:$0x1E800] =	vst v63  }
0x37: {  	_ =	swait.ge [sflag:s21], $0x4000  }
0x38: {  	[sflag:s21] =	ssyncset.done $0x0  }
0x39: {  	s10 =	rddreg [dreg:$0x5];
	[sflag:s21] =	ssyncadd.s32 $0xFFFFC000  }
0x3a: {  	[spmem:s10] =	stream.linear.scatter [tilespmem:s23], [sflag:$0x5], $0x4000, $0x38;
	[tilespmem:$0x1E800] =	vst v63  }
0x3b: {  	_ =	swait.ge [sflag:s21], $0x4000  }
0x3c: {  	[sflag:s21] =	ssyncset.done $0x0  }
0x3d: {  	s18 =	rddreg [dreg:$0x6];
	[sflag:s21] =	ssyncadd.s32 $0xFFFFC000  }
0x3e: {  	[spmem:s18] =	stream.linear.scatter [tilespmem:s23], [sflag:$0x5], $0x4000, $0x38;
	[tilespmem:$0x1E800] =	vst v63  }
0x3f: {  	_ =	swait.ge [sflag:s21], $0x4000  }
0x40: {  	[sflag:s21] =	ssyncset.done $0x0  }
0x41: {  	[sflag:s21] =	ssyncadd.s32 $0xFFFFC000  }
.LBB2_6:
0x42: {  	[bflag:$0x0] =	sbarrier.arrive $0xFFFF  }
0x43: {  	[tilespmem:s3], [sflag:$0x5] =	stream.linear.gather [hbm4b:s11+s3], $0x1400, $0x38;
	[tilespmem:$0x1E800] =	vst v63  }
0x44: {  	_ =	swait.ge [sflag:s21], $0x1400  }
0x45: {  	[sflag:s21] =	ssyncset.done $0x0  }
0x46: {  	[sflag:s21] =	ssyncadd.s32 $0xFFFFEC00  }
0x47: {  	[tilespmem:s22], [sflag:$0x5] =	stream.linear.gather [hbm4b:s12+s3], $0x1400, $0x38;
	[tilespmem:$0x1E800] =	vst v63  }
0x48: {  	_ =	swait.ge [sflag:s21], $0x1400  }
0x49: {  	[sflag:s21] =	ssyncset.done $0x0  }
0x4a: {  	[sflag:s21] =	ssyncadd.s32 $0xFFFFEC00  }
0x4b: {  	[tilespmem:s23], [sflag:$0x1] =	stream.linear.gather [hbm4b:s4+s3], $0x4000, $0x38;
	[tilespmem:$0x1E800] =	vst v63  }
0x4c: {  	_ =	swait.ge [sflag:s24], $0x4000  }
0x4d: {  	[sflag:s24] =	ssyncset.done $0x0  }
0x4e: {  	[sflag:s24] =	ssyncadd.s32 $0xFFFFC000  }
0x4f: {  	[spmem:s1] =	stream.indirect.scatter.add.f32 [tilespmem:s23], [sflag:$0x3], $0x80, s22, s25, $0xb8;
	[tilespmem:$0x1E800] =	vst v63  }
0x50: {  	_ = 	snop  }
0x51: {  	[tilespmem:s26], [sflag:$0x2] =	stream.linear.gather [hbm4b:s13+s3], $0x4000, $0x38;
	[tilespmem:$0x1E800] =	vst v63  }
0x52: {  	_ =	swait.ge [sflag:s28], $0x4000  }
0x53: {  	[sflag:s28] =	ssyncset.done $0x0  }
0x54: {  	s2 =	simm.s32 $0x1480;
	[sflag:s28] =	ssyncadd.s32 $0xFFFFC000  }
0x55: {  	[spmem:s1] =	stream.indirect.scatter.add.f32 [tilespmem:s26], [sflag:$0x4], $0x80, s2, s25, $0xb8;
	[tilespmem:$0x1E800] =	vst v63  }
0x56: {  	_ =	swait.ge [sflag:s29], $0x4000  }
0x57: {  	[sflag:s29] =	ssyncset.done $0x0  }
0x58: {  	s2 =	sadd.s32 $0xFFFFF800, s8;
	[sflag:s29] =	ssyncadd.s32 $0xFFFFC000  }
0x59: {  	[tilespmem:s23], [sflag:$0x1] =	stream.linear.gather [hbm4b:s2+s3], $0x4000, $0x38;
	[tilespmem:$0x1E800] =	vst v63  }
0x5a: {  	_ =	swait.ge [sflag:s24], $0x4000  }
0x5b: {  	[sflag:s24] =	ssyncset.done $0x0  }
0x5c: {  	s6 =	simm.s32 $0x1500;
	[sflag:s24] =	ssyncadd.s32 $0xFFFFC000  }
0x5d: {  	[spmem:s1] =	stream.indirect.scatter.add.f32 [tilespmem:s23], [sflag:$0x3], $0x80, s6, s25, $0xb8;
	[tilespmem:$0x1E800] =	vst v63  }
0x5e: {  	_ =	swait.ge [sflag:s30], $0x4000  }
0x5f: {  	s7 =	sadd.s32 $0x1000, s8;
	[sflag:s30] =	ssyncset.done $0x0  }
0x60: {  	s18 =	smov.u32 s8;
	s6 =	simm.s32 $0xFFFFB800;
	[sflag:s30] =	ssyncadd.s32 $0xFFFFC000  }
.LBB2_7:
0x61: {  	[tilespmem:s26], [sflag:$0x2] =	stream.linear.gather [hbm4b:s18+s3], $0x4000, $0x38;
	[tilespmem:$0x1E800] =	vst v63  }
0x62: {  	s9 =	smov.u32 s6;
	s18 =	smov.u32 s7  }
0x63: {  	p1 =	sne.s32 s6, $0xFFFFFC00;
	s6 =	sadd.s32 $0x400, s6;
	_ =	swait.ge [sflag:s28], $0x4000  }
0x64: {  	s9 =	sshra.s32 s9, $0x2;
	[sflag:s28] =	ssyncset.done $0x0  }
0x65: {  	s10 =	sadd.s32 $0x2780, s9;
	[sflag:s28] =	ssyncadd.s32 $0xFFFFC000  }
0x66: {  	[spmem:s1] =	stream.indirect.scatter.add.f32 [tilespmem:s26], [sflag:$0x4], $0x80, s10, s25, $0xb8;
	[tilespmem:$0x1E800] =	vst v63  }
0x67: {  	_ =	swait.ge [sflag:s29], $0x4000  }
0x68: {  	[sflag:s29] =	ssyncset.done $0x0  }
0x69: {  	s10 =	sadd.s32 $0xFFFFF800, s7;
	[sflag:s29] =	ssyncadd.s32 $0xFFFFC000  }
0x6a: {  	[tilespmem:s23], [sflag:$0x1] =	stream.linear.gather [hbm4b:s10+s3], $0x4000, $0x38;
	[tilespmem:$0x1E800] =	vst v63  }
0x6b: {  	_ =	swait.ge [sflag:s24], $0x4000  }
0x6c: {  	[sflag:s24] =	ssyncset.done $0x0  }
.Ltmp3:
0x6d: {  	s9 =	sadd.s32 $0x2800, s9;
	[sflag:s24] =	ssyncadd.s32 $0xFFFFC000;
	(pc) =	sbr.rel @p1 .LBB2_7-.Ltmp3, $4  }
0x6e: {  	[spmem:s1] =	stream.indirect.scatter.add.f32 [tilespmem:s23], [sflag:$0x3], $0x80, s9, s25, $0xb8;
	[tilespmem:$0x1E800] =	vst v63  }
0x6f: {  	_ =	swait.ge [sflag:s30], $0x4000  }
0x70: {  	[sflag:s30] =	ssyncset.done $0x0  }
0x71: {  	s7 =	sadd.s32 $0x1000, s7;
	[sflag:s30] =	ssyncadd.s32 $0xFFFFC000  }
0x72: {  	[tilespmem:s26], [sflag:$0x2] =	stream.linear.gather [hbm4b:s18+s3], $0x4000, $0x38;
	[tilespmem:$0x1E800] =	vst v63  }
0x73: {  	_ =	swait.ge [sflag:s28], $0x4000  }
0x74: {  	[sflag:s28] =	ssyncset.done $0x0  }
0x75: {  	[sflag:s28] =	ssyncadd.s32 $0xFFFFC000  }
0x76: {  	[spmem:s1] =	stream.indirect.scatter.add.f32 [tilespmem:s26], [sflag:$0x4], $0x80, s31, s25, $0xb8;
	[tilespmem:$0x1E800] =	vst v63  }
0x77: {  	_ =	swait.ge [sflag:s29], $0x4000  }
0x78: {  	[sflag:s29] =	ssyncset.done $0x0  }
0x79: {  	[sflag:s29] =	ssyncadd.s32 $0xFFFFC000  }
0x7a: {  	_ =	swait.ge [sflag:s30], $0x4000  }
0x7b: {  	[sflag:s30] =	ssyncset.done $0x0  }
0x7c: {  	[sflag:s30] =	ssyncadd.s32 $0xFFFFC000  }
0x7d: {  	[tilespmem:s3], [sflag:$0x5] =	stream.linear.gather [hbm4b:s14+s3], $0x1400, $0x38;
	[tilespmem:$0x1E800] =	vst v63  }
0x7e: {  	_ =	swait.ge [sflag:s21], $0x1400  }
0x7f: {  	[sflag:s21] =	ssyncset.done $0x0  }
0x80: {  	[sflag:s21] =	ssyncadd.s32 $0xFFFFEC00  }
0x81: {  	[tilespmem:s22], [sflag:$0x5] =	stream.linear.gather [hbm4b:s15+s3], $0x1400, $0x38;
	[tilespmem:$0x1E800] =	vst v63  }
0x82: {  	_ =	swait.ge [sflag:s21], $0x1400  }
0x83: {  	[sflag:s21] =	ssyncset.done $0x0  }
0x84: {  	[sflag:s21] =	ssyncadd.s32 $0xFFFFEC00  }
0x85: {  	[tilespmem:s23], [sflag:$0x1] =	stream.linear.gather [hbm4b:s4+s3], $0x4000, $0x38;
	[tilespmem:$0x1E800] =	vst v63  }
0x86: {  	_ =	swait.ge [sflag:s24], $0x4000  }
0x87: {  	[sflag:s24] =	ssyncset.done $0x0  }
0x88: {  	[sflag:s24] =	ssyncadd.s32 $0xFFFFC000  }
0x89: {  	[spmem:s1] =	stream.indirect.scatter.add.f32 [tilespmem:s23], [sflag:$0x3], $0x80, s22, s25, $0xb8;
	[tilespmem:$0x1E800] =	vst v63  }
0x8a: {  	_ = 	snop  }
0x8b: {  	[tilespmem:s26], [sflag:$0x2] =	stream.linear.gather [hbm4b:s13+s3], $0x4000, $0x38;
	[tilespmem:$0x1E800] =	vst v63  }
0x8c: {  	_ =	swait.ge [sflag:s28], $0x4000  }
0x8d: {  	[sflag:s28] =	ssyncset.done $0x0  }
0x8e: {  	s6 =	simm.s32 $0x1480;
	[sflag:s28] =	ssyncadd.s32 $0xFFFFC000  }
0x8f: {  	[spmem:s1] =	stream.indirect.scatter.add.f32 [tilespmem:s26], [sflag:$0x4], $0x80, s6, s25, $0xb8;
	[tilespmem:$0x1E800] =	vst v63  }
0x90: {  	_ =	swait.ge [sflag:s29], $0x4000  }
0x91: {  	[sflag:s29] =	ssyncset.done $0x0  }
0x92: {  	[sflag:s29] =	ssyncadd.s32 $0xFFFFC000  }
0x93: {  	[tilespmem:s23], [sflag:$0x1] =	stream.linear.gather [hbm4b:s2+s3], $0x4000, $0x38;
	[tilespmem:$0x1E800] =	vst v63  }
0x94: {  	_ =	swait.ge [sflag:s24], $0x4000  }
0x95: {  	[sflag:s24] =	ssyncset.done $0x0  }
0x96: {  	s18 =	simm.s32 $0x1500;
	[sflag:s24] =	ssyncadd.s32 $0xFFFFC000  }
0x97: {  	[spmem:s1] =	stream.indirect.scatter.add.f32 [tilespmem:s23], [sflag:$0x3], $0x80, s18, s25, $0xb8;
	[tilespmem:$0x1E800] =	vst v63  }
0x98: {  	_ =	swait.ge [sflag:s30], $0x4000  }
0x99: {  	s7 =	smov.u32 s8;
	[sflag:s30] =	ssyncset.done $0x0  }
0x9a: {  	s6 =	sadd.s32 $0x1000, s8;
	s2 =	simm.s32 $0xFFFFB800;
	[sflag:s30] =	ssyncadd.s32 $0xFFFFC000  }
.LBB2_9:
0x9b: {  	[tilespmem:s26], [sflag:$0x2] =	stream.linear.gather [hbm4b:s7+s3], $0x4000, $0x38;
	[tilespmem:$0x1E800] =	vst v63  }
0x9c: {  	s9 =	smov.u32 s2;
	s7 =	smov.u32 s6  }
0x9d: {  	p1 =	sne.s32 s2, $0xFFFFFC00;
	s2 =	sadd.s32 $0x400, s2;
	_ =	swait.ge [sflag:s28], $0x4000  }
0x9e: {  	s9 =	sshra.s32 s9, $0x2;
	[sflag:s28] =	ssyncset.done $0x0  }
0x9f: {  	s10 =	sadd.s32 $0x2780, s9;
	[sflag:s28] =	ssyncadd.s32 $0xFFFFC000  }
0xa0: {  	[spmem:s1] =	stream.indirect.scatter.add.f32 [tilespmem:s26], [sflag:$0x4], $0x80, s10, s25, $0xb8;
	[tilespmem:$0x1E800] =	vst v63  }
0xa1: {  	_ =	swait.ge [sflag:s29], $0x4000  }
0xa2: {  	[sflag:s29] =	ssyncset.done $0x0  }
0xa3: {  	s10 =	sadd.s32 $0xFFFFF800, s6;
	[sflag:s29] =	ssyncadd.s32 $0xFFFFC000  }
0xa4: {  	[tilespmem:s23], [sflag:$0x1] =	stream.linear.gather [hbm4b:s10+s3], $0x4000, $0x38;
	[tilespmem:$0x1E800] =	vst v63  }
0xa5: {  	_ =	swait.ge [sflag:s24], $0x4000  }
0xa6: {  	[sflag:s24] =	ssyncset.done $0x0  }
.Ltmp4:
0xa7: {  	s9 =	sadd.s32 $0x2800, s9;
	[sflag:s24] =	ssyncadd.s32 $0xFFFFC000;
	(pc) =	sbr.rel @p1 .LBB2_9-.Ltmp4, $4  }
0xa8: {  	[spmem:s1] =	stream.indirect.scatter.add.f32 [tilespmem:s23], [sflag:$0x3], $0x80, s9, s25, $0xb8;
	[tilespmem:$0x1E800] =	vst v63  }
0xa9: {  	_ =	swait.ge [sflag:s30], $0x4000  }
0xaa: {  	[sflag:s30] =	ssyncset.done $0x0  }
0xab: {  	s6 =	sadd.s32 $0x1000, s6;
	[sflag:s30] =	ssyncadd.s32 $0xFFFFC000  }
0xac: {  	[tilespmem:s26], [sflag:$0x2] =	stream.linear.gather [hbm4b:s7+s3], $0x4000, $0x38;
	[tilespmem:$0x1E800] =	vst v63  }
0xad: {  	_ =	swait.ge [sflag:s28], $0x4000  }
0xae: {  	[sflag:s28] =	ssyncset.done $0x0  }
0xaf: {  	[sflag:s28] =	ssyncadd.s32 $0xFFFFC000  }
0xb0: {  	[spmem:s1] =	stream.indirect.scatter.add.f32 [tilespmem:s26], [sflag:$0x4], $0x80, s31, s25, $0xb8;
	[tilespmem:$0x1E800] =	vst v63  }
0xb1: {  	_ =	swait.ge [sflag:s29], $0x4000  }
0xb2: {  	[sflag:s29] =	ssyncset.done $0x0  }
0xb3: {  	[sflag:s29] =	ssyncadd.s32 $0xFFFFC000  }
0xb4: {  	_ =	swait.ge [sflag:s30], $0x4000  }
0xb5: {  	s0 =	sadd.s32 $0x1, s0;
	[sflag:s30] =	ssyncset.done $0x0  }
0xb6: {  	p1 =	sne.s32 s0, s17;
	[sflag:s30] =	ssyncadd.s32 $0xFFFFC000  }
.Ltmp5:
0xb7: {  	[bflag:$0x0] =	sbarrier.arrive $0xFFFF;
	(pc) =	sbr.rel @p1 .LBB2_1-.Ltmp5, $4  }
0xb8: {  	[hbm:s16], [sflag:s19] =	dma.local [spmem:s20], $0x2800  }
0xb9: {  	_ =	swait.ge [sflag:s21], $0x2800  }
0xba: {  	[sflag:s21] =	ssyncset.done $0x0  }
0xbb: {  	[sflag:s21] =	ssyncadd.s32 $0xFFFFD800  }
0xbc: {  	_ =	sfence.sel $0x180000  }
0xbd: {  	[bflag:$0x0] =	sbarrier.arrive $0xFFFF  }
0xbe: {  	_ =	strace $0x9000004D  }
0xbf: {  	s0 =	stileid.u32;
	[bflag:$0x2] =	sbarrier.arrive $0xFFFF  }
0xc0: {  	p0 =	sne.s32 s0, $0x0;
	s0 =	rddreg [dreg:$0x2]  }
0xc1: {  	s0 =	sadd.s32 @!p0 $0x100000, s0  }
0xc2: {  	[sflag:s0] =	ssyncadd.tile.s32 @!p0 $0x1;
	_ =	shalt  }
.Lfunc_end2:
_tile_overlayer_lowered:
.L_overlay_start_2:
0xc3: {  	(tag) =	ssettag $0x2  }
0xc4: {  	s0 =	rddreg [dreg:$0x0];
	s2 =	stileid.u32  }
0xc5: {  	s1 =	rddreg [dreg:$0x1];
	p0 =	sne.s32 s2, $0x0  }
0xc6: {  	s3 =	rddreg [dreg:$0x2];
	[bflag:$0x3] =	sbarrier.arrive $0xFFFF;
	s2 =	simm.s32 @!p0 $0x1C05  }
0xc7: {  	[timem:s3], [sflag:s2] =	dma.local @!p0 [hbm:s0], s1  }
0xc8: {  	s0 =	simm.s32 @!p0 $0x5  }
0xc9: {  	_ =	swait.ge @!p0 [sflag:s0], s1  }
0xca: {  	s1 =	ssub.s32 @!p0 $0x0, s1;
	[sflag:s0] =	ssyncset.done @!p0 $0x0  }
0xcb: {  	[sflag:s0] =	ssyncadd.s32 @!p0 s1  }
0xcc: {  	[bflag:$0x3] =	sbarrier.arrive $0xFFFF  }
0xcd: {  	_ =	shalt  }

// kernel: kernel.21.cloned.1.call-start
scs
__scs_entry_jumppad:
0x0: {  	(pc) =	sbr.rel $0x88, $3  }
0x1: {  	(tag) =	ssettag $0x0;
	lr =	simm.s32 $0x1  }
0x2: {  	[smem:$0x3F97] =	sst lr;
	_ =	strace $0xD0000000  }
0x3: {  	_ = 	snop  }
0x4: {  	_ = 	snop  }
0x5: {  	_ = 	snop  }
0x6: {  	_ = 	snop  }
0x7: {  	_ = 	snop  }
__scs_overlays_trampoline_lowered:
0x8: {  	[smem:$0x3FA6] =	sst s0  }
0x9: {  	[smem:$0x3FA7] =	sst s1  }
0xa: {  	[smem:$0x3FA8] =	sst s2  }
0xb: {  	[smem:$0x3FA9] =	sst s3  }
0xc: {  	[smem:$0x3FAA] =	sst s4  }
0xd: {  	[smem:$0x3FAB] =	sst s5  }
0xe: {  	[smem:$0x3FAC] =	sst s6  }
0xf: {  	[smem:$0x3FAD] =	sst s7  }
0x10: {  	[smem:$0x3FAE] =	sst s8  }
0x11: {  	[smem:$0x3FAF] =	sst s9;
	s0 =	simm.s32 @!p0 $0x0  }
0x12: {  	s1 =	sld [smem:$0x3F95];
	s0 =	simm.s32 @p0 $0x1  }
0x13: {  	[smem:$0x3FB0] =	sst s0;
	s0 =	simm.s32 @!p1 $0x0  }
0x14: {  	s2 =	sld [smem:$0x3F94];
	s0 =	simm.s32 @p1 $0x1  }
0x15: {  	[smem:$0x3FB1] =	sst s0;
	s0 =	simm.s32 @!p2 $0x0  }
0x16: {  	s3 =	sld [smem:$0x3FDB];
	s0 =	simm.s32 @p2 $0x1  }
0x17: {  	s4 =	simm.s32 $0x1BF5;
	[smem:$0x3FB3] =	sst s0  }
0x18: {  	s0 =	sld [smem:$0x3F96];
	_ =	swait.ge [sflag:s4], $0x0  }
0x19: {  	s7 =	sld [smem:$0x3F97]  }
0x1a: {  	s8 =	sadd.s32 $0xFFFFE003, lr  }
0x1b: {  	s9 =	sadd.s32 $0xFFFFFEF7, lr;
	s5 =	simm.s32 $0xFFFFFFFF;
	p2 =	slt.u32 s8, $0xFFFFF086  }
0x1c: {  	p1 =	slt.u32 s9, $0xF7A;
	s5 =	simm.s32 @!p2 $0x0  }
0x1d: {  	s5 =	simm.s32 @p1 $0x1;
	p0 =	seq.s32 s7, s2  }
0x1e: {  	s7 =	smul.u32 @!p0 $0xF7A, s2;
	p2 =	seq.s32 @!p0 s5, $0x0  }
0x1f: {  	s9 =	smul.u32 $0xF7A, s1;
	s8 =	simm.s32 @!p0 $0x1BF5;
	p2 =	por !p2, p0  }
0x20: {  	[sflag:s8] =	ssyncset.s32 @!p0 $0xFFFFF086;
	s6 =	sadd.s32 @!p0 s3, s7;
	s7 =	simm.s32 @!p0 $0x108  }
0x21: {  	s3 =	sadd.s32 s3, s9;
	s6 =	sadd.s32 @!p0 $0x88, s6;
	s7 =	simm.s32 @p2 $0x1082  }
0x22: {  	[simem:s7], [sflag:s8] =	dma.local @!p0 [hbm:s6], $0xF7A  }
0x23: {  	s9 =	sor.u32 $0xD0000000, s2;
	s6 =	simm.s32 $0x108;
	_ =	swait.ge @!p0 [sflag:s8], $0x0  }
0x24: {  	s3 =	sadd.s32 $0x88, s3;
	s6 =	simm.s32 @!p1 $0x1082;
	[sflag:s4] =	ssyncset.s32 $0xFFFFF086  }
0x25: {  	[simem:s6], [sflag:s4] =	dma.local [hbm:s3], $0xF7A  }
0x26: {  	[smem:$0x3F97] =	sst s1;
	(tag) =	ssettag s2;
	_ =	strace s9  }
0x27: {  	s1 =	sld [smem:$0x3FA7]  }
0x28: {  	s2 =	sld [smem:$0x3FA8]  }
0x29: {  	s4 =	sld [smem:$0x3FAA]  }
0x2a: {  	p0 =	seq.s32 s5, $0x0;
	s5 =	sld [smem:$0x3FAB]  }
0x2b: {  	s6 =	sld [smem:$0x3FAC]  }
0x2c: {  	s7 =	sld [smem:$0x3FAD]  }
0x2d: {  	s3 =	simm.s32 $0x108;
	s8 =	sld [smem:$0x3FAE]  }
0x2e: {  	s3 =	simm.s32 @!p0 $0x1082;
	s9 =	sld [smem:$0x3FAF]  }
0x2f: {  	lr =	sadd.s32 s0, s3;
	s0 =	sld [smem:$0x3FA6]  }
0x30: {  	s3 =	sld [smem:$0x3FA9]  }
0x31: {  	[smem:$0x3FB2] =	sst s10  }
0x32: {  	s10 =	sld [smem:$0x3FB0];
	_ =	sdelay $0x3  }
0x33: {  	p0 =	seq.s32 s10, $0x1;
	s10 =	sld [smem:$0x3FB2];
	_ =	sdelay $0x3  }
0x34: {  	[smem:$0x3FB2] =	sst s10  }
0x35: {  	s10 =	sld [smem:$0x3FB1];
	_ =	sdelay $0x3  }
0x36: {  	p1 =	seq.s32 s10, $0x1;
	s10 =	sld [smem:$0x3FB2];
	_ =	sdelay $0x3  }
0x37: {  	[smem:$0x3FB2] =	sst s10  }
0x38: {  	s10 =	sld [smem:$0x3FB3]  }
0x39: {  	_ = 	snop;
	(pc) =	sbr.ind lr, $3  }
0x3a: {  	_ = 	snop  }
0x3b: {  	_ = 	snop  }
0x3c: {  	p2 =	seq.s32 s10, $0x1;
	s10 =	sld [smem:$0x3FB2]  }
0x3d: {  	_ =	shalt  }
0x3e: {  	_ =	shalt  }
0x3f: {  	_ =	shalt  }
0x40: {  	_ =	shalt  }
0x41: {  	_ =	shalt  }
0x42: {  	_ =	shalt  }
0x43: {  	_ =	shalt  }
0x44: {  	_ =	shalt  }
0x45: {  	_ =	shalt  }
0x46: {  	_ =	shalt  }
0x47: {  	_ =	shalt  }
0x48: {  	_ =	shalt  }
0x49: {  	_ =	shalt  }
0x4a: {  	_ =	shalt  }
0x4b: {  	_ =	shalt  }
0x4c: {  	_ =	shalt  }
0x4d: {  	_ =	shalt  }
0x4e: {  	_ =	shalt  }
0x4f: {  	_ =	shalt  }
0x50: {  	_ =	shalt  }
0x51: {  	_ =	shalt  }
0x52: {  	_ =	shalt  }
0x53: {  	_ =	shalt  }
0x54: {  	_ =	shalt  }
0x55: {  	_ =	shalt  }
0x56: {  	_ =	shalt  }
0x57: {  	_ =	shalt  }
0x58: {  	_ =	shalt  }
0x59: {  	_ =	shalt  }
0x5a: {  	_ =	shalt  }
0x5b: {  	_ =	shalt  }
0x5c: {  	_ =	shalt  }
0x5d: {  	_ =	shalt  }
0x5e: {  	_ =	shalt  }
0x5f: {  	_ =	shalt  }
0x60: {  	_ =	shalt  }
0x61: {  	_ =	shalt  }
0x62: {  	_ =	shalt  }
0x63: {  	_ =	shalt  }
0x64: {  	_ =	shalt  }
0x65: {  	_ =	shalt  }
0x66: {  	_ =	shalt  }
0x67: {  	_ =	shalt  }
0x68: {  	_ =	shalt  }
0x69: {  	_ =	shalt  }
0x6a: {  	_ =	shalt  }
0x6b: {  	_ =	shalt  }
0x6c: {  	_ =	shalt  }
0x6d: {  	_ =	shalt  }
0x6e: {  	_ =	shalt  }
0x6f: {  	_ =	shalt  }
0x70: {  	_ =	shalt  }
0x71: {  	_ =	shalt  }
0x72: {  	_ =	shalt  }
0x73: {  	_ =	shalt  }
0x74: {  	_ =	shalt  }
0x75: {  	_ =	shalt  }
0x76: {  	_ =	shalt  }
0x77: {  	_ =	shalt  }
0x78: {  	_ =	shalt  }
0x79: {  	_ =	shalt  }
0x7a: {  	_ =	shalt  }
0x7b: {  	_ =	shalt  }
0x7c: {  	_ =	shalt  }
0x7d: {  	_ =	shalt  }
0x7e: {  	_ =	shalt  }
0x7f: {  	_ =	shalt  }
0x80: {  	_ =	shalt  }
0x81: {  	_ =	shalt  }
0x82: {  	_ =	shalt  }
0x83: {  	_ =	shalt  }
0x84: {  	_ =	shalt  }
0x85: {  	_ =	shalt  }
0x86: {  	_ =	shalt  }
0x87: {  	_ =	shalt  }
.Lfunc_end0:
.L_simem_size_0:
called_computation.3_lowered:
.L_overlay_start_0:
0x88: {  	s2 =	sld [smem:$0x3FD9]  }
0x89: {  	s3 =	sld [smem:$0x3FFE];
	_ =	sdelay $0x1  }
0x8a: {  	s1 =	srdreg.scid  }
0x8b: {  	s0 =	sand.u32 $0x1, s1  }
0x8c: {  	s16 =	sshll.u32 s0, $0xA;
	s2 =	sadd.s32 s3, s2  }
0x8d: {  	s2 =	sadd.s32 s2, s16  }
0x8e: {  	[smem:$0x3FBE] =	sst s2  }
0x8f: {  	_ = 	snop  }
0x90: {  	(tm) =	ssettm $0x1  }
0x91: {  	s17 =	sld [smem:$0x3FFB];
	_ =	sdelay $0x3  }
0x92: {  	_ =	strace s17  }
0x93: {  	s2 =	sld [smem:$0x3FFC];
	_ =	sdelay $0x3  }
0x94: {  	_ =	strace s2  }
0x95: {  	s2 =	sld [smem:$0x3FFD];
	_ =	sdelay $0x3  }
0x96: {  	_ =	strace s2  }
0x97: {  	_ =	strace $0x8FFFFFFF  }
0x98: {  	s18 =	sld [smem:$0x3FDB];
	_ =	sdelay $0x1  }
0x99: {  	s19 =	simm.s32 $_scs_section_size  }
0x9a: {  	s4 =	simm.s32 $_size__tile_overlayer_lowered;
	s5 =	simm.s32 $_tile_overlayer_lowered  }
0x9b: {  	s22 =	simm.s32 $0x1BFF;
	s21 =	sshll.u32 s5, $0x1;
	s2 =	sadd.s32 s19, s18  }
0x9c: {  	s6 =	simm.s32 $0x0;
	s20 =	sshll.u32 s4, $0x1;
	s4 =	sadd.s32 s21, s2  }
0x9d: {  	[timem:s6], [sflag:s22] =	dma.local [hbm:s4], s20  }
0x9e: {  	_ =	swait.ge [sflag:s22], s20  }
0x9f: {  	s3 =	ssub.s32 $0x0, s20;
	[sflag:s22] =	ssyncset.done $0x0  }
0xa0: {  	[sflag:s22] =	ssyncadd.s32 s3;
	_ =	sdelay $0x1  }
0xa1: {  	s23 =	simm.s32 $0x1B8B  }
0xa2: {  	_ =	swait.ge [sflag:s23], $0x1  }
0xa3: {  	[sflag:s23] =	ssyncset.done $0x0  }
0xa4: {  	s25 =	simm.s32 $0x1B8E;
	s24 =	sld [smem:$0x3FFE];
	[sflag:s23] =	ssyncadd.s32 $0xFFFFFFFF  }
0xa5: {  	s26 =	simm.s32 $execute0_lowered;
	[smem:$0x3FD2] =	sst s25  }
0xa6: {  	s4 =	sshll.u32 s26, $0x1;
	_ =	strace $0x8000004F;
	[dreg:$0x1] =	wrdreg $0xFFFFFFFF  }
0xa7: {  	s28 =	simm.s32 $_size_execute0_lowered;
	s2 =	sadd.s32 s2, s4;
	[dreg:$0x0] =	wrdreg $0x0  }
0xa8: {  	s4 =	sshll.u32 s28, $0x1;
	[dreg:$0x2] =	wrdreg s2  }
0xa9: {  	[dreg:$0x3] =	wrdreg s4  }
0xaa: {  	[dreg:$0x4] =	wrdreg $0xC0  }
0xab: {  	_ =	task [dreg:s6], $0x5FFFF  }
0xac: {  	[dreg:$0x1] =	wrdreg $0xFFFFFFFF  }
0xad: {  	[dreg:$0x0] =	wrdreg $0x60  }
0xae: {  	[dreg:$0x2] =	wrdreg s24  }
0xaf: {  	[dreg:$0x3] =	wrdreg $0xA8000  }
0xb0: {  	[dreg:$0x4] =	wrdreg $0x9  }
0xb1: {  	_ =	task.clear_ibuf [dreg:s6], $0x5FFFF;
	_ =	strace $0x9000004F  }
0xb2: {  	s29 =	simm.s32 $0x9;
	_ =	strace $0x80000051  }
0xb3: {  	_ =	swait.ge [sflag:s29], $0x1  }
0xb4: {  	[sflag:s29] =	ssyncadd.s32 $0xFFFFFFFF  }
0xb5: {  	_ =	strace $0x90000051  }
0xb6: {  	_ =	sfence  }
0xb7: {  	s30 =	sld [smem:$0x0];
	_ =	sdelay $0x2  }
0xb8: {  	s31 =	sshll.u32 s1, $0xD;
	s1 =	sshrl.u32 s1, $0x2  }
0xb9: {  	s3 =	sand.u32 $0x4000, s31;
	s1 =	sadd.s32 s1, s30  }
0xba: {  	s0 =	sor.u32 s3, s0;
	s1 =	sshll.u32 s1, $0x11  }
0xbb: {  	s0 =	sor.u32 s1, s0  }
0xbc: {  	s0 =	sadd.s32 $0x8F2B, s0  }
0xbd: {  	[sflag:s0] =	ssyncadd.remote.s32 $0x1  }
0xbe: {  	_ =	sfence.sel $0xFFFF  }
0xbf: {  	[dreg:$0x0] =	wrdreg $0xFFFFFFFF;
	(pc) =	sbr.abs _section_cstart, $3  }
0xc0: {  	[dreg:$0x1] =	wrdreg $0xFFFFFFFF  }
0xc1: {  	_ =	task.clear_ibuf [dreg:s6], $0x2FFFF;
	_ =	strace $0x9FFFFFFF  }
0xc2: {  	(tm) =	ssettm $0x7FFFFFFF  }
0xc3: {  	_ =	shalt  }
tec
execute0_lowered:
.L_overlay_start_1:
0x0: {  	(tag) =	ssettag $0x1  }
0x1: {  	s0 =	rddreg [dreg:$0x0]  }
0x2: {  	s1 =	rddreg [dreg:$0x1];
	s2 =	srdreg.scid  }
0x3: {  	s3 =	simm.s32 $0x0;
	s18 =	stileid.u32;
	s28 =	simm.s32 $0x2  }
0x4: {  	s29 =	simm.s32 $0x3;
	s30 =	simm.s32 $0x4;
	s31 =	simm.s32 $0x2780  }
0x5: {  	s2 =	sand.u32 $0x1, s2;
	[smem:$0x7FF] =	sst s3;
	s6 =	smul.u32 $0x14000, s18  }
0x6: {  	s4 =	sadd.s32 $0x17C00, s0;
	s16 =	smul.u32 $0x50000, s18;
	s7 =	sadd.s32 $0x3C00, s0  }
0x7: {  	s8 =	sadd.s32 $0xDC00, s0;
	s19 =	smul.u32 $0x2800, s18;
	s13 =	sadd.s32 $0x18400, s0  }
0x8: {  	s26 =	sshll.u32 s18, $0x6;
	s5 =	smul.u32 $0x140000, s2;
	_ =	strace $0x80000050  }
0x9: {  	s10 =	ssub.s32 $0x2, s2;
	s12 =	smul.u32 $0x28000, s2;
	p0 =	sne.s32 s2, $0x0  }
0xa: {  	s17 =	sshrl.u32 s16, $0x2;
	s11 =	sshrl.u32 s10, $0x1;
	s5 =	sadd.s32 s6, s5  }
0xb: {  	s23 =	sadd.s32 s19, s12;
	s6 =	sadd.s32 s4, s19;
	s19 =	sor.u32 $0x1C05, s26  }
0xc: {  	s26 =	simm.s32 $0x6800;
	s9 =	sshrl.u32 s5, $0x3;
	s5 =	sadd.s32 s17, s1  }
0xd: {  	s17 =	ssub.s32 s10, s11;
	[dreg:$0x7] =	wrdreg s6;
	s25 =	sshrl.u32 s23, $0x3  }
0xe: {  	s23 =	simm.s32 $0x2800;
	s16 =	sadd.s32 s9, s0;
	s20 =	sadd.s32 $0x4000, s5  }
0xf: {  	s21 =	sadd.s32 $0x8000, s5;
	s22 =	sadd.s32 $0xC000, s5;
	[dreg:$0x3] =	wrdreg s20  }
0x10: {  	s24 =	sadd.s32 $0x10000, s5;
	s11 =	sadd.s32 s7, s25;
	[dreg:$0x4] =	wrdreg s21  }
0x11: {  	s12 =	sadd.s32 s8, s25;
	s6 =	sadd.s32 $0x280, s25;
	[dreg:$0x5] =	wrdreg s22  }
0x12: {  	s17 =	smax.u32 s17, $0x1;
	s25 =	simm.s32 $0x80;
	[dreg:$0x6] =	wrdreg s24  }
0x13: {  	s14 =	sadd.s32 s7, s6;
	s15 =	sadd.s32 s8, s6;
	s16 =	sadd.s32 $0x3FC00, s16  }
0x14: {  	s8 =	sadd.s32 $0x19400, s0;
	s20 =	sshrl.u32 s5, $0x3;
	s21 =	simm.s32 $0x5  }
0x15: {  	v0 =	vimm.f32 $0.0e+00;
	s22 =	simm.s32 $0x1400;
	s24 =	simm.s32 $0x1;
	s0 =	simm.s32 $0x0  }
.LBB2_1:
.Ltmp0:
0x16: {  	(pc) =	sbr.rel @p0 .LBB2_3-.Ltmp0, $1  }
0x17: {  	_ =	sdelay $0x3  }
.Ltmp1:
0x18: {  	s2 =	rddreg [dreg:$0x7];
	(pc) =	sbr.rel .LBB2_6-.Ltmp1, $4  }
0x19: {  	[spmem:s20], [sflag:s19] =	dma.local [hbm:s2], $0x2800  }
0x1a: {  	_ =	swait.ge [sflag:s21], $0x2800  }
0x1b: {  	[sflag:s21] =	ssyncset.done $0x0  }
0x1c: {  	[sflag:s21] =	ssyncadd.s32 $0xFFFFD800  }
.LBB2_3:
0x1d: {  	s2 =	sshra.s32 s3, $0x2;
	s6 =	sadd.s32 $0x200, s3  }
.LBB2_4:
0x1e: {  	p1 =	sne.s32 s6, $0xFE00;
	[tilespmem:s2+$0x2870] =	vst v0  }
0x1f: {  	[tilespmem:s2+$0x2800] =	vst v0  }
0x20: {  	[tilespmem:s2+$0x2810] =	vst v0  }
.Ltmp2:
0x21: {  	[tilespmem:s2+$0x2820] =	vst v0;
	(pc) =	sbr.rel @p1 .LBB2_4-.Ltmp2, $4  }
0x22: {  	[tilespmem:s2+$0x2830] =	vst v0  }
0x23: {  	[tilespmem:s2+$0x2840] =	vst v0  }
0x24: {  	[tilespmem:s2+$0x2850] =	vst v0  }
0x25: {  	[tilespmem:s2+$0x2860] =	vst v0;
	s2 =	sshra.s32 s6, $0x2;
	s6 =	sadd.s32 $0x200, s6  }
0x26: {  	[tilespmem:s2+$0x2870] =	vst v0  }
0x27: {  	[tilespmem:s2+$0x2800] =	vst v0  }
0x28: {  	[tilespmem:s2+$0x2810] =	vst v0  }
0x29: {  	[tilespmem:s2+$0x2820] =	vst v0  }
0x2a: {  	[tilespmem:s2+$0x2830] =	vst v0  }
0x2b: {  	[tilespmem:s2+$0x2840] =	vst v0  }
0x2c: {  	[tilespmem:s2+$0x2850] =	vst v0  }
0x2d: {  	[tilespmem:s2+$0x2860] =	vst v0  }
0x2e: {  	[spmem:s5] =	stream.linear.scatter [tilespmem:s23], [sflag:$0x5], $0x4000, $0x38;
	[tilespmem:$0x1E800] =	vst v63  }
0x2f: {  	_ =	swait.ge [sflag:s21], $0x4000  }
0x30: {  	[sflag:s21] =	ssyncset.done $0x0  }
0x31: {  	s7 =	rddreg [dreg:$0x3];
	[sflag:s21] =	ssyncadd.s32 $0xFFFFC000  }
0x32: {  	[spmem:s7] =	stream.linear.scatter [tilespmem:s23], [sflag:$0x5], $0x4000, $0x38;
	[tilespmem:$0x1E800] =	vst v63  }
0x33: {  	_ =	swait.ge [sflag:s21], $0x4000  }
0x34: {  	[sflag:s21] =	ssyncset.done $0x0  }
0x35: {  	s9 =	rddreg [dreg:$0x4];
	[sflag:s21] =	ssyncadd.s32 $0xFFFFC000  }
0x36: {  	[spmem:s9] =	stream.linear.scatter [tilespmem:s23], [sflag:$0x5], $0x4000, $0x38;
	[tilespmem:$0x1E800] =	vst v63  }
0x37: {  	_ =	swait.ge [sflag:s21], $0x4000  }
0x38: {  	[sflag:s21] =	ssyncset.done $0x0  }
0x39: {  	s10 =	rddreg [dreg:$0x5];
	[sflag:s21] =	ssyncadd.s32 $0xFFFFC000  }
0x3a: {  	[spmem:s10] =	stream.linear.scatter [tilespmem:s23], [sflag:$0x5], $0x4000, $0x38;
	[tilespmem:$0x1E800] =	vst v63  }
0x3b: {  	_ =	swait.ge [sflag:s21], $0x4000  }
0x3c: {  	[sflag:s21] =	ssyncset.done $0x0  }
0x3d: {  	s18 =	rddreg [dreg:$0x6];
	[sflag:s21] =	ssyncadd.s32 $0xFFFFC000  }
0x3e: {  	[spmem:s18] =	stream.linear.scatter [tilespmem:s23], [sflag:$0x5], $0x4000, $0x38;
	[tilespmem:$0x1E800] =	vst v63  }
0x3f: {  	_ =	swait.ge [sflag:s21], $0x4000  }
0x40: {  	[sflag:s21] =	ssyncset.done $0x0  }
0x41: {  	[sflag:s21] =	ssyncadd.s32 $0xFFFFC000  }
.LBB2_6:
0x42: {  	[bflag:$0x0] =	sbarrier.arrive $0xFFFF  }
0x43: {  	[tilespmem:s3], [sflag:$0x5] =	stream.linear.gather [hbm4b:s11+s3], $0x1400, $0x38;
	[tilespmem:$0x1E800] =	vst v63  }
0x44: {  	_ =	swait.ge [sflag:s21], $0x1400  }
0x45: {  	[sflag:s21] =	ssyncset.done $0x0  }
0x46: {  	[sflag:s21] =	ssyncadd.s32 $0xFFFFEC00  }
0x47: {  	[tilespmem:s22], [sflag:$0x5] =	stream.linear.gather [hbm4b:s12+s3], $0x1400, $0x38;
	[tilespmem:$0x1E800] =	vst v63  }
0x48: {  	_ =	swait.ge [sflag:s21], $0x1400  }
0x49: {  	[sflag:s21] =	ssyncset.done $0x0  }
0x4a: {  	[sflag:s21] =	ssyncadd.s32 $0xFFFFEC00  }
0x4b: {  	[tilespmem:s23], [sflag:$0x1] =	stream.linear.gather [hbm4b:s4+s3], $0x4000, $0x38;
	[tilespmem:$0x1E800] =	vst v63  }
0x4c: {  	_ =	swait.ge [sflag:s24], $0x4000  }
0x4d: {  	[sflag:s24] =	ssyncset.done $0x0  }
0x4e: {  	[sflag:s24] =	ssyncadd.s32 $0xFFFFC000  }
0x4f: {  	[spmem:s1] =	stream.indirect.scatter.add.f32 [tilespmem:s23], [sflag:$0x3], $0x80, s22, s25, $0xb8;
	[tilespmem:$0x1E800] =	vst v63  }
0x50: {  	_ = 	snop  }
0x51: {  	[tilespmem:s26], [sflag:$0x2] =	stream.linear.gather [hbm4b:s13+s3], $0x4000, $0x38;
	[tilespmem:$0x1E800] =	vst v63  }
0x52: {  	_ =	swait.ge [sflag:s28], $0x4000  }
0x53: {  	[sflag:s28] =	ssyncset.done $0x0  }
0x54: {  	s2 =	simm.s32 $0x1480;
	[sflag:s28] =	ssyncadd.s32 $0xFFFFC000  }
0x55: {  	[spmem:s1] =	stream.indirect.scatter.add.f32 [tilespmem:s26], [sflag:$0x4], $0x80, s2, s25, $0xb8;
	[tilespmem:$0x1E800] =	vst v63  }
0x56: {  	_ =	swait.ge [sflag:s29], $0x4000  }
0x57: {  	[sflag:s29] =	ssyncset.done $0x0  }
0x58: {  	s2 =	sadd.s32 $0xFFFFF800, s8;
	[sflag:s29] =	ssyncadd.s32 $0xFFFFC000  }
0x59: {  	[tilespmem:s23], [sflag:$0x1] =	stream.linear.gather [hbm4b:s2+s3], $0x4000, $0x38;
	[tilespmem:$0x1E800] =	vst v63  }
0x5a: {  	_ =	swait.ge [sflag:s24], $0x4000  }
0x5b: {  	[sflag:s24] =	ssyncset.done $0x0  }
0x5c: {  	s6 =	simm.s32 $0x1500;
	[sflag:s24] =	ssyncadd.s32 $0xFFFFC000  }
0x5d: {  	[spmem:s1] =	stream.indirect.scatter.add.f32 [tilespmem:s23], [sflag:$0x3], $0x80, s6, s25, $0xb8;
	[tilespmem:$0x1E800] =	vst v63  }
0x5e: {  	_ =	swait.ge [sflag:s30], $0x4000  }
0x5f: {  	s7 =	sadd.s32 $0x1000, s8;
	[sflag:s30] =	ssyncset.done $0x0  }
0x60: {  	s18 =	smov.u32 s8;
	s6 =	simm.s32 $0xFFFFB800;
	[sflag:s30] =	ssyncadd.s32 $0xFFFFC000  }
.LBB2_7:
0x61: {  	[tilespmem:s26], [sflag:$0x2] =	stream.linear.gather [hbm4b:s18+s3], $0x4000, $0x38;
	[tilespmem:$0x1E800] =	vst v63  }
0x62: {  	s9 =	smov.u32 s6;
	s18 =	smov.u32 s7  }
0x63: {  	p1 =	sne.s32 s6, $0xFFFFFC00;
	s6 =	sadd.s32 $0x400, s6;
	_ =	swait.ge [sflag:s28], $0x4000  }
0x64: {  	s9 =	sshra.s32 s9, $0x2;
	[sflag:s28] =	ssyncset.done $0x0  }
0x65: {  	s10 =	sadd.s32 $0x2780, s9;
	[sflag:s28] =	ssyncadd.s32 $0xFFFFC000  }
0x66: {  	[spmem:s1] =	stream.indirect.scatter.add.f32 [tilespmem:s26], [sflag:$0x4], $0x80, s10, s25, $0xb8;
	[tilespmem:$0x1E800] =	vst v63  }
0x67: {  	_ =	swait.ge [sflag:s29], $0x4000  }
0x68: {  	[sflag:s29] =	ssyncset.done $0x0  }
0x69: {  	s10 =	sadd.s32 $0xFFFFF800, s7;
	[sflag:s29] =	ssyncadd.s32 $0xFFFFC000  }
0x6a: {  	[tilespmem:s23], [sflag:$0x1] =	stream.linear.gather [hbm4b:s10+s3], $0x4000, $0x38;
	[tilespmem:$0x1E800] =	vst v63  }
0x6b: {  	_ =	swait.ge [sflag:s24], $0x4000  }
0x6c: {  	[sflag:s24] =	ssyncset.done $0x0  }
.Ltmp3:
0x6d: {  	s9 =	sadd.s32 $0x2800, s9;
	[sflag:s24] =	ssyncadd.s32 $0xFFFFC000;
	(pc) =	sbr.rel @p1 .LBB2_7-.Ltmp3, $4  }
0x6e: {  	[spmem:s1] =	stream.indirect.scatter.add.f32 [tilespmem:s23], [sflag:$0x3], $0x80, s9, s25, $0xb8;
	[tilespmem:$0x1E800] =	vst v63  }
0x6f: {  	_ =	swait.ge [sflag:s30], $0x4000  }
0x70: {  	[sflag:s30] =	ssyncset.done $0x0  }
0x71: {  	s7 =	sadd.s32 $0x1000, s7;
	[sflag:s30] =	ssyncadd.s32 $0xFFFFC000  }
0x72: {  	[tilespmem:s26], [sflag:$0x2] =	stream.linear.gather [hbm4b:s18+s3], $0x4000, $0x38;
	[tilespmem:$0x1E800] =	vst v63  }
0x73: {  	_ =	swait.ge [sflag:s28], $0x4000  }
0x74: {  	[sflag:s28] =	ssyncset.done $0x0  }
0x75: {  	[sflag:s28] =	ssyncadd.s32 $0xFFFFC000  }
0x76: {  	[spmem:s1] =	stream.indirect.scatter.add.f32 [tilespmem:s26], [sflag:$0x4], $0x80, s31, s25, $0xb8;
	[tilespmem:$0x1E800] =	vst v63  }
0x77: {  	_ =	swait.ge [sflag:s29], $0x4000  }
0x78: {  	[sflag:s29] =	ssyncset.done $0x0  }
0x79: {  	[sflag:s29] =	ssyncadd.s32 $0xFFFFC000  }
0x7a: {  	_ =	swait.ge [sflag:s30], $0x4000  }
0x7b: {  	[sflag:s30] =	ssyncset.done $0x0  }
0x7c: {  	[sflag:s30] =	ssyncadd.s32 $0xFFFFC000  }
0x7d: {  	[tilespmem:s3], [sflag:$0x5] =	stream.linear.gather [hbm4b:s14+s3], $0x1400, $0x38;
	[tilespmem:$0x1E800] =	vst v63  }
0x7e: {  	_ =	swait.ge [sflag:s21], $0x1400  }
0x7f: {  	[sflag:s21] =	ssyncset.done $0x0  }
0x80: {  	[sflag:s21] =	ssyncadd.s32 $0xFFFFEC00  }
0x81: {  	[tilespmem:s22], [sflag:$0x5] =	stream.linear.gather [hbm4b:s15+s3], $0x1400, $0x38;
	[tilespmem:$0x1E800] =	vst v63  }
0x82: {  	_ =	swait.ge [sflag:s21], $0x1400  }
0x83: {  	[sflag:s21] =	ssyncset.done $0x0  }
0x84: {  	[sflag:s21] =	ssyncadd.s32 $0xFFFFEC00  }
0x85: {  	[tilespmem:s23], [sflag:$0x1] =	stream.linear.gather [hbm4b:s4+s3], $0x4000, $0x38;
	[tilespmem:$0x1E800] =	vst v63  }
0x86: {  	_ =	swait.ge [sflag:s24], $0x4000  }
0x87: {  	[sflag:s24] =	ssyncset.done $0x0  }
0x88: {  	[sflag:s24] =	ssyncadd.s32 $0xFFFFC000  }
0x89: {  	[spmem:s1] =	stream.indirect.scatter.add.f32 [tilespmem:s23], [sflag:$0x3], $0x80, s22, s25, $0xb8;
	[tilespmem:$0x1E800] =	vst v63  }
0x8a: {  	_ = 	snop  }
0x8b: {  	[tilespmem:s26], [sflag:$0x2] =	stream.linear.gather [hbm4b:s13+s3], $0x4000, $0x38;
	[tilespmem:$0x1E800] =	vst v63  }
0x8c: {  	_ =	swait.ge [sflag:s28], $0x4000  }
0x8d: {  	[sflag:s28] =	ssyncset.done $0x0  }
0x8e: {  	s6 =	simm.s32 $0x1480;
	[sflag:s28] =	ssyncadd.s32 $0xFFFFC000  }
0x8f: {  	[spmem:s1] =	stream.indirect.scatter.add.f32 [tilespmem:s26], [sflag:$0x4], $0x80, s6, s25, $0xb8;
	[tilespmem:$0x1E800] =	vst v63  }
0x90: {  	_ =	swait.ge [sflag:s29], $0x4000  }
0x91: {  	[sflag:s29] =	ssyncset.done $0x0  }
0x92: {  	[sflag:s29] =	ssyncadd.s32 $0xFFFFC000  }
0x93: {  	[tilespmem:s23], [sflag:$0x1] =	stream.linear.gather [hbm4b:s2+s3], $0x4000, $0x38;
	[tilespmem:$0x1E800] =	vst v63  }
0x94: {  	_ =	swait.ge [sflag:s24], $0x4000  }
0x95: {  	[sflag:s24] =	ssyncset.done $0x0  }
0x96: {  	s18 =	simm.s32 $0x1500;
	[sflag:s24] =	ssyncadd.s32 $0xFFFFC000  }
0x97: {  	[spmem:s1] =	stream.indirect.scatter.add.f32 [tilespmem:s23], [sflag:$0x3], $0x80, s18, s25, $0xb8;
	[tilespmem:$0x1E800] =	vst v63  }
0x98: {  	_ =	swait.ge [sflag:s30], $0x4000  }
0x99: {  	s7 =	smov.u32 s8;
	[sflag:s30] =	ssyncset.done $0x0  }
0x9a: {  	s6 =	sadd.s32 $0x1000, s8;
	s2 =	simm.s32 $0xFFFFB800;
	[sflag:s30] =	ssyncadd.s32 $0xFFFFC000  }
.LBB2_9:
0x9b: {  	[tilespmem:s26], [sflag:$0x2] =	stream.linear.gather [hbm4b:s7+s3], $0x4000, $0x38;
	[tilespmem:$0x1E800] =	vst v63  }
0x9c: {  	s9 =	smov.u32 s2;
	s7 =	smov.u32 s6  }
0x9d: {  	p1 =	sne.s32 s2, $0xFFFFFC00;
	s2 =	sadd.s32 $0x400, s2;
	_ =	swait.ge [sflag:s28], $0x4000  }
0x9e: {  	s9 =	sshra.s32 s9, $0x2;
	[sflag:s28] =	ssyncset.done $0x0  }
0x9f: {  	s10 =	sadd.s32 $0x2780, s9;
	[sflag:s28] =	ssyncadd.s32 $0xFFFFC000  }
0xa0: {  	[spmem:s1] =	stream.indirect.scatter.add.f32 [tilespmem:s26], [sflag:$0x4], $0x80, s10, s25, $0xb8;
	[tilespmem:$0x1E800] =	vst v63  }
0xa1: {  	_ =	swait.ge [sflag:s29], $0x4000  }
0xa2: {  	[sflag:s29] =	ssyncset.done $0x0  }
0xa3: {  	s10 =	sadd.s32 $0xFFFFF800, s6;
	[sflag:s29] =	ssyncadd.s32 $0xFFFFC000  }
0xa4: {  	[tilespmem:s23], [sflag:$0x1] =	stream.linear.gather [hbm4b:s10+s3], $0x4000, $0x38;
	[tilespmem:$0x1E800] =	vst v63  }
0xa5: {  	_ =	swait.ge [sflag:s24], $0x4000  }
0xa6: {  	[sflag:s24] =	ssyncset.done $0x0  }
.Ltmp4:
0xa7: {  	s9 =	sadd.s32 $0x2800, s9;
	[sflag:s24] =	ssyncadd.s32 $0xFFFFC000;
	(pc) =	sbr.rel @p1 .LBB2_9-.Ltmp4, $4  }
0xa8: {  	[spmem:s1] =	stream.indirect.scatter.add.f32 [tilespmem:s23], [sflag:$0x3], $0x80, s9, s25, $0xb8;
	[tilespmem:$0x1E800] =	vst v63  }
0xa9: {  	_ =	swait.ge [sflag:s30], $0x4000  }
0xaa: {  	[sflag:s30] =	ssyncset.done $0x0  }
0xab: {  	s6 =	sadd.s32 $0x1000, s6;
	[sflag:s30] =	ssyncadd.s32 $0xFFFFC000  }
0xac: {  	[tilespmem:s26], [sflag:$0x2] =	stream.linear.gather [hbm4b:s7+s3], $0x4000, $0x38;
	[tilespmem:$0x1E800] =	vst v63  }
0xad: {  	_ =	swait.ge [sflag:s28], $0x4000  }
0xae: {  	[sflag:s28] =	ssyncset.done $0x0  }
0xaf: {  	[sflag:s28] =	ssyncadd.s32 $0xFFFFC000  }
0xb0: {  	[spmem:s1] =	stream.indirect.scatter.add.f32 [tilespmem:s26], [sflag:$0x4], $0x80, s31, s25, $0xb8;
	[tilespmem:$0x1E800] =	vst v63  }
0xb1: {  	_ =	swait.ge [sflag:s29], $0x4000  }
0xb2: {  	[sflag:s29] =	ssyncset.done $0x0  }
0xb3: {  	[sflag:s29] =	ssyncadd.s32 $0xFFFFC000  }
0xb4: {  	_ =	swait.ge [sflag:s30], $0x4000  }
0xb5: {  	s0 =	sadd.s32 $0x1, s0;
	[sflag:s30] =	ssyncset.done $0x0  }
0xb6: {  	p1 =	sne.s32 s0, s17;
	[sflag:s30] =	ssyncadd.s32 $0xFFFFC000  }
.Ltmp5:
0xb7: {  	[bflag:$0x0] =	sbarrier.arrive $0xFFFF;
	(pc) =	sbr.rel @p1 .LBB2_1-.Ltmp5, $4  }
0xb8: {  	[hbm:s16], [sflag:s19] =	dma.local [spmem:s20], $0x2800  }
0xb9: {  	_ =	swait.ge [sflag:s21], $0x2800  }
0xba: {  	[sflag:s21] =	ssyncset.done $0x0  }
0xbb: {  	[sflag:s21] =	ssyncadd.s32 $0xFFFFD800  }
0xbc: {  	_ =	sfence.sel $0x180000  }
0xbd: {  	[bflag:$0x0] =	sbarrier.arrive $0xFFFF  }
0xbe: {  	_ =	strace $0x90000050  }
0xbf: {  	s0 =	stileid.u32;
	[bflag:$0x2] =	sbarrier.arrive $0xFFFF  }
0xc0: {  	p0 =	sne.s32 s0, $0x0;
	s0 =	rddreg [dreg:$0x2]  }
0xc1: {  	s0 =	sadd.s32 @!p0 $0x100000, s0  }
0xc2: {  	[sflag:s0] =	ssyncadd.tile.s32 @!p0 $0x1;
	_ =	shalt  }
.Lfunc_end2:
_tile_overlayer_lowered:
.L_overlay_start_2:
0xc3: {  	(tag) =	ssettag $0x2  }
0xc4: {  	s0 =	rddreg [dreg:$0x0];
	s2 =	stileid.u32  }
0xc5: {  	s1 =	rddreg [dreg:$0x1];
	p0 =	sne.s32 s2, $0x0  }
0xc6: {  	s3 =	rddreg [dreg:$0x2];
	[bflag:$0x3] =	sbarrier.arrive $0xFFFF;
	s2 =	simm.s32 @!p0 $0x1C05  }
0xc7: {  	[timem:s3], [sflag:s2] =	dma.local @!p0 [hbm:s0], s1  }
0xc8: {  	s0 =	simm.s32 @!p0 $0x5  }
0xc9: {  	_ =	swait.ge @!p0 [sflag:s0], s1  }
0xca: {  	s1 =	ssub.s32 @!p0 $0x0, s1;
	[sflag:s0] =	ssyncset.done @!p0 $0x0  }
0xcb: {  	[sflag:s0] =	ssyncadd.s32 @!p0 s1  }
0xcc: {  	[bflag:$0x3] =	sbarrier.arrive $0xFFFF  }
0xcd: {  	_ =	shalt  }

// kernel: kernel.24.cloned.1.call-start
scs
__scs_entry_jumppad:
0x0: {  	(pc) =	sbr.rel $0x88, $3  }
0x1: {  	(tag) =	ssettag $0x0;
	lr =	simm.s32 $0x1  }
0x2: {  	[smem:$0x3F97] =	sst lr;
	_ =	strace $0xD0000000  }
0x3: {  	_ = 	snop  }
0x4: {  	_ = 	snop  }
0x5: {  	_ = 	snop  }
0x6: {  	_ = 	snop  }
0x7: {  	_ = 	snop  }
__scs_overlays_trampoline_lowered:
0x8: {  	[smem:$0x3FA6] =	sst s0  }
0x9: {  	[smem:$0x3FA7] =	sst s1  }
0xa: {  	[smem:$0x3FA8] =	sst s2  }
0xb: {  	[smem:$0x3FA9] =	sst s3  }
0xc: {  	[smem:$0x3FAA] =	sst s4  }
0xd: {  	[smem:$0x3FAB] =	sst s5  }
0xe: {  	[smem:$0x3FAC] =	sst s6  }
0xf: {  	[smem:$0x3FAD] =	sst s7  }
0x10: {  	[smem:$0x3FAE] =	sst s8  }
0x11: {  	[smem:$0x3FAF] =	sst s9;
	s0 =	simm.s32 @!p0 $0x0  }
0x12: {  	s1 =	sld [smem:$0x3F95];
	s0 =	simm.s32 @p0 $0x1  }
0x13: {  	[smem:$0x3FB0] =	sst s0;
	s0 =	simm.s32 @!p1 $0x0  }
0x14: {  	s2 =	sld [smem:$0x3F94];
	s0 =	simm.s32 @p1 $0x1  }
0x15: {  	[smem:$0x3FB1] =	sst s0;
	s0 =	simm.s32 @!p2 $0x0  }
0x16: {  	s3 =	sld [smem:$0x3FDB];
	s0 =	simm.s32 @p2 $0x1  }
0x17: {  	s4 =	simm.s32 $0x1BF5;
	[smem:$0x3FB3] =	sst s0  }
0x18: {  	s0 =	sld [smem:$0x3F96];
	_ =	swait.ge [sflag:s4], $0x0  }
0x19: {  	s7 =	sld [smem:$0x3F97]  }
0x1a: {  	s8 =	sadd.s32 $0xFFFFE003, lr  }
0x1b: {  	s9 =	sadd.s32 $0xFFFFFEF7, lr;
	s5 =	simm.s32 $0xFFFFFFFF;
	p2 =	slt.u32 s8, $0xFFFFF086  }
0x1c: {  	p1 =	slt.u32 s9, $0xF7A;
	s5 =	simm.s32 @!p2 $0x0  }
0x1d: {  	s5 =	simm.s32 @p1 $0x1;
	p0 =	seq.s32 s7, s2  }
0x1e: {  	s7 =	smul.u32 @!p0 $0xF7A, s2;
	p2 =	seq.s32 @!p0 s5, $0x0  }
0x1f: {  	s9 =	smul.u32 $0xF7A, s1;
	s8 =	simm.s32 @!p0 $0x1BF5;
	p2 =	por !p2, p0  }
0x20: {  	[sflag:s8] =	ssyncset.s32 @!p0 $0xFFFFF086;
	s6 =	sadd.s32 @!p0 s3, s7;
	s7 =	simm.s32 @!p0 $0x108  }
0x21: {  	s3 =	sadd.s32 s3, s9;
	s6 =	sadd.s32 @!p0 $0x88, s6;
	s7 =	simm.s32 @p2 $0x1082  }
0x22: {  	[simem:s7], [sflag:s8] =	dma.local @!p0 [hbm:s6], $0xF7A  }
0x23: {  	s9 =	sor.u32 $0xD0000000, s2;
	s6 =	simm.s32 $0x108;
	_ =	swait.ge @!p0 [sflag:s8], $0x0  }
0x24: {  	s3 =	sadd.s32 $0x88, s3;
	s6 =	simm.s32 @!p1 $0x1082;
	[sflag:s4] =	ssyncset.s32 $0xFFFFF086  }
0x25: {  	[simem:s6], [sflag:s4] =	dma.local [hbm:s3], $0xF7A  }
0x26: {  	[smem:$0x3F97] =	sst s1;
	(tag) =	ssettag s2;
	_ =	strace s9  }
0x27: {  	s1 =	sld [smem:$0x3FA7]  }
0x28: {  	s2 =	sld [smem:$0x3FA8]  }
0x29: {  	s4 =	sld [smem:$0x3FAA]  }
0x2a: {  	p0 =	seq.s32 s5, $0x0;
	s5 =	sld [smem:$0x3FAB]  }
0x2b: {  	s6 =	sld [smem:$0x3FAC]  }
0x2c: {  	s7 =	sld [smem:$0x3FAD]  }
0x2d: {  	s3 =	simm.s32 $0x108;
	s8 =	sld [smem:$0x3FAE]  }
0x2e: {  	s3 =	simm.s32 @!p0 $0x1082;
	s9 =	sld [smem:$0x3FAF]  }
0x2f: {  	lr =	sadd.s32 s0, s3;
	s0 =	sld [smem:$0x3FA6]  }
0x30: {  	s3 =	sld [smem:$0x3FA9]  }
0x31: {  	[smem:$0x3FB2] =	sst s10  }
0x32: {  	s10 =	sld [smem:$0x3FB0];
	_ =	sdelay $0x3  }
0x33: {  	p0 =	seq.s32 s10, $0x1;
	s10 =	sld [smem:$0x3FB2];
	_ =	sdelay $0x3  }
0x34: {  	[smem:$0x3FB2] =	sst s10  }
0x35: {  	s10 =	sld [smem:$0x3FB1];
	_ =	sdelay $0x3  }
0x36: {  	p1 =	seq.s32 s10, $0x1;
	s10 =	sld [smem:$0x3FB2];
	_ =	sdelay $0x3  }
0x37: {  	[smem:$0x3FB2] =	sst s10  }
0x38: {  	s10 =	sld [smem:$0x3FB3]  }
0x39: {  	_ = 	snop;
	(pc) =	sbr.ind lr, $3  }
0x3a: {  	_ = 	snop  }
0x3b: {  	_ = 	snop  }
0x3c: {  	p2 =	seq.s32 s10, $0x1;
	s10 =	sld [smem:$0x3FB2]  }
0x3d: {  	_ =	shalt  }
0x3e: {  	_ =	shalt  }
0x3f: {  	_ =	shalt  }
0x40: {  	_ =	shalt  }
0x41: {  	_ =	shalt  }
0x42: {  	_ =	shalt  }
0x43: {  	_ =	shalt  }
0x44: {  	_ =	shalt  }
0x45: {  	_ =	shalt  }
0x46: {  	_ =	shalt  }
0x47: {  	_ =	shalt  }
0x48: {  	_ =	shalt  }
0x49: {  	_ =	shalt  }
0x4a: {  	_ =	shalt  }
0x4b: {  	_ =	shalt  }
0x4c: {  	_ =	shalt  }
0x4d: {  	_ =	shalt  }
0x4e: {  	_ =	shalt  }
0x4f: {  	_ =	shalt  }
0x50: {  	_ =	shalt  }
0x51: {  	_ =	shalt  }
0x52: {  	_ =	shalt  }
0x53: {  	_ =	shalt  }
0x54: {  	_ =	shalt  }
0x55: {  	_ =	shalt  }
0x56: {  	_ =	shalt  }
0x57: {  	_ =	shalt  }
0x58: {  	_ =	shalt  }
0x59: {  	_ =	shalt  }
0x5a: {  	_ =	shalt  }
0x5b: {  	_ =	shalt  }
0x5c: {  	_ =	shalt  }
0x5d: {  	_ =	shalt  }
0x5e: {  	_ =	shalt  }
0x5f: {  	_ =	shalt  }
0x60: {  	_ =	shalt  }
0x61: {  	_ =	shalt  }
0x62: {  	_ =	shalt  }
0x63: {  	_ =	shalt  }
0x64: {  	_ =	shalt  }
0x65: {  	_ =	shalt  }
0x66: {  	_ =	shalt  }
0x67: {  	_ =	shalt  }
0x68: {  	_ =	shalt  }
0x69: {  	_ =	shalt  }
0x6a: {  	_ =	shalt  }
0x6b: {  	_ =	shalt  }
0x6c: {  	_ =	shalt  }
0x6d: {  	_ =	shalt  }
0x6e: {  	_ =	shalt  }
0x6f: {  	_ =	shalt  }
0x70: {  	_ =	shalt  }
0x71: {  	_ =	shalt  }
0x72: {  	_ =	shalt  }
0x73: {  	_ =	shalt  }
0x74: {  	_ =	shalt  }
0x75: {  	_ =	shalt  }
0x76: {  	_ =	shalt  }
0x77: {  	_ =	shalt  }
0x78: {  	_ =	shalt  }
0x79: {  	_ =	shalt  }
0x7a: {  	_ =	shalt  }
0x7b: {  	_ =	shalt  }
0x7c: {  	_ =	shalt  }
0x7d: {  	_ =	shalt  }
0x7e: {  	_ =	shalt  }
0x7f: {  	_ =	shalt  }
0x80: {  	_ =	shalt  }
0x81: {  	_ =	shalt  }
0x82: {  	_ =	shalt  }
0x83: {  	_ =	shalt  }
0x84: {  	_ =	shalt  }
0x85: {  	_ =	shalt  }
0x86: {  	_ =	shalt  }
0x87: {  	_ =	shalt  }
.Lfunc_end0:
.L_simem_size_0:
called_computation.4_lowered:
.L_overlay_start_0:
0x88: {  	s2 =	sld [smem:$0x3FD9]  }
0x89: {  	s3 =	sld [smem:$0x3FFE];
	_ =	sdelay $0x1  }
0x8a: {  	s1 =	srdreg.scid  }
0x8b: {  	s0 =	sand.u32 $0x1, s1  }
0x8c: {  	s16 =	sshll.u32 s0, $0xA;
	s2 =	sadd.s32 s3, s2  }
0x8d: {  	s2 =	sadd.s32 s2, s16  }
0x8e: {  	[smem:$0x3FBE] =	sst s2  }
0x8f: {  	_ = 	snop  }
0x90: {  	(tm) =	ssettm $0x1  }
0x91: {  	s17 =	sld [smem:$0x3FFB];
	_ =	sdelay $0x3  }
0x92: {  	_ =	strace s17  }
0x93: {  	s2 =	sld [smem:$0x3FFC];
	_ =	sdelay $0x3  }
0x94: {  	_ =	strace s2  }
0x95: {  	s2 =	sld [smem:$0x3FFD];
	_ =	sdelay $0x3  }
0x96: {  	_ =	strace s2  }
0x97: {  	_ =	strace $0x8FFFFFFF  }
0x98: {  	s18 =	sld [smem:$0x3FDB];
	_ =	sdelay $0x1  }
0x99: {  	s19 =	simm.s32 $_scs_section_size  }
0x9a: {  	s4 =	simm.s32 $_size__tile_overlayer_lowered;
	s5 =	simm.s32 $_tile_overlayer_lowered  }
0x9b: {  	s22 =	simm.s32 $0x1BFF;
	s21 =	sshll.u32 s5, $0x1;
	s2 =	sadd.s32 s19, s18  }
0x9c: {  	s6 =	simm.s32 $0x0;
	s20 =	sshll.u32 s4, $0x1;
	s4 =	sadd.s32 s21, s2  }
0x9d: {  	[timem:s6], [sflag:s22] =	dma.local [hbm:s4], s20  }
0x9e: {  	_ =	swait.ge [sflag:s22], s20  }
0x9f: {  	s3 =	ssub.s32 $0x0, s20;
	[sflag:s22] =	ssyncset.done $0x0  }
0xa0: {  	[sflag:s22] =	ssyncadd.s32 s3;
	_ =	sdelay $0x1  }
0xa1: {  	s23 =	simm.s32 $0x1B8B  }
0xa2: {  	_ =	swait.ge [sflag:s23], $0x1  }
0xa3: {  	[sflag:s23] =	ssyncset.done $0x0  }
0xa4: {  	s25 =	simm.s32 $0x1B8E;
	s24 =	sld [smem:$0x3FFE];
	[sflag:s23] =	ssyncadd.s32 $0xFFFFFFFF  }
0xa5: {  	s26 =	simm.s32 $execute0_lowered;
	[smem:$0x3FD2] =	sst s25  }
0xa6: {  	s4 =	sshll.u32 s26, $0x1;
	_ =	strace $0x80000052;
	[dreg:$0x1] =	wrdreg $0xFFFFFFFF  }
0xa7: {  	s28 =	simm.s32 $_size_execute0_lowered;
	s2 =	sadd.s32 s2, s4;
	[dreg:$0x0] =	wrdreg $0x0  }
0xa8: {  	s4 =	sshll.u32 s28, $0x1;
	[dreg:$0x2] =	wrdreg s2  }
0xa9: {  	[dreg:$0x3] =	wrdreg s4  }
0xaa: {  	[dreg:$0x4] =	wrdreg $0xC0  }
0xab: {  	_ =	task [dreg:s6], $0x5FFFF  }
0xac: {  	[dreg:$0x1] =	wrdreg $0xFFFFFFFF  }
0xad: {  	[dreg:$0x0] =	wrdreg $0x60  }
0xae: {  	[dreg:$0x2] =	wrdreg s24  }
0xaf: {  	[dreg:$0x3] =	wrdreg $0xA8000  }
0xb0: {  	[dreg:$0x4] =	wrdreg $0x9  }
0xb1: {  	_ =	task.clear_ibuf [dreg:s6], $0x5FFFF;
	_ =	strace $0x90000052  }
0xb2: {  	s29 =	simm.s32 $0x9;
	_ =	strace $0x80000054  }
0xb3: {  	_ =	swait.ge [sflag:s29], $0x1  }
0xb4: {  	[sflag:s29] =	ssyncadd.s32 $0xFFFFFFFF  }
0xb5: {  	_ =	strace $0x90000054  }
0xb6: {  	_ =	sfence  }
0xb7: {  	s30 =	sld [smem:$0x0];
	_ =	sdelay $0x2  }
0xb8: {  	s31 =	sshll.u32 s1, $0xD;
	s1 =	sshrl.u32 s1, $0x2  }
0xb9: {  	s3 =	sand.u32 $0x4000, s31;
	s1 =	sadd.s32 s1, s30  }
0xba: {  	s0 =	sor.u32 s3, s0;
	s1 =	sshll.u32 s1, $0x11  }
0xbb: {  	s0 =	sor.u32 s1, s0  }
0xbc: {  	s0 =	sadd.s32 $0x8F2B, s0  }
0xbd: {  	[sflag:s0] =	ssyncadd.remote.s32 $0x1  }
0xbe: {  	_ =	sfence.sel $0xFFFF  }
0xbf: {  	[dreg:$0x0] =	wrdreg $0xFFFFFFFF;
	(pc) =	sbr.abs _section_cstart, $3  }
0xc0: {  	[dreg:$0x1] =	wrdreg $0xFFFFFFFF  }
0xc1: {  	_ =	task.clear_ibuf [dreg:s6], $0x2FFFF;
	_ =	strace $0x9FFFFFFF  }
0xc2: {  	(tm) =	ssettm $0x7FFFFFFF  }
0xc3: {  	_ =	shalt  }
tec
execute0_lowered:
.L_overlay_start_1:
0x0: {  	(tag) =	ssettag $0x1  }
0x1: {  	s0 =	rddreg [dreg:$0x0]  }
0x2: {  	s1 =	rddreg [dreg:$0x1];
	s2 =	srdreg.scid  }
0x3: {  	s3 =	simm.s32 $0x0;
	s18 =	stileid.u32;
	s28 =	simm.s32 $0x2  }
0x4: {  	s29 =	simm.s32 $0x3;
	s30 =	simm.s32 $0x4;
	s31 =	simm.s32 $0x2780  }
0x5: {  	s2 =	sand.u32 $0x1, s2;
	[smem:$0x7FF] =	sst s3;
	s6 =	smul.u32 $0x14000, s18  }
0x6: {  	s4 =	sadd.s32 $0x17C00, s0;
	s16 =	smul.u32 $0x50000, s18;
	s7 =	sadd.s32 $0x3C00, s0  }
0x7: {  	s8 =	sadd.s32 $0xDC00, s0;
	s19 =	smul.u32 $0x2800, s18;
	s13 =	sadd.s32 $0x18400, s0  }
0x8: {  	s26 =	sshll.u32 s18, $0x6;
	s5 =	smul.u32 $0x140000, s2;
	_ =	strace $0x80000053  }
0x9: {  	s10 =	ssub.s32 $0x2, s2;
	s12 =	smul.u32 $0x28000, s2;
	p0 =	sne.s32 s2, $0x0  }
0xa: {  	s17 =	sshrl.u32 s16, $0x2;
	s11 =	sshrl.u32 s10, $0x1;
	s5 =	sadd.s32 s6, s5  }
0xb: {  	s23 =	sadd.s32 s19, s12;
	s6 =	sadd.s32 s4, s19;
	s19 =	sor.u32 $0x1C05, s26  }
0xc: {  	s26 =	simm.s32 $0x6800;
	s9 =	sshrl.u32 s5, $0x3;
	s5 =	sadd.s32 s17, s1  }
0xd: {  	s17 =	ssub.s32 s10, s11;
	[dreg:$0x7] =	wrdreg s6;
	s25 =	sshrl.u32 s23, $0x3  }
0xe: {  	s23 =	simm.s32 $0x2800;
	s16 =	sadd.s32 s9, s0;
	s20 =	sadd.s32 $0x4000, s5  }
0xf: {  	s21 =	sadd.s32 $0x8000, s5;
	s22 =	sadd.s32 $0xC000, s5;
	[dreg:$0x3] =	wrdreg s20  }
0x10: {  	s24 =	sadd.s32 $0x10000, s5;
	s11 =	sadd.s32 s7, s25;
	[dreg:$0x4] =	wrdreg s21  }
0x11: {  	s12 =	sadd.s32 s8, s25;
	s6 =	sadd.s32 $0x280, s25;
	[dreg:$0x5] =	wrdreg s22  }
0x12: {  	s17 =	smax.u32 s17, $0x1;
	s25 =	simm.s32 $0x80;
	[dreg:$0x6] =	wrdreg s24  }
0x13: {  	s14 =	sadd.s32 s7, s6;
	s15 =	sadd.s32 s8, s6;
	s16 =	sadd.s32 $0x3FC00, s16  }
0x14: {  	s8 =	sadd.s32 $0x19400, s0;
	s20 =	sshrl.u32 s5, $0x3;
	s21 =	simm.s32 $0x5  }
0x15: {  	v0 =	vimm.f32 $0.0e+00;
	s22 =	simm.s32 $0x1400;
	s24 =	simm.s32 $0x1;
	s0 =	simm.s32 $0x0  }
.LBB2_1:
.Ltmp0:
0x16: {  	(pc) =	sbr.rel @p0 .LBB2_3-.Ltmp0, $1  }
0x17: {  	_ =	sdelay $0x3  }
.Ltmp1:
0x18: {  	s2 =	rddreg [dreg:$0x7];
	(pc) =	sbr.rel .LBB2_6-.Ltmp1, $4  }
0x19: {  	[spmem:s20], [sflag:s19] =	dma.local [hbm:s2], $0x2800  }
0x1a: {  	_ =	swait.ge [sflag:s21], $0x2800  }
0x1b: {  	[sflag:s21] =	ssyncset.done $0x0  }
0x1c: {  	[sflag:s21] =	ssyncadd.s32 $0xFFFFD800  }
.LBB2_3:
0x1d: {  	s2 =	sshra.s32 s3, $0x2;
	s6 =	sadd.s32 $0x200, s3  }
.LBB2_4:
0x1e: {  	p1 =	sne.s32 s6, $0xFE00;
	[tilespmem:s2+$0x2870] =	vst v0  }
0x1f: {  	[tilespmem:s2+$0x2800] =	vst v0  }
0x20: {  	[tilespmem:s2+$0x2810] =	vst v0  }
.Ltmp2:
0x21: {  	[tilespmem:s2+$0x2820] =	vst v0;
	(pc) =	sbr.rel @p1 .LBB2_4-.Ltmp2, $4  }
0x22: {  	[tilespmem:s2+$0x2830] =	vst v0  }
0x23: {  	[tilespmem:s2+$0x2840] =	vst v0  }
0x24: {  	[tilespmem:s2+$0x2850] =	vst v0  }
0x25: {  	[tilespmem:s2+$0x2860] =	vst v0;
	s2 =	sshra.s32 s6, $0x2;
	s6 =	sadd.s32 $0x200, s6  }
0x26: {  	[tilespmem:s2+$0x2870] =	vst v0  }
0x27: {  	[tilespmem:s2+$0x2800] =	vst v0  }
0x28: {  	[tilespmem:s2+$0x2810] =	vst v0  }
0x29: {  	[tilespmem:s2+$0x2820] =	vst v0  }
0x2a: {  	[tilespmem:s2+$0x2830] =	vst v0  }
0x2b: {  	[tilespmem:s2+$0x2840] =	vst v0  }
0x2c: {  	[tilespmem:s2+$0x2850] =	vst v0  }
0x2d: {  	[tilespmem:s2+$0x2860] =	vst v0  }
0x2e: {  	[spmem:s5] =	stream.linear.scatter [tilespmem:s23], [sflag:$0x5], $0x4000, $0x38;
	[tilespmem:$0x1E800] =	vst v63  }
0x2f: {  	_ =	swait.ge [sflag:s21], $0x4000  }
0x30: {  	[sflag:s21] =	ssyncset.done $0x0  }
0x31: {  	s7 =	rddreg [dreg:$0x3];
	[sflag:s21] =	ssyncadd.s32 $0xFFFFC000  }
0x32: {  	[spmem:s7] =	stream.linear.scatter [tilespmem:s23], [sflag:$0x5], $0x4000, $0x38;
	[tilespmem:$0x1E800] =	vst v63  }
0x33: {  	_ =	swait.ge [sflag:s21], $0x4000  }
0x34: {  	[sflag:s21] =	ssyncset.done $0x0  }
0x35: {  	s9 =	rddreg [dreg:$0x4];
	[sflag:s21] =	ssyncadd.s32 $0xFFFFC000  }
0x36: {  	[spmem:s9] =	stream.linear.scatter [tilespmem:s23], [sflag:$0x5], $0x4000, $0x38;
	[tilespmem:$0x1E800] =	vst v63  }
0x37: {  	_ =	swait.ge [sflag:s21], $0x4000  }
0x38: {  	[sflag:s21] =	ssyncset.done $0x0  }
0x39: {  	s10 =	rddreg [dreg:$0x5];
	[sflag:s21] =	ssyncadd.s32 $0xFFFFC000  }
0x3a: {  	[spmem:s10] =	stream.linear.scatter [tilespmem:s23], [sflag:$0x5], $0x4000, $0x38;
	[tilespmem:$0x1E800] =	vst v63  }
0x3b: {  	_ =	swait.ge [sflag:s21], $0x4000  }
0x3c: {  	[sflag:s21] =	ssyncset.done $0x0  }
0x3d: {  	s18 =	rddreg [dreg:$0x6];
	[sflag:s21] =	ssyncadd.s32 $0xFFFFC000  }
0x3e: {  	[spmem:s18] =	stream.linear.scatter [tilespmem:s23], [sflag:$0x5], $0x4000, $0x38;
	[tilespmem:$0x1E800] =	vst v63  }
0x3f: {  	_ =	swait.ge [sflag:s21], $0x4000  }
0x40: {  	[sflag:s21] =	ssyncset.done $0x0  }
0x41: {  	[sflag:s21] =	ssyncadd.s32 $0xFFFFC000  }
.LBB2_6:
0x42: {  	[bflag:$0x0] =	sbarrier.arrive $0xFFFF  }
0x43: {  	[tilespmem:s3], [sflag:$0x5] =	stream.linear.gather [hbm4b:s11+s3], $0x1400, $0x38;
	[tilespmem:$0x1E800] =	vst v63  }
0x44: {  	_ =	swait.ge [sflag:s21], $0x1400  }
0x45: {  	[sflag:s21] =	ssyncset.done $0x0  }
0x46: {  	[sflag:s21] =	ssyncadd.s32 $0xFFFFEC00  }
0x47: {  	[tilespmem:s22], [sflag:$0x5] =	stream.linear.gather [hbm4b:s12+s3], $0x1400, $0x38;
	[tilespmem:$0x1E800] =	vst v63  }
0x48: {  	_ =	swait.ge [sflag:s21], $0x1400  }
0x49: {  	[sflag:s21] =	ssyncset.done $0x0  }
0x4a: {  	[sflag:s21] =	ssyncadd.s32 $0xFFFFEC00  }
0x4b: {  	[tilespmem:s23], [sflag:$0x1] =	stream.linear.gather [hbm4b:s4+s3], $0x4000, $0x38;
	[tilespmem:$0x1E800] =	vst v63  }
0x4c: {  	_ =	swait.ge [sflag:s24], $0x4000  }
0x4d: {  	[sflag:s24] =	ssyncset.done $0x0  }
0x4e: {  	[sflag:s24] =	ssyncadd.s32 $0xFFFFC000  }
0x4f: {  	[spmem:s1] =	stream.indirect.scatter.add.f32 [tilespmem:s23], [sflag:$0x3], $0x80, s22, s25, $0xb8;
	[tilespmem:$0x1E800] =	vst v63  }
0x50: {  	_ = 	snop  }
0x51: {  	[tilespmem:s26], [sflag:$0x2] =	stream.linear.gather [hbm4b:s13+s3], $0x4000, $0x38;
	[tilespmem:$0x1E800] =	vst v63  }
0x52: {  	_ =	swait.ge [sflag:s28], $0x4000  }
0x53: {  	[sflag:s28] =	ssyncset.done $0x0  }
0x54: {  	s2 =	simm.s32 $0x1480;
	[sflag:s28] =	ssyncadd.s32 $0xFFFFC000  }
0x55: {  	[spmem:s1] =	stream.indirect.scatter.add.f32 [tilespmem:s26], [sflag:$0x4], $0x80, s2, s25, $0xb8;
	[tilespmem:$0x1E800] =	vst v63  }
0x56: {  	_ =	swait.ge [sflag:s29], $0x4000  }
0x57: {  	[sflag:s29] =	ssyncset.done $0x0  }
0x58: {  	s2 =	sadd.s32 $0xFFFFF800, s8;
	[sflag:s29] =	ssyncadd.s32 $0xFFFFC000  }
0x59: {  	[tilespmem:s23], [sflag:$0x1] =	stream.linear.gather [hbm4b:s2+s3], $0x4000, $0x38;
	[tilespmem:$0x1E800] =	vst v63  }
0x5a: {  	_ =	swait.ge [sflag:s24], $0x4000  }
0x5b: {  	[sflag:s24] =	ssyncset.done $0x0  }
0x5c: {  	s6 =	simm.s32 $0x1500;
	[sflag:s24] =	ssyncadd.s32 $0xFFFFC000  }
0x5d: {  	[spmem:s1] =	stream.indirect.scatter.add.f32 [tilespmem:s23], [sflag:$0x3], $0x80, s6, s25, $0xb8;
	[tilespmem:$0x1E800] =	vst v63  }
0x5e: {  	_ =	swait.ge [sflag:s30], $0x4000  }
0x5f: {  	s7 =	sadd.s32 $0x1000, s8;
	[sflag:s30] =	ssyncset.done $0x0  }
0x60: {  	s18 =	smov.u32 s8;
	s6 =	simm.s32 $0xFFFFB800;
	[sflag:s30] =	ssyncadd.s32 $0xFFFFC000  }
.LBB2_7:
0x61: {  	[tilespmem:s26], [sflag:$0x2] =	stream.linear.gather [hbm4b:s18+s3], $0x4000, $0x38;
	[tilespmem:$0x1E800] =	vst v63  }
0x62: {  	s9 =	smov.u32 s6;
	s18 =	smov.u32 s7  }
0x63: {  	p1 =	sne.s32 s6, $0xFFFFFC00;
	s6 =	sadd.s32 $0x400, s6;
	_ =	swait.ge [sflag:s28], $0x4000  }
0x64: {  	s9 =	sshra.s32 s9, $0x2;
	[sflag:s28] =	ssyncset.done $0x0  }
0x65: {  	s10 =	sadd.s32 $0x2780, s9;
	[sflag:s28] =	ssyncadd.s32 $0xFFFFC000  }
0x66: {  	[spmem:s1] =	stream.indirect.scatter.add.f32 [tilespmem:s26], [sflag:$0x4], $0x80, s10, s25, $0xb8;
	[tilespmem:$0x1E800] =	vst v63  }
0x67: {  	_ =	swait.ge [sflag:s29], $0x4000  }
0x68: {  	[sflag:s29] =	ssyncset.done $0x0  }
0x69: {  	s10 =	sadd.s32 $0xFFFFF800, s7;
	[sflag:s29] =	ssyncadd.s32 $0xFFFFC000  }
0x6a: {  	[tilespmem:s23], [sflag:$0x1] =	stream.linear.gather [hbm4b:s10+s3], $0x4000, $0x38;
	[tilespmem:$0x1E800] =	vst v63  }
0x6b: {  	_ =	swait.ge [sflag:s24], $0x4000  }
0x6c: {  	[sflag:s24] =	ssyncset.done $0x0  }
.Ltmp3:
0x6d: {  	s9 =	sadd.s32 $0x2800, s9;
	[sflag:s24] =	ssyncadd.s32 $0xFFFFC000;
	(pc) =	sbr.rel @p1 .LBB2_7-.Ltmp3, $4  }
0x6e: {  	[spmem:s1] =	stream.indirect.scatter.add.f32 [tilespmem:s23], [sflag:$0x3], $0x80, s9, s25, $0xb8;
	[tilespmem:$0x1E800] =	vst v63  }
0x6f: {  	_ =	swait.ge [sflag:s30], $0x4000  }
0x70: {  	[sflag:s30] =	ssyncset.done $0x0  }
0x71: {  	s7 =	sadd.s32 $0x1000, s7;
	[sflag:s30] =	ssyncadd.s32 $0xFFFFC000  }
0x72: {  	[tilespmem:s26], [sflag:$0x2] =	stream.linear.gather [hbm4b:s18+s3], $0x4000, $0x38;
	[tilespmem:$0x1E800] =	vst v63  }
0x73: {  	_ =	swait.ge [sflag:s28], $0x4000  }
0x74: {  	[sflag:s28] =	ssyncset.done $0x0  }
0x75: {  	[sflag:s28] =	ssyncadd.s32 $0xFFFFC000  }
0x76: {  	[spmem:s1] =	stream.indirect.scatter.add.f32 [tilespmem:s26], [sflag:$0x4], $0x80, s31, s25, $0xb8;
	[tilespmem:$0x1E800] =	vst v63  }
0x77: {  	_ =	swait.ge [sflag:s29], $0x4000  }
0x78: {  	[sflag:s29] =	ssyncset.done $0x0  }
0x79: {  	[sflag:s29] =	ssyncadd.s32 $0xFFFFC000  }
0x7a: {  	_ =	swait.ge [sflag:s30], $0x4000  }
0x7b: {  	[sflag:s30] =	ssyncset.done $0x0  }
0x7c: {  	[sflag:s30] =	ssyncadd.s32 $0xFFFFC000  }
0x7d: {  	[tilespmem:s3], [sflag:$0x5] =	stream.linear.gather [hbm4b:s14+s3], $0x1400, $0x38;
	[tilespmem:$0x1E800] =	vst v63  }
0x7e: {  	_ =	swait.ge [sflag:s21], $0x1400  }
0x7f: {  	[sflag:s21] =	ssyncset.done $0x0  }
0x80: {  	[sflag:s21] =	ssyncadd.s32 $0xFFFFEC00  }
0x81: {  	[tilespmem:s22], [sflag:$0x5] =	stream.linear.gather [hbm4b:s15+s3], $0x1400, $0x38;
	[tilespmem:$0x1E800] =	vst v63  }
0x82: {  	_ =	swait.ge [sflag:s21], $0x1400  }
0x83: {  	[sflag:s21] =	ssyncset.done $0x0  }
0x84: {  	[sflag:s21] =	ssyncadd.s32 $0xFFFFEC00  }
0x85: {  	[tilespmem:s23], [sflag:$0x1] =	stream.linear.gather [hbm4b:s4+s3], $0x4000, $0x38;
	[tilespmem:$0x1E800] =	vst v63  }
0x86: {  	_ =	swait.ge [sflag:s24], $0x4000  }
0x87: {  	[sflag:s24] =	ssyncset.done $0x0  }
0x88: {  	[sflag:s24] =	ssyncadd.s32 $0xFFFFC000  }
0x89: {  	[spmem:s1] =	stream.indirect.scatter.add.f32 [tilespmem:s23], [sflag:$0x3], $0x80, s22, s25, $0xb8;
	[tilespmem:$0x1E800] =	vst v63  }
0x8a: {  	_ = 	snop  }
0x8b: {  	[tilespmem:s26], [sflag:$0x2] =	stream.linear.gather [hbm4b:s13+s3], $0x4000, $0x38;
	[tilespmem:$0x1E800] =	vst v63  }
0x8c: {  	_ =	swait.ge [sflag:s28], $0x4000  }
0x8d: {  	[sflag:s28] =	ssyncset.done $0x0  }
0x8e: {  	s6 =	simm.s32 $0x1480;
	[sflag:s28] =	ssyncadd.s32 $0xFFFFC000  }
0x8f: {  	[spmem:s1] =	stream.indirect.scatter.add.f32 [tilespmem:s26], [sflag:$0x4], $0x80, s6, s25, $0xb8;
	[tilespmem:$0x1E800] =	vst v63  }
0x90: {  	_ =	swait.ge [sflag:s29], $0x4000  }
0x91: {  	[sflag:s29] =	ssyncset.done $0x0  }
0x92: {  	[sflag:s29] =	ssyncadd.s32 $0xFFFFC000  }
0x93: {  	[tilespmem:s23], [sflag:$0x1] =	stream.linear.gather [hbm4b:s2+s3], $0x4000, $0x38;
	[tilespmem:$0x1E800] =	vst v63  }
0x94: {  	_ =	swait.ge [sflag:s24], $0x4000  }
0x95: {  	[sflag:s24] =	ssyncset.done $0x0  }
0x96: {  	s18 =	simm.s32 $0x1500;
	[sflag:s24] =	ssyncadd.s32 $0xFFFFC000  }
0x97: {  	[spmem:s1] =	stream.indirect.scatter.add.f32 [tilespmem:s23], [sflag:$0x3], $0x80, s18, s25, $0xb8;
	[tilespmem:$0x1E800] =	vst v63  }
0x98: {  	_ =	swait.ge [sflag:s30], $0x4000  }
0x99: {  	s7 =	smov.u32 s8;
	[sflag:s30] =	ssyncset.done $0x0  }
0x9a: {  	s6 =	sadd.s32 $0x1000, s8;
	s2 =	simm.s32 $0xFFFFB800;
	[sflag:s30] =	ssyncadd.s32 $0xFFFFC000  }
.LBB2_9:
0x9b: {  	[tilespmem:s26], [sflag:$0x2] =	stream.linear.gather [hbm4b:s7+s3], $0x4000, $0x38;
	[tilespmem:$0x1E800] =	vst v63  }
0x9c: {  	s9 =	smov.u32 s2;
	s7 =	smov.u32 s6  }
0x9d: {  	p1 =	sne.s32 s2, $0xFFFFFC00;
	s2 =	sadd.s32 $0x400, s2;
	_ =	swait.ge [sflag:s28], $0x4000  }
0x9e: {  	s9 =	sshra.s32 s9, $0x2;
	[sflag:s28] =	ssyncset.done $0x0  }
0x9f: {  	s10 =	sadd.s32 $0x2780, s9;
	[sflag:s28] =	ssyncadd.s32 $0xFFFFC000  }
0xa0: {  	[spmem:s1] =	stream.indirect.scatter.add.f32 [tilespmem:s26], [sflag:$0x4], $0x80, s10, s25, $0xb8;
	[tilespmem:$0x1E800] =	vst v63  }
0xa1: {  	_ =	swait.ge [sflag:s29], $0x4000  }
0xa2: {  	[sflag:s29] =	ssyncset.done $0x0  }
0xa3: {  	s10 =	sadd.s32 $0xFFFFF800, s6;
	[sflag:s29] =	ssyncadd.s32 $0xFFFFC000  }
0xa4: {  	[tilespmem:s23], [sflag:$0x1] =	stream.linear.gather [hbm4b:s10+s3], $0x4000, $0x38;
	[tilespmem:$0x1E800] =	vst v63  }
0xa5: {  	_ =	swait.ge [sflag:s24], $0x4000  }
0xa6: {  	[sflag:s24] =	ssyncset.done $0x0  }
.Ltmp4:
0xa7: {  	s9 =	sadd.s32 $0x2800, s9;
	[sflag:s24] =	ssyncadd.s32 $0xFFFFC000;
	(pc) =	sbr.rel @p1 .LBB2_9-.Ltmp4, $4  }
0xa8: {  	[spmem:s1] =	stream.indirect.scatter.add.f32 [tilespmem:s23], [sflag:$0x3], $0x80, s9, s25, $0xb8;
	[tilespmem:$0x1E800] =	vst v63  }
0xa9: {  	_ =	swait.ge [sflag:s30], $0x4000  }
0xaa: {  	[sflag:s30] =	ssyncset.done $0x0  }
0xab: {  	s6 =	sadd.s32 $0x1000, s6;
	[sflag:s30] =	ssyncadd.s32 $0xFFFFC000  }
0xac: {  	[tilespmem:s26], [sflag:$0x2] =	stream.linear.gather [hbm4b:s7+s3], $0x4000, $0x38;
	[tilespmem:$0x1E800] =	vst v63  }
0xad: {  	_ =	swait.ge [sflag:s28], $0x4000  }
0xae: {  	[sflag:s28] =	ssyncset.done $0x0  }
0xaf: {  	[sflag:s28] =	ssyncadd.s32 $0xFFFFC000  }
0xb0: {  	[spmem:s1] =	stream.indirect.scatter.add.f32 [tilespmem:s26], [sflag:$0x4], $0x80, s31, s25, $0xb8;
	[tilespmem:$0x1E800] =	vst v63  }
0xb1: {  	_ =	swait.ge [sflag:s29], $0x4000  }
0xb2: {  	[sflag:s29] =	ssyncset.done $0x0  }
0xb3: {  	[sflag:s29] =	ssyncadd.s32 $0xFFFFC000  }
0xb4: {  	_ =	swait.ge [sflag:s30], $0x4000  }
0xb5: {  	s0 =	sadd.s32 $0x1, s0;
	[sflag:s30] =	ssyncset.done $0x0  }
0xb6: {  	p1 =	sne.s32 s0, s17;
	[sflag:s30] =	ssyncadd.s32 $0xFFFFC000  }
.Ltmp5:
0xb7: {  	[bflag:$0x0] =	sbarrier.arrive $0xFFFF;
	(pc) =	sbr.rel @p1 .LBB2_1-.Ltmp5, $4  }
0xb8: {  	[hbm:s16], [sflag:s19] =	dma.local [spmem:s20], $0x2800  }
0xb9: {  	_ =	swait.ge [sflag:s21], $0x2800  }
0xba: {  	[sflag:s21] =	ssyncset.done $0x0  }
0xbb: {  	[sflag:s21] =	ssyncadd.s32 $0xFFFFD800  }
0xbc: {  	_ =	sfence.sel $0x180000  }
0xbd: {  	[bflag:$0x0] =	sbarrier.arrive $0xFFFF  }
0xbe: {  	_ =	strace $0x90000053  }
0xbf: {  	s0 =	stileid.u32;
	[bflag:$0x2] =	sbarrier.arrive $0xFFFF  }
0xc0: {  	p0 =	sne.s32 s0, $0x0;
	s0 =	rddreg [dreg:$0x2]  }
0xc1: {  	s0 =	sadd.s32 @!p0 $0x100000, s0  }
0xc2: {  	[sflag:s0] =	ssyncadd.tile.s32 @!p0 $0x1;
	_ =	shalt  }
.Lfunc_end2:
_tile_overlayer_lowered:
.L_overlay_start_2:
0xc3: {  	(tag) =	ssettag $0x2  }
0xc4: {  	s0 =	rddreg [dreg:$0x0];
	s2 =	stileid.u32  }
0xc5: {  	s1 =	rddreg [dreg:$0x1];
	p0 =	sne.s32 s2, $0x0  }
0xc6: {  	s3 =	rddreg [dreg:$0x2];
	[bflag:$0x3] =	sbarrier.arrive $0xFFFF;
	s2 =	simm.s32 @!p0 $0x1C05  }
0xc7: {  	[timem:s3], [sflag:s2] =	dma.local @!p0 [hbm:s0], s1  }
0xc8: {  	s0 =	simm.s32 @!p0 $0x5  }
0xc9: {  	_ =	swait.ge @!p0 [sflag:s0], s1  }
0xca: {  	s1 =	ssub.s32 @!p0 $0x0, s1;
	[sflag:s0] =	ssyncset.done @!p0 $0x0  }
0xcb: {  	[sflag:s0] =	ssyncadd.s32 @!p0 s1  }
0xcc: {  	[bflag:$0x3] =	sbarrier.arrive $0xFFFF  }
0xcd: {  	_ =	shalt  }

</sc_bundles>
